<compile_context>
chip_gen: v7x
topology: tpu7x:2x2x1
jax: 0.10.2.dev20260603
libtpu: 0.0.44.dev20260713+nightly
codegen_flags: <defaults>
</compile_context>

<pallas_src>
import functools

import jax
import jax.numpy as jnp
from jax import lax
from jax.experimental import pallas as pl
from jax.experimental.pallas import tpu as pltpu
from jax.experimental.pallas import tpu_sc as plsc

N = 4096
T = 4
E = 32768
D = 16
H = 2
TE = T * E
NC = 2
NS = 16
L = 16
CE = TE // NS
RPC = N // NC
RPT = RPC // NS
CHUNK = 128
NCHUNK = CE // CHUNK
W1 = 16
W2 = 8


def _body(scores_hbm, ew_hbm, seg_hbm, ridx_hbm, par_hbm, out_hbm,
          scores_v, ew_v, seg2_v, ridx2_v,
          vals0_v, vals1_v, v0b_v, v1b_v, g0_v, gs0_v, g1_v, gs1_v,
          den0_v, num0_v, den1_v, num1_v, obuf_v, bt0_v, bt1_v, par_v,
          segval0_sh, segval1_sh, den0_sh, num0_sh, den1_sh, num1_sh,
          sem):
    c = lax.axis_index("c")
    s = lax.axis_index("s")

    pltpu.sync_copy(scores_hbm, scores_v)
    pltpu.sync_copy(ew_hbm.at[pl.ds(s * CE, CE)], ew_v)
    pltpu.sync_copy(seg_hbm.at[pl.ds(s * NCHUNK, NCHUNK)], seg2_v)
    rbase = c * (TE // CHUNK) + s * NCHUNK
    pltpu.sync_copy(ridx_hbm.at[pl.ds(rbase, NCHUNK)], ridx2_v)
    pltpu.sync_copy(par_hbm, par_v)

    def zbody(i, _):
        vals0_v[pl.ds(i * L, L)] = jnp.zeros((L,), jnp.float32)
        return _
    lax.fori_loop(0, CE // L, zbody, None)
    pltpu.sync_copy(vals0_v, segval0_sh.at[pl.ds(s * CE, CE)])
    pltpu.sync_copy(vals0_v, segval1_sh.at[pl.ds(s * CE, CE)])

    @pl.when(s == 0)
    def _zero_rows():
        zsl = vals0_v.at[pl.ds(0, RPC + 8)]
        pltpu.sync_copy(zsl, den0_sh)
        pltpu.sync_copy(zsl, num0_sh)
        pltpu.sync_copy(zsl, den1_sh)
        pltpu.sync_copy(zsl, num1_sh)

    lane = lax.iota(jnp.int32, L)

    def lanesum(x):
        for bit in (8, 4, 2, 1):
            obuf_v[pl.ds(0, L)] = x
            x = x + plsc.load_gather(obuf_v, [lane ^ bit])
        return x

    wm0 = par_v[4, :]
    wm1 = par_v[5, :]
    a0v = par_v[6, :]
    c0v = par_v[7, :]
    a1v = par_v[8, :]
    c1v = par_v[9, :]
    bt0 = jnp.zeros((L,), jnp.float32)
    bt1 = jnp.zeros((L,), jnp.float32)
    for t in range(T):
        etv = par_v[t, :]
        bt0 = jnp.where(lane == t, lanesum(etv * wm0), bt0)
        bt1 = jnp.where(lane == t, lanesum(etv * wm1), bt1)
    bt0_v[pl.ds(0, L)] = bt0
    bt1_v[pl.ds(0, L)] = bt1

    def sbody(i, acc):
        return acc + scores_v[pl.ds(i * L, L)]
    accv = lax.fori_loop(0, N // L, sbody, jnp.zeros((L,), jnp.float32))
    S = lanesum(accv)

    plsc.subcore_barrier()

    def p1(k, _):
        sl = pl.ds(k * L, L)
        w = ew_v[sl]
        sv = w & 0xFFF
        dv = (w >> 12) & 0xFFF
        tv = (w >> 24) & 0x3
        ss = plsc.load_gather(scores_v, [sv])
        sd = plsc.load_gather(scores_v, [dv])
        b0e = plsc.load_gather(bt0_v, [tv])
        b1e = plsc.load_gather(bt1_v, [tv])
        vals0_v[sl] = a0v * ss + c0v * sd + b0e
        vals1_v[sl] = a1v * ss + c1v * sd + b1e
        return _
    lax.fori_loop(0, CE // L, p1, None)

    def scat1(wv, _):
        descs = []
        for i in range(W1):
            j = wv * W1 + i
            idxrow = seg2_v.at[j]
            vsl = pl.ds(j * CHUNK, CHUNK)
            descs.append(pltpu.async_copy(
                vals0_v.at[vsl], segval0_sh.at[idxrow], sem, add=True))
            descs.append(pltpu.async_copy(
                vals1_v.at[vsl], segval1_sh.at[idxrow], sem, add=True))
        for dsc in descs:
            dsc.wait()
        return _
    lax.fori_loop(0, NCHUNK // W1, scat1, None)

    plsc.subcore_barrier()

    def gat2(wv, _):
        descs = []
        for i in range(W1):
            j = wv * W1 + i
            idxrow = seg2_v.at[j]
            vsl = pl.ds(j * CHUNK, CHUNK)
            descs.append(pltpu.async_copy(
                segval0_sh.at[idxrow], v0b_v.at[vsl], sem))
            descs.append(pltpu.async_copy(
                segval1_sh.at[idxrow], v1b_v.at[vsl], sem))
        for dsc in descs:
            dsc.wait()
        return _
    lax.fori_loop(0, NCHUNK // W1, gat2, None)

    def p2(k, _):
        sl = pl.ds(k * L, L)
        w = ew_v[sl]
        dv = (w >> 12) & 0xFFF
        lastf = ((w >> 26) & 0x1).astype(jnp.float32)
        sd = plsc.load_gather(scores_v, [dv])
        v0 = v0b_v[sl]
        v1 = v1b_v[sl]
        e0 = (jnp.exp(jnp.where(v0 >= 0, v0, 0.2 * v0)) - 1.0) * lastf
        e1 = (jnp.exp(jnp.where(v1 >= 0, v1, 0.2 * v1)) - 1.0) * lastf
        g0_v[sl] = e0
        gs0_v[sl] = e0 * sd
        g1_v[sl] = e1
        gs1_v[sl] = e1 * sd
        return _
    lax.fori_loop(0, CE // L, p2, None)

    def scat2(wv, _):
        descs = []
        for i in range(W2):
            j = wv * W2 + i
            idxrow = ridx2_v.at[j]
            vsl = pl.ds(j * CHUNK, CHUNK)
            descs.append(pltpu.async_copy(
                g0_v.at[vsl], den0_sh.at[idxrow], sem, add=True))
            descs.append(pltpu.async_copy(
                gs0_v.at[vsl], num0_sh.at[idxrow], sem, add=True))
            descs.append(pltpu.async_copy(
                g1_v.at[vsl], den1_sh.at[idxrow], sem, add=True))
            descs.append(pltpu.async_copy(
                gs1_v.at[vsl], num1_sh.at[idxrow], sem, add=True))
        for dsc in descs:
            dsc.wait()
        return _
    lax.fori_loop(0, NCHUNK // W2, scat2, None)

    plsc.subcore_barrier()

    rb = s * RPT
    pltpu.sync_copy(den0_sh.at[pl.ds(rb, RPT)], den0_v)
    pltpu.sync_copy(num0_sh.at[pl.ds(rb, RPT)], num0_v)
    pltpu.sync_copy(den1_sh.at[pl.ds(rb, RPT)], den1_v)
    pltpu.sync_copy(num1_sh.at[pl.ds(rb, RPT)], num1_v)
    fN = jnp.float32(N)

    def p3(k, _):
        sl = pl.ds(k * L, L)
        o = 0.5 * ((S + num0_v[sl]) / (fN + den0_v[sl])
                   + (S + num1_v[sl]) / (fN + den1_v[sl]))
        obuf_v[sl] = o
        return _
    lax.fori_loop(0, RPT // L, p3, None)
    pltpu.sync_copy(obuf_v, out_hbm.at[pl.ds(c * RPC + rb, RPT)])


_sc_call = functools.partial(
    pl.kernel,
    out_type=jax.ShapeDtypeStruct((N,), jnp.float32),
    mesh=plsc.VectorSubcoreMesh(core_axis_name="c", subcore_axis_name="s"),
    compiler_params=pltpu.CompilerParams(needs_layout_passes=False),
    scratch_types=[
        pltpu.VMEM((N,), jnp.float32),
        pltpu.VMEM((CE,), jnp.int32),
        pltpu.VMEM((NCHUNK, CHUNK), jnp.int32),
        pltpu.VMEM((NCHUNK, CHUNK), jnp.int32),
        pltpu.VMEM((CE,), jnp.float32),
        pltpu.VMEM((CE,), jnp.float32),
        pltpu.VMEM((CE,), jnp.float32),
        pltpu.VMEM((CE,), jnp.float32),
        pltpu.VMEM((CE,), jnp.float32),
        pltpu.VMEM((CE,), jnp.float32),
        pltpu.VMEM((CE,), jnp.float32),
        pltpu.VMEM((CE,), jnp.float32),
        pltpu.VMEM((RPT,), jnp.float32),
        pltpu.VMEM((RPT,), jnp.float32),
        pltpu.VMEM((RPT,), jnp.float32),
        pltpu.VMEM((RPT,), jnp.float32),
        pltpu.VMEM((RPT,), jnp.float32),
        pltpu.VMEM((L,), jnp.float32),
        pltpu.VMEM((L,), jnp.float32),
        pltpu.VMEM((16, L), jnp.float32),
        pltpu.VMEM_SHARED((TE,), jnp.float32),
        pltpu.VMEM_SHARED((TE,), jnp.float32),
        pltpu.VMEM_SHARED((RPC + 8,), jnp.float32),
        pltpu.VMEM_SHARED((RPC + 8,), jnp.float32),
        pltpu.VMEM_SHARED((RPC + 8,), jnp.float32),
        pltpu.VMEM_SHARED((RPC + 8,), jnp.float32),
        pltpu.SemaphoreType.DMA,
    ],
)(_body)


def kernel(scores, edge_index, edge_type_emb, attention_weight):
    scores1 = scores[:, 0]
    src = edge_index[:, 0, :].reshape(-1)
    dst = edge_index[:, 1, :].reshape(-1)

    key = src * N + dst
    order = jnp.argsort(key)
    src_s = src[order]
    dst_s = dst[order]
    sk = key[order]
    t_s = (order >> 15).astype(jnp.int32)
    is_new = jnp.concatenate(
        [jnp.ones((1,), jnp.int32), (sk[1:] != sk[:-1]).astype(jnp.int32)])
    seg = jnp.cumsum(is_new) - 1
    is_last = jnp.concatenate(
        [(sk[:-1] != sk[1:]).astype(jnp.int32), jnp.ones((1,), jnp.int32)])
    ew = src_s | (dst_s << 12) | (t_s << 24) | (is_last << 26)
    r0 = jnp.where(src_s < RPC, src_s, RPC)
    r1 = jnp.where(src_s >= RPC, src_s - RPC, RPC)
    ridx2 = jnp.concatenate([r0, r1]).reshape(2 * TE // CHUNK, CHUNK)
    seg2d = seg.reshape(TE // CHUNK, CHUNK)

    aw = attention_weight[:, :, 0]
    params = jnp.concatenate([
        edge_type_emb,
        aw[:, 1:D + 1],
        jnp.broadcast_to(aw[0, 0], (1, D)),
        jnp.broadcast_to(aw[0, D + 1], (1, D)),
        jnp.broadcast_to(aw[1, 0], (1, D)),
        jnp.broadcast_to(aw[1, D + 1], (1, D)),
        jnp.zeros((6, D), jnp.float32),
    ], axis=0)

    out = _sc_call(scores1, ew, seg2d, ridx2, params)
    return out.reshape(N, 1)

# --- scband reference (transcript-rebuilt; emitter-appended) ---
"""Pipeline reference for scband-score-aggregation-4045859193723 (READ-ONLY COPY).

The authoritative reference and input builder live on the scoring server;
editing this copy changes nothing except your own understanding.
"""

import jax, jax.numpy as jnp
import numpy as np

N = 4096      # nodes (dense NxN attention matrix constrains this)
T = 4         # number of edge types (len(adjs))
E = 32768     # edges per type
D = 16        # edge_emb_dim
H = 2         # num_head_attentions


def setup_inputs(seed: int = 0) -> dict:
    key = jax.random.key(seed)
    k1, k2, k3, k4 = jax.random.split(key, 4)
    scores = jax.random.normal(k1, (N, 1), dtype=jnp.float32)
    # adjs: T edge lists, each [2, E], stacked to [T, 2, E]
    edge_index = jax.random.randint(k2, (T, 2, E), 0, N, dtype=jnp.int32)
    edge_type_emb = jax.random.normal(k3, (T, D), dtype=jnp.float32)
    # per-head attention weight [D+2, 1], xavier-ish scale
    attention_weight = jax.random.normal(k4, (H, D + 2, 1), dtype=jnp.float32) * (2.0 / (D + 3)) ** 0.5
    return {
        "scores": scores,
        "edge_index": edge_index,
        "edge_type_emb": edge_type_emb,
        "attention_weight": attention_weight,
    }


def reference(scores, edge_index, edge_type_emb, attention_weight):
    n = scores.shape[0]
    num_heads = attention_weight.shape[0]
    num_types = edge_type_emb.shape[0]
    e = edge_index.shape[2]
    d = edge_type_emb.shape[1]
    sum_scores = jnp.zeros_like(scores)
    for h in range(num_heads):
        sum_attention = jnp.zeros((n, n), dtype=scores.dtype)
        for t in range(num_types):
            src = edge_index[t, 0]
            dst = edge_index[t, 1]
            source_scores = scores[src]                     # [E, 1] gather
            target_scores = scores[dst]                     # [E, 1] gather
            et_rep = jnp.broadcast_to(edge_type_emb[t], (e, d))
            concated = jnp.concatenate([source_scores, et_rep, target_scores], axis=-1)  # [E, D+2]
            attention_i = (concated @ attention_weight[h]).reshape(e)                    # [E]
            sum_attention = sum_attention.at[src, dst].add(attention_i)                  # scatter-add
        att = jnp.where(sum_attention >= 0, sum_attention, 0.2 * sum_attention)          # LeakyReLU(0.2)
        att = jax.nn.softmax(att, axis=-1)
        sum_scores = sum_scores + att @ scores
    return sum_scores / num_heads

if __name__ == "__main__":
    import jax
    _d = setup_inputs()
    print(jax.jit(kernel)(*tuple(_d.values())))

</pallas_src>

<mosaic_0001>
#map = affine_map<(d0, d1) -> (0)>
#map1 = affine_map<(d0, d1) -> (0, 0)>
module attributes {stable_mosaic.version = 14 : i64} {
  func.func @_body(%arg0: i32, %arg1: i32, %arg2: memref<4096xf32, #tpu.memory_space<hbm>>, %arg3: memref<131072xi32, #tpu.memory_space<hbm>>, %arg4: memref<1024x128xi32, #tpu.memory_space<hbm>>, %arg5: memref<2048x128xi32, #tpu.memory_space<hbm>>, %arg6: memref<16x16xf32, #tpu.memory_space<hbm>>, %arg7: memref<4096xf32, #tpu.memory_space<hbm>>, %arg8: memref<4096xf32, #tpu.memory_space<vmem>>, %arg9: memref<8192xi32, #tpu.memory_space<vmem>>, %arg10: memref<64x128xi32, #tpu.memory_space<vmem>>, %arg11: memref<64x128xi32, #tpu.memory_space<vmem>>, %arg12: memref<8192xf32, #tpu.memory_space<vmem>>, %arg13: memref<8192xf32, #tpu.memory_space<vmem>>, %arg14: memref<8192xf32, #tpu.memory_space<vmem>>, %arg15: memref<8192xf32, #tpu.memory_space<vmem>>, %arg16: memref<8192xf32, #tpu.memory_space<vmem>>, %arg17: memref<8192xf32, #tpu.memory_space<vmem>>, %arg18: memref<8192xf32, #tpu.memory_space<vmem>>, %arg19: memref<8192xf32, #tpu.memory_space<vmem>>, %arg20: memref<128xf32, #tpu.memory_space<vmem>>, %arg21: memref<128xf32, #tpu.memory_space<vmem>>, %arg22: memref<128xf32, #tpu.memory_space<vmem>>, %arg23: memref<128xf32, #tpu.memory_space<vmem>>, %arg24: memref<128xf32, #tpu.memory_space<vmem>>, %arg25: memref<16xf32, #tpu.memory_space<vmem>>, %arg26: memref<16xf32, #tpu.memory_space<vmem>>, %arg27: memref<16x16xf32, #tpu.memory_space<vmem>>, %arg28: memref<131072xf32, #tpu.memory_space<vmem_shared>>, %arg29: memref<131072xf32, #tpu.memory_space<vmem_shared>>, %arg30: memref<2056xf32, #tpu.memory_space<vmem_shared>>, %arg31: memref<2056xf32, #tpu.memory_space<vmem_shared>>, %arg32: memref<2056xf32, #tpu.memory_space<vmem_shared>>, %arg33: memref<2056xf32, #tpu.memory_space<vmem_shared>>, %arg34: memref<!tpu.dma_semaphore, #tpu.memory_space<semaphore_mem>>) attributes {dimension_semantics = [#tpu.dimension_semantics<core_parallel>, #tpu.dimension_semantics<subcore_parallel>], iteration_bounds = array<i64: 2, 16>, scalar_prefetch = 0 : i64, scratch_operands = 27 : i64, tpu.core_type = #tpu.core_type<sc_vector_subcore>, window_params = [{transform_indices = #map}, {transform_indices = #map}, {transform_indices = #map1}, {transform_indices = #map1}, {transform_indices = #map1}, {transform_indices = #map}]} {
    "tpu.region"() ({
      %run_scoped3A = tpu.sem_alloc : memref<!tpu.dma_semaphore, #tpu.memory_space<semaphore_mem>>
      tpu.enqueue_dma source(%arg2 : memref<4096xf32, #tpu.memory_space<hbm>>) target(%arg8 : memref<4096xf32, #tpu.memory_space<vmem>>) target_semaphore(%run_scoped3A : memref<!tpu.dma_semaphore, #tpu.memory_space<semaphore_mem>>)
      tpu.wait_dma2 semaphore(%run_scoped3A : memref<!tpu.dma_semaphore, #tpu.memory_space<semaphore_mem>>) src(%arg2 : memref<4096xf32, #tpu.memory_space<hbm>>) dst(%arg8 : memref<4096xf32, #tpu.memory_space<vmem>>)
      tpu.yield
    }) : () -> ()
    %mul3A = arith.constant 8192 : i32
    %mul3A_0 = arith.muli %arg1, %mul3A : i32
    "tpu.region"() ({
      %run_scoped3A = tpu.sem_alloc : memref<!tpu.dma_semaphore, #tpu.memory_space<semaphore_mem>>
      %dma_start3A = tpu.memref_slice %arg3[%mul3A_0] : memref<131072xi32, #tpu.memory_space<hbm>> -> memref<8192xi32, #tpu.memory_space<hbm>>
      %dma_start3A_397 = tpu.memref_slice %arg3[%mul3A_0] : memref<131072xi32, #tpu.memory_space<hbm>> -> memref<8192xi32, #tpu.memory_space<hbm>>
      tpu.enqueue_dma source(%dma_start3A_397 : memref<8192xi32, #tpu.memory_space<hbm>>) target(%arg9 : memref<8192xi32, #tpu.memory_space<vmem>>) target_semaphore(%run_scoped3A : memref<!tpu.dma_semaphore, #tpu.memory_space<semaphore_mem>>)
      %dma_wait3A = tpu.memref_slice %arg3[%mul3A_0] : memref<131072xi32, #tpu.memory_space<hbm>> -> memref<8192xi32, #tpu.memory_space<hbm>>
      %dma_wait3A_398 = tpu.memref_slice %arg3[%mul3A_0] : memref<131072xi32, #tpu.memory_space<hbm>> -> memref<8192xi32, #tpu.memory_space<hbm>>
      tpu.wait_dma2 semaphore(%run_scoped3A : memref<!tpu.dma_semaphore, #tpu.memory_space<semaphore_mem>>) src(%dma_wait3A_398 : memref<8192xi32, #tpu.memory_space<hbm>>) dst(%arg9 : memref<8192xi32, #tpu.memory_space<vmem>>)
      tpu.yield
    }) : () -> ()
    %mul3A_1 = arith.constant 64 : i32
    %mul3A_2 = arith.muli %arg1, %mul3A_1 : i32
    "tpu.region"() ({
      %run_scoped3A = tpu.sem_alloc : memref<!tpu.dma_semaphore, #tpu.memory_space<semaphore_mem>>
      %dma_start3A = arith.constant 0 : i32
      %dma_start3A_397 = tpu.memref_slice %arg4[%mul3A_2, %dma_start3A] : memref<1024x128xi32, #tpu.memory_space<hbm>> -> memref<64x128xi32, #tpu.memory_space<hbm>>
      %dma_start3A_398 = arith.constant 0 : i32
      %dma_start3A_399 = tpu.memref_slice %arg4[%mul3A_2, %dma_start3A_398] : memref<1024x128xi32, #tpu.memory_space<hbm>> -> memref<64x128xi32, #tpu.memory_space<hbm>>
      tpu.enqueue_dma source(%dma_start3A_399 : memref<64x128xi32, #tpu.memory_space<hbm>>) target(%arg10 : memref<64x128xi32, #tpu.memory_space<vmem>>) target_semaphore(%run_scoped3A : memref<!tpu.dma_semaphore, #tpu.memory_space<semaphore_mem>>)
      %dma_wait3A = arith.constant 0 : i32
      %dma_wait3A_400 = tpu.memref_slice %arg4[%mul3A_2, %dma_wait3A] : memref<1024x128xi32, #tpu.memory_space<hbm>> -> memref<64x128xi32, #tpu.memory_space<hbm>>
      %dma_wait3A_401 = arith.constant 0 : i32
      %dma_wait3A_402 = tpu.memref_slice %arg4[%mul3A_2, %dma_wait3A_401] : memref<1024x128xi32, #tpu.memory_space<hbm>> -> memref<64x128xi32, #tpu.memory_space<hbm>>
      tpu.wait_dma2 semaphore(%run_scoped3A : memref<!tpu.dma_semaphore, #tpu.memory_space<semaphore_mem>>) src(%dma_wait3A_402 : memref<64x128xi32, #tpu.memory_space<hbm>>) dst(%arg10 : memref<64x128xi32, #tpu.memory_space<vmem>>)
      tpu.yield
    }) : () -> ()
    %mul3A_3 = arith.constant 1024 : i32
    %mul3A_4 = arith.muli %arg0, %mul3A_3 : i32
    %mul3A_5 = arith.constant 64 : i32
    %mul3A_6 = arith.muli %arg1, %mul3A_5 : i32
    %add3A = arith.addi %mul3A_4, %mul3A_6 : i32
    "tpu.region"() ({
      %run_scoped3A = tpu.sem_alloc : memref<!tpu.dma_semaphore, #tpu.memory_space<semaphore_mem>>
      %dma_start3A = arith.constant 0 : i32
      %dma_start3A_397 = tpu.memref_slice %arg5[%add3A, %dma_start3A] : memref<2048x128xi32, #tpu.memory_space<hbm>> -> memref<64x128xi32, #tpu.memory_space<hbm>>
      %dma_start3A_398 = arith.constant 0 : i32
      %dma_start3A_399 = tpu.memref_slice %arg5[%add3A, %dma_start3A_398] : memref<2048x128xi32, #tpu.memory_space<hbm>> -> memref<64x128xi32, #tpu.memory_space<hbm>>
      tpu.enqueue_dma source(%dma_start3A_399 : memref<64x128xi32, #tpu.memory_space<hbm>>) target(%arg11 : memref<64x128xi32, #tpu.memory_space<vmem>>) target_semaphore(%run_scoped3A : memref<!tpu.dma_semaphore, #tpu.memory_space<semaphore_mem>>)
      %dma_wait3A = arith.constant 0 : i32
      %dma_wait3A_400 = tpu.memref_slice %arg5[%add3A, %dma_wait3A] : memref<2048x128xi32, #tpu.memory_space<hbm>> -> memref<64x128xi32, #tpu.memory_space<hbm>>
      %dma_wait3A_401 = arith.constant 0 : i32
      %dma_wait3A_402 = tpu.memref_slice %arg5[%add3A, %dma_wait3A_401] : memref<2048x128xi32, #tpu.memory_space<hbm>> -> memref<64x128xi32, #tpu.memory_space<hbm>>
      tpu.wait_dma2 semaphore(%run_scoped3A : memref<!tpu.dma_semaphore, #tpu.memory_space<semaphore_mem>>) src(%dma_wait3A_402 : memref<64x128xi32, #tpu.memory_space<hbm>>) dst(%arg11 : memref<64x128xi32, #tpu.memory_space<vmem>>)
      tpu.yield
    }) : () -> ()
    "tpu.region"() ({
      %run_scoped3A = tpu.sem_alloc : memref<!tpu.dma_semaphore, #tpu.memory_space<semaphore_mem>>
      tpu.enqueue_dma source(%arg6 : memref<16x16xf32, #tpu.memory_space<hbm>>) target(%arg27 : memref<16x16xf32, #tpu.memory_space<vmem>>) target_semaphore(%run_scoped3A : memref<!tpu.dma_semaphore, #tpu.memory_space<semaphore_mem>>)
      tpu.wait_dma2 semaphore(%run_scoped3A : memref<!tpu.dma_semaphore, #tpu.memory_space<semaphore_mem>>) src(%arg6 : memref<16x16xf32, #tpu.memory_space<hbm>>) dst(%arg27 : memref<16x16xf32, #tpu.memory_space<vmem>>)
      tpu.yield
    }) : () -> ()
    %scan3A = arith.constant 0 : i32
    %scan3A_7 = arith.constant 512 : i32
    %scan3A_8 = arith.addi %scan3A, %scan3A_7 : i32
    %scan3A_9 = arith.constant 1 : i32
    scf.for %scan3A_397 = %scan3A to %scan3A_8 step %scan3A_9  : i32 {
      %broadcast_in_dim3A_398 = arith.constant 0.000000e+00 : f32
      %broadcast_in_dim3A_399 = vector.broadcast %broadcast_in_dim3A_398 : f32 to vector<16xf32>
      %mul3A_400 = arith.constant 16 : i32
      %mul3A_401 = arith.muli %scan3A_397, %mul3A_400 : i32
      %swap3A_402 = arith.index_cast %mul3A_401 : i32 to index
      %swap3A_403 = tpu.vector_load %arg12[%swap3A_402] {strides = array<i32>} : memref<8192xf32, #tpu.memory_space<vmem>>, vector<16xf32>,
      tpu.vector_store %arg12[%swap3A_402], %broadcast_in_dim3A_399 {strides = array<i32>} : memref<8192xf32, #tpu.memory_space<vmem>>, vector<16xf32>,
    }
    %scan3A_10 = arith.constant 512 : i32
    %mul3A_11 = arith.constant 8192 : i32
    %mul3A_12 = arith.muli %arg1, %mul3A_11 : i32
    "tpu.region"() ({
      %run_scoped3A = tpu.sem_alloc : memref<!tpu.dma_semaphore, #tpu.memory_space<semaphore_mem>>
      %dma_start3A = tpu.memref_slice %arg28[%mul3A_12] : memref<131072xf32, #tpu.memory_space<vmem_shared>> -> memref<8192xf32, #tpu.memory_space<vmem_shared>>
      %dma_start3A_397 = tpu.memref_slice %arg28[%mul3A_12] : memref<131072xf32, #tpu.memory_space<vmem_shared>> -> memref<8192xf32, #tpu.memory_space<vmem_shared>>
      tpu.enqueue_dma source(%arg12 : memref<8192xf32, #tpu.memory_space<vmem>>) target(%dma_start3A_397 : memref<8192xf32, #tpu.memory_space<vmem_shared>>) target_semaphore(%run_scoped3A : memref<!tpu.dma_semaphore, #tpu.memory_space<semaphore_mem>>)
      %dma_wait3A = tpu.memref_slice %arg28[%mul3A_12] : memref<131072xf32, #tpu.memory_space<vmem_shared>> -> memref<8192xf32, #tpu.memory_space<vmem_shared>>
      %dma_wait3A_398 = tpu.memref_slice %arg28[%mul3A_12] : memref<131072xf32, #tpu.memory_space<vmem_shared>> -> memref<8192xf32, #tpu.memory_space<vmem_shared>>
      tpu.wait_dma2 semaphore(%run_scoped3A : memref<!tpu.dma_semaphore, #tpu.memory_space<semaphore_mem>>) src(%arg12 : memref<8192xf32, #tpu.memory_space<vmem>>) dst(%dma_wait3A_398 : memref<8192xf32, #tpu.memory_space<vmem_shared>>)
      tpu.yield
    }) : () -> ()
    %mul3A_13 = arith.constant 8192 : i32
    %mul3A_14 = arith.muli %arg1, %mul3A_13 : i32
    "tpu.region"() ({
      %run_scoped3A = tpu.sem_alloc : memref<!tpu.dma_semaphore, #tpu.memory_space<semaphore_mem>>
      %dma_start3A = tpu.memref_slice %arg29[%mul3A_14] : memref<131072xf32, #tpu.memory_space<vmem_shared>> -> memref<8192xf32, #tpu.memory_space<vmem_shared>>
      %dma_start3A_397 = tpu.memref_slice %arg29[%mul3A_14] : memref<131072xf32, #tpu.memory_space<vmem_shared>> -> memref<8192xf32, #tpu.memory_space<vmem_shared>>
      tpu.enqueue_dma source(%arg12 : memref<8192xf32, #tpu.memory_space<vmem>>) target(%dma_start3A_397 : memref<8192xf32, #tpu.memory_space<vmem_shared>>) target_semaphore(%run_scoped3A : memref<!tpu.dma_semaphore, #tpu.memory_space<semaphore_mem>>)
      %dma_wait3A = tpu.memref_slice %arg29[%mul3A_14] : memref<131072xf32, #tpu.memory_space<vmem_shared>> -> memref<8192xf32, #tpu.memory_space<vmem_shared>>
      %dma_wait3A_398 = tpu.memref_slice %arg29[%mul3A_14] : memref<131072xf32, #tpu.memory_space<vmem_shared>> -> memref<8192xf32, #tpu.memory_space<vmem_shared>>
      tpu.wait_dma2 semaphore(%run_scoped3A : memref<!tpu.dma_semaphore, #tpu.memory_space<semaphore_mem>>) src(%arg12 : memref<8192xf32, #tpu.memory_space<vmem>>) dst(%dma_wait3A_398 : memref<8192xf32, #tpu.memory_space<vmem_shared>>)
      tpu.yield
    }) : () -> ()
    %eq3A = arith.constant 0 : i32
    %eq3A_15 = arith.cmpi eq, %arg1, %eq3A : i32
    %convert_element_type3A = arith.extui %eq3A_15 : i1 to i32
    %cond3A = arith.constant 0 : i32
    %cond3A_16 = arith.cmpi ne, %convert_element_type3A, %cond3A : i32
    scf.if %cond3A_16 {
      "tpu.region"() ({
        %run_scoped3A = tpu.sem_alloc : memref<!tpu.dma_semaphore, #tpu.memory_space<semaphore_mem>>
        %dma_start3A = arith.constant 0 : i32
        %dma_start3A_397 = tpu.memref_slice %arg12[%dma_start3A] : memref<8192xf32, #tpu.memory_space<vmem>> -> memref<2056xf32, #tpu.memory_space<vmem>>
        %dma_start3A_398 = arith.constant 0 : i32
        %dma_start3A_399 = tpu.memref_slice %arg12[%dma_start3A_398] : memref<8192xf32, #tpu.memory_space<vmem>> -> memref<2056xf32, #tpu.memory_space<vmem>>
        tpu.enqueue_dma source(%dma_start3A_399 : memref<2056xf32, #tpu.memory_space<vmem>>) target(%arg30 : memref<2056xf32, #tpu.memory_space<vmem_shared>>) target_semaphore(%run_scoped3A : memref<!tpu.dma_semaphore, #tpu.memory_space<semaphore_mem>>)
        %dma_wait3A = arith.constant 0 : i32
        %dma_wait3A_400 = tpu.memref_slice %arg12[%dma_wait3A] : memref<8192xf32, #tpu.memory_space<vmem>> -> memref<2056xf32, #tpu.memory_space<vmem>>
        %dma_wait3A_401 = arith.constant 0 : i32
        %dma_wait3A_402 = tpu.memref_slice %arg12[%dma_wait3A_401] : memref<8192xf32, #tpu.memory_space<vmem>> -> memref<2056xf32, #tpu.memory_space<vmem>>
        tpu.wait_dma2 semaphore(%run_scoped3A : memref<!tpu.dma_semaphore, #tpu.memory_space<semaphore_mem>>) src(%dma_wait3A_402 : memref<2056xf32, #tpu.memory_space<vmem>>) dst(%arg30 : memref<2056xf32, #tpu.memory_space<vmem_shared>>)
        tpu.yield
      }) : () -> ()
      "tpu.region"() ({
        %run_scoped3A = tpu.sem_alloc : memref<!tpu.dma_semaphore, #tpu.memory_space<semaphore_mem>>
        %dma_start3A = arith.constant 0 : i32
        %dma_start3A_397 = tpu.memref_slice %arg12[%dma_start3A] : memref<8192xf32, #tpu.memory_space<vmem>> -> memref<2056xf32, #tpu.memory_space<vmem>>
        %dma_start3A_398 = arith.constant 0 : i32
        %dma_start3A_399 = tpu.memref_slice %arg12[%dma_start3A_398] : memref<8192xf32, #tpu.memory_space<vmem>> -> memref<2056xf32, #tpu.memory_space<vmem>>
        tpu.enqueue_dma source(%dma_start3A_399 : memref<2056xf32, #tpu.memory_space<vmem>>) target(%arg31 : memref<2056xf32, #tpu.memory_space<vmem_shared>>) target_semaphore(%run_scoped3A : memref<!tpu.dma_semaphore, #tpu.memory_space<semaphore_mem>>)
        %dma_wait3A = arith.constant 0 : i32
        %dma_wait3A_400 = tpu.memref_slice %arg12[%dma_wait3A] : memref<8192xf32, #tpu.memory_space<vmem>> -> memref<2056xf32, #tpu.memory_space<vmem>>
        %dma_wait3A_401 = arith.constant 0 : i32
        %dma_wait3A_402 = tpu.memref_slice %arg12[%dma_wait3A_401] : memref<8192xf32, #tpu.memory_space<vmem>> -> memref<2056xf32, #tpu.memory_space<vmem>>
        tpu.wait_dma2 semaphore(%run_scoped3A : memref<!tpu.dma_semaphore, #tpu.memory_space<semaphore_mem>>) src(%dma_wait3A_402 : memref<2056xf32, #tpu.memory_space<vmem>>) dst(%arg31 : memref<2056xf32, #tpu.memory_space<vmem_shared>>)
        tpu.yield
      }) : () -> ()
      "tpu.region"() ({
        %run_scoped3A = tpu.sem_alloc : memref<!tpu.dma_semaphore, #tpu.memory_space<semaphore_mem>>
        %dma_start3A = arith.constant 0 : i32
        %dma_start3A_397 = tpu.memref_slice %arg12[%dma_start3A] : memref<8192xf32, #tpu.memory_space<vmem>> -> memref<2056xf32, #tpu.memory_space<vmem>>
        %dma_start3A_398 = arith.constant 0 : i32
        %dma_start3A_399 = tpu.memref_slice %arg12[%dma_start3A_398] : memref<8192xf32, #tpu.memory_space<vmem>> -> memref<2056xf32, #tpu.memory_space<vmem>>
        tpu.enqueue_dma source(%dma_start3A_399 : memref<2056xf32, #tpu.memory_space<vmem>>) target(%arg32 : memref<2056xf32, #tpu.memory_space<vmem_shared>>) target_semaphore(%run_scoped3A : memref<!tpu.dma_semaphore, #tpu.memory_space<semaphore_mem>>)
        %dma_wait3A = arith.constant 0 : i32
        %dma_wait3A_400 = tpu.memref_slice %arg12[%dma_wait3A] : memref<8192xf32, #tpu.memory_space<vmem>> -> memref<2056xf32, #tpu.memory_space<vmem>>
        %dma_wait3A_401 = arith.constant 0 : i32
        %dma_wait3A_402 = tpu.memref_slice %arg12[%dma_wait3A_401] : memref<8192xf32, #tpu.memory_space<vmem>> -> memref<2056xf32, #tpu.memory_space<vmem>>
        tpu.wait_dma2 semaphore(%run_scoped3A : memref<!tpu.dma_semaphore, #tpu.memory_space<semaphore_mem>>) src(%dma_wait3A_402 : memref<2056xf32, #tpu.memory_space<vmem>>) dst(%arg32 : memref<2056xf32, #tpu.memory_space<vmem_shared>>)
        tpu.yield
      }) : () -> ()
      "tpu.region"() ({
        %run_scoped3A = tpu.sem_alloc : memref<!tpu.dma_semaphore, #tpu.memory_space<semaphore_mem>>
        %dma_start3A = arith.constant 0 : i32
        %dma_start3A_397 = tpu.memref_slice %arg12[%dma_start3A] : memref<8192xf32, #tpu.memory_space<vmem>> -> memref<2056xf32, #tpu.memory_space<vmem>>
        %dma_start3A_398 = arith.constant 0 : i32
        %dma_start3A_399 = tpu.memref_slice %arg12[%dma_start3A_398] : memref<8192xf32, #tpu.memory_space<vmem>> -> memref<2056xf32, #tpu.memory_space<vmem>>
        tpu.enqueue_dma source(%dma_start3A_399 : memref<2056xf32, #tpu.memory_space<vmem>>) target(%arg33 : memref<2056xf32, #tpu.memory_space<vmem_shared>>) target_semaphore(%run_scoped3A : memref<!tpu.dma_semaphore, #tpu.memory_space<semaphore_mem>>)
        %dma_wait3A = arith.constant 0 : i32
        %dma_wait3A_400 = tpu.memref_slice %arg12[%dma_wait3A] : memref<8192xf32, #tpu.memory_space<vmem>> -> memref<2056xf32, #tpu.memory_space<vmem>>
        %dma_wait3A_401 = arith.constant 0 : i32
        %dma_wait3A_402 = tpu.memref_slice %arg12[%dma_wait3A_401] : memref<8192xf32, #tpu.memory_space<vmem>> -> memref<2056xf32, #tpu.memory_space<vmem>>
        tpu.wait_dma2 semaphore(%run_scoped3A : memref<!tpu.dma_semaphore, #tpu.memory_space<semaphore_mem>>) src(%dma_wait3A_402 : memref<2056xf32, #tpu.memory_space<vmem>>) dst(%arg33 : memref<2056xf32, #tpu.memory_space<vmem_shared>>)
        tpu.yield
      }) : () -> ()
    } else {
    }
    %iota3A = tpu.iota {dimensions = array<i32: 0>} : vector<16xi32>
    %get3A = arith.constant 4 : i32
    %get3A_17 = arith.index_cast %get3A : i32 to index
    %get3A_18 = arith.constant 0 : index
    %get3A_19 = tpu.vector_load %arg27[%get3A_17, %get3A_18] {strides = array<i32>} : memref<16x16xf32, #tpu.memory_space<vmem>>, vector<16xf32>,
    %get3A_20 = arith.constant 5 : i32
    %get3A_21 = arith.index_cast %get3A_20 : i32 to index
    %get3A_22 = arith.constant 0 : index
    %get3A_23 = tpu.vector_load %arg27[%get3A_21, %get3A_22] {strides = array<i32>} : memref<16x16xf32, #tpu.memory_space<vmem>>, vector<16xf32>,
    %get3A_24 = arith.constant 6 : i32
    %get3A_25 = arith.index_cast %get3A_24 : i32 to index
    %get3A_26 = arith.constant 0 : index
    %get3A_27 = tpu.vector_load %arg27[%get3A_25, %get3A_26] {strides = array<i32>} : memref<16x16xf32, #tpu.memory_space<vmem>>, vector<16xf32>,
    %get3A_28 = arith.constant 7 : i32
    %get3A_29 = arith.index_cast %get3A_28 : i32 to index
    %get3A_30 = arith.constant 0 : index
    %get3A_31 = tpu.vector_load %arg27[%get3A_29, %get3A_30] {strides = array<i32>} : memref<16x16xf32, #tpu.memory_space<vmem>>, vector<16xf32>,
    %get3A_32 = arith.constant 8 : i32
    %get3A_33 = arith.index_cast %get3A_32 : i32 to index
    %get3A_34 = arith.constant 0 : index
    %get3A_35 = tpu.vector_load %arg27[%get3A_33, %get3A_34] {strides = array<i32>} : memref<16x16xf32, #tpu.memory_space<vmem>>, vector<16xf32>,
    %get3A_36 = arith.constant 9 : i32
    %get3A_37 = arith.index_cast %get3A_36 : i32 to index
    %get3A_38 = arith.constant 0 : index
    %get3A_39 = tpu.vector_load %arg27[%get3A_37, %get3A_38] {strides = array<i32>} : memref<16x16xf32, #tpu.memory_space<vmem>>, vector<16xf32>,
    %broadcast_in_dim3A = arith.constant 0.000000e+00 : f32
    %broadcast_in_dim3A_40 = vector.broadcast %broadcast_in_dim3A : f32 to vector<16xf32>
    %broadcast_in_dim3A_41 = arith.constant 0.000000e+00 : f32
    %broadcast_in_dim3A_42 = vector.broadcast %broadcast_in_dim3A_41 : f32 to vector<16xf32>
    %get3A_43 = arith.constant 0 : i32
    %get3A_44 = arith.index_cast %get3A_43 : i32 to index
    %get3A_45 = arith.constant 0 : index
    %get3A_46 = tpu.vector_load %arg27[%get3A_44, %get3A_45] {strides = array<i32>} : memref<16x16xf32, #tpu.memory_space<vmem>>, vector<16xf32>,
    %eq3A_47 = arith.constant 0 : i32
    %eq3A_48 = vector.broadcast %eq3A_47 : i32 to vector<16xi32>
    %eq3A_49 = arith.cmpi eq, %iota3A, %eq3A_48 : vector<16xi32>
    %mul3A_50 = arith.mulf %get3A_46, %get3A_19 : vector<16xf32>
    %swap3A = arith.constant 0 : index
    %swap3A_51 = tpu.vector_load %arg24[%swap3A] {strides = array<i32>} : memref<128xf32, #tpu.memory_space<vmem>>, vector<16xf32>,
    tpu.vector_store %arg24[%swap3A], %mul3A_50 {strides = array<i32>} : memref<128xf32, #tpu.memory_space<vmem>>, vector<16xf32>,
    %xor3A = arith.constant 8 : i32
    %xor3A_52 = vector.broadcast %xor3A : i32 to vector<16xi32>
    %xor3A_53 = arith.xori %iota3A, %xor3A_52 : vector<16xi32>
    %gather3A = tpu.vector_load_idx %arg24[%xor3A_53] : memref<128xf32, #tpu.memory_space<vmem>>[vector<16xi32>], vector<16xf32>,
    %add3A_54 = arith.addf %mul3A_50, %gather3A : vector<16xf32>
    %swap3A_55 = arith.constant 0 : index
    %swap3A_56 = tpu.vector_load %arg24[%swap3A_55] {strides = array<i32>} : memref<128xf32, #tpu.memory_space<vmem>>, vector<16xf32>,
    tpu.vector_store %arg24[%swap3A_55], %add3A_54 {strides = array<i32>} : memref<128xf32, #tpu.memory_space<vmem>>, vector<16xf32>,
    %xor3A_57 = arith.constant 4 : i32
    %xor3A_58 = vector.broadcast %xor3A_57 : i32 to vector<16xi32>
    %xor3A_59 = arith.xori %iota3A, %xor3A_58 : vector<16xi32>
    %gather3A_60 = tpu.vector_load_idx %arg24[%xor3A_59] : memref<128xf32, #tpu.memory_space<vmem>>[vector<16xi32>], vector<16xf32>,
    %add3A_61 = arith.addf %add3A_54, %gather3A_60 : vector<16xf32>
    %swap3A_62 = arith.constant 0 : index
    %swap3A_63 = tpu.vector_load %arg24[%swap3A_62] {strides = array<i32>} : memref<128xf32, #tpu.memory_space<vmem>>, vector<16xf32>,
    tpu.vector_store %arg24[%swap3A_62], %add3A_61 {strides = array<i32>} : memref<128xf32, #tpu.memory_space<vmem>>, vector<16xf32>,
    %xor3A_64 = arith.constant 2 : i32
    %xor3A_65 = vector.broadcast %xor3A_64 : i32 to vector<16xi32>
    %xor3A_66 = arith.xori %iota3A, %xor3A_65 : vector<16xi32>
    %gather3A_67 = tpu.vector_load_idx %arg24[%xor3A_66] : memref<128xf32, #tpu.memory_space<vmem>>[vector<16xi32>], vector<16xf32>,
    %add3A_68 = arith.addf %add3A_61, %gather3A_67 : vector<16xf32>
    %swap3A_69 = arith.constant 0 : index
    %swap3A_70 = tpu.vector_load %arg24[%swap3A_69] {strides = array<i32>} : memref<128xf32, #tpu.memory_space<vmem>>, vector<16xf32>,
    tpu.vector_store %arg24[%swap3A_69], %add3A_68 {strides = array<i32>} : memref<128xf32, #tpu.memory_space<vmem>>, vector<16xf32>,
    %xor3A_71 = arith.constant 1 : i32
    %xor3A_72 = vector.broadcast %xor3A_71 : i32 to vector<16xi32>
    %xor3A_73 = arith.xori %iota3A, %xor3A_72 : vector<16xi32>
    %gather3A_74 = tpu.vector_load_idx %arg24[%xor3A_73] : memref<128xf32, #tpu.memory_space<vmem>>[vector<16xi32>], vector<16xf32>,
    %add3A_75 = arith.addf %add3A_68, %gather3A_74 : vector<16xf32>
    %select_n3A = arith.select %eq3A_49, %add3A_75, %broadcast_in_dim3A_40 : vector<16xi1>, vector<16xf32>
    %eq3A_76 = arith.constant 0 : i32
    %eq3A_77 = vector.broadcast %eq3A_76 : i32 to vector<16xi32>
    %eq3A_78 = arith.cmpi eq, %iota3A, %eq3A_77 : vector<16xi32>
    %mul3A_79 = arith.mulf %get3A_46, %get3A_23 : vector<16xf32>
    %swap3A_80 = arith.constant 0 : index
    %swap3A_81 = tpu.vector_load %arg24[%swap3A_80] {strides = array<i32>} : memref<128xf32, #tpu.memory_space<vmem>>, vector<16xf32>,
    tpu.vector_store %arg24[%swap3A_80], %mul3A_79 {strides = array<i32>} : memref<128xf32, #tpu.memory_space<vmem>>, vector<16xf32>,
    %xor3A_82 = arith.constant 8 : i32
    %xor3A_83 = vector.broadcast %xor3A_82 : i32 to vector<16xi32>
    %xor3A_84 = arith.xori %iota3A, %xor3A_83 : vector<16xi32>
    %gather3A_85 = tpu.vector_load_idx %arg24[%xor3A_84] : memref<128xf32, #tpu.memory_space<vmem>>[vector<16xi32>], vector<16xf32>,
    %add3A_86 = arith.addf %mul3A_79, %gather3A_85 : vector<16xf32>
    %swap3A_87 = arith.constant 0 : index
    %swap3A_88 = tpu.vector_load %arg24[%swap3A_87] {strides = array<i32>} : memref<128xf32, #tpu.memory_space<vmem>>, vector<16xf32>,
    tpu.vector_store %arg24[%swap3A_87], %add3A_86 {strides = array<i32>} : memref<128xf32, #tpu.memory_space<vmem>>, vector<16xf32>,
    %xor3A_89 = arith.constant 4 : i32
    %xor3A_90 = vector.broadcast %xor3A_89 : i32 to vector<16xi32>
    %xor3A_91 = arith.xori %iota3A, %xor3A_90 : vector<16xi32>
    %gather3A_92 = tpu.vector_load_idx %arg24[%xor3A_91] : memref<128xf32, #tpu.memory_space<vmem>>[vector<16xi32>], vector<16xf32>,
    %add3A_93 = arith.addf %add3A_86, %gather3A_92 : vector<16xf32>
    %swap3A_94 = arith.constant 0 : index
    %swap3A_95 = tpu.vector_load %arg24[%swap3A_94] {strides = array<i32>} : memref<128xf32, #tpu.memory_space<vmem>>, vector<16xf32>,
    tpu.vector_store %arg24[%swap3A_94], %add3A_93 {strides = array<i32>} : memref<128xf32, #tpu.memory_space<vmem>>, vector<16xf32>,
    %xor3A_96 = arith.constant 2 : i32
    %xor3A_97 = vector.broadcast %xor3A_96 : i32 to vector<16xi32>
    %xor3A_98 = arith.xori %iota3A, %xor3A_97 : vector<16xi32>
    %gather3A_99 = tpu.vector_load_idx %arg24[%xor3A_98] : memref<128xf32, #tpu.memory_space<vmem>>[vector<16xi32>], vector<16xf32>,
    %add3A_100 = arith.addf %add3A_93, %gather3A_99 : vector<16xf32>
    %swap3A_101 = arith.constant 0 : index
    %swap3A_102 = tpu.vector_load %arg24[%swap3A_101] {strides = array<i32>} : memref<128xf32, #tpu.memory_space<vmem>>, vector<16xf32>,
    tpu.vector_store %arg24[%swap3A_101], %add3A_100 {strides = array<i32>} : memref<128xf32, #tpu.memory_space<vmem>>, vector<16xf32>,
    %xor3A_103 = arith.constant 1 : i32
    %xor3A_104 = vector.broadcast %xor3A_103 : i32 to vector<16xi32>
    %xor3A_105 = arith.xori %iota3A, %xor3A_104 : vector<16xi32>
    %gather3A_106 = tpu.vector_load_idx %arg24[%xor3A_105] : memref<128xf32, #tpu.memory_space<vmem>>[vector<16xi32>], vector<16xf32>,
    %add3A_107 = arith.addf %add3A_100, %gather3A_106 : vector<16xf32>
    %select_n3A_108 = arith.select %eq3A_78, %add3A_107, %broadcast_in_dim3A_42 : vector<16xi1>, vector<16xf32>
    %get3A_109 = arith.constant 1 : i32
    %get3A_110 = arith.index_cast %get3A_109 : i32 to index
    %get3A_111 = arith.constant 0 : index
    %get3A_112 = tpu.vector_load %arg27[%get3A_110, %get3A_111] {strides = array<i32>} : memref<16x16xf32, #tpu.memory_space<vmem>>, vector<16xf32>,
    %eq3A_113 = arith.constant 1 : i32
    %eq3A_114 = vector.broadcast %eq3A_113 : i32 to vector<16xi32>
    %eq3A_115 = arith.cmpi eq, %iota3A, %eq3A_114 : vector<16xi32>
    %mul3A_116 = arith.mulf %get3A_112, %get3A_19 : vector<16xf32>
    %swap3A_117 = arith.constant 0 : index
    %swap3A_118 = tpu.vector_load %arg24[%swap3A_117] {strides = array<i32>} : memref<128xf32, #tpu.memory_space<vmem>>, vector<16xf32>,
    tpu.vector_store %arg24[%swap3A_117], %mul3A_116 {strides = array<i32>} : memref<128xf32, #tpu.memory_space<vmem>>, vector<16xf32>,
    %xor3A_119 = arith.constant 8 : i32
    %xor3A_120 = vector.broadcast %xor3A_119 : i32 to vector<16xi32>
    %xor3A_121 = arith.xori %iota3A, %xor3A_120 : vector<16xi32>
    %gather3A_122 = tpu.vector_load_idx %arg24[%xor3A_121] : memref<128xf32, #tpu.memory_space<vmem>>[vector<16xi32>], vector<16xf32>,
    %add3A_123 = arith.addf %mul3A_116, %gather3A_122 : vector<16xf32>
    %swap3A_124 = arith.constant 0 : index
    %swap3A_125 = tpu.vector_load %arg24[%swap3A_124] {strides = array<i32>} : memref<128xf32, #tpu.memory_space<vmem>>, vector<16xf32>,
    tpu.vector_store %arg24[%swap3A_124], %add3A_123 {strides = array<i32>} : memref<128xf32, #tpu.memory_space<vmem>>, vector<16xf32>,
    %xor3A_126 = arith.constant 4 : i32
    %xor3A_127 = vector.broadcast %xor3A_126 : i32 to vector<16xi32>
    %xor3A_128 = arith.xori %iota3A, %xor3A_127 : vector<16xi32>
    %gather3A_129 = tpu.vector_load_idx %arg24[%xor3A_128] : memref<128xf32, #tpu.memory_space<vmem>>[vector<16xi32>], vector<16xf32>,
    %add3A_130 = arith.addf %add3A_123, %gather3A_129 : vector<16xf32>
    %swap3A_131 = arith.constant 0 : index
    %swap3A_132 = tpu.vector_load %arg24[%swap3A_131] {strides = array<i32>} : memref<128xf32, #tpu.memory_space<vmem>>, vector<16xf32>,
    tpu.vector_store %arg24[%swap3A_131], %add3A_130 {strides = array<i32>} : memref<128xf32, #tpu.memory_space<vmem>>, vector<16xf32>,
    %xor3A_133 = arith.constant 2 : i32
    %xor3A_134 = vector.broadcast %xor3A_133 : i32 to vector<16xi32>
    %xor3A_135 = arith.xori %iota3A, %xor3A_134 : vector<16xi32>
    %gather3A_136 = tpu.vector_load_idx %arg24[%xor3A_135] : memref<128xf32, #tpu.memory_space<vmem>>[vector<16xi32>], vector<16xf32>,
    %add3A_137 = arith.addf %add3A_130, %gather3A_136 : vector<16xf32>
    %swap3A_138 = arith.constant 0 : index
    %swap3A_139 = tpu.vector_load %arg24[%swap3A_138] {strides = array<i32>} : memref<128xf32, #tpu.memory_space<vmem>>, vector<16xf32>,
    tpu.vector_store %arg24[%swap3A_138], %add3A_137 {strides = array<i32>} : memref<128xf32, #tpu.memory_space<vmem>>, vector<16xf32>,
    %xor3A_140 = arith.constant 1 : i32
    %xor3A_141 = vector.broadcast %xor3A_140 : i32 to vector<16xi32>
    %xor3A_142 = arith.xori %iota3A, %xor3A_141 : vector<16xi32>
    %gather3A_143 = tpu.vector_load_idx %arg24[%xor3A_142] : memref<128xf32, #tpu.memory_space<vmem>>[vector<16xi32>], vector<16xf32>,
    %add3A_144 = arith.addf %add3A_137, %gather3A_143 : vector<16xf32>
    %select_n3A_145 = arith.select %eq3A_115, %add3A_144, %select_n3A : vector<16xi1>, vector<16xf32>
    %eq3A_146 = arith.constant 1 : i32
    %eq3A_147 = vector.broadcast %eq3A_146 : i32 to vector<16xi32>
    %eq3A_148 = arith.cmpi eq, %iota3A, %eq3A_147 : vector<16xi32>
    %mul3A_149 = arith.mulf %get3A_112, %get3A_23 : vector<16xf32>
    %swap3A_150 = arith.constant 0 : index
    %swap3A_151 = tpu.vector_load %arg24[%swap3A_150] {strides = array<i32>} : memref<128xf32, #tpu.memory_space<vmem>>, vector<16xf32>,
    tpu.vector_store %arg24[%swap3A_150], %mul3A_149 {strides = array<i32>} : memref<128xf32, #tpu.memory_space<vmem>>, vector<16xf32>,
    %xor3A_152 = arith.constant 8 : i32
    %xor3A_153 = vector.broadcast %xor3A_152 : i32 to vector<16xi32>
    %xor3A_154 = arith.xori %iota3A, %xor3A_153 : vector<16xi32>
    %gather3A_155 = tpu.vector_load_idx %arg24[%xor3A_154] : memref<128xf32, #tpu.memory_space<vmem>>[vector<16xi32>], vector<16xf32>,
    %add3A_156 = arith.addf %mul3A_149, %gather3A_155 : vector<16xf32>
    %swap3A_157 = arith.constant 0 : index
    %swap3A_158 = tpu.vector_load %arg24[%swap3A_157] {strides = array<i32>} : memref<128xf32, #tpu.memory_space<vmem>>, vector<16xf32>,
    tpu.vector_store %arg24[%swap3A_157], %add3A_156 {strides = array<i32>} : memref<128xf32, #tpu.memory_space<vmem>>, vector<16xf32>,
    %xor3A_159 = arith.constant 4 : i32
    %xor3A_160 = vector.broadcast %xor3A_159 : i32 to vector<16xi32>
    %xor3A_161 = arith.xori %iota3A, %xor3A_160 : vector<16xi32>
    %gather3A_162 = tpu.vector_load_idx %arg24[%xor3A_161] : memref<128xf32, #tpu.memory_space<vmem>>[vector<16xi32>], vector<16xf32>,
    %add3A_163 = arith.addf %add3A_156, %gather3A_162 : vector<16xf32>
    %swap3A_164 = arith.constant 0 : index
    %swap3A_165 = tpu.vector_load %arg24[%swap3A_164] {strides = array<i32>} : memref<128xf32, #tpu.memory_space<vmem>>, vector<16xf32>,
    tpu.vector_store %arg24[%swap3A_164], %add3A_163 {strides = array<i32>} : memref<128xf32, #tpu.memory_space<vmem>>, vector<16xf32>,
    %xor3A_166 = arith.constant 2 : i32
    %xor3A_167 = vector.broadcast %xor3A_166 : i32 to vector<16xi32>
    %xor3A_168 = arith.xori %iota3A, %xor3A_167 : vector<16xi32>
    %gather3A_169 = tpu.vector_load_idx %arg24[%xor3A_168] : memref<128xf32, #tpu.memory_space<vmem>>[vector<16xi32>], vector<16xf32>,
    %add3A_170 = arith.addf %add3A_163, %gather3A_169 : vector<16xf32>
    %swap3A_171 = arith.constant 0 : index
    %swap3A_172 = tpu.vector_load %arg24[%swap3A_171] {strides = array<i32>} : memref<128xf32, #tpu.memory_space<vmem>>, vector<16xf32>,
    tpu.vector_store %arg24[%swap3A_171], %add3A_170 {strides = array<i32>} : memref<128xf32, #tpu.memory_space<vmem>>, vector<16xf32>,
    %xor3A_173 = arith.constant 1 : i32
    %xor3A_174 = vector.broadcast %xor3A_173 : i32 to vector<16xi32>
    %xor3A_175 = arith.xori %iota3A, %xor3A_174 : vector<16xi32>
    %gather3A_176 = tpu.vector_load_idx %arg24[%xor3A_175] : memref<128xf32, #tpu.memory_space<vmem>>[vector<16xi32>], vector<16xf32>,
    %add3A_177 = arith.addf %add3A_170, %gather3A_176 : vector<16xf32>
    %select_n3A_178 = arith.select %eq3A_148, %add3A_177, %select_n3A_108 : vector<16xi1>, vector<16xf32>
    %get3A_179 = arith.constant 2 : i32
    %get3A_180 = arith.index_cast %get3A_179 : i32 to index
    %get3A_181 = arith.constant 0 : index
    %get3A_182 = tpu.vector_load %arg27[%get3A_180, %get3A_181] {strides = array<i32>} : memref<16x16xf32, #tpu.memory_space<vmem>>, vector<16xf32>,
    %eq3A_183 = arith.constant 2 : i32
    %eq3A_184 = vector.broadcast %eq3A_183 : i32 to vector<16xi32>
    %eq3A_185 = arith.cmpi eq, %iota3A, %eq3A_184 : vector<16xi32>
    %mul3A_186 = arith.mulf %get3A_182, %get3A_19 : vector<16xf32>
    %swap3A_187 = arith.constant 0 : index
    %swap3A_188 = tpu.vector_load %arg24[%swap3A_187] {strides = array<i32>} : memref<128xf32, #tpu.memory_space<vmem>>, vector<16xf32>,
    tpu.vector_store %arg24[%swap3A_187], %mul3A_186 {strides = array<i32>} : memref<128xf32, #tpu.memory_space<vmem>>, vector<16xf32>,
    %xor3A_189 = arith.constant 8 : i32
    %xor3A_190 = vector.broadcast %xor3A_189 : i32 to vector<16xi32>
    %xor3A_191 = arith.xori %iota3A, %xor3A_190 : vector<16xi32>
    %gather3A_192 = tpu.vector_load_idx %arg24[%xor3A_191] : memref<128xf32, #tpu.memory_space<vmem>>[vector<16xi32>], vector<16xf32>,
    %add3A_193 = arith.addf %mul3A_186, %gather3A_192 : vector<16xf32>
    %swap3A_194 = arith.constant 0 : index
    %swap3A_195 = tpu.vector_load %arg24[%swap3A_194] {strides = array<i32>} : memref<128xf32, #tpu.memory_space<vmem>>, vector<16xf32>,
    tpu.vector_store %arg24[%swap3A_194], %add3A_193 {strides = array<i32>} : memref<128xf32, #tpu.memory_space<vmem>>, vector<16xf32>,
    %xor3A_196 = arith.constant 4 : i32
    %xor3A_197 = vector.broadcast %xor3A_196 : i32 to vector<16xi32>
    %xor3A_198 = arith.xori %iota3A, %xor3A_197 : vector<16xi32>
    %gather3A_199 = tpu.vector_load_idx %arg24[%xor3A_198] : memref<128xf32, #tpu.memory_space<vmem>>[vector<16xi32>], vector<16xf32>,
    %add3A_200 = arith.addf %add3A_193, %gather3A_199 : vector<16xf32>
    %swap3A_201 = arith.constant 0 : index
    %swap3A_202 = tpu.vector_load %arg24[%swap3A_201] {strides = array<i32>} : memref<128xf32, #tpu.memory_space<vmem>>, vector<16xf32>,
    tpu.vector_store %arg24[%swap3A_201], %add3A_200 {strides = array<i32>} : memref<128xf32, #tpu.memory_space<vmem>>, vector<16xf32>,
    %xor3A_203 = arith.constant 2 : i32
    %xor3A_204 = vector.broadcast %xor3A_203 : i32 to vector<16xi32>
    %xor3A_205 = arith.xori %iota3A, %xor3A_204 : vector<16xi32>
    %gather3A_206 = tpu.vector_load_idx %arg24[%xor3A_205] : memref<128xf32, #tpu.memory_space<vmem>>[vector<16xi32>], vector<16xf32>,
    %add3A_207 = arith.addf %add3A_200, %gather3A_206 : vector<16xf32>
    %swap3A_208 = arith.constant 0 : index
    %swap3A_209 = tpu.vector_load %arg24[%swap3A_208] {strides = array<i32>} : memref<128xf32, #tpu.memory_space<vmem>>, vector<16xf32>,
    tpu.vector_store %arg24[%swap3A_208], %add3A_207 {strides = array<i32>} : memref<128xf32, #tpu.memory_space<vmem>>, vector<16xf32>,
    %xor3A_210 = arith.constant 1 : i32
    %xor3A_211 = vector.broadcast %xor3A_210 : i32 to vector<16xi32>
    %xor3A_212 = arith.xori %iota3A, %xor3A_211 : vector<16xi32>
    %gather3A_213 = tpu.vector_load_idx %arg24[%xor3A_212] : memref<128xf32, #tpu.memory_space<vmem>>[vector<16xi32>], vector<16xf32>,
    %add3A_214 = arith.addf %add3A_207, %gather3A_213 : vector<16xf32>
    %select_n3A_215 = arith.select %eq3A_185, %add3A_214, %select_n3A_145 : vector<16xi1>, vector<16xf32>
    %eq3A_216 = arith.constant 2 : i32
    %eq3A_217 = vector.broadcast %eq3A_216 : i32 to vector<16xi32>
    %eq3A_218 = arith.cmpi eq, %iota3A, %eq3A_217 : vector<16xi32>
    %mul3A_219 = arith.mulf %get3A_182, %get3A_23 : vector<16xf32>
    %swap3A_220 = arith.constant 0 : index
    %swap3A_221 = tpu.vector_load %arg24[%swap3A_220] {strides = array<i32>} : memref<128xf32, #tpu.memory_space<vmem>>, vector<16xf32>,
    tpu.vector_store %arg24[%swap3A_220], %mul3A_219 {strides = array<i32>} : memref<128xf32, #tpu.memory_space<vmem>>, vector<16xf32>,
    %xor3A_222 = arith.constant 8 : i32
    %xor3A_223 = vector.broadcast %xor3A_222 : i32 to vector<16xi32>
    %xor3A_224 = arith.xori %iota3A, %xor3A_223 : vector<16xi32>
    %gather3A_225 = tpu.vector_load_idx %arg24[%xor3A_224] : memref<128xf32, #tpu.memory_space<vmem>>[vector<16xi32>], vector<16xf32>,
    %add3A_226 = arith.addf %mul3A_219, %gather3A_225 : vector<16xf32>
    %swap3A_227 = arith.constant 0 : index
    %swap3A_228 = tpu.vector_load %arg24[%swap3A_227] {strides = array<i32>} : memref<128xf32, #tpu.memory_space<vmem>>, vector<16xf32>,
    tpu.vector_store %arg24[%swap3A_227], %add3A_226 {strides = array<i32>} : memref<128xf32, #tpu.memory_space<vmem>>, vector<16xf32>,
    %xor3A_229 = arith.constant 4 : i32
    %xor3A_230 = vector.broadcast %xor3A_229 : i32 to vector<16xi32>
    %xor3A_231 = arith.xori %iota3A, %xor3A_230 : vector<16xi32>
    %gather3A_232 = tpu.vector_load_idx %arg24[%xor3A_231] : memref<128xf32, #tpu.memory_space<vmem>>[vector<16xi32>], vector<16xf32>,
    %add3A_233 = arith.addf %add3A_226, %gather3A_232 : vector<16xf32>
    %swap3A_234 = arith.constant 0 : index
    %swap3A_235 = tpu.vector_load %arg24[%swap3A_234] {strides = array<i32>} : memref<128xf32, #tpu.memory_space<vmem>>, vector<16xf32>,
    tpu.vector_store %arg24[%swap3A_234], %add3A_233 {strides = array<i32>} : memref<128xf32, #tpu.memory_space<vmem>>, vector<16xf32>,
    %xor3A_236 = arith.constant 2 : i32
    %xor3A_237 = vector.broadcast %xor3A_236 : i32 to vector<16xi32>
    %xor3A_238 = arith.xori %iota3A, %xor3A_237 : vector<16xi32>
    %gather3A_239 = tpu.vector_load_idx %arg24[%xor3A_238] : memref<128xf32, #tpu.memory_space<vmem>>[vector<16xi32>], vector<16xf32>,
    %add3A_240 = arith.addf %add3A_233, %gather3A_239 : vector<16xf32>
    %swap3A_241 = arith.constant 0 : index
    %swap3A_242 = tpu.vector_load %arg24[%swap3A_241] {strides = array<i32>} : memref<128xf32, #tpu.memory_space<vmem>>, vector<16xf32>,
    tpu.vector_store %arg24[%swap3A_241], %add3A_240 {strides = array<i32>} : memref<128xf32, #tpu.memory_space<vmem>>, vector<16xf32>,
    %xor3A_243 = arith.constant 1 : i32
    %xor3A_244 = vector.broadcast %xor3A_243 : i32 to vector<16xi32>
    %xor3A_245 = arith.xori %iota3A, %xor3A_244 : vector<16xi32>
    %gather3A_246 = tpu.vector_load_idx %arg24[%xor3A_245] : memref<128xf32, #tpu.memory_space<vmem>>[vector<16xi32>], vector<16xf32>,
    %add3A_247 = arith.addf %add3A_240, %gather3A_246 : vector<16xf32>
    %select_n3A_248 = arith.select %eq3A_218, %add3A_247, %select_n3A_178 : vector<16xi1>, vector<16xf32>
    %get3A_249 = arith.constant 3 : i32
    %get3A_250 = arith.index_cast %get3A_249 : i32 to index
    %get3A_251 = arith.constant 0 : index
    %get3A_252 = tpu.vector_load %arg27[%get3A_250, %get3A_251] {strides = array<i32>} : memref<16x16xf32, #tpu.memory_space<vmem>>, vector<16xf32>,
    %eq3A_253 = arith.constant 3 : i32
    %eq3A_254 = vector.broadcast %eq3A_253 : i32 to vector<16xi32>
    %eq3A_255 = arith.cmpi eq, %iota3A, %eq3A_254 : vector<16xi32>
    %mul3A_256 = arith.mulf %get3A_252, %get3A_19 : vector<16xf32>
    %swap3A_257 = arith.constant 0 : index
    %swap3A_258 = tpu.vector_load %arg24[%swap3A_257] {strides = array<i32>} : memref<128xf32, #tpu.memory_space<vmem>>, vector<16xf32>,
    tpu.vector_store %arg24[%swap3A_257], %mul3A_256 {strides = array<i32>} : memref<128xf32, #tpu.memory_space<vmem>>, vector<16xf32>,
    %xor3A_259 = arith.constant 8 : i32
    %xor3A_260 = vector.broadcast %xor3A_259 : i32 to vector<16xi32>
    %xor3A_261 = arith.xori %iota3A, %xor3A_260 : vector<16xi32>
    %gather3A_262 = tpu.vector_load_idx %arg24[%xor3A_261] : memref<128xf32, #tpu.memory_space<vmem>>[vector<16xi32>], vector<16xf32>,
    %add3A_263 = arith.addf %mul3A_256, %gather3A_262 : vector<16xf32>
    %swap3A_264 = arith.constant 0 : index
    %swap3A_265 = tpu.vector_load %arg24[%swap3A_264] {strides = array<i32>} : memref<128xf32, #tpu.memory_space<vmem>>, vector<16xf32>,
    tpu.vector_store %arg24[%swap3A_264], %add3A_263 {strides = array<i32>} : memref<128xf32, #tpu.memory_space<vmem>>, vector<16xf32>,
    %xor3A_266 = arith.constant 4 : i32
    %xor3A_267 = vector.broadcast %xor3A_266 : i32 to vector<16xi32>
    %xor3A_268 = arith.xori %iota3A, %xor3A_267 : vector<16xi32>
    %gather3A_269 = tpu.vector_load_idx %arg24[%xor3A_268] : memref<128xf32, #tpu.memory_space<vmem>>[vector<16xi32>], vector<16xf32>,
    %add3A_270 = arith.addf %add3A_263, %gather3A_269 : vector<16xf32>
    %swap3A_271 = arith.constant 0 : index
    %swap3A_272 = tpu.vector_load %arg24[%swap3A_271] {strides = array<i32>} : memref<128xf32, #tpu.memory_space<vmem>>, vector<16xf32>,
    tpu.vector_store %arg24[%swap3A_271], %add3A_270 {strides = array<i32>} : memref<128xf32, #tpu.memory_space<vmem>>, vector<16xf32>,
    %xor3A_273 = arith.constant 2 : i32
    %xor3A_274 = vector.broadcast %xor3A_273 : i32 to vector<16xi32>
    %xor3A_275 = arith.xori %iota3A, %xor3A_274 : vector<16xi32>
    %gather3A_276 = tpu.vector_load_idx %arg24[%xor3A_275] : memref<128xf32, #tpu.memory_space<vmem>>[vector<16xi32>], vector<16xf32>,
    %add3A_277 = arith.addf %add3A_270, %gather3A_276 : vector<16xf32>
    %swap3A_278 = arith.constant 0 : index
    %swap3A_279 = tpu.vector_load %arg24[%swap3A_278] {strides = array<i32>} : memref<128xf32, #tpu.memory_space<vmem>>, vector<16xf32>,
    tpu.vector_store %arg24[%swap3A_278], %add3A_277 {strides = array<i32>} : memref<128xf32, #tpu.memory_space<vmem>>, vector<16xf32>,
    %xor3A_280 = arith.constant 1 : i32
    %xor3A_281 = vector.broadcast %xor3A_280 : i32 to vector<16xi32>
    %xor3A_282 = arith.xori %iota3A, %xor3A_281 : vector<16xi32>
    %gather3A_283 = tpu.vector_load_idx %arg24[%xor3A_282] : memref<128xf32, #tpu.memory_space<vmem>>[vector<16xi32>], vector<16xf32>,
    %add3A_284 = arith.addf %add3A_277, %gather3A_283 : vector<16xf32>
    %select_n3A_285 = arith.select %eq3A_255, %add3A_284, %select_n3A_215 : vector<16xi1>, vector<16xf32>
    %eq3A_286 = arith.constant 3 : i32
    %eq3A_287 = vector.broadcast %eq3A_286 : i32 to vector<16xi32>
    %eq3A_288 = arith.cmpi eq, %iota3A, %eq3A_287 : vector<16xi32>
    %mul3A_289 = arith.mulf %get3A_252, %get3A_23 : vector<16xf32>
    %swap3A_290 = arith.constant 0 : index
    %swap3A_291 = tpu.vector_load %arg24[%swap3A_290] {strides = array<i32>} : memref<128xf32, #tpu.memory_space<vmem>>, vector<16xf32>,
    tpu.vector_store %arg24[%swap3A_290], %mul3A_289 {strides = array<i32>} : memref<128xf32, #tpu.memory_space<vmem>>, vector<16xf32>,
    %xor3A_292 = arith.constant 8 : i32
    %xor3A_293 = vector.broadcast %xor3A_292 : i32 to vector<16xi32>
    %xor3A_294 = arith.xori %iota3A, %xor3A_293 : vector<16xi32>
    %gather3A_295 = tpu.vector_load_idx %arg24[%xor3A_294] : memref<128xf32, #tpu.memory_space<vmem>>[vector<16xi32>], vector<16xf32>,
    %add3A_296 = arith.addf %mul3A_289, %gather3A_295 : vector<16xf32>
    %swap3A_297 = arith.constant 0 : index
    %swap3A_298 = tpu.vector_load %arg24[%swap3A_297] {strides = array<i32>} : memref<128xf32, #tpu.memory_space<vmem>>, vector<16xf32>,
    tpu.vector_store %arg24[%swap3A_297], %add3A_296 {strides = array<i32>} : memref<128xf32, #tpu.memory_space<vmem>>, vector<16xf32>,
    %xor3A_299 = arith.constant 4 : i32
    %xor3A_300 = vector.broadcast %xor3A_299 : i32 to vector<16xi32>
    %xor3A_301 = arith.xori %iota3A, %xor3A_300 : vector<16xi32>
    %gather3A_302 = tpu.vector_load_idx %arg24[%xor3A_301] : memref<128xf32, #tpu.memory_space<vmem>>[vector<16xi32>], vector<16xf32>,
    %add3A_303 = arith.addf %add3A_296, %gather3A_302 : vector<16xf32>
    %swap3A_304 = arith.constant 0 : index
    %swap3A_305 = tpu.vector_load %arg24[%swap3A_304] {strides = array<i32>} : memref<128xf32, #tpu.memory_space<vmem>>, vector<16xf32>,
    tpu.vector_store %arg24[%swap3A_304], %add3A_303 {strides = array<i32>} : memref<128xf32, #tpu.memory_space<vmem>>, vector<16xf32>,
    %xor3A_306 = arith.constant 2 : i32
    %xor3A_307 = vector.broadcast %xor3A_306 : i32 to vector<16xi32>
    %xor3A_308 = arith.xori %iota3A, %xor3A_307 : vector<16xi32>
    %gather3A_309 = tpu.vector_load_idx %arg24[%xor3A_308] : memref<128xf32, #tpu.memory_space<vmem>>[vector<16xi32>], vector<16xf32>,
    %add3A_310 = arith.addf %add3A_303, %gather3A_309 : vector<16xf32>
    %swap3A_311 = arith.constant 0 : index
    %swap3A_312 = tpu.vector_load %arg24[%swap3A_311] {strides = array<i32>} : memref<128xf32, #tpu.memory_space<vmem>>, vector<16xf32>,
    tpu.vector_store %arg24[%swap3A_311], %add3A_310 {strides = array<i32>} : memref<128xf32, #tpu.memory_space<vmem>>, vector<16xf32>,
    %xor3A_313 = arith.constant 1 : i32
    %xor3A_314 = vector.broadcast %xor3A_313 : i32 to vector<16xi32>
    %xor3A_315 = arith.xori %iota3A, %xor3A_314 : vector<16xi32>
    %gather3A_316 = tpu.vector_load_idx %arg24[%xor3A_315] : memref<128xf32, #tpu.memory_space<vmem>>[vector<16xi32>], vector<16xf32>,
    %add3A_317 = arith.addf %add3A_310, %gather3A_316 : vector<16xf32>
    %select_n3A_318 = arith.select %eq3A_288, %add3A_317, %select_n3A_248 : vector<16xi1>, vector<16xf32>
    %swap3A_319 = arith.constant 0 : index
    %swap3A_320 = tpu.vector_load %arg25[%swap3A_319] {strides = array<i32>} : memref<16xf32, #tpu.memory_space<vmem>>, vector<16xf32>,
    tpu.vector_store %arg25[%swap3A_319], %select_n3A_285 {strides = array<i32>} : memref<16xf32, #tpu.memory_space<vmem>>, vector<16xf32>,
    %swap3A_321 = arith.constant 0 : index
    %swap3A_322 = tpu.vector_load %arg26[%swap3A_321] {strides = array<i32>} : memref<16xf32, #tpu.memory_space<vmem>>, vector<16xf32>,
    tpu.vector_store %arg26[%swap3A_321], %select_n3A_318 {strides = array<i32>} : memref<16xf32, #tpu.memory_space<vmem>>, vector<16xf32>,
    %broadcast_in_dim3A_323 = arith.constant 0.000000e+00 : f32
    %broadcast_in_dim3A_324 = vector.broadcast %broadcast_in_dim3A_323 : f32 to vector<16xf32>
    %scan3A_325 = arith.constant 0 : i32
    %scan3A_326 = arith.constant 256 : i32
    %scan3A_327 = arith.addi %scan3A_325, %scan3A_326 : i32
    %scan3A_328 = arith.constant 1 : i32
    %scan3A_329 = scf.for %scan3A_397 = %scan3A_325 to %scan3A_327 step %scan3A_328 iter_args(%scan3A_398 = %broadcast_in_dim3A_324) -> (vector<16xf32>)  : i32 {
      %mul3A_399 = arith.constant 16 : i32
      %mul3A_400 = arith.muli %scan3A_397, %mul3A_399 : i32
      %get3A_401 = arith.index_cast %mul3A_400 : i32 to index
      %get3A_402 = tpu.vector_load %arg8[%get3A_401] {strides = array<i32>} : memref<4096xf32, #tpu.memory_space<vmem>>, vector<16xf32>,
      %add3A_403 = arith.addf %scan3A_398, %get3A_402 : vector<16xf32>
      scf.yield %add3A_403 : vector<16xf32>
    }
    %scan3A_330 = arith.constant 256 : i32
    %swap3A_331 = arith.constant 0 : index
    %swap3A_332 = tpu.vector_load %arg24[%swap3A_331] {strides = array<i32>} : memref<128xf32, #tpu.memory_space<vmem>>, vector<16xf32>,
    tpu.vector_store %arg24[%swap3A_331], %scan3A_329 {strides = array<i32>} : memref<128xf32, #tpu.memory_space<vmem>>, vector<16xf32>,
    %xor3A_333 = arith.constant 8 : i32
    %xor3A_334 = vector.broadcast %xor3A_333 : i32 to vector<16xi32>
    %xor3A_335 = arith.xori %iota3A, %xor3A_334 : vector<16xi32>
    %gather3A_336 = tpu.vector_load_idx %arg24[%xor3A_335] : memref<128xf32, #tpu.memory_space<vmem>>[vector<16xi32>], vector<16xf32>,
    %add3A_337 = arith.addf %scan3A_329, %gather3A_336 : vector<16xf32>
    %swap3A_338 = arith.constant 0 : index
    %swap3A_339 = tpu.vector_load %arg24[%swap3A_338] {strides = array<i32>} : memref<128xf32, #tpu.memory_space<vmem>>, vector<16xf32>,
    tpu.vector_store %arg24[%swap3A_338], %add3A_337 {strides = array<i32>} : memref<128xf32, #tpu.memory_space<vmem>>, vector<16xf32>,
    %xor3A_340 = arith.constant 4 : i32
    %xor3A_341 = vector.broadcast %xor3A_340 : i32 to vector<16xi32>
    %xor3A_342 = arith.xori %iota3A, %xor3A_341 : vector<16xi32>
    %gather3A_343 = tpu.vector_load_idx %arg24[%xor3A_342] : memref<128xf32, #tpu.memory_space<vmem>>[vector<16xi32>], vector<16xf32>,
    %add3A_344 = arith.addf %add3A_337, %gather3A_343 : vector<16xf32>
    %swap3A_345 = arith.constant 0 : index
    %swap3A_346 = tpu.vector_load %arg24[%swap3A_345] {strides = array<i32>} : memref<128xf32, #tpu.memory_space<vmem>>, vector<16xf32>,
    tpu.vector_store %arg24[%swap3A_345], %add3A_344 {strides = array<i32>} : memref<128xf32, #tpu.memory_space<vmem>>, vector<16xf32>,
    %xor3A_347 = arith.constant 2 : i32
    %xor3A_348 = vector.broadcast %xor3A_347 : i32 to vector<16xi32>
    %xor3A_349 = arith.xori %iota3A, %xor3A_348 : vector<16xi32>
    %gather3A_350 = tpu.vector_load_idx %arg24[%xor3A_349] : memref<128xf32, #tpu.memory_space<vmem>>[vector<16xi32>], vector<16xf32>,
    %add3A_351 = arith.addf %add3A_344, %gather3A_350 : vector<16xf32>
    %swap3A_352 = arith.constant 0 : index
    %swap3A_353 = tpu.vector_load %arg24[%swap3A_352] {strides = array<i32>} : memref<128xf32, #tpu.memory_space<vmem>>, vector<16xf32>,
    tpu.vector_store %arg24[%swap3A_352], %add3A_351 {strides = array<i32>} : memref<128xf32, #tpu.memory_space<vmem>>, vector<16xf32>,
    %xor3A_354 = arith.constant 1 : i32
    %xor3A_355 = vector.broadcast %xor3A_354 : i32 to vector<16xi32>
    %xor3A_356 = arith.xori %iota3A, %xor3A_355 : vector<16xi32>
    %gather3A_357 = tpu.vector_load_idx %arg24[%xor3A_356] : memref<128xf32, #tpu.memory_space<vmem>>[vector<16xi32>], vector<16xf32>,
    %add3A_358 = arith.addf %add3A_351, %gather3A_357 : vector<16xf32>
    %barrier3A = arith.constant 0 : index
    tpu.barrier barrier_id(%barrier3A)
    %scan3A_359 = arith.constant 0 : i32
    %scan3A_360 = arith.constant 512 : i32
    %scan3A_361 = arith.addi %scan3A_359, %scan3A_360 : i32
    %scan3A_362 = arith.constant 1 : i32
    scf.for %scan3A_397 = %scan3A_359 to %scan3A_361 step %scan3A_362  : i32 {
      %mul3A_398 = arith.constant 16 : i32
      %mul3A_399 = arith.muli %scan3A_397, %mul3A_398 : i32
      %get3A_400 = arith.index_cast %mul3A_399 : i32 to index
      %get3A_401 = tpu.vector_load %arg9[%get3A_400] {strides = array<i32>} : memref<8192xi32, #tpu.memory_space<vmem>>, vector<16xi32>,
      %and3A = arith.constant 4095 : i32
      %and3A_402 = vector.broadcast %and3A : i32 to vector<16xi32>
      %and3A_403 = arith.andi %get3A_401, %and3A_402 : vector<16xi32>
      %shift_right_arithmetic3A = arith.constant 12 : i32
      %shift_right_arithmetic3A_404 = vector.broadcast %shift_right_arithmetic3A : i32 to vector<16xi32>
      %shift_right_arithmetic3A_405 = arith.shrsi %get3A_401, %shift_right_arithmetic3A_404 : vector<16xi32>
      %and3A_406 = arith.constant 4095 : i32
      %and3A_407 = vector.broadcast %and3A_406 : i32 to vector<16xi32>
      %and3A_408 = arith.andi %shift_right_arithmetic3A_405, %and3A_407 : vector<16xi32>
      %shift_right_arithmetic3A_409 = arith.constant 24 : i32
      %shift_right_arithmetic3A_410 = vector.broadcast %shift_right_arithmetic3A_409 : i32 to vector<16xi32>
      %shift_right_arithmetic3A_411 = arith.shrsi %get3A_401, %shift_right_arithmetic3A_410 : vector<16xi32>
      %and3A_412 = arith.constant 3 : i32
      %and3A_413 = vector.broadcast %and3A_412 : i32 to vector<16xi32>
      %and3A_414 = arith.andi %shift_right_arithmetic3A_411, %and3A_413 : vector<16xi32>
      %gather3A_415 = tpu.vector_load_idx %arg8[%and3A_403] : memref<4096xf32, #tpu.memory_space<vmem>>[vector<16xi32>], vector<16xf32>,
      %gather3A_416 = tpu.vector_load_idx %arg8[%and3A_408] : memref<4096xf32, #tpu.memory_space<vmem>>[vector<16xi32>], vector<16xf32>,
      %gather3A_417 = tpu.vector_load_idx %arg25[%and3A_414] : memref<16xf32, #tpu.memory_space<vmem>>[vector<16xi32>], vector<16xf32>,
      %gather3A_418 = tpu.vector_load_idx %arg26[%and3A_414] : memref<16xf32, #tpu.memory_space<vmem>>[vector<16xi32>], vector<16xf32>,
      %mul3A_419 = arith.mulf %get3A_27, %gather3A_415 : vector<16xf32>
      %mul3A_420 = arith.mulf %get3A_31, %gather3A_416 : vector<16xf32>
      %add3A_421 = arith.addf %mul3A_419, %mul3A_420 : vector<16xf32>
      %add3A_422 = arith.addf %add3A_421, %gather3A_417 : vector<16xf32>
      %swap3A_423 = arith.index_cast %mul3A_399 : i32 to index
      %swap3A_424 = tpu.vector_load %arg12[%swap3A_423] {strides = array<i32>} : memref<8192xf32, #tpu.memory_space<vmem>>, vector<16xf32>,
      tpu.vector_store %arg12[%swap3A_423], %add3A_422 {strides = array<i32>} : memref<8192xf32, #tpu.memory_space<vmem>>, vector<16xf32>,
      %mul3A_425 = arith.mulf %get3A_35, %gather3A_415 : vector<16xf32>
      %mul3A_426 = arith.mulf %get3A_39, %gather3A_416 : vector<16xf32>
      %add3A_427 = arith.addf %mul3A_425, %mul3A_426 : vector<16xf32>
      %add3A_428 = arith.addf %add3A_427, %gather3A_418 : vector<16xf32>
      %swap3A_429 = arith.index_cast %mul3A_399 : i32 to index
      %swap3A_430 = tpu.vector_load %arg13[%swap3A_429] {strides = array<i32>} : memref<8192xf32, #tpu.memory_space<vmem>>, vector<16xf32>,
      tpu.vector_store %arg13[%swap3A_429], %add3A_428 {strides = array<i32>} : memref<8192xf32, #tpu.memory_space<vmem>>, vector<16xf32>,
    }
    %scan3A_363 = arith.constant 512 : i32
    %scan3A_364 = arith.constant 0 : i32
    %scan3A_365 = arith.constant 4 : i32
    %scan3A_366 = arith.addi %scan3A_364, %scan3A_365 : i32
    %scan3A_367 = arith.constant 1 : i32
    scf.for %scan3A_397 = %scan3A_364 to %scan3A_366 step %scan3A_367  : i32 {
      %mul3A_398 = arith.constant 16 : i32
      %mul3A_399 = arith.muli %scan3A_397, %mul3A_398 : i32
      %add3A_400 = arith.constant 0 : i32
      %add3A_401 = arith.addi %mul3A_399, %add3A_400 : i32
      %mul3A_402 = arith.constant 128 : i32
      %mul3A_403 = arith.muli %add3A_401, %mul3A_402 : i32
      %dma_start3A = tpu.memref_slice %arg12[%mul3A_403] : memref<8192xf32, #tpu.memory_space<vmem>> -> memref<128xf32, #tpu.memory_space<vmem>>
      %dma_start3A_404 = arith.constant 0 : i32
      %dma_start3A_405 = tpu.memref_slice %arg10[%add3A_401, %dma_start3A_404] : memref<64x128xi32, #tpu.memory_space<vmem>> -> memref<1x128xi32, #tpu.memory_space<vmem>>
      %dma_start3A_406 = tpu.memref_squeeze %dma_start3A_405 : memref<1x128xi32, #tpu.memory_space<vmem>> -> memref<128xi32, #tpu.memory_space<vmem>>
      %dma_start3A_407 = arith.constant 0 : i32
      %dma_start3A_408 = tpu.memref_slice %arg28[%dma_start3A_407] : memref<131072xf32, #tpu.memory_space<vmem_shared>> -> memref<131072xf32, #tpu.memory_space<vmem_shared>>
      tpu.enqueue_indirect_dma source(%dma_start3A : memref<128xf32, #tpu.memory_space<vmem>>) target(%dma_start3A_408 : memref<131072xf32, #tpu.memory_space<vmem_shared>>) offsets(%dma_start3A_406 : memref<128xi32, #tpu.memory_space<vmem>>) semaphore(%arg34 : memref<!tpu.dma_semaphore, #tpu.memory_space<semaphore_mem>>) {add = true}
      %dma_start3A_409 = tpu.memref_slice %arg13[%mul3A_403] : memref<8192xf32, #tpu.memory_space<vmem>> -> memref<128xf32, #tpu.memory_space<vmem>>
      %dma_start3A_410 = arith.constant 0 : i32
      %dma_start3A_411 = tpu.memref_slice %arg10[%add3A_401, %dma_start3A_410] : memref<64x128xi32, #tpu.memory_space<vmem>> -> memref<1x128xi32, #tpu.memory_space<vmem>>
      %dma_start3A_412 = tpu.memref_squeeze %dma_start3A_411 : memref<1x128xi32, #tpu.memory_space<vmem>> -> memref<128xi32, #tpu.memory_space<vmem>>
      %dma_start3A_413 = arith.constant 0 : i32
      %dma_start3A_414 = tpu.memref_slice %arg29[%dma_start3A_413] : memref<131072xf32, #tpu.memory_space<vmem_shared>> -> memref<131072xf32, #tpu.memory_space<vmem_shared>>
      tpu.enqueue_indirect_dma source(%dma_start3A_409 : memref<128xf32, #tpu.memory_space<vmem>>) target(%dma_start3A_414 : memref<131072xf32, #tpu.memory_space<vmem_shared>>) offsets(%dma_start3A_412 : memref<128xi32, #tpu.memory_space<vmem>>) semaphore(%arg34 : memref<!tpu.dma_semaphore, #tpu.memory_space<semaphore_mem>>) {add = true}
      %mul3A_415 = arith.constant 16 : i32
      %mul3A_416 = arith.muli %scan3A_397, %mul3A_415 : i32
      %add3A_417 = arith.constant 1 : i32
      %add3A_418 = arith.addi %mul3A_416, %add3A_417 : i32
      %mul3A_419 = arith.constant 128 : i32
      %mul3A_420 = arith.muli %add3A_418, %mul3A_419 : i32
      %dma_start3A_421 = tpu.memref_slice %arg12[%mul3A_420] : memref<8192xf32, #tpu.memory_space<vmem>> -> memref<128xf32, #tpu.memory_space<vmem>>
      %dma_start3A_422 = arith.constant 0 : i32
      %dma_start3A_423 = tpu.memref_slice %arg10[%add3A_418, %dma_start3A_422] : memref<64x128xi32, #tpu.memory_space<vmem>> -> memref<1x128xi32, #tpu.memory_space<vmem>>
      %dma_start3A_424 = tpu.memref_squeeze %dma_start3A_423 : memref<1x128xi32, #tpu.memory_space<vmem>> -> memref<128xi32, #tpu.memory_space<vmem>>
      %dma_start3A_425 = arith.constant 0 : i32
      %dma_start3A_426 = tpu.memref_slice %arg28[%dma_start3A_425] : memref<131072xf32, #tpu.memory_space<vmem_shared>> -> memref<131072xf32, #tpu.memory_space<vmem_shared>>
      tpu.enqueue_indirect_dma source(%dma_start3A_421 : memref<128xf32, #tpu.memory_space<vmem>>) target(%dma_start3A_426 : memref<131072xf32, #tpu.memory_space<vmem_shared>>) offsets(%dma_start3A_424 : memref<128xi32, #tpu.memory_space<vmem>>) semaphore(%arg34 : memref<!tpu.dma_semaphore, #tpu.memory_space<semaphore_mem>>) {add = true}
      %dma_start3A_427 = tpu.memref_slice %arg13[%mul3A_420] : memref<8192xf32, #tpu.memory_space<vmem>> -> memref<128xf32, #tpu.memory_space<vmem>>
      %dma_start3A_428 = arith.constant 0 : i32
      %dma_start3A_429 = tpu.memref_slice %arg10[%add3A_418, %dma_start3A_428] : memref<64x128xi32, #tpu.memory_space<vmem>> -> memref<1x128xi32, #tpu.memory_space<vmem>>
      %dma_start3A_430 = tpu.memref_squeeze %dma_start3A_429 : memref<1x128xi32, #tpu.memory_space<vmem>> -> memref<128xi32, #tpu.memory_space<vmem>>
      %dma_start3A_431 = arith.constant 0 : i32
      %dma_start3A_432 = tpu.memref_slice %arg29[%dma_start3A_431] : memref<131072xf32, #tpu.memory_space<vmem_shared>> -> memref<131072xf32, #tpu.memory_space<vmem_shared>>
      tpu.enqueue_indirect_dma source(%dma_start3A_427 : memref<128xf32, #tpu.memory_space<vmem>>) target(%dma_start3A_432 : memref<131072xf32, #tpu.memory_space<vmem_shared>>) offsets(%dma_start3A_430 : memref<128xi32, #tpu.memory_space<vmem>>) semaphore(%arg34 : memref<!tpu.dma_semaphore, #tpu.memory_space<semaphore_mem>>) {add = true}
      %mul3A_433 = arith.constant 16 : i32
      %mul3A_434 = arith.muli %scan3A_397, %mul3A_433 : i32
      %add3A_435 = arith.constant 2 : i32
      %add3A_436 = arith.addi %mul3A_434, %add3A_435 : i32
      %mul3A_437 = arith.constant 128 : i32
      %mul3A_438 = arith.muli %add3A_436, %mul3A_437 : i32
      %dma_start3A_439 = tpu.memref_slice %arg12[%mul3A_438] : memref<8192xf32, #tpu.memory_space<vmem>> -> memref<128xf32, #tpu.memory_space<vmem>>
      %dma_start3A_440 = arith.constant 0 : i32
      %dma_start3A_441 = tpu.memref_slice %arg10[%add3A_436, %dma_start3A_440] : memref<64x128xi32, #tpu.memory_space<vmem>> -> memref<1x128xi32, #tpu.memory_space<vmem>>
      %dma_start3A_442 = tpu.memref_squeeze %dma_start3A_441 : memref<1x128xi32, #tpu.memory_space<vmem>> -> memref<128xi32, #tpu.memory_space<vmem>>
      %dma_start3A_443 = arith.constant 0 : i32
      %dma_start3A_444 = tpu.memref_slice %arg28[%dma_start3A_443] : memref<131072xf32, #tpu.memory_space<vmem_shared>> -> memref<131072xf32, #tpu.memory_space<vmem_shared>>
      tpu.enqueue_indirect_dma source(%dma_start3A_439 : memref<128xf32, #tpu.memory_space<vmem>>) target(%dma_start3A_444 : memref<131072xf32, #tpu.memory_space<vmem_shared>>) offsets(%dma_start3A_442 : memref<128xi32, #tpu.memory_space<vmem>>) semaphore(%arg34 : memref<!tpu.dma_semaphore, #tpu.memory_space<semaphore_mem>>) {add = true}
      %dma_start3A_445 = tpu.memref_slice %arg13[%mul3A_438] : memref<8192xf32, #tpu.memory_space<vmem>> -> memref<128xf32, #tpu.memory_space<vmem>>
      %dma_start3A_446 = arith.constant 0 : i32
      %dma_start3A_447 = tpu.memref_slice %arg10[%add3A_436, %dma_start3A_446] : memref<64x128xi32, #tpu.memory_space<vmem>> -> memref<1x128xi32, #tpu.memory_space<vmem>>
      %dma_start3A_448 = tpu.memref_squeeze %dma_start3A_447 : memref<1x128xi32, #tpu.memory_space<vmem>> -> memref<128xi32, #tpu.memory_space<vmem>>
      %dma_start3A_449 = arith.constant 0 : i32
      %dma_start3A_450 = tpu.memref_slice %arg29[%dma_start3A_449] : memref<131072xf32, #tpu.memory_space<vmem_shared>> -> memref<131072xf32, #tpu.memory_space<vmem_shared>>
      tpu.enqueue_indirect_dma source(%dma_start3A_445 : memref<128xf32, #tpu.memory_space<vmem>>) target(%dma_start3A_450 : memref<131072xf32, #tpu.memory_space<vmem_shared>>) offsets(%dma_start3A_448 : memref<128xi32, #tpu.memory_space<vmem>>) semaphore(%arg34 : memref<!tpu.dma_semaphore, #tpu.memory_space<semaphore_mem>>) {add = true}
      %mul3A_451 = arith.constant 16 : i32
      %mul3A_452 = arith.muli %scan3A_397, %mul3A_451 : i32
      %add3A_453 = arith.constant 3 : i32
      %add3A_454 = arith.addi %mul3A_452, %add3A_453 : i32
      %mul3A_455 = arith.constant 128 : i32
      %mul3A_456 = arith.muli %add3A_454, %mul3A_455 : i32
      %dma_start3A_457 = tpu.memref_slice %arg12[%mul3A_456] : memref<8192xf32, #tpu.memory_space<vmem>> -> memref<128xf32, #tpu.memory_space<vmem>>
      %dma_start3A_458 = arith.constant 0 : i32
      %dma_start3A_459 = tpu.memref_slice %arg10[%add3A_454, %dma_start3A_458] : memref<64x128xi32, #tpu.memory_space<vmem>> -> memref<1x128xi32, #tpu.memory_space<vmem>>
      %dma_start3A_460 = tpu.memref_squeeze %dma_start3A_459 : memref<1x128xi32, #tpu.memory_space<vmem>> -> memref<128xi32, #tpu.memory_space<vmem>>
      %dma_start3A_461 = arith.constant 0 : i32
      %dma_start3A_462 = tpu.memref_slice %arg28[%dma_start3A_461] : memref<131072xf32, #tpu.memory_space<vmem_shared>> -> memref<131072xf32, #tpu.memory_space<vmem_shared>>
      tpu.enqueue_indirect_dma source(%dma_start3A_457 : memref<128xf32, #tpu.memory_space<vmem>>) target(%dma_start3A_462 : memref<131072xf32, #tpu.memory_space<vmem_shared>>) offsets(%dma_start3A_460 : memref<128xi32, #tpu.memory_space<vmem>>) semaphore(%arg34 : memref<!tpu.dma_semaphore, #tpu.memory_space<semaphore_mem>>) {add = true}
      %dma_start3A_463 = tpu.memref_slice %arg13[%mul3A_456] : memref<8192xf32, #tpu.memory_space<vmem>> -> memref<128xf32, #tpu.memory_space<vmem>>
      %dma_start3A_464 = arith.constant 0 : i32
      %dma_start3A_465 = tpu.memref_slice %arg10[%add3A_454, %dma_start3A_464] : memref<64x128xi32, #tpu.memory_space<vmem>> -> memref<1x128xi32, #tpu.memory_space<vmem>>
      %dma_start3A_466 = tpu.memref_squeeze %dma_start3A_465 : memref<1x128xi32, #tpu.memory_space<vmem>> -> memref<128xi32, #tpu.memory_space<vmem>>
      %dma_start3A_467 = arith.constant 0 : i32
      %dma_start3A_468 = tpu.memref_slice %arg29[%dma_start3A_467] : memref<131072xf32, #tpu.memory_space<vmem_shared>> -> memref<131072xf32, #tpu.memory_space<vmem_shared>>
      tpu.enqueue_indirect_dma source(%dma_start3A_463 : memref<128xf32, #tpu.memory_space<vmem>>) target(%dma_start3A_468 : memref<131072xf32, #tpu.memory_space<vmem_shared>>) offsets(%dma_start3A_466 : memref<128xi32, #tpu.memory_space<vmem>>) semaphore(%arg34 : memref<!tpu.dma_semaphore, #tpu.memory_space<semaphore_mem>>) {add = true}
      %mul3A_469 = arith.constant 16 : i32
      %mul3A_470 = arith.muli %scan3A_397, %mul3A_469 : i32
      %add3A_471 = arith.constant 4 : i32
      %add3A_472 = arith.addi %mul3A_470, %add3A_471 : i32
      %mul3A_473 = arith.constant 128 : i32
      %mul3A_474 = arith.muli %add3A_472, %mul3A_473 : i32
      %dma_start3A_475 = tpu.memref_slice %arg12[%mul3A_474] : memref<8192xf32, #tpu.memory_space<vmem>> -> memref<128xf32, #tpu.memory_space<vmem>>
      %dma_start3A_476 = arith.constant 0 : i32
      %dma_start3A_477 = tpu.memref_slice %arg10[%add3A_472, %dma_start3A_476] : memref<64x128xi32, #tpu.memory_space<vmem>> -> memref<1x128xi32, #tpu.memory_space<vmem>>
      %dma_start3A_478 = tpu.memref_squeeze %dma_start3A_477 : memref<1x128xi32, #tpu.memory_space<vmem>> -> memref<128xi32, #tpu.memory_space<vmem>>
      %dma_start3A_479 = arith.constant 0 : i32
      %dma_start3A_480 = tpu.memref_slice %arg28[%dma_start3A_479] : memref<131072xf32, #tpu.memory_space<vmem_shared>> -> memref<131072xf32, #tpu.memory_space<vmem_shared>>
      tpu.enqueue_indirect_dma source(%dma_start3A_475 : memref<128xf32, #tpu.memory_space<vmem>>) target(%dma_start3A_480 : memref<131072xf32, #tpu.memory_space<vmem_shared>>) offsets(%dma_start3A_478 : memref<128xi32, #tpu.memory_space<vmem>>) semaphore(%arg34 : memref<!tpu.dma_semaphore, #tpu.memory_space<semaphore_mem>>) {add = true}
      %dma_start3A_481 = tpu.memref_slice %arg13[%mul3A_474] : memref<8192xf32, #tpu.memory_space<vmem>> -> memref<128xf32, #tpu.memory_space<vmem>>
      %dma_start3A_482 = arith.constant 0 : i32
      %dma_start3A_483 = tpu.memref_slice %arg10[%add3A_472, %dma_start3A_482] : memref<64x128xi32, #tpu.memory_space<vmem>> -> memref<1x128xi32, #tpu.memory_space<vmem>>
      %dma_start3A_484 = tpu.memref_squeeze %dma_start3A_483 : memref<1x128xi32, #tpu.memory_space<vmem>> -> memref<128xi32, #tpu.memory_space<vmem>>
      %dma_start3A_485 = arith.constant 0 : i32
      %dma_start3A_486 = tpu.memref_slice %arg29[%dma_start3A_485] : memref<131072xf32, #tpu.memory_space<vmem_shared>> -> memref<131072xf32, #tpu.memory_space<vmem_shared>>
      tpu.enqueue_indirect_dma source(%dma_start3A_481 : memref<128xf32, #tpu.memory_space<vmem>>) target(%dma_start3A_486 : memref<131072xf32, #tpu.memory_space<vmem_shared>>) offsets(%dma_start3A_484 : memref<128xi32, #tpu.memory_space<vmem>>) semaphore(%arg34 : memref<!tpu.dma_semaphore, #tpu.memory_space<semaphore_mem>>) {add = true}
      %mul3A_487 = arith.constant 16 : i32
      %mul3A_488 = arith.muli %scan3A_397, %mul3A_487 : i32
      %add3A_489 = arith.constant 5 : i32
      %add3A_490 = arith.addi %mul3A_488, %add3A_489 : i32
      %mul3A_491 = arith.constant 128 : i32
      %mul3A_492 = arith.muli %add3A_490, %mul3A_491 : i32
      %dma_start3A_493 = tpu.memref_slice %arg12[%mul3A_492] : memref<8192xf32, #tpu.memory_space<vmem>> -> memref<128xf32, #tpu.memory_space<vmem>>
      %dma_start3A_494 = arith.constant 0 : i32
      %dma_start3A_495 = tpu.memref_slice %arg10[%add3A_490, %dma_start3A_494] : memref<64x128xi32, #tpu.memory_space<vmem>> -> memref<1x128xi32, #tpu.memory_space<vmem>>
      %dma_start3A_496 = tpu.memref_squeeze %dma_start3A_495 : memref<1x128xi32, #tpu.memory_space<vmem>> -> memref<128xi32, #tpu.memory_space<vmem>>
      %dma_start3A_497 = arith.constant 0 : i32
      %dma_start3A_498 = tpu.memref_slice %arg28[%dma_start3A_497] : memref<131072xf32, #tpu.memory_space<vmem_shared>> -> memref<131072xf32, #tpu.memory_space<vmem_shared>>
      tpu.enqueue_indirect_dma source(%dma_start3A_493 : memref<128xf32, #tpu.memory_space<vmem>>) target(%dma_start3A_498 : memref<131072xf32, #tpu.memory_space<vmem_shared>>) offsets(%dma_start3A_496 : memref<128xi32, #tpu.memory_space<vmem>>) semaphore(%arg34 : memref<!tpu.dma_semaphore, #tpu.memory_space<semaphore_mem>>) {add = true}
      %dma_start3A_499 = tpu.memref_slice %arg13[%mul3A_492] : memref<8192xf32, #tpu.memory_space<vmem>> -> memref<128xf32, #tpu.memory_space<vmem>>
      %dma_start3A_500 = arith.constant 0 : i32
      %dma_start3A_501 = tpu.memref_slice %arg10[%add3A_490, %dma_start3A_500] : memref<64x128xi32, #tpu.memory_space<vmem>> -> memref<1x128xi32, #tpu.memory_space<vmem>>
      %dma_start3A_502 = tpu.memref_squeeze %dma_start3A_501 : memref<1x128xi32, #tpu.memory_space<vmem>> -> memref<128xi32, #tpu.memory_space<vmem>>
      %dma_start3A_503 = arith.constant 0 : i32
      %dma_start3A_504 = tpu.memref_slice %arg29[%dma_start3A_503] : memref<131072xf32, #tpu.memory_space<vmem_shared>> -> memref<131072xf32, #tpu.memory_space<vmem_shared>>
      tpu.enqueue_indirect_dma source(%dma_start3A_499 : memref<128xf32, #tpu.memory_space<vmem>>) target(%dma_start3A_504 : memref<131072xf32, #tpu.memory_space<vmem_shared>>) offsets(%dma_start3A_502 : memref<128xi32, #tpu.memory_space<vmem>>) semaphore(%arg34 : memref<!tpu.dma_semaphore, #tpu.memory_space<semaphore_mem>>) {add = true}
      %mul3A_505 = arith.constant 16 : i32
      %mul3A_506 = arith.muli %scan3A_397, %mul3A_505 : i32
      %add3A_507 = arith.constant 6 : i32
      %add3A_508 = arith.addi %mul3A_506, %add3A_507 : i32
      %mul3A_509 = arith.constant 128 : i32
      %mul3A_510 = arith.muli %add3A_508, %mul3A_509 : i32
      %dma_start3A_511 = tpu.memref_slice %arg12[%mul3A_510] : memref<8192xf32, #tpu.memory_space<vmem>> -> memref<128xf32, #tpu.memory_space<vmem>>
      %dma_start3A_512 = arith.constant 0 : i32
      %dma_start3A_513 = tpu.memref_slice %arg10[%add3A_508, %dma_start3A_512] : memref<64x128xi32, #tpu.memory_space<vmem>> -> memref<1x128xi32, #tpu.memory_space<vmem>>
      %dma_start3A_514 = tpu.memref_squeeze %dma_start3A_513 : memref<1x128xi32, #tpu.memory_space<vmem>> -> memref<128xi32, #tpu.memory_space<vmem>>
      %dma_start3A_515 = arith.constant 0 : i32
      %dma_start3A_516 = tpu.memref_slice %arg28[%dma_start3A_515] : memref<131072xf32, #tpu.memory_space<vmem_shared>> -> memref<131072xf32, #tpu.memory_space<vmem_shared>>
      tpu.enqueue_indirect_dma source(%dma_start3A_511 : memref<128xf32, #tpu.memory_space<vmem>>) target(%dma_start3A_516 : memref<131072xf32, #tpu.memory_space<vmem_shared>>) offsets(%dma_start3A_514 : memref<128xi32, #tpu.memory_space<vmem>>) semaphore(%arg34 : memref<!tpu.dma_semaphore, #tpu.memory_space<semaphore_mem>>) {add = true}
      %dma_start3A_517 = tpu.memref_slice %arg13[%mul3A_510] : memref<8192xf32, #tpu.memory_space<vmem>> -> memref<128xf32, #tpu.memory_space<vmem>>
      %dma_start3A_518 = arith.constant 0 : i32
      %dma_start3A_519 = tpu.memref_slice %arg10[%add3A_508, %dma_start3A_518] : memref<64x128xi32, #tpu.memory_space<vmem>> -> memref<1x128xi32, #tpu.memory_space<vmem>>
      %dma_start3A_520 = tpu.memref_squeeze %dma_start3A_519 : memref<1x128xi32, #tpu.memory_space<vmem>> -> memref<128xi32, #tpu.memory_space<vmem>>
      %dma_start3A_521 = arith.constant 0 : i32
      %dma_start3A_522 = tpu.memref_slice %arg29[%dma_start3A_521] : memref<131072xf32, #tpu.memory_space<vmem_shared>> -> memref<131072xf32, #tpu.memory_space<vmem_shared>>
      tpu.enqueue_indirect_dma source(%dma_start3A_517 : memref<128xf32, #tpu.memory_space<vmem>>) target(%dma_start3A_522 : memref<131072xf32, #tpu.memory_space<vmem_shared>>) offsets(%dma_start3A_520 : memref<128xi32, #tpu.memory_space<vmem>>) semaphore(%arg34 : memref<!tpu.dma_semaphore, #tpu.memory_space<semaphore_mem>>) {add = true}
      %mul3A_523 = arith.constant 16 : i32
      %mul3A_524 = arith.muli %scan3A_397, %mul3A_523 : i32
      %add3A_525 = arith.constant 7 : i32
      %add3A_526 = arith.addi %mul3A_524, %add3A_525 : i32
      %mul3A_527 = arith.constant 128 : i32
      %mul3A_528 = arith.muli %add3A_526, %mul3A_527 : i32
      %dma_start3A_529 = tpu.memref_slice %arg12[%mul3A_528] : memref<8192xf32, #tpu.memory_space<vmem>> -> memref<128xf32, #tpu.memory_space<vmem>>
      %dma_start3A_530 = arith.constant 0 : i32
      %dma_start3A_531 = tpu.memref_slice %arg10[%add3A_526, %dma_start3A_530] : memref<64x128xi32, #tpu.memory_space<vmem>> -> memref<1x128xi32, #tpu.memory_space<vmem>>
      %dma_start3A_532 = tpu.memref_squeeze %dma_start3A_531 : memref<1x128xi32, #tpu.memory_space<vmem>> -> memref<128xi32, #tpu.memory_space<vmem>>
      %dma_start3A_533 = arith.constant 0 : i32
      %dma_start3A_534 = tpu.memref_slice %arg28[%dma_start3A_533] : memref<131072xf32, #tpu.memory_space<vmem_shared>> -> memref<131072xf32, #tpu.memory_space<vmem_shared>>
      tpu.enqueue_indirect_dma source(%dma_start3A_529 : memref<128xf32, #tpu.memory_space<vmem>>) target(%dma_start3A_534 : memref<131072xf32, #tpu.memory_space<vmem_shared>>) offsets(%dma_start3A_532 : memref<128xi32, #tpu.memory_space<vmem>>) semaphore(%arg34 : memref<!tpu.dma_semaphore, #tpu.memory_space<semaphore_mem>>) {add = true}
      %dma_start3A_535 = tpu.memref_slice %arg13[%mul3A_528] : memref<8192xf32, #tpu.memory_space<vmem>> -> memref<128xf32, #tpu.memory_space<vmem>>
      %dma_start3A_536 = arith.constant 0 : i32
      %dma_start3A_537 = tpu.memref_slice %arg10[%add3A_526, %dma_start3A_536] : memref<64x128xi32, #tpu.memory_space<vmem>> -> memref<1x128xi32, #tpu.memory_space<vmem>>
      %dma_start3A_538 = tpu.memref_squeeze %dma_start3A_537 : memref<1x128xi32, #tpu.memory_space<vmem>> -> memref<128xi32, #tpu.memory_space<vmem>>
      %dma_start3A_539 = arith.constant 0 : i32
      %dma_start3A_540 = tpu.memref_slice %arg29[%dma_start3A_539] : memref<131072xf32, #tpu.memory_space<vmem_shared>> -> memref<131072xf32, #tpu.memory_space<vmem_shared>>
      tpu.enqueue_indirect_dma source(%dma_start3A_535 : memref<128xf32, #tpu.memory_space<vmem>>) target(%dma_start3A_540 : memref<131072xf32, #tpu.memory_space<vmem_shared>>) offsets(%dma_start3A_538 : memref<128xi32, #tpu.memory_space<vmem>>) semaphore(%arg34 : memref<!tpu.dma_semaphore, #tpu.memory_space<semaphore_mem>>) {add = true}
      %mul3A_541 = arith.constant 16 : i32
      %mul3A_542 = arith.muli %scan3A_397, %mul3A_541 : i32
      %add3A_543 = arith.constant 8 : i32
      %add3A_544 = arith.addi %mul3A_542, %add3A_543 : i32
      %mul3A_545 = arith.constant 128 : i32
      %mul3A_546 = arith.muli %add3A_544, %mul3A_545 : i32
      %dma_start3A_547 = tpu.memref_slice %arg12[%mul3A_546] : memref<8192xf32, #tpu.memory_space<vmem>> -> memref<128xf32, #tpu.memory_space<vmem>>
      %dma_start3A_548 = arith.constant 0 : i32
      %dma_start3A_549 = tpu.memref_slice %arg10[%add3A_544, %dma_start3A_548] : memref<64x128xi32, #tpu.memory_space<vmem>> -> memref<1x128xi32, #tpu.memory_space<vmem>>
      %dma_start3A_550 = tpu.memref_squeeze %dma_start3A_549 : memref<1x128xi32, #tpu.memory_space<vmem>> -> memref<128xi32, #tpu.memory_space<vmem>>
      %dma_start3A_551 = arith.constant 0 : i32
      %dma_start3A_552 = tpu.memref_slice %arg28[%dma_start3A_551] : memref<131072xf32, #tpu.memory_space<vmem_shared>> -> memref<131072xf32, #tpu.memory_space<vmem_shared>>
      tpu.enqueue_indirect_dma source(%dma_start3A_547 : memref<128xf32, #tpu.memory_space<vmem>>) target(%dma_start3A_552 : memref<131072xf32, #tpu.memory_space<vmem_shared>>) offsets(%dma_start3A_550 : memref<128xi32, #tpu.memory_space<vmem>>) semaphore(%arg34 : memref<!tpu.dma_semaphore, #tpu.memory_space<semaphore_mem>>) {add = true}
      %dma_start3A_553 = tpu.memref_slice %arg13[%mul3A_546] : memref<8192xf32, #tpu.memory_space<vmem>> -> memref<128xf32, #tpu.memory_space<vmem>>
      %dma_start3A_554 = arith.constant 0 : i32
      %dma_start3A_555 = tpu.memref_slice %arg10[%add3A_544, %dma_start3A_554] : memref<64x128xi32, #tpu.memory_space<vmem>> -> memref<1x128xi32, #tpu.memory_space<vmem>>
      %dma_start3A_556 = tpu.memref_squeeze %dma_start3A_555 : memref<1x128xi32, #tpu.memory_space<vmem>> -> memref<128xi32, #tpu.memory_space<vmem>>
      %dma_start3A_557 = arith.constant 0 : i32
      %dma_start3A_558 = tpu.memref_slice %arg29[%dma_start3A_557] : memref<131072xf32, #tpu.memory_space<vmem_shared>> -> memref<131072xf32, #tpu.memory_space<vmem_shared>>
      tpu.enqueue_indirect_dma source(%dma_start3A_553 : memref<128xf32, #tpu.memory_space<vmem>>) target(%dma_start3A_558 : memref<131072xf32, #tpu.memory_space<vmem_shared>>) offsets(%dma_start3A_556 : memref<128xi32, #tpu.memory_space<vmem>>) semaphore(%arg34 : memref<!tpu.dma_semaphore, #tpu.memory_space<semaphore_mem>>) {add = true}
      %mul3A_559 = arith.constant 16 : i32
      %mul3A_560 = arith.muli %scan3A_397, %mul3A_559 : i32
      %add3A_561 = arith.constant 9 : i32
      %add3A_562 = arith.addi %mul3A_560, %add3A_561 : i32
      %mul3A_563 = arith.constant 128 : i32
      %mul3A_564 = arith.muli %add3A_562, %mul3A_563 : i32
      %dma_start3A_565 = tpu.memref_slice %arg12[%mul3A_564] : memref<8192xf32, #tpu.memory_space<vmem>> -> memref<128xf32, #tpu.memory_space<vmem>>
      %dma_start3A_566 = arith.constant 0 : i32
      %dma_start3A_567 = tpu.memref_slice %arg10[%add3A_562, %dma_start3A_566] : memref<64x128xi32, #tpu.memory_space<vmem>> -> memref<1x128xi32, #tpu.memory_space<vmem>>
      %dma_start3A_568 = tpu.memref_squeeze %dma_start3A_567 : memref<1x128xi32, #tpu.memory_space<vmem>> -> memref<128xi32, #tpu.memory_space<vmem>>
      %dma_start3A_569 = arith.constant 0 : i32
      %dma_start3A_570 = tpu.memref_slice %arg28[%dma_start3A_569] : memref<131072xf32, #tpu.memory_space<vmem_shared>> -> memref<131072xf32, #tpu.memory_space<vmem_shared>>
      tpu.enqueue_indirect_dma source(%dma_start3A_565 : memref<128xf32, #tpu.memory_space<vmem>>) target(%dma_start3A_570 : memref<131072xf32, #tpu.memory_space<vmem_shared>>) offsets(%dma_start3A_568 : memref<128xi32, #tpu.memory_space<vmem>>) semaphore(%arg34 : memref<!tpu.dma_semaphore, #tpu.memory_space<semaphore_mem>>) {add = true}
      %dma_start3A_571 = tpu.memref_slice %arg13[%mul3A_564] : memref<8192xf32, #tpu.memory_space<vmem>> -> memref<128xf32, #tpu.memory_space<vmem>>
      %dma_start3A_572 = arith.constant 0 : i32
      %dma_start3A_573 = tpu.memref_slice %arg10[%add3A_562, %dma_start3A_572] : memref<64x128xi32, #tpu.memory_space<vmem>> -> memref<1x128xi32, #tpu.memory_space<vmem>>
      %dma_start3A_574 = tpu.memref_squeeze %dma_start3A_573 : memref<1x128xi32, #tpu.memory_space<vmem>> -> memref<128xi32, #tpu.memory_space<vmem>>
      %dma_start3A_575 = arith.constant 0 : i32
      %dma_start3A_576 = tpu.memref_slice %arg29[%dma_start3A_575] : memref<131072xf32, #tpu.memory_space<vmem_shared>> -> memref<131072xf32, #tpu.memory_space<vmem_shared>>
      tpu.enqueue_indirect_dma source(%dma_start3A_571 : memref<128xf32, #tpu.memory_space<vmem>>) target(%dma_start3A_576 : memref<131072xf32, #tpu.memory_space<vmem_shared>>) offsets(%dma_start3A_574 : memref<128xi32, #tpu.memory_space<vmem>>) semaphore(%arg34 : memref<!tpu.dma_semaphore, #tpu.memory_space<semaphore_mem>>) {add = true}
      %mul3A_577 = arith.constant 16 : i32
      %mul3A_578 = arith.muli %scan3A_397, %mul3A_577 : i32
      %add3A_579 = arith.constant 10 : i32
      %add3A_580 = arith.addi %mul3A_578, %add3A_579 : i32
      %mul3A_581 = arith.constant 128 : i32
      %mul3A_582 = arith.muli %add3A_580, %mul3A_581 : i32
      %dma_start3A_583 = tpu.memref_slice %arg12[%mul3A_582] : memref<8192xf32, #tpu.memory_space<vmem>> -> memref<128xf32, #tpu.memory_space<vmem>>
      %dma_start3A_584 = arith.constant 0 : i32
      %dma_start3A_585 = tpu.memref_slice %arg10[%add3A_580, %dma_start3A_584] : memref<64x128xi32, #tpu.memory_space<vmem>> -> memref<1x128xi32, #tpu.memory_space<vmem>>
      %dma_start3A_586 = tpu.memref_squeeze %dma_start3A_585 : memref<1x128xi32, #tpu.memory_space<vmem>> -> memref<128xi32, #tpu.memory_space<vmem>>
      %dma_start3A_587 = arith.constant 0 : i32
      %dma_start3A_588 = tpu.memref_slice %arg28[%dma_start3A_587] : memref<131072xf32, #tpu.memory_space<vmem_shared>> -> memref<131072xf32, #tpu.memory_space<vmem_shared>>
      tpu.enqueue_indirect_dma source(%dma_start3A_583 : memref<128xf32, #tpu.memory_space<vmem>>) target(%dma_start3A_588 : memref<131072xf32, #tpu.memory_space<vmem_shared>>) offsets(%dma_start3A_586 : memref<128xi32, #tpu.memory_space<vmem>>) semaphore(%arg34 : memref<!tpu.dma_semaphore, #tpu.memory_space<semaphore_mem>>) {add = true}
      %dma_start3A_589 = tpu.memref_slice %arg13[%mul3A_582] : memref<8192xf32, #tpu.memory_space<vmem>> -> memref<128xf32, #tpu.memory_space<vmem>>
      %dma_start3A_590 = arith.constant 0 : i32
      %dma_start3A_591 = tpu.memref_slice %arg10[%add3A_580, %dma_start3A_590] : memref<64x128xi32, #tpu.memory_space<vmem>> -> memref<1x128xi32, #tpu.memory_space<vmem>>
      %dma_start3A_592 = tpu.memref_squeeze %dma_start3A_591 : memref<1x128xi32, #tpu.memory_space<vmem>> -> memref<128xi32, #tpu.memory_space<vmem>>
      %dma_start3A_593 = arith.constant 0 : i32
      %dma_start3A_594 = tpu.memref_slice %arg29[%dma_start3A_593] : memref<131072xf32, #tpu.memory_space<vmem_shared>> -> memref<131072xf32, #tpu.memory_space<vmem_shared>>
      tpu.enqueue_indirect_dma source(%dma_start3A_589 : memref<128xf32, #tpu.memory_space<vmem>>) target(%dma_start3A_594 : memref<131072xf32, #tpu.memory_space<vmem_shared>>) offsets(%dma_start3A_592 : memref<128xi32, #tpu.memory_space<vmem>>) semaphore(%arg34 : memref<!tpu.dma_semaphore, #tpu.memory_space<semaphore_mem>>) {add = true}
      %mul3A_595 = arith.constant 16 : i32
      %mul3A_596 = arith.muli %scan3A_397, %mul3A_595 : i32
      %add3A_597 = arith.constant 11 : i32
      %add3A_598 = arith.addi %mul3A_596, %add3A_597 : i32
      %mul3A_599 = arith.constant 128 : i32
      %mul3A_600 = arith.muli %add3A_598, %mul3A_599 : i32
      %dma_start3A_601 = tpu.memref_slice %arg12[%mul3A_600] : memref<8192xf32, #tpu.memory_space<vmem>> -> memref<128xf32, #tpu.memory_space<vmem>>
      %dma_start3A_602 = arith.constant 0 : i32
      %dma_start3A_603 = tpu.memref_slice %arg10[%add3A_598, %dma_start3A_602] : memref<64x128xi32, #tpu.memory_space<vmem>> -> memref<1x128xi32, #tpu.memory_space<vmem>>
      %dma_start3A_604 = tpu.memref_squeeze %dma_start3A_603 : memref<1x128xi32, #tpu.memory_space<vmem>> -> memref<128xi32, #tpu.memory_space<vmem>>
      %dma_start3A_605 = arith.constant 0 : i32
      %dma_start3A_606 = tpu.memref_slice %arg28[%dma_start3A_605] : memref<131072xf32, #tpu.memory_space<vmem_shared>> -> memref<131072xf32, #tpu.memory_space<vmem_shared>>
      tpu.enqueue_indirect_dma source(%dma_start3A_601 : memref<128xf32, #tpu.memory_space<vmem>>) target(%dma_start3A_606 : memref<131072xf32, #tpu.memory_space<vmem_shared>>) offsets(%dma_start3A_604 : memref<128xi32, #tpu.memory_space<vmem>>) semaphore(%arg34 : memref<!tpu.dma_semaphore, #tpu.memory_space<semaphore_mem>>) {add = true}
      %dma_start3A_607 = tpu.memref_slice %arg13[%mul3A_600] : memref<8192xf32, #tpu.memory_space<vmem>> -> memref<128xf32, #tpu.memory_space<vmem>>
      %dma_start3A_608 = arith.constant 0 : i32
      %dma_start3A_609 = tpu.memref_slice %arg10[%add3A_598, %dma_start3A_608] : memref<64x128xi32, #tpu.memory_space<vmem>> -> memref<1x128xi32, #tpu.memory_space<vmem>>
      %dma_start3A_610 = tpu.memref_squeeze %dma_start3A_609 : memref<1x128xi32, #tpu.memory_space<vmem>> -> memref<128xi32, #tpu.memory_space<vmem>>
      %dma_start3A_611 = arith.constant 0 : i32
      %dma_start3A_612 = tpu.memref_slice %arg29[%dma_start3A_611] : memref<131072xf32, #tpu.memory_space<vmem_shared>> -> memref<131072xf32, #tpu.memory_space<vmem_shared>>
      tpu.enqueue_indirect_dma source(%dma_start3A_607 : memref<128xf32, #tpu.memory_space<vmem>>) target(%dma_start3A_612 : memref<131072xf32, #tpu.memory_space<vmem_shared>>) offsets(%dma_start3A_610 : memref<128xi32, #tpu.memory_space<vmem>>) semaphore(%arg34 : memref<!tpu.dma_semaphore, #tpu.memory_space<semaphore_mem>>) {add = true}
      %mul3A_613 = arith.constant 16 : i32
      %mul3A_614 = arith.muli %scan3A_397, %mul3A_613 : i32
      %add3A_615 = arith.constant 12 : i32
      %add3A_616 = arith.addi %mul3A_614, %add3A_615 : i32
      %mul3A_617 = arith.constant 128 : i32
      %mul3A_618 = arith.muli %add3A_616, %mul3A_617 : i32
      %dma_start3A_619 = tpu.memref_slice %arg12[%mul3A_618] : memref<8192xf32, #tpu.memory_space<vmem>> -> memref<128xf32, #tpu.memory_space<vmem>>
      %dma_start3A_620 = arith.constant 0 : i32
      %dma_start3A_621 = tpu.memref_slice %arg10[%add3A_616, %dma_start3A_620] : memref<64x128xi32, #tpu.memory_space<vmem>> -> memref<1x128xi32, #tpu.memory_space<vmem>>
      %dma_start3A_622 = tpu.memref_squeeze %dma_start3A_621 : memref<1x128xi32, #tpu.memory_space<vmem>> -> memref<128xi32, #tpu.memory_space<vmem>>
      %dma_start3A_623 = arith.constant 0 : i32
      %dma_start3A_624 = tpu.memref_slice %arg28[%dma_start3A_623] : memref<131072xf32, #tpu.memory_space<vmem_shared>> -> memref<131072xf32, #tpu.memory_space<vmem_shared>>
      tpu.enqueue_indirect_dma source(%dma_start3A_619 : memref<128xf32, #tpu.memory_space<vmem>>) target(%dma_start3A_624 : memref<131072xf32, #tpu.memory_space<vmem_shared>>) offsets(%dma_start3A_622 : memref<128xi32, #tpu.memory_space<vmem>>) semaphore(%arg34 : memref<!tpu.dma_semaphore, #tpu.memory_space<semaphore_mem>>) {add = true}
      %dma_start3A_625 = tpu.memref_slice %arg13[%mul3A_618] : memref<8192xf32, #tpu.memory_space<vmem>> -> memref<128xf32, #tpu.memory_space<vmem>>
      %dma_start3A_626 = arith.constant 0 : i32
      %dma_start3A_627 = tpu.memref_slice %arg10[%add3A_616, %dma_start3A_626] : memref<64x128xi32, #tpu.memory_space<vmem>> -> memref<1x128xi32, #tpu.memory_space<vmem>>
      %dma_start3A_628 = tpu.memref_squeeze %dma_start3A_627 : memref<1x128xi32, #tpu.memory_space<vmem>> -> memref<128xi32, #tpu.memory_space<vmem>>
      %dma_start3A_629 = arith.constant 0 : i32
      %dma_start3A_630 = tpu.memref_slice %arg29[%dma_start3A_629] : memref<131072xf32, #tpu.memory_space<vmem_shared>> -> memref<131072xf32, #tpu.memory_space<vmem_shared>>
      tpu.enqueue_indirect_dma source(%dma_start3A_625 : memref<128xf32, #tpu.memory_space<vmem>>) target(%dma_start3A_630 : memref<131072xf32, #tpu.memory_space<vmem_shared>>) offsets(%dma_start3A_628 : memref<128xi32, #tpu.memory_space<vmem>>) semaphore(%arg34 : memref<!tpu.dma_semaphore, #tpu.memory_space<semaphore_mem>>) {add = true}
      %mul3A_631 = arith.constant 16 : i32
      %mul3A_632 = arith.muli %scan3A_397, %mul3A_631 : i32
      %add3A_633 = arith.constant 13 : i32
      %add3A_634 = arith.addi %mul3A_632, %add3A_633 : i32
      %mul3A_635 = arith.constant 128 : i32
      %mul3A_636 = arith.muli %add3A_634, %mul3A_635 : i32
      %dma_start3A_637 = tpu.memref_slice %arg12[%mul3A_636] : memref<8192xf32, #tpu.memory_space<vmem>> -> memref<128xf32, #tpu.memory_space<vmem>>
      %dma_start3A_638 = arith.constant 0 : i32
      %dma_start3A_639 = tpu.memref_slice %arg10[%add3A_634, %dma_start3A_638] : memref<64x128xi32, #tpu.memory_space<vmem>> -> memref<1x128xi32, #tpu.memory_space<vmem>>
      %dma_start3A_640 = tpu.memref_squeeze %dma_start3A_639 : memref<1x128xi32, #tpu.memory_space<vmem>> -> memref<128xi32, #tpu.memory_space<vmem>>
      %dma_start3A_641 = arith.constant 0 : i32
      %dma_start3A_642 = tpu.memref_slice %arg28[%dma_start3A_641] : memref<131072xf32, #tpu.memory_space<vmem_shared>> -> memref<131072xf32, #tpu.memory_space<vmem_shared>>
      tpu.enqueue_indirect_dma source(%dma_start3A_637 : memref<128xf32, #tpu.memory_space<vmem>>) target(%dma_start3A_642 : memref<131072xf32, #tpu.memory_space<vmem_shared>>) offsets(%dma_start3A_640 : memref<128xi32, #tpu.memory_space<vmem>>) semaphore(%arg34 : memref<!tpu.dma_semaphore, #tpu.memory_space<semaphore_mem>>) {add = true}
      %dma_start3A_643 = tpu.memref_slice %arg13[%mul3A_636] : memref<8192xf32, #tpu.memory_space<vmem>> -> memref<128xf32, #tpu.memory_space<vmem>>
      %dma_start3A_644 = arith.constant 0 : i32
      %dma_start3A_645 = tpu.memref_slice %arg10[%add3A_634, %dma_start3A_644] : memref<64x128xi32, #tpu.memory_space<vmem>> -> memref<1x128xi32, #tpu.memory_space<vmem>>
      %dma_start3A_646 = tpu.memref_squeeze %dma_start3A_645 : memref<1x128xi32, #tpu.memory_space<vmem>> -> memref<128xi32, #tpu.memory_space<vmem>>
      %dma_start3A_647 = arith.constant 0 : i32
      %dma_start3A_648 = tpu.memref_slice %arg29[%dma_start3A_647] : memref<131072xf32, #tpu.memory_space<vmem_shared>> -> memref<131072xf32, #tpu.memory_space<vmem_shared>>
      tpu.enqueue_indirect_dma source(%dma_start3A_643 : memref<128xf32, #tpu.memory_space<vmem>>) target(%dma_start3A_648 : memref<131072xf32, #tpu.memory_space<vmem_shared>>) offsets(%dma_start3A_646 : memref<128xi32, #tpu.memory_space<vmem>>) semaphore(%arg34 : memref<!tpu.dma_semaphore, #tpu.memory_space<semaphore_mem>>) {add = true}
      %mul3A_649 = arith.constant 16 : i32
      %mul3A_650 = arith.muli %scan3A_397, %mul3A_649 : i32
      %add3A_651 = arith.constant 14 : i32
      %add3A_652 = arith.addi %mul3A_650, %add3A_651 : i32
      %mul3A_653 = arith.constant 128 : i32
      %mul3A_654 = arith.muli %add3A_652, %mul3A_653 : i32
      %dma_start3A_655 = tpu.memref_slice %arg12[%mul3A_654] : memref<8192xf32, #tpu.memory_space<vmem>> -> memref<128xf32, #tpu.memory_space<vmem>>
      %dma_start3A_656 = arith.constant 0 : i32
      %dma_start3A_657 = tpu.memref_slice %arg10[%add3A_652, %dma_start3A_656] : memref<64x128xi32, #tpu.memory_space<vmem>> -> memref<1x128xi32, #tpu.memory_space<vmem>>
      %dma_start3A_658 = tpu.memref_squeeze %dma_start3A_657 : memref<1x128xi32, #tpu.memory_space<vmem>> -> memref<128xi32, #tpu.memory_space<vmem>>
      %dma_start3A_659 = arith.constant 0 : i32
      %dma_start3A_660 = tpu.memref_slice %arg28[%dma_start3A_659] : memref<131072xf32, #tpu.memory_space<vmem_shared>> -> memref<131072xf32, #tpu.memory_space<vmem_shared>>
      tpu.enqueue_indirect_dma source(%dma_start3A_655 : memref<128xf32, #tpu.memory_space<vmem>>) target(%dma_start3A_660 : memref<131072xf32, #tpu.memory_space<vmem_shared>>) offsets(%dma_start3A_658 : memref<128xi32, #tpu.memory_space<vmem>>) semaphore(%arg34 : memref<!tpu.dma_semaphore, #tpu.memory_space<semaphore_mem>>) {add = true}
      %dma_start3A_661 = tpu.memref_slice %arg13[%mul3A_654] : memref<8192xf32, #tpu.memory_space<vmem>> -> memref<128xf32, #tpu.memory_space<vmem>>
      %dma_start3A_662 = arith.constant 0 : i32
      %dma_start3A_663 = tpu.memref_slice %arg10[%add3A_652, %dma_start3A_662] : memref<64x128xi32, #tpu.memory_space<vmem>> -> memref<1x128xi32, #tpu.memory_space<vmem>>
      %dma_start3A_664 = tpu.memref_squeeze %dma_start3A_663 : memref<1x128xi32, #tpu.memory_space<vmem>> -> memref<128xi32, #tpu.memory_space<vmem>>
      %dma_start3A_665 = arith.constant 0 : i32
      %dma_start3A_666 = tpu.memref_slice %arg29[%dma_start3A_665] : memref<131072xf32, #tpu.memory_space<vmem_shared>> -> memref<131072xf32, #tpu.memory_space<vmem_shared>>
      tpu.enqueue_indirect_dma source(%dma_start3A_661 : memref<128xf32, #tpu.memory_space<vmem>>) target(%dma_start3A_666 : memref<131072xf32, #tpu.memory_space<vmem_shared>>) offsets(%dma_start3A_664 : memref<128xi32, #tpu.memory_space<vmem>>) semaphore(%arg34 : memref<!tpu.dma_semaphore, #tpu.memory_space<semaphore_mem>>) {add = true}
      %mul3A_667 = arith.constant 16 : i32
      %mul3A_668 = arith.muli %scan3A_397, %mul3A_667 : i32
      %add3A_669 = arith.constant 15 : i32
      %add3A_670 = arith.addi %mul3A_668, %add3A_669 : i32
      %mul3A_671 = arith.constant 128 : i32
      %mul3A_672 = arith.muli %add3A_670, %mul3A_671 : i32
      %dma_start3A_673 = tpu.memref_slice %arg12[%mul3A_672] : memref<8192xf32, #tpu.memory_space<vmem>> -> memref<128xf32, #tpu.memory_space<vmem>>
      %dma_start3A_674 = arith.constant 0 : i32
      %dma_start3A_675 = tpu.memref_slice %arg10[%add3A_670, %dma_start3A_674] : memref<64x128xi32, #tpu.memory_space<vmem>> -> memref<1x128xi32, #tpu.memory_space<vmem>>
      %dma_start3A_676 = tpu.memref_squeeze %dma_start3A_675 : memref<1x128xi32, #tpu.memory_space<vmem>> -> memref<128xi32, #tpu.memory_space<vmem>>
      %dma_start3A_677 = arith.constant 0 : i32
      %dma_start3A_678 = tpu.memref_slice %arg28[%dma_start3A_677] : memref<131072xf32, #tpu.memory_space<vmem_shared>> -> memref<131072xf32, #tpu.memory_space<vmem_shared>>
      tpu.enqueue_indirect_dma source(%dma_start3A_673 : memref<128xf32, #tpu.memory_space<vmem>>) target(%dma_start3A_678 : memref<131072xf32, #tpu.memory_space<vmem_shared>>) offsets(%dma_start3A_676 : memref<128xi32, #tpu.memory_space<vmem>>) semaphore(%arg34 : memref<!tpu.dma_semaphore, #tpu.memory_space<semaphore_mem>>) {add = true}
      %dma_start3A_679 = tpu.memref_slice %arg13[%mul3A_672] : memref<8192xf32, #tpu.memory_space<vmem>> -> memref<128xf32, #tpu.memory_space<vmem>>
      %dma_start3A_680 = arith.constant 0 : i32
      %dma_start3A_681 = tpu.memref_slice %arg10[%add3A_670, %dma_start3A_680] : memref<64x128xi32, #tpu.memory_space<vmem>> -> memref<1x128xi32, #tpu.memory_space<vmem>>
      %dma_start3A_682 = tpu.memref_squeeze %dma_start3A_681 : memref<1x128xi32, #tpu.memory_space<vmem>> -> memref<128xi32, #tpu.memory_space<vmem>>
      %dma_start3A_683 = arith.constant 0 : i32
      %dma_start3A_684 = tpu.memref_slice %arg29[%dma_start3A_683] : memref<131072xf32, #tpu.memory_space<vmem_shared>> -> memref<131072xf32, #tpu.memory_space<vmem_shared>>
      tpu.enqueue_indirect_dma source(%dma_start3A_679 : memref<128xf32, #tpu.memory_space<vmem>>) target(%dma_start3A_684 : memref<131072xf32, #tpu.memory_space<vmem_shared>>) offsets(%dma_start3A_682 : memref<128xi32, #tpu.memory_space<vmem>>) semaphore(%arg34 : memref<!tpu.dma_semaphore, #tpu.memory_space<semaphore_mem>>) {add = true}
      %dma_wait3A = tpu.memref_slice %arg12[%mul3A_403] : memref<8192xf32, #tpu.memory_space<vmem>> -> memref<128xf32, #tpu.memory_space<vmem>>
      %dma_wait3A_685 = arith.constant 0 : i32
      %dma_wait3A_686 = tpu.memref_slice %arg10[%add3A_401, %dma_wait3A_685] : memref<64x128xi32, #tpu.memory_space<vmem>> -> memref<1x128xi32, #tpu.memory_space<vmem>>
      %dma_wait3A_687 = tpu.memref_squeeze %dma_wait3A_686 : memref<1x128xi32, #tpu.memory_space<vmem>> -> memref<128xi32, #tpu.memory_space<vmem>>
      %dma_wait3A_688 = arith.constant 0 : i32
      %dma_wait3A_689 = tpu.memref_slice %arg28[%dma_wait3A_688] : memref<131072xf32, #tpu.memory_space<vmem_shared>> -> memref<131072xf32, #tpu.memory_space<vmem_shared>>
      tpu.wait_indirect_dma semaphore(%arg34 : memref<!tpu.dma_semaphore, #tpu.memory_space<semaphore_mem>>) src(%dma_wait3A : memref<128xf32, #tpu.memory_space<vmem>>) dst(%dma_wait3A_689 : memref<131072xf32, #tpu.memory_space<vmem_shared>>)
      %dma_wait3A_690 = tpu.memref_slice %arg13[%mul3A_403] : memref<8192xf32, #tpu.memory_space<vmem>> -> memref<128xf32, #tpu.memory_space<vmem>>
      %dma_wait3A_691 = arith.constant 0 : i32
      %dma_wait3A_692 = tpu.memref_slice %arg10[%add3A_401, %dma_wait3A_691] : memref<64x128xi32, #tpu.memory_space<vmem>> -> memref<1x128xi32, #tpu.memory_space<vmem>>
      %dma_wait3A_693 = tpu.memref_squeeze %dma_wait3A_692 : memref<1x128xi32, #tpu.memory_space<vmem>> -> memref<128xi32, #tpu.memory_space<vmem>>
      %dma_wait3A_694 = arith.constant 0 : i32
      %dma_wait3A_695 = tpu.memref_slice %arg29[%dma_wait3A_694] : memref<131072xf32, #tpu.memory_space<vmem_shared>> -> memref<131072xf32, #tpu.memory_space<vmem_shared>>
      tpu.wait_indirect_dma semaphore(%arg34 : memref<!tpu.dma_semaphore, #tpu.memory_space<semaphore_mem>>) src(%dma_wait3A_690 : memref<128xf32, #tpu.memory_space<vmem>>) dst(%dma_wait3A_695 : memref<131072xf32, #tpu.memory_space<vmem_shared>>)
      %dma_wait3A_696 = tpu.memref_slice %arg12[%mul3A_420] : memref<8192xf32, #tpu.memory_space<vmem>> -> memref<128xf32, #tpu.memory_space<vmem>>
      %dma_wait3A_697 = arith.constant 0 : i32
      %dma_wait3A_698 = tpu.memref_slice %arg10[%add3A_418, %dma_wait3A_697] : memref<64x128xi32, #tpu.memory_space<vmem>> -> memref<1x128xi32, #tpu.memory_space<vmem>>
      %dma_wait3A_699 = tpu.memref_squeeze %dma_wait3A_698 : memref<1x128xi32, #tpu.memory_space<vmem>> -> memref<128xi32, #tpu.memory_space<vmem>>
      %dma_wait3A_700 = arith.constant 0 : i32
      %dma_wait3A_701 = tpu.memref_slice %arg28[%dma_wait3A_700] : memref<131072xf32, #tpu.memory_space<vmem_shared>> -> memref<131072xf32, #tpu.memory_space<vmem_shared>>
      tpu.wait_indirect_dma semaphore(%arg34 : memref<!tpu.dma_semaphore, #tpu.memory_space<semaphore_mem>>) src(%dma_wait3A_696 : memref<128xf32, #tpu.memory_space<vmem>>) dst(%dma_wait3A_701 : memref<131072xf32, #tpu.memory_space<vmem_shared>>)
      %dma_wait3A_702 = tpu.memref_slice %arg13[%mul3A_420] : memref<8192xf32, #tpu.memory_space<vmem>> -> memref<128xf32, #tpu.memory_space<vmem>>
      %dma_wait3A_703 = arith.constant 0 : i32
      %dma_wait3A_704 = tpu.memref_slice %arg10[%add3A_418, %dma_wait3A_703] : memref<64x128xi32, #tpu.memory_space<vmem>> -> memref<1x128xi32, #tpu.memory_space<vmem>>
      %dma_wait3A_705 = tpu.memref_squeeze %dma_wait3A_704 : memref<1x128xi32, #tpu.memory_space<vmem>> -> memref<128xi32, #tpu.memory_space<vmem>>
      %dma_wait3A_706 = arith.constant 0 : i32
      %dma_wait3A_707 = tpu.memref_slice %arg29[%dma_wait3A_706] : memref<131072xf32, #tpu.memory_space<vmem_shared>> -> memref<131072xf32, #tpu.memory_space<vmem_shared>>
      tpu.wait_indirect_dma semaphore(%arg34 : memref<!tpu.dma_semaphore, #tpu.memory_space<semaphore_mem>>) src(%dma_wait3A_702 : memref<128xf32, #tpu.memory_space<vmem>>) dst(%dma_wait3A_707 : memref<131072xf32, #tpu.memory_space<vmem_shared>>)
      %dma_wait3A_708 = tpu.memref_slice %arg12[%mul3A_438] : memref<8192xf32, #tpu.memory_space<vmem>> -> memref<128xf32, #tpu.memory_space<vmem>>
      %dma_wait3A_709 = arith.constant 0 : i32
      %dma_wait3A_710 = tpu.memref_slice %arg10[%add3A_436, %dma_wait3A_709] : memref<64x128xi32, #tpu.memory_space<vmem>> -> memref<1x128xi32, #tpu.memory_space<vmem>>
      %dma_wait3A_711 = tpu.memref_squeeze %dma_wait3A_710 : memref<1x128xi32, #tpu.memory_space<vmem>> -> memref<128xi32, #tpu.memory_space<vmem>>
      %dma_wait3A_712 = arith.constant 0 : i32
      %dma_wait3A_713 = tpu.memref_slice %arg28[%dma_wait3A_712] : memref<131072xf32, #tpu.memory_space<vmem_shared>> -> memref<131072xf32, #tpu.memory_space<vmem_shared>>
      tpu.wait_indirect_dma semaphore(%arg34 : memref<!tpu.dma_semaphore, #tpu.memory_space<semaphore_mem>>) src(%dma_wait3A_708 : memref<128xf32, #tpu.memory_space<vmem>>) dst(%dma_wait3A_713 : memref<131072xf32, #tpu.memory_space<vmem_shared>>)
      %dma_wait3A_714 = tpu.memref_slice %arg13[%mul3A_438] : memref<8192xf32, #tpu.memory_space<vmem>> -> memref<128xf32, #tpu.memory_space<vmem>>
      %dma_wait3A_715 = arith.constant 0 : i32
      %dma_wait3A_716 = tpu.memref_slice %arg10[%add3A_436, %dma_wait3A_715] : memref<64x128xi32, #tpu.memory_space<vmem>> -> memref<1x128xi32, #tpu.memory_space<vmem>>
      %dma_wait3A_717 = tpu.memref_squeeze %dma_wait3A_716 : memref<1x128xi32, #tpu.memory_space<vmem>> -> memref<128xi32, #tpu.memory_space<vmem>>
      %dma_wait3A_718 = arith.constant 0 : i32
      %dma_wait3A_719 = tpu.memref_slice %arg29[%dma_wait3A_718] : memref<131072xf32, #tpu.memory_space<vmem_shared>> -> memref<131072xf32, #tpu.memory_space<vmem_shared>>
      tpu.wait_indirect_dma semaphore(%arg34 : memref<!tpu.dma_semaphore, #tpu.memory_space<semaphore_mem>>) src(%dma_wait3A_714 : memref<128xf32, #tpu.memory_space<vmem>>) dst(%dma_wait3A_719 : memref<131072xf32, #tpu.memory_space<vmem_shared>>)
      %dma_wait3A_720 = tpu.memref_slice %arg12[%mul3A_456] : memref<8192xf32, #tpu.memory_space<vmem>> -> memref<128xf32, #tpu.memory_space<vmem>>
      %dma_wait3A_721 = arith.constant 0 : i32
      %dma_wait3A_722 = tpu.memref_slice %arg10[%add3A_454, %dma_wait3A_721] : memref<64x128xi32, #tpu.memory_space<vmem>> -> memref<1x128xi32, #tpu.memory_space<vmem>>
      %dma_wait3A_723 = tpu.memref_squeeze %dma_wait3A_722 : memref<1x128xi32, #tpu.memory_space<vmem>> -> memref<128xi32, #tpu.memory_space<vmem>>
      %dma_wait3A_724 = arith.constant 0 : i32
      %dma_wait3A_725 = tpu.memref_slice %arg28[%dma_wait3A_724] : memref<131072xf32, #tpu.memory_space<vmem_shared>> -> memref<131072xf32, #tpu.memory_space<vmem_shared>>
      tpu.wait_indirect_dma semaphore(%arg34 : memref<!tpu.dma_semaphore, #tpu.memory_space<semaphore_mem>>) src(%dma_wait3A_720 : memref<128xf32, #tpu.memory_space<vmem>>) dst(%dma_wait3A_725 : memref<131072xf32, #tpu.memory_space<vmem_shared>>)
      %dma_wait3A_726 = tpu.memref_slice %arg13[%mul3A_456] : memref<8192xf32, #tpu.memory_space<vmem>> -> memref<128xf32, #tpu.memory_space<vmem>>
      %dma_wait3A_727 = arith.constant 0 : i32
      %dma_wait3A_728 = tpu.memref_slice %arg10[%add3A_454, %dma_wait3A_727] : memref<64x128xi32, #tpu.memory_space<vmem>> -> memref<1x128xi32, #tpu.memory_space<vmem>>
      %dma_wait3A_729 = tpu.memref_squeeze %dma_wait3A_728 : memref<1x128xi32, #tpu.memory_space<vmem>> -> memref<128xi32, #tpu.memory_space<vmem>>
      %dma_wait3A_730 = arith.constant 0 : i32
      %dma_wait3A_731 = tpu.memref_slice %arg29[%dma_wait3A_730] : memref<131072xf32, #tpu.memory_space<vmem_shared>> -> memref<131072xf32, #tpu.memory_space<vmem_shared>>
      tpu.wait_indirect_dma semaphore(%arg34 : memref<!tpu.dma_semaphore, #tpu.memory_space<semaphore_mem>>) src(%dma_wait3A_726 : memref<128xf32, #tpu.memory_space<vmem>>) dst(%dma_wait3A_731 : memref<131072xf32, #tpu.memory_space<vmem_shared>>)
      %dma_wait3A_732 = tpu.memref_slice %arg12[%mul3A_474] : memref<8192xf32, #tpu.memory_space<vmem>> -> memref<128xf32, #tpu.memory_space<vmem>>
      %dma_wait3A_733 = arith.constant 0 : i32
      %dma_wait3A_734 = tpu.memref_slice %arg10[%add3A_472, %dma_wait3A_733] : memref<64x128xi32, #tpu.memory_space<vmem>> -> memref<1x128xi32, #tpu.memory_space<vmem>>
      %dma_wait3A_735 = tpu.memref_squeeze %dma_wait3A_734 : memref<1x128xi32, #tpu.memory_space<vmem>> -> memref<128xi32, #tpu.memory_space<vmem>>
      %dma_wait3A_736 = arith.constant 0 : i32
      %dma_wait3A_737 = tpu.memref_slice %arg28[%dma_wait3A_736] : memref<131072xf32, #tpu.memory_space<vmem_shared>> -> memref<131072xf32, #tpu.memory_space<vmem_shared>>
      tpu.wait_indirect_dma semaphore(%arg34 : memref<!tpu.dma_semaphore, #tpu.memory_space<semaphore_mem>>) src(%dma_wait3A_732 : memref<128xf32, #tpu.memory_space<vmem>>) dst(%dma_wait3A_737 : memref<131072xf32, #tpu.memory_space<vmem_shared>>)
      %dma_wait3A_738 = tpu.memref_slice %arg13[%mul3A_474] : memref<8192xf32, #tpu.memory_space<vmem>> -> memref<128xf32, #tpu.memory_space<vmem>>
      %dma_wait3A_739 = arith.constant 0 : i32
      %dma_wait3A_740 = tpu.memref_slice %arg10[%add3A_472, %dma_wait3A_739] : memref<64x128xi32, #tpu.memory_space<vmem>> -> memref<1x128xi32, #tpu.memory_space<vmem>>
      %dma_wait3A_741 = tpu.memref_squeeze %dma_wait3A_740 : memref<1x128xi32, #tpu.memory_space<vmem>> -> memref<128xi32, #tpu.memory_space<vmem>>
      %dma_wait3A_742 = arith.constant 0 : i32
      %dma_wait3A_743 = tpu.memref_slice %arg29[%dma_wait3A_742] : memref<131072xf32, #tpu.memory_space<vmem_shared>> -> memref<131072xf32, #tpu.memory_space<vmem_shared>>
      tpu.wait_indirect_dma semaphore(%arg34 : memref<!tpu.dma_semaphore, #tpu.memory_space<semaphore_mem>>) src(%dma_wait3A_738 : memref<128xf32, #tpu.memory_space<vmem>>) dst(%dma_wait3A_743 : memref<131072xf32, #tpu.memory_space<vmem_shared>>)
      %dma_wait3A_744 = tpu.memref_slice %arg12[%mul3A_492] : memref<8192xf32, #tpu.memory_space<vmem>> -> memref<128xf32, #tpu.memory_space<vmem>>
      %dma_wait3A_745 = arith.constant 0 : i32
      %dma_wait3A_746 = tpu.memref_slice %arg10[%add3A_490, %dma_wait3A_745] : memref<64x128xi32, #tpu.memory_space<vmem>> -> memref<1x128xi32, #tpu.memory_space<vmem>>
      %dma_wait3A_747 = tpu.memref_squeeze %dma_wait3A_746 : memref<1x128xi32, #tpu.memory_space<vmem>> -> memref<128xi32, #tpu.memory_space<vmem>>
      %dma_wait3A_748 = arith.constant 0 : i32
      %dma_wait3A_749 = tpu.memref_slice %arg28[%dma_wait3A_748] : memref<131072xf32, #tpu.memory_space<vmem_shared>> -> memref<131072xf32, #tpu.memory_space<vmem_shared>>
      tpu.wait_indirect_dma semaphore(%arg34 : memref<!tpu.dma_semaphore, #tpu.memory_space<semaphore_mem>>) src(%dma_wait3A_744 : memref<128xf32, #tpu.memory_space<vmem>>) dst(%dma_wait3A_749 : memref<131072xf32, #tpu.memory_space<vmem_shared>>)
      %dma_wait3A_750 = tpu.memref_slice %arg13[%mul3A_492] : memref<8192xf32, #tpu.memory_space<vmem>> -> memref<128xf32, #tpu.memory_space<vmem>>
      %dma_wait3A_751 = arith.constant 0 : i32
      %dma_wait3A_752 = tpu.memref_slice %arg10[%add3A_490, %dma_wait3A_751] : memref<64x128xi32, #tpu.memory_space<vmem>> -> memref<1x128xi32, #tpu.memory_space<vmem>>
      %dma_wait3A_753 = tpu.memref_squeeze %dma_wait3A_752 : memref<1x128xi32, #tpu.memory_space<vmem>> -> memref<128xi32, #tpu.memory_space<vmem>>
      %dma_wait3A_754 = arith.constant 0 : i32
      %dma_wait3A_755 = tpu.memref_slice %arg29[%dma_wait3A_754] : memref<131072xf32, #tpu.memory_space<vmem_shared>> -> memref<131072xf32, #tpu.memory_space<vmem_shared>>
      tpu.wait_indirect_dma semaphore(%arg34 : memref<!tpu.dma_semaphore, #tpu.memory_space<semaphore_mem>>) src(%dma_wait3A_750 : memref<128xf32, #tpu.memory_space<vmem>>) dst(%dma_wait3A_755 : memref<131072xf32, #tpu.memory_space<vmem_shared>>)
      %dma_wait3A_756 = tpu.memref_slice %arg12[%mul3A_510] : memref<8192xf32, #tpu.memory_space<vmem>> -> memref<128xf32, #tpu.memory_space<vmem>>
      %dma_wait3A_757 = arith.constant 0 : i32
      %dma_wait3A_758 = tpu.memref_slice %arg10[%add3A_508, %dma_wait3A_757] : memref<64x128xi32, #tpu.memory_space<vmem>> -> memref<1x128xi32, #tpu.memory_space<vmem>>
      %dma_wait3A_759 = tpu.memref_squeeze %dma_wait3A_758 : memref<1x128xi32, #tpu.memory_space<vmem>> -> memref<128xi32, #tpu.memory_space<vmem>>
      %dma_wait3A_760 = arith.constant 0 : i32
      %dma_wait3A_761 = tpu.memref_slice %arg28[%dma_wait3A_760] : memref<131072xf32, #tpu.memory_space<vmem_shared>> -> memref<131072xf32, #tpu.memory_space<vmem_shared>>
      tpu.wait_indirect_dma semaphore(%arg34 : memref<!tpu.dma_semaphore, #tpu.memory_space<semaphore_mem>>) src(%dma_wait3A_756 : memref<128xf32, #tpu.memory_space<vmem>>) dst(%dma_wait3A_761 : memref<131072xf32, #tpu.memory_space<vmem_shared>>)
      %dma_wait3A_762 = tpu.memref_slice %arg13[%mul3A_510] : memref<8192xf32, #tpu.memory_space<vmem>> -> memref<128xf32, #tpu.memory_space<vmem>>
      %dma_wait3A_763 = arith.constant 0 : i32
      %dma_wait3A_764 = tpu.memref_slice %arg10[%add3A_508, %dma_wait3A_763] : memref<64x128xi32, #tpu.memory_space<vmem>> -> memref<1x128xi32, #tpu.memory_space<vmem>>
      %dma_wait3A_765 = tpu.memref_squeeze %dma_wait3A_764 : memref<1x128xi32, #tpu.memory_space<vmem>> -> memref<128xi32, #tpu.memory_space<vmem>>
      %dma_wait3A_766 = arith.constant 0 : i32
      %dma_wait3A_767 = tpu.memref_slice %arg29[%dma_wait3A_766] : memref<131072xf32, #tpu.memory_space<vmem_shared>> -> memref<131072xf32, #tpu.memory_space<vmem_shared>>
      tpu.wait_indirect_dma semaphore(%arg34 : memref<!tpu.dma_semaphore, #tpu.memory_space<semaphore_mem>>) src(%dma_wait3A_762 : memref<128xf32, #tpu.memory_space<vmem>>) dst(%dma_wait3A_767 : memref<131072xf32, #tpu.memory_space<vmem_shared>>)
      %dma_wait3A_768 = tpu.memref_slice %arg12[%mul3A_528] : memref<8192xf32, #tpu.memory_space<vmem>> -> memref<128xf32, #tpu.memory_space<vmem>>
      %dma_wait3A_769 = arith.constant 0 : i32
      %dma_wait3A_770 = tpu.memref_slice %arg10[%add3A_526, %dma_wait3A_769] : memref<64x128xi32, #tpu.memory_space<vmem>> -> memref<1x128xi32, #tpu.memory_space<vmem>>
      %dma_wait3A_771 = tpu.memref_squeeze %dma_wait3A_770 : memref<1x128xi32, #tpu.memory_space<vmem>> -> memref<128xi32, #tpu.memory_space<vmem>>
      %dma_wait3A_772 = arith.constant 0 : i32
      %dma_wait3A_773 = tpu.memref_slice %arg28[%dma_wait3A_772] : memref<131072xf32, #tpu.memory_space<vmem_shared>> -> memref<131072xf32, #tpu.memory_space<vmem_shared>>
      tpu.wait_indirect_dma semaphore(%arg34 : memref<!tpu.dma_semaphore, #tpu.memory_space<semaphore_mem>>) src(%dma_wait3A_768 : memref<128xf32, #tpu.memory_space<vmem>>) dst(%dma_wait3A_773 : memref<131072xf32, #tpu.memory_space<vmem_shared>>)
      %dma_wait3A_774 = tpu.memref_slice %arg13[%mul3A_528] : memref<8192xf32, #tpu.memory_space<vmem>> -> memref<128xf32, #tpu.memory_space<vmem>>
      %dma_wait3A_775 = arith.constant 0 : i32
      %dma_wait3A_776 = tpu.memref_slice %arg10[%add3A_526, %dma_wait3A_775] : memref<64x128xi32, #tpu.memory_space<vmem>> -> memref<1x128xi32, #tpu.memory_space<vmem>>
      %dma_wait3A_777 = tpu.memref_squeeze %dma_wait3A_776 : memref<1x128xi32, #tpu.memory_space<vmem>> -> memref<128xi32, #tpu.memory_space<vmem>>
      %dma_wait3A_778 = arith.constant 0 : i32
      %dma_wait3A_779 = tpu.memref_slice %arg29[%dma_wait3A_778] : memref<131072xf32, #tpu.memory_space<vmem_shared>> -> memref<131072xf32, #tpu.memory_space<vmem_shared>>
      tpu.wait_indirect_dma semaphore(%arg34 : memref<!tpu.dma_semaphore, #tpu.memory_space<semaphore_mem>>) src(%dma_wait3A_774 : memref<128xf32, #tpu.memory_space<vmem>>) dst(%dma_wait3A_779 : memref<131072xf32, #tpu.memory_space<vmem_shared>>)
      %dma_wait3A_780 = tpu.memref_slice %arg12[%mul3A_546] : memref<8192xf32, #tpu.memory_space<vmem>> -> memref<128xf32, #tpu.memory_space<vmem>>
      %dma_wait3A_781 = arith.constant 0 : i32
      %dma_wait3A_782 = tpu.memref_slice %arg10[%add3A_544, %dma_wait3A_781] : memref<64x128xi32, #tpu.memory_space<vmem>> -> memref<1x128xi32, #tpu.memory_space<vmem>>
      %dma_wait3A_783 = tpu.memref_squeeze %dma_wait3A_782 : memref<1x128xi32, #tpu.memory_space<vmem>> -> memref<128xi32, #tpu.memory_space<vmem>>
      %dma_wait3A_784 = arith.constant 0 : i32
      %dma_wait3A_785 = tpu.memref_slice %arg28[%dma_wait3A_784] : memref<131072xf32, #tpu.memory_space<vmem_shared>> -> memref<131072xf32, #tpu.memory_space<vmem_shared>>
      tpu.wait_indirect_dma semaphore(%arg34 : memref<!tpu.dma_semaphore, #tpu.memory_space<semaphore_mem>>) src(%dma_wait3A_780 : memref<128xf32, #tpu.memory_space<vmem>>) dst(%dma_wait3A_785 : memref<131072xf32, #tpu.memory_space<vmem_shared>>)
      %dma_wait3A_786 = tpu.memref_slice %arg13[%mul3A_546] : memref<8192xf32, #tpu.memory_space<vmem>> -> memref<128xf32, #tpu.memory_space<vmem>>
      %dma_wait3A_787 = arith.constant 0 : i32
      %dma_wait3A_788 = tpu.memref_slice %arg10[%add3A_544, %dma_wait3A_787] : memref<64x128xi32, #tpu.memory_space<vmem>> -> memref<1x128xi32, #tpu.memory_space<vmem>>
      %dma_wait3A_789 = tpu.memref_squeeze %dma_wait3A_788 : memref<1x128xi32, #tpu.memory_space<vmem>> -> memref<128xi32, #tpu.memory_space<vmem>>
      %dma_wait3A_790 = arith.constant 0 : i32
      %dma_wait3A_791 = tpu.memref_slice %arg29[%dma_wait3A_790] : memref<131072xf32, #tpu.memory_space<vmem_shared>> -> memref<131072xf32, #tpu.memory_space<vmem_shared>>
      tpu.wait_indirect_dma semaphore(%arg34 : memref<!tpu.dma_semaphore, #tpu.memory_space<semaphore_mem>>) src(%dma_wait3A_786 : memref<128xf32, #tpu.memory_space<vmem>>) dst(%dma_wait3A_791 : memref<131072xf32, #tpu.memory_space<vmem_shared>>)
      %dma_wait3A_792 = tpu.memref_slice %arg12[%mul3A_564] : memref<8192xf32, #tpu.memory_space<vmem>> -> memref<128xf32, #tpu.memory_space<vmem>>
      %dma_wait3A_793 = arith.constant 0 : i32
      %dma_wait3A_794 = tpu.memref_slice %arg10[%add3A_562, %dma_wait3A_793] : memref<64x128xi32, #tpu.memory_space<vmem>> -> memref<1x128xi32, #tpu.memory_space<vmem>>
      %dma_wait3A_795 = tpu.memref_squeeze %dma_wait3A_794 : memref<1x128xi32, #tpu.memory_space<vmem>> -> memref<128xi32, #tpu.memory_space<vmem>>
      %dma_wait3A_796 = arith.constant 0 : i32
      %dma_wait3A_797 = tpu.memref_slice %arg28[%dma_wait3A_796] : memref<131072xf32, #tpu.memory_space<vmem_shared>> -> memref<131072xf32, #tpu.memory_space<vmem_shared>>
      tpu.wait_indirect_dma semaphore(%arg34 : memref<!tpu.dma_semaphore, #tpu.memory_space<semaphore_mem>>) src(%dma_wait3A_792 : memref<128xf32, #tpu.memory_space<vmem>>) dst(%dma_wait3A_797 : memref<131072xf32, #tpu.memory_space<vmem_shared>>)
      %dma_wait3A_798 = tpu.memref_slice %arg13[%mul3A_564] : memref<8192xf32, #tpu.memory_space<vmem>> -> memref<128xf32, #tpu.memory_space<vmem>>
      %dma_wait3A_799 = arith.constant 0 : i32
      %dma_wait3A_800 = tpu.memref_slice %arg10[%add3A_562, %dma_wait3A_799] : memref<64x128xi32, #tpu.memory_space<vmem>> -> memref<1x128xi32, #tpu.memory_space<vmem>>
      %dma_wait3A_801 = tpu.memref_squeeze %dma_wait3A_800 : memref<1x128xi32, #tpu.memory_space<vmem>> -> memref<128xi32, #tpu.memory_space<vmem>>
      %dma_wait3A_802 = arith.constant 0 : i32
      %dma_wait3A_803 = tpu.memref_slice %arg29[%dma_wait3A_802] : memref<131072xf32, #tpu.memory_space<vmem_shared>> -> memref<131072xf32, #tpu.memory_space<vmem_shared>>
      tpu.wait_indirect_dma semaphore(%arg34 : memref<!tpu.dma_semaphore, #tpu.memory_space<semaphore_mem>>) src(%dma_wait3A_798 : memref<128xf32, #tpu.memory_space<vmem>>) dst(%dma_wait3A_803 : memref<131072xf32, #tpu.memory_space<vmem_shared>>)
      %dma_wait3A_804 = tpu.memref_slice %arg12[%mul3A_582] : memref<8192xf32, #tpu.memory_space<vmem>> -> memref<128xf32, #tpu.memory_space<vmem>>
      %dma_wait3A_805 = arith.constant 0 : i32
      %dma_wait3A_806 = tpu.memref_slice %arg10[%add3A_580, %dma_wait3A_805] : memref<64x128xi32, #tpu.memory_space<vmem>> -> memref<1x128xi32, #tpu.memory_space<vmem>>
      %dma_wait3A_807 = tpu.memref_squeeze %dma_wait3A_806 : memref<1x128xi32, #tpu.memory_space<vmem>> -> memref<128xi32, #tpu.memory_space<vmem>>
      %dma_wait3A_808 = arith.constant 0 : i32
      %dma_wait3A_809 = tpu.memref_slice %arg28[%dma_wait3A_808] : memref<131072xf32, #tpu.memory_space<vmem_shared>> -> memref<131072xf32, #tpu.memory_space<vmem_shared>>
      tpu.wait_indirect_dma semaphore(%arg34 : memref<!tpu.dma_semaphore, #tpu.memory_space<semaphore_mem>>) src(%dma_wait3A_804 : memref<128xf32, #tpu.memory_space<vmem>>) dst(%dma_wait3A_809 : memref<131072xf32, #tpu.memory_space<vmem_shared>>)
      %dma_wait3A_810 = tpu.memref_slice %arg13[%mul3A_582] : memref<8192xf32, #tpu.memory_space<vmem>> -> memref<128xf32, #tpu.memory_space<vmem>>
      %dma_wait3A_811 = arith.constant 0 : i32
      %dma_wait3A_812 = tpu.memref_slice %arg10[%add3A_580, %dma_wait3A_811] : memref<64x128xi32, #tpu.memory_space<vmem>> -> memref<1x128xi32, #tpu.memory_space<vmem>>
      %dma_wait3A_813 = tpu.memref_squeeze %dma_wait3A_812 : memref<1x128xi32, #tpu.memory_space<vmem>> -> memref<128xi32, #tpu.memory_space<vmem>>
      %dma_wait3A_814 = arith.constant 0 : i32
      %dma_wait3A_815 = tpu.memref_slice %arg29[%dma_wait3A_814] : memref<131072xf32, #tpu.memory_space<vmem_shared>> -> memref<131072xf32, #tpu.memory_space<vmem_shared>>
      tpu.wait_indirect_dma semaphore(%arg34 : memref<!tpu.dma_semaphore, #tpu.memory_space<semaphore_mem>>) src(%dma_wait3A_810 : memref<128xf32, #tpu.memory_space<vmem>>) dst(%dma_wait3A_815 : memref<131072xf32, #tpu.memory_space<vmem_shared>>)
      %dma_wait3A_816 = tpu.memref_slice %arg12[%mul3A_600] : memref<8192xf32, #tpu.memory_space<vmem>> -> memref<128xf32, #tpu.memory_space<vmem>>
      %dma_wait3A_817 = arith.constant 0 : i32
      %dma_wait3A_818 = tpu.memref_slice %arg10[%add3A_598, %dma_wait3A_817] : memref<64x128xi32, #tpu.memory_space<vmem>> -> memref<1x128xi32, #tpu.memory_space<vmem>>
      %dma_wait3A_819 = tpu.memref_squeeze %dma_wait3A_818 : memref<1x128xi32, #tpu.memory_space<vmem>> -> memref<128xi32, #tpu.memory_space<vmem>>
      %dma_wait3A_820 = arith.constant 0 : i32
      %dma_wait3A_821 = tpu.memref_slice %arg28[%dma_wait3A_820] : memref<131072xf32, #tpu.memory_space<vmem_shared>> -> memref<131072xf32, #tpu.memory_space<vmem_shared>>
      tpu.wait_indirect_dma semaphore(%arg34 : memref<!tpu.dma_semaphore, #tpu.memory_space<semaphore_mem>>) src(%dma_wait3A_816 : memref<128xf32, #tpu.memory_space<vmem>>) dst(%dma_wait3A_821 : memref<131072xf32, #tpu.memory_space<vmem_shared>>)
      %dma_wait3A_822 = tpu.memref_slice %arg13[%mul3A_600] : memref<8192xf32, #tpu.memory_space<vmem>> -> memref<128xf32, #tpu.memory_space<vmem>>
      %dma_wait3A_823 = arith.constant 0 : i32
      %dma_wait3A_824 = tpu.memref_slice %arg10[%add3A_598, %dma_wait3A_823] : memref<64x128xi32, #tpu.memory_space<vmem>> -> memref<1x128xi32, #tpu.memory_space<vmem>>
      %dma_wait3A_825 = tpu.memref_squeeze %dma_wait3A_824 : memref<1x128xi32, #tpu.memory_space<vmem>> -> memref<128xi32, #tpu.memory_space<vmem>>
      %dma_wait3A_826 = arith.constant 0 : i32
      %dma_wait3A_827 = tpu.memref_slice %arg29[%dma_wait3A_826] : memref<131072xf32, #tpu.memory_space<vmem_shared>> -> memref<131072xf32, #tpu.memory_space<vmem_shared>>
      tpu.wait_indirect_dma semaphore(%arg34 : memref<!tpu.dma_semaphore, #tpu.memory_space<semaphore_mem>>) src(%dma_wait3A_822 : memref<128xf32, #tpu.memory_space<vmem>>) dst(%dma_wait3A_827 : memref<131072xf32, #tpu.memory_space<vmem_shared>>)
      %dma_wait3A_828 = tpu.memref_slice %arg12[%mul3A_618] : memref<8192xf32, #tpu.memory_space<vmem>> -> memref<128xf32, #tpu.memory_space<vmem>>
      %dma_wait3A_829 = arith.constant 0 : i32
      %dma_wait3A_830 = tpu.memref_slice %arg10[%add3A_616, %dma_wait3A_829] : memref<64x128xi32, #tpu.memory_space<vmem>> -> memref<1x128xi32, #tpu.memory_space<vmem>>
      %dma_wait3A_831 = tpu.memref_squeeze %dma_wait3A_830 : memref<1x128xi32, #tpu.memory_space<vmem>> -> memref<128xi32, #tpu.memory_space<vmem>>
      %dma_wait3A_832 = arith.constant 0 : i32
      %dma_wait3A_833 = tpu.memref_slice %arg28[%dma_wait3A_832] : memref<131072xf32, #tpu.memory_space<vmem_shared>> -> memref<131072xf32, #tpu.memory_space<vmem_shared>>
      tpu.wait_indirect_dma semaphore(%arg34 : memref<!tpu.dma_semaphore, #tpu.memory_space<semaphore_mem>>) src(%dma_wait3A_828 : memref<128xf32, #tpu.memory_space<vmem>>) dst(%dma_wait3A_833 : memref<131072xf32, #tpu.memory_space<vmem_shared>>)
      %dma_wait3A_834 = tpu.memref_slice %arg13[%mul3A_618] : memref<8192xf32, #tpu.memory_space<vmem>> -> memref<128xf32, #tpu.memory_space<vmem>>
      %dma_wait3A_835 = arith.constant 0 : i32
      %dma_wait3A_836 = tpu.memref_slice %arg10[%add3A_616, %dma_wait3A_835] : memref<64x128xi32, #tpu.memory_space<vmem>> -> memref<1x128xi32, #tpu.memory_space<vmem>>
      %dma_wait3A_837 = tpu.memref_squeeze %dma_wait3A_836 : memref<1x128xi32, #tpu.memory_space<vmem>> -> memref<128xi32, #tpu.memory_space<vmem>>
      %dma_wait3A_838 = arith.constant 0 : i32
      %dma_wait3A_839 = tpu.memref_slice %arg29[%dma_wait3A_838] : memref<131072xf32, #tpu.memory_space<vmem_shared>> -> memref<131072xf32, #tpu.memory_space<vmem_shared>>
      tpu.wait_indirect_dma semaphore(%arg34 : memref<!tpu.dma_semaphore, #tpu.memory_space<semaphore_mem>>) src(%dma_wait3A_834 : memref<128xf32, #tpu.memory_space<vmem>>) dst(%dma_wait3A_839 : memref<131072xf32, #tpu.memory_space<vmem_shared>>)
      %dma_wait3A_840 = tpu.memref_slice %arg12[%mul3A_636] : memref<8192xf32, #tpu.memory_space<vmem>> -> memref<128xf32, #tpu.memory_space<vmem>>
      %dma_wait3A_841 = arith.constant 0 : i32
      %dma_wait3A_842 = tpu.memref_slice %arg10[%add3A_634, %dma_wait3A_841] : memref<64x128xi32, #tpu.memory_space<vmem>> -> memref<1x128xi32, #tpu.memory_space<vmem>>
      %dma_wait3A_843 = tpu.memref_squeeze %dma_wait3A_842 : memref<1x128xi32, #tpu.memory_space<vmem>> -> memref<128xi32, #tpu.memory_space<vmem>>
      %dma_wait3A_844 = arith.constant 0 : i32
      %dma_wait3A_845 = tpu.memref_slice %arg28[%dma_wait3A_844] : memref<131072xf32, #tpu.memory_space<vmem_shared>> -> memref<131072xf32, #tpu.memory_space<vmem_shared>>
      tpu.wait_indirect_dma semaphore(%arg34 : memref<!tpu.dma_semaphore, #tpu.memory_space<semaphore_mem>>) src(%dma_wait3A_840 : memref<128xf32, #tpu.memory_space<vmem>>) dst(%dma_wait3A_845 : memref<131072xf32, #tpu.memory_space<vmem_shared>>)
      %dma_wait3A_846 = tpu.memref_slice %arg13[%mul3A_636] : memref<8192xf32, #tpu.memory_space<vmem>> -> memref<128xf32, #tpu.memory_space<vmem>>
      %dma_wait3A_847 = arith.constant 0 : i32
      %dma_wait3A_848 = tpu.memref_slice %arg10[%add3A_634, %dma_wait3A_847] : memref<64x128xi32, #tpu.memory_space<vmem>> -> memref<1x128xi32, #tpu.memory_space<vmem>>
      %dma_wait3A_849 = tpu.memref_squeeze %dma_wait3A_848 : memref<1x128xi32, #tpu.memory_space<vmem>> -> memref<128xi32, #tpu.memory_space<vmem>>
      %dma_wait3A_850 = arith.constant 0 : i32
      %dma_wait3A_851 = tpu.memref_slice %arg29[%dma_wait3A_850] : memref<131072xf32, #tpu.memory_space<vmem_shared>> -> memref<131072xf32, #tpu.memory_space<vmem_shared>>
      tpu.wait_indirect_dma semaphore(%arg34 : memref<!tpu.dma_semaphore, #tpu.memory_space<semaphore_mem>>) src(%dma_wait3A_846 : memref<128xf32, #tpu.memory_space<vmem>>) dst(%dma_wait3A_851 : memref<131072xf32, #tpu.memory_space<vmem_shared>>)
      %dma_wait3A_852 = tpu.memref_slice %arg12[%mul3A_654] : memref<8192xf32, #tpu.memory_space<vmem>> -> memref<128xf32, #tpu.memory_space<vmem>>
      %dma_wait3A_853 = arith.constant 0 : i32
      %dma_wait3A_854 = tpu.memref_slice %arg10[%add3A_652, %dma_wait3A_853] : memref<64x128xi32, #tpu.memory_space<vmem>> -> memref<1x128xi32, #tpu.memory_space<vmem>>
      %dma_wait3A_855 = tpu.memref_squeeze %dma_wait3A_854 : memref<1x128xi32, #tpu.memory_space<vmem>> -> memref<128xi32, #tpu.memory_space<vmem>>
      %dma_wait3A_856 = arith.constant 0 : i32
      %dma_wait3A_857 = tpu.memref_slice %arg28[%dma_wait3A_856] : memref<131072xf32, #tpu.memory_space<vmem_shared>> -> memref<131072xf32, #tpu.memory_space<vmem_shared>>
      tpu.wait_indirect_dma semaphore(%arg34 : memref<!tpu.dma_semaphore, #tpu.memory_space<semaphore_mem>>) src(%dma_wait3A_852 : memref<128xf32, #tpu.memory_space<vmem>>) dst(%dma_wait3A_857 : memref<131072xf32, #tpu.memory_space<vmem_shared>>)
      %dma_wait3A_858 = tpu.memref_slice %arg13[%mul3A_654] : memref<8192xf32, #tpu.memory_space<vmem>> -> memref<128xf32, #tpu.memory_space<vmem>>
      %dma_wait3A_859 = arith.constant 0 : i32
      %dma_wait3A_860 = tpu.memref_slice %arg10[%add3A_652, %dma_wait3A_859] : memref<64x128xi32, #tpu.memory_space<vmem>> -> memref<1x128xi32, #tpu.memory_space<vmem>>
      %dma_wait3A_861 = tpu.memref_squeeze %dma_wait3A_860 : memref<1x128xi32, #tpu.memory_space<vmem>> -> memref<128xi32, #tpu.memory_space<vmem>>
      %dma_wait3A_862 = arith.constant 0 : i32
      %dma_wait3A_863 = tpu.memref_slice %arg29[%dma_wait3A_862] : memref<131072xf32, #tpu.memory_space<vmem_shared>> -> memref<131072xf32, #tpu.memory_space<vmem_shared>>
      tpu.wait_indirect_dma semaphore(%arg34 : memref<!tpu.dma_semaphore, #tpu.memory_space<semaphore_mem>>) src(%dma_wait3A_858 : memref<128xf32, #tpu.memory_space<vmem>>) dst(%dma_wait3A_863 : memref<131072xf32, #tpu.memory_space<vmem_shared>>)
      %dma_wait3A_864 = tpu.memref_slice %arg12[%mul3A_672] : memref<8192xf32, #tpu.memory_space<vmem>> -> memref<128xf32, #tpu.memory_space<vmem>>
      %dma_wait3A_865 = arith.constant 0 : i32
      %dma_wait3A_866 = tpu.memref_slice %arg10[%add3A_670, %dma_wait3A_865] : memref<64x128xi32, #tpu.memory_space<vmem>> -> memref<1x128xi32, #tpu.memory_space<vmem>>
      %dma_wait3A_867 = tpu.memref_squeeze %dma_wait3A_866 : memref<1x128xi32, #tpu.memory_space<vmem>> -> memref<128xi32, #tpu.memory_space<vmem>>
      %dma_wait3A_868 = arith.constant 0 : i32
      %dma_wait3A_869 = tpu.memref_slice %arg28[%dma_wait3A_868] : memref<131072xf32, #tpu.memory_space<vmem_shared>> -> memref<131072xf32, #tpu.memory_space<vmem_shared>>
      tpu.wait_indirect_dma semaphore(%arg34 : memref<!tpu.dma_semaphore, #tpu.memory_space<semaphore_mem>>) src(%dma_wait3A_864 : memref<128xf32, #tpu.memory_space<vmem>>) dst(%dma_wait3A_869 : memref<131072xf32, #tpu.memory_space<vmem_shared>>)
      %dma_wait3A_870 = tpu.memref_slice %arg13[%mul3A_672] : memref<8192xf32, #tpu.memory_space<vmem>> -> memref<128xf32, #tpu.memory_space<vmem>>
      %dma_wait3A_871 = arith.constant 0 : i32
      %dma_wait3A_872 = tpu.memref_slice %arg10[%add3A_670, %dma_wait3A_871] : memref<64x128xi32, #tpu.memory_space<vmem>> -> memref<1x128xi32, #tpu.memory_space<vmem>>
      %dma_wait3A_873 = tpu.memref_squeeze %dma_wait3A_872 : memref<1x128xi32, #tpu.memory_space<vmem>> -> memref<128xi32, #tpu.memory_space<vmem>>
      %dma_wait3A_874 = arith.constant 0 : i32
      %dma_wait3A_875 = tpu.memref_slice %arg29[%dma_wait3A_874] : memref<131072xf32, #tpu.memory_space<vmem_shared>> -> memref<131072xf32, #tpu.memory_space<vmem_shared>>
      tpu.wait_indirect_dma semaphore(%arg34 : memref<!tpu.dma_semaphore, #tpu.memory_space<semaphore_mem>>) src(%dma_wait3A_870 : memref<128xf32, #tpu.memory_space<vmem>>) dst(%dma_wait3A_875 : memref<131072xf32, #tpu.memory_space<vmem_shared>>)
    }
    %scan3A_368 = arith.constant 4 : i32
    %barrier3A_369 = arith.constant 0 : index
    tpu.barrier barrier_id(%barrier3A_369)
    %scan3A_370 = arith.constant 0 : i32
    %scan3A_371 = arith.constant 4 : i32
    %scan3A_372 = arith.addi %scan3A_370, %scan3A_371 : i32
    %scan3A_373 = arith.constant 1 : i32
    scf.for %scan3A_397 = %scan3A_370 to %scan3A_372 step %scan3A_373  : i32 {
      %mul3A_398 = arith.constant 16 : i32
      %mul3A_399 = arith.muli %scan3A_397, %mul3A_398 : i32
      %add3A_400 = arith.constant 0 : i32
      %add3A_401 = arith.addi %mul3A_399, %add3A_400 : i32
      %mul3A_402 = arith.constant 128 : i32
      %mul3A_403 = arith.muli %add3A_401, %mul3A_402 : i32
      %dma_start3A = tpu.memref_slice %arg14[%mul3A_403] : memref<8192xf32, #tpu.memory_space<vmem>> -> memref<128xf32, #tpu.memory_space<vmem>>
      %dma_start3A_404 = arith.constant 0 : i32
      %dma_start3A_405 = tpu.memref_slice %arg10[%add3A_401, %dma_start3A_404] : memref<64x128xi32, #tpu.memory_space<vmem>> -> memref<1x128xi32, #tpu.memory_space<vmem>>
      %dma_start3A_406 = tpu.memref_squeeze %dma_start3A_405 : memref<1x128xi32, #tpu.memory_space<vmem>> -> memref<128xi32, #tpu.memory_space<vmem>>
      %dma_start3A_407 = arith.constant 0 : i32
      %dma_start3A_408 = tpu.memref_slice %arg28[%dma_start3A_407] : memref<131072xf32, #tpu.memory_space<vmem_shared>> -> memref<131072xf32, #tpu.memory_space<vmem_shared>>
      tpu.enqueue_indirect_dma source(%dma_start3A_408 : memref<131072xf32, #tpu.memory_space<vmem_shared>>) target(%dma_start3A : memref<128xf32, #tpu.memory_space<vmem>>) offsets(%dma_start3A_406 : memref<128xi32, #tpu.memory_space<vmem>>) semaphore(%arg34 : memref<!tpu.dma_semaphore, #tpu.memory_space<semaphore_mem>>)
      %dma_start3A_409 = tpu.memref_slice %arg15[%mul3A_403] : memref<8192xf32, #tpu.memory_space<vmem>> -> memref<128xf32, #tpu.memory_space<vmem>>
      %dma_start3A_410 = arith.constant 0 : i32
      %dma_start3A_411 = tpu.memref_slice %arg10[%add3A_401, %dma_start3A_410] : memref<64x128xi32, #tpu.memory_space<vmem>> -> memref<1x128xi32, #tpu.memory_space<vmem>>
      %dma_start3A_412 = tpu.memref_squeeze %dma_start3A_411 : memref<1x128xi32, #tpu.memory_space<vmem>> -> memref<128xi32, #tpu.memory_space<vmem>>
      %dma_start3A_413 = arith.constant 0 : i32
      %dma_start3A_414 = tpu.memref_slice %arg29[%dma_start3A_413] : memref<131072xf32, #tpu.memory_space<vmem_shared>> -> memref<131072xf32, #tpu.memory_space<vmem_shared>>
      tpu.enqueue_indirect_dma source(%dma_start3A_414 : memref<131072xf32, #tpu.memory_space<vmem_shared>>) target(%dma_start3A_409 : memref<128xf32, #tpu.memory_space<vmem>>) offsets(%dma_start3A_412 : memref<128xi32, #tpu.memory_space<vmem>>) semaphore(%arg34 : memref<!tpu.dma_semaphore, #tpu.memory_space<semaphore_mem>>)
      %mul3A_415 = arith.constant 16 : i32
      %mul3A_416 = arith.muli %scan3A_397, %mul3A_415 : i32
      %add3A_417 = arith.constant 1 : i32
      %add3A_418 = arith.addi %mul3A_416, %add3A_417 : i32
      %mul3A_419 = arith.constant 128 : i32
      %mul3A_420 = arith.muli %add3A_418, %mul3A_419 : i32
      %dma_start3A_421 = tpu.memref_slice %arg14[%mul3A_420] : memref<8192xf32, #tpu.memory_space<vmem>> -> memref<128xf32, #tpu.memory_space<vmem>>
      %dma_start3A_422 = arith.constant 0 : i32
      %dma_start3A_423 = tpu.memref_slice %arg10[%add3A_418, %dma_start3A_422] : memref<64x128xi32, #tpu.memory_space<vmem>> -> memref<1x128xi32, #tpu.memory_space<vmem>>
      %dma_start3A_424 = tpu.memref_squeeze %dma_start3A_423 : memref<1x128xi32, #tpu.memory_space<vmem>> -> memref<128xi32, #tpu.memory_space<vmem>>
      %dma_start3A_425 = arith.constant 0 : i32
      %dma_start3A_426 = tpu.memref_slice %arg28[%dma_start3A_425] : memref<131072xf32, #tpu.memory_space<vmem_shared>> -> memref<131072xf32, #tpu.memory_space<vmem_shared>>
      tpu.enqueue_indirect_dma source(%dma_start3A_426 : memref<131072xf32, #tpu.memory_space<vmem_shared>>) target(%dma_start3A_421 : memref<128xf32, #tpu.memory_space<vmem>>) offsets(%dma_start3A_424 : memref<128xi32, #tpu.memory_space<vmem>>) semaphore(%arg34 : memref<!tpu.dma_semaphore, #tpu.memory_space<semaphore_mem>>)
      %dma_start3A_427 = tpu.memref_slice %arg15[%mul3A_420] : memref<8192xf32, #tpu.memory_space<vmem>> -> memref<128xf32, #tpu.memory_space<vmem>>
      %dma_start3A_428 = arith.constant 0 : i32
      %dma_start3A_429 = tpu.memref_slice %arg10[%add3A_418, %dma_start3A_428] : memref<64x128xi32, #tpu.memory_space<vmem>> -> memref<1x128xi32, #tpu.memory_space<vmem>>
      %dma_start3A_430 = tpu.memref_squeeze %dma_start3A_429 : memref<1x128xi32, #tpu.memory_space<vmem>> -> memref<128xi32, #tpu.memory_space<vmem>>
      %dma_start3A_431 = arith.constant 0 : i32
      %dma_start3A_432 = tpu.memref_slice %arg29[%dma_start3A_431] : memref<131072xf32, #tpu.memory_space<vmem_shared>> -> memref<131072xf32, #tpu.memory_space<vmem_shared>>
      tpu.enqueue_indirect_dma source(%dma_start3A_432 : memref<131072xf32, #tpu.memory_space<vmem_shared>>) target(%dma_start3A_427 : memref<128xf32, #tpu.memory_space<vmem>>) offsets(%dma_start3A_430 : memref<128xi32, #tpu.memory_space<vmem>>) semaphore(%arg34 : memref<!tpu.dma_semaphore, #tpu.memory_space<semaphore_mem>>)
      %mul3A_433 = arith.constant 16 : i32
      %mul3A_434 = arith.muli %scan3A_397, %mul3A_433 : i32
      %add3A_435 = arith.constant 2 : i32
      %add3A_436 = arith.addi %mul3A_434, %add3A_435 : i32
      %mul3A_437 = arith.constant 128 : i32
      %mul3A_438 = arith.muli %add3A_436, %mul3A_437 : i32
      %dma_start3A_439 = tpu.memref_slice %arg14[%mul3A_438] : memref<8192xf32, #tpu.memory_space<vmem>> -> memref<128xf32, #tpu.memory_space<vmem>>
      %dma_start3A_440 = arith.constant 0 : i32
      %dma_start3A_441 = tpu.memref_slice %arg10[%add3A_436, %dma_start3A_440] : memref<64x128xi32, #tpu.memory_space<vmem>> -> memref<1x128xi32, #tpu.memory_space<vmem>>
      %dma_start3A_442 = tpu.memref_squeeze %dma_start3A_441 : memref<1x128xi32, #tpu.memory_space<vmem>> -> memref<128xi32, #tpu.memory_space<vmem>>
      %dma_start3A_443 = arith.constant 0 : i32
      %dma_start3A_444 = tpu.memref_slice %arg28[%dma_start3A_443] : memref<131072xf32, #tpu.memory_space<vmem_shared>> -> memref<131072xf32, #tpu.memory_space<vmem_shared>>
      tpu.enqueue_indirect_dma source(%dma_start3A_444 : memref<131072xf32, #tpu.memory_space<vmem_shared>>) target(%dma_start3A_439 : memref<128xf32, #tpu.memory_space<vmem>>) offsets(%dma_start3A_442 : memref<128xi32, #tpu.memory_space<vmem>>) semaphore(%arg34 : memref<!tpu.dma_semaphore, #tpu.memory_space<semaphore_mem>>)
      %dma_start3A_445 = tpu.memref_slice %arg15[%mul3A_438] : memref<8192xf32, #tpu.memory_space<vmem>> -> memref<128xf32, #tpu.memory_space<vmem>>
      %dma_start3A_446 = arith.constant 0 : i32
      %dma_start3A_447 = tpu.memref_slice %arg10[%add3A_436, %dma_start3A_446] : memref<64x128xi32, #tpu.memory_space<vmem>> -> memref<1x128xi32, #tpu.memory_space<vmem>>
      %dma_start3A_448 = tpu.memref_squeeze %dma_start3A_447 : memref<1x128xi32, #tpu.memory_space<vmem>> -> memref<128xi32, #tpu.memory_space<vmem>>
      %dma_start3A_449 = arith.constant 0 : i32
      %dma_start3A_450 = tpu.memref_slice %arg29[%dma_start3A_449] : memref<131072xf32, #tpu.memory_space<vmem_shared>> -> memref<131072xf32, #tpu.memory_space<vmem_shared>>
      tpu.enqueue_indirect_dma source(%dma_start3A_450 : memref<131072xf32, #tpu.memory_space<vmem_shared>>) target(%dma_start3A_445 : memref<128xf32, #tpu.memory_space<vmem>>) offsets(%dma_start3A_448 : memref<128xi32, #tpu.memory_space<vmem>>) semaphore(%arg34 : memref<!tpu.dma_semaphore, #tpu.memory_space<semaphore_mem>>)
      %mul3A_451 = arith.constant 16 : i32
      %mul3A_452 = arith.muli %scan3A_397, %mul3A_451 : i32
      %add3A_453 = arith.constant 3 : i32
      %add3A_454 = arith.addi %mul3A_452, %add3A_453 : i32
      %mul3A_455 = arith.constant 128 : i32
      %mul3A_456 = arith.muli %add3A_454, %mul3A_455 : i32
      %dma_start3A_457 = tpu.memref_slice %arg14[%mul3A_456] : memref<8192xf32, #tpu.memory_space<vmem>> -> memref<128xf32, #tpu.memory_space<vmem>>
      %dma_start3A_458 = arith.constant 0 : i32
      %dma_start3A_459 = tpu.memref_slice %arg10[%add3A_454, %dma_start3A_458] : memref<64x128xi32, #tpu.memory_space<vmem>> -> memref<1x128xi32, #tpu.memory_space<vmem>>
      %dma_start3A_460 = tpu.memref_squeeze %dma_start3A_459 : memref<1x128xi32, #tpu.memory_space<vmem>> -> memref<128xi32, #tpu.memory_space<vmem>>
      %dma_start3A_461 = arith.constant 0 : i32
      %dma_start3A_462 = tpu.memref_slice %arg28[%dma_start3A_461] : memref<131072xf32, #tpu.memory_space<vmem_shared>> -> memref<131072xf32, #tpu.memory_space<vmem_shared>>
      tpu.enqueue_indirect_dma source(%dma_start3A_462 : memref<131072xf32, #tpu.memory_space<vmem_shared>>) target(%dma_start3A_457 : memref<128xf32, #tpu.memory_space<vmem>>) offsets(%dma_start3A_460 : memref<128xi32, #tpu.memory_space<vmem>>) semaphore(%arg34 : memref<!tpu.dma_semaphore, #tpu.memory_space<semaphore_mem>>)
      %dma_start3A_463 = tpu.memref_slice %arg15[%mul3A_456] : memref<8192xf32, #tpu.memory_space<vmem>> -> memref<128xf32, #tpu.memory_space<vmem>>
      %dma_start3A_464 = arith.constant 0 : i32
      %dma_start3A_465 = tpu.memref_slice %arg10[%add3A_454, %dma_start3A_464] : memref<64x128xi32, #tpu.memory_space<vmem>> -> memref<1x128xi32, #tpu.memory_space<vmem>>
      %dma_start3A_466 = tpu.memref_squeeze %dma_start3A_465 : memref<1x128xi32, #tpu.memory_space<vmem>> -> memref<128xi32, #tpu.memory_space<vmem>>
      %dma_start3A_467 = arith.constant 0 : i32
      %dma_start3A_468 = tpu.memref_slice %arg29[%dma_start3A_467] : memref<131072xf32, #tpu.memory_space<vmem_shared>> -> memref<131072xf32, #tpu.memory_space<vmem_shared>>
      tpu.enqueue_indirect_dma source(%dma_start3A_468 : memref<131072xf32, #tpu.memory_space<vmem_shared>>) target(%dma_start3A_463 : memref<128xf32, #tpu.memory_space<vmem>>) offsets(%dma_start3A_466 : memref<128xi32, #tpu.memory_space<vmem>>) semaphore(%arg34 : memref<!tpu.dma_semaphore, #tpu.memory_space<semaphore_mem>>)
      %mul3A_469 = arith.constant 16 : i32
      %mul3A_470 = arith.muli %scan3A_397, %mul3A_469 : i32
      %add3A_471 = arith.constant 4 : i32
      %add3A_472 = arith.addi %mul3A_470, %add3A_471 : i32
      %mul3A_473 = arith.constant 128 : i32
      %mul3A_474 = arith.muli %add3A_472, %mul3A_473 : i32
      %dma_start3A_475 = tpu.memref_slice %arg14[%mul3A_474] : memref<8192xf32, #tpu.memory_space<vmem>> -> memref<128xf32, #tpu.memory_space<vmem>>
      %dma_start3A_476 = arith.constant 0 : i32
      %dma_start3A_477 = tpu.memref_slice %arg10[%add3A_472, %dma_start3A_476] : memref<64x128xi32, #tpu.memory_space<vmem>> -> memref<1x128xi32, #tpu.memory_space<vmem>>
      %dma_start3A_478 = tpu.memref_squeeze %dma_start3A_477 : memref<1x128xi32, #tpu.memory_space<vmem>> -> memref<128xi32, #tpu.memory_space<vmem>>
      %dma_start3A_479 = arith.constant 0 : i32
      %dma_start3A_480 = tpu.memref_slice %arg28[%dma_start3A_479] : memref<131072xf32, #tpu.memory_space<vmem_shared>> -> memref<131072xf32, #tpu.memory_space<vmem_shared>>
      tpu.enqueue_indirect_dma source(%dma_start3A_480 : memref<131072xf32, #tpu.memory_space<vmem_shared>>) target(%dma_start3A_475 : memref<128xf32, #tpu.memory_space<vmem>>) offsets(%dma_start3A_478 : memref<128xi32, #tpu.memory_space<vmem>>) semaphore(%arg34 : memref<!tpu.dma_semaphore, #tpu.memory_space<semaphore_mem>>)
      %dma_start3A_481 = tpu.memref_slice %arg15[%mul3A_474] : memref<8192xf32, #tpu.memory_space<vmem>> -> memref<128xf32, #tpu.memory_space<vmem>>
      %dma_start3A_482 = arith.constant 0 : i32
      %dma_start3A_483 = tpu.memref_slice %arg10[%add3A_472, %dma_start3A_482] : memref<64x128xi32, #tpu.memory_space<vmem>> -> memref<1x128xi32, #tpu.memory_space<vmem>>
      %dma_start3A_484 = tpu.memref_squeeze %dma_start3A_483 : memref<1x128xi32, #tpu.memory_space<vmem>> -> memref<128xi32, #tpu.memory_space<vmem>>
      %dma_start3A_485 = arith.constant 0 : i32
      %dma_start3A_486 = tpu.memref_slice %arg29[%dma_start3A_485] : memref<131072xf32, #tpu.memory_space<vmem_shared>> -> memref<131072xf32, #tpu.memory_space<vmem_shared>>
      tpu.enqueue_indirect_dma source(%dma_start3A_486 : memref<131072xf32, #tpu.memory_space<vmem_shared>>) target(%dma_start3A_481 : memref<128xf32, #tpu.memory_space<vmem>>) offsets(%dma_start3A_484 : memref<128xi32, #tpu.memory_space<vmem>>) semaphore(%arg34 : memref<!tpu.dma_semaphore, #tpu.memory_space<semaphore_mem>>)
      %mul3A_487 = arith.constant 16 : i32
      %mul3A_488 = arith.muli %scan3A_397, %mul3A_487 : i32
      %add3A_489 = arith.constant 5 : i32
      %add3A_490 = arith.addi %mul3A_488, %add3A_489 : i32
      %mul3A_491 = arith.constant 128 : i32
      %mul3A_492 = arith.muli %add3A_490, %mul3A_491 : i32
      %dma_start3A_493 = tpu.memref_slice %arg14[%mul3A_492] : memref<8192xf32, #tpu.memory_space<vmem>> -> memref<128xf32, #tpu.memory_space<vmem>>
      %dma_start3A_494 = arith.constant 0 : i32
      %dma_start3A_495 = tpu.memref_slice %arg10[%add3A_490, %dma_start3A_494] : memref<64x128xi32, #tpu.memory_space<vmem>> -> memref<1x128xi32, #tpu.memory_space<vmem>>
      %dma_start3A_496 = tpu.memref_squeeze %dma_start3A_495 : memref<1x128xi32, #tpu.memory_space<vmem>> -> memref<128xi32, #tpu.memory_space<vmem>>
      %dma_start3A_497 = arith.constant 0 : i32
      %dma_start3A_498 = tpu.memref_slice %arg28[%dma_start3A_497] : memref<131072xf32, #tpu.memory_space<vmem_shared>> -> memref<131072xf32, #tpu.memory_space<vmem_shared>>
      tpu.enqueue_indirect_dma source(%dma_start3A_498 : memref<131072xf32, #tpu.memory_space<vmem_shared>>) target(%dma_start3A_493 : memref<128xf32, #tpu.memory_space<vmem>>) offsets(%dma_start3A_496 : memref<128xi32, #tpu.memory_space<vmem>>) semaphore(%arg34 : memref<!tpu.dma_semaphore, #tpu.memory_space<semaphore_mem>>)
      %dma_start3A_499 = tpu.memref_slice %arg15[%mul3A_492] : memref<8192xf32, #tpu.memory_space<vmem>> -> memref<128xf32, #tpu.memory_space<vmem>>
      %dma_start3A_500 = arith.constant 0 : i32
      %dma_start3A_501 = tpu.memref_slice %arg10[%add3A_490, %dma_start3A_500] : memref<64x128xi32, #tpu.memory_space<vmem>> -> memref<1x128xi32, #tpu.memory_space<vmem>>
      %dma_start3A_502 = tpu.memref_squeeze %dma_start3A_501 : memref<1x128xi32, #tpu.memory_space<vmem>> -> memref<128xi32, #tpu.memory_space<vmem>>
      %dma_start3A_503 = arith.constant 0 : i32
      %dma_start3A_504 = tpu.memref_slice %arg29[%dma_start3A_503] : memref<131072xf32, #tpu.memory_space<vmem_shared>> -> memref<131072xf32, #tpu.memory_space<vmem_shared>>
      tpu.enqueue_indirect_dma source(%dma_start3A_504 : memref<131072xf32, #tpu.memory_space<vmem_shared>>) target(%dma_start3A_499 : memref<128xf32, #tpu.memory_space<vmem>>) offsets(%dma_start3A_502 : memref<128xi32, #tpu.memory_space<vmem>>) semaphore(%arg34 : memref<!tpu.dma_semaphore, #tpu.memory_space<semaphore_mem>>)
      %mul3A_505 = arith.constant 16 : i32
      %mul3A_506 = arith.muli %scan3A_397, %mul3A_505 : i32
      %add3A_507 = arith.constant 6 : i32
      %add3A_508 = arith.addi %mul3A_506, %add3A_507 : i32
      %mul3A_509 = arith.constant 128 : i32
      %mul3A_510 = arith.muli %add3A_508, %mul3A_509 : i32
      %dma_start3A_511 = tpu.memref_slice %arg14[%mul3A_510] : memref<8192xf32, #tpu.memory_space<vmem>> -> memref<128xf32, #tpu.memory_space<vmem>>
      %dma_start3A_512 = arith.constant 0 : i32
      %dma_start3A_513 = tpu.memref_slice %arg10[%add3A_508, %dma_start3A_512] : memref<64x128xi32, #tpu.memory_space<vmem>> -> memref<1x128xi32, #tpu.memory_space<vmem>>
      %dma_start3A_514 = tpu.memref_squeeze %dma_start3A_513 : memref<1x128xi32, #tpu.memory_space<vmem>> -> memref<128xi32, #tpu.memory_space<vmem>>
      %dma_start3A_515 = arith.constant 0 : i32
      %dma_start3A_516 = tpu.memref_slice %arg28[%dma_start3A_515] : memref<131072xf32, #tpu.memory_space<vmem_shared>> -> memref<131072xf32, #tpu.memory_space<vmem_shared>>
      tpu.enqueue_indirect_dma source(%dma_start3A_516 : memref<131072xf32, #tpu.memory_space<vmem_shared>>) target(%dma_start3A_511 : memref<128xf32, #tpu.memory_space<vmem>>) offsets(%dma_start3A_514 : memref<128xi32, #tpu.memory_space<vmem>>) semaphore(%arg34 : memref<!tpu.dma_semaphore, #tpu.memory_space<semaphore_mem>>)
      %dma_start3A_517 = tpu.memref_slice %arg15[%mul3A_510] : memref<8192xf32, #tpu.memory_space<vmem>> -> memref<128xf32, #tpu.memory_space<vmem>>
      %dma_start3A_518 = arith.constant 0 : i32
      %dma_start3A_519 = tpu.memref_slice %arg10[%add3A_508, %dma_start3A_518] : memref<64x128xi32, #tpu.memory_space<vmem>> -> memref<1x128xi32, #tpu.memory_space<vmem>>
      %dma_start3A_520 = tpu.memref_squeeze %dma_start3A_519 : memref<1x128xi32, #tpu.memory_space<vmem>> -> memref<128xi32, #tpu.memory_space<vmem>>
      %dma_start3A_521 = arith.constant 0 : i32
      %dma_start3A_522 = tpu.memref_slice %arg29[%dma_start3A_521] : memref<131072xf32, #tpu.memory_space<vmem_shared>> -> memref<131072xf32, #tpu.memory_space<vmem_shared>>
      tpu.enqueue_indirect_dma source(%dma_start3A_522 : memref<131072xf32, #tpu.memory_space<vmem_shared>>) target(%dma_start3A_517 : memref<128xf32, #tpu.memory_space<vmem>>) offsets(%dma_start3A_520 : memref<128xi32, #tpu.memory_space<vmem>>) semaphore(%arg34 : memref<!tpu.dma_semaphore, #tpu.memory_space<semaphore_mem>>)
      %mul3A_523 = arith.constant 16 : i32
      %mul3A_524 = arith.muli %scan3A_397, %mul3A_523 : i32
      %add3A_525 = arith.constant 7 : i32
      %add3A_526 = arith.addi %mul3A_524, %add3A_525 : i32
      %mul3A_527 = arith.constant 128 : i32
      %mul3A_528 = arith.muli %add3A_526, %mul3A_527 : i32
      %dma_start3A_529 = tpu.memref_slice %arg14[%mul3A_528] : memref<8192xf32, #tpu.memory_space<vmem>> -> memref<128xf32, #tpu.memory_space<vmem>>
      %dma_start3A_530 = arith.constant 0 : i32
      %dma_start3A_531 = tpu.memref_slice %arg10[%add3A_526, %dma_start3A_530] : memref<64x128xi32, #tpu.memory_space<vmem>> -> memref<1x128xi32, #tpu.memory_space<vmem>>
      %dma_start3A_532 = tpu.memref_squeeze %dma_start3A_531 : memref<1x128xi32, #tpu.memory_space<vmem>> -> memref<128xi32, #tpu.memory_space<vmem>>
      %dma_start3A_533 = arith.constant 0 : i32
      %dma_start3A_534 = tpu.memref_slice %arg28[%dma_start3A_533] : memref<131072xf32, #tpu.memory_space<vmem_shared>> -> memref<131072xf32, #tpu.memory_space<vmem_shared>>
      tpu.enqueue_indirect_dma source(%dma_start3A_534 : memref<131072xf32, #tpu.memory_space<vmem_shared>>) target(%dma_start3A_529 : memref<128xf32, #tpu.memory_space<vmem>>) offsets(%dma_start3A_532 : memref<128xi32, #tpu.memory_space<vmem>>) semaphore(%arg34 : memref<!tpu.dma_semaphore, #tpu.memory_space<semaphore_mem>>)
      %dma_start3A_535 = tpu.memref_slice %arg15[%mul3A_528] : memref<8192xf32, #tpu.memory_space<vmem>> -> memref<128xf32, #tpu.memory_space<vmem>>
      %dma_start3A_536 = arith.constant 0 : i32
      %dma_start3A_537 = tpu.memref_slice %arg10[%add3A_526, %dma_start3A_536] : memref<64x128xi32, #tpu.memory_space<vmem>> -> memref<1x128xi32, #tpu.memory_space<vmem>>
      %dma_start3A_538 = tpu.memref_squeeze %dma_start3A_537 : memref<1x128xi32, #tpu.memory_space<vmem>> -> memref<128xi32, #tpu.memory_space<vmem>>
      %dma_start3A_539 = arith.constant 0 : i32
      %dma_start3A_540 = tpu.memref_slice %arg29[%dma_start3A_539] : memref<131072xf32, #tpu.memory_space<vmem_shared>> -> memref<131072xf32, #tpu.memory_space<vmem_shared>>
      tpu.enqueue_indirect_dma source(%dma_start3A_540 : memref<131072xf32, #tpu.memory_space<vmem_shared>>) target(%dma_start3A_535 : memref<128xf32, #tpu.memory_space<vmem>>) offsets(%dma_start3A_538 : memref<128xi32, #tpu.memory_space<vmem>>) semaphore(%arg34 : memref<!tpu.dma_semaphore, #tpu.memory_space<semaphore_mem>>)
      %mul3A_541 = arith.constant 16 : i32
      %mul3A_542 = arith.muli %scan3A_397, %mul3A_541 : i32
      %add3A_543 = arith.constant 8 : i32
      %add3A_544 = arith.addi %mul3A_542, %add3A_543 : i32
      %mul3A_545 = arith.constant 128 : i32
      %mul3A_546 = arith.muli %add3A_544, %mul3A_545 : i32
      %dma_start3A_547 = tpu.memref_slice %arg14[%mul3A_546] : memref<8192xf32, #tpu.memory_space<vmem>> -> memref<128xf32, #tpu.memory_space<vmem>>
      %dma_start3A_548 = arith.constant 0 : i32
      %dma_start3A_549 = tpu.memref_slice %arg10[%add3A_544, %dma_start3A_548] : memref<64x128xi32, #tpu.memory_space<vmem>> -> memref<1x128xi32, #tpu.memory_space<vmem>>
      %dma_start3A_550 = tpu.memref_squeeze %dma_start3A_549 : memref<1x128xi32, #tpu.memory_space<vmem>> -> memref<128xi32, #tpu.memory_space<vmem>>
      %dma_start3A_551 = arith.constant 0 : i32
      %dma_start3A_552 = tpu.memref_slice %arg28[%dma_start3A_551] : memref<131072xf32, #tpu.memory_space<vmem_shared>> -> memref<131072xf32, #tpu.memory_space<vmem_shared>>
      tpu.enqueue_indirect_dma source(%dma_start3A_552 : memref<131072xf32, #tpu.memory_space<vmem_shared>>) target(%dma_start3A_547 : memref<128xf32, #tpu.memory_space<vmem>>) offsets(%dma_start3A_550 : memref<128xi32, #tpu.memory_space<vmem>>) semaphore(%arg34 : memref<!tpu.dma_semaphore, #tpu.memory_space<semaphore_mem>>)
      %dma_start3A_553 = tpu.memref_slice %arg15[%mul3A_546] : memref<8192xf32, #tpu.memory_space<vmem>> -> memref<128xf32, #tpu.memory_space<vmem>>
      %dma_start3A_554 = arith.constant 0 : i32
      %dma_start3A_555 = tpu.memref_slice %arg10[%add3A_544, %dma_start3A_554] : memref<64x128xi32, #tpu.memory_space<vmem>> -> memref<1x128xi32, #tpu.memory_space<vmem>>
      %dma_start3A_556 = tpu.memref_squeeze %dma_start3A_555 : memref<1x128xi32, #tpu.memory_space<vmem>> -> memref<128xi32, #tpu.memory_space<vmem>>
      %dma_start3A_557 = arith.constant 0 : i32
      %dma_start3A_558 = tpu.memref_slice %arg29[%dma_start3A_557] : memref<131072xf32, #tpu.memory_space<vmem_shared>> -> memref<131072xf32, #tpu.memory_space<vmem_shared>>
      tpu.enqueue_indirect_dma source(%dma_start3A_558 : memref<131072xf32, #tpu.memory_space<vmem_shared>>) target(%dma_start3A_553 : memref<128xf32, #tpu.memory_space<vmem>>) offsets(%dma_start3A_556 : memref<128xi32, #tpu.memory_space<vmem>>) semaphore(%arg34 : memref<!tpu.dma_semaphore, #tpu.memory_space<semaphore_mem>>)
      %mul3A_559 = arith.constant 16 : i32
      %mul3A_560 = arith.muli %scan3A_397, %mul3A_559 : i32
      %add3A_561 = arith.constant 9 : i32
      %add3A_562 = arith.addi %mul3A_560, %add3A_561 : i32
      %mul3A_563 = arith.constant 128 : i32
      %mul3A_564 = arith.muli %add3A_562, %mul3A_563 : i32
      %dma_start3A_565 = tpu.memref_slice %arg14[%mul3A_564] : memref<8192xf32, #tpu.memory_space<vmem>> -> memref<128xf32, #tpu.memory_space<vmem>>
      %dma_start3A_566 = arith.constant 0 : i32
      %dma_start3A_567 = tpu.memref_slice %arg10[%add3A_562, %dma_start3A_566] : memref<64x128xi32, #tpu.memory_space<vmem>> -> memref<1x128xi32, #tpu.memory_space<vmem>>
      %dma_start3A_568 = tpu.memref_squeeze %dma_start3A_567 : memref<1x128xi32, #tpu.memory_space<vmem>> -> memref<128xi32, #tpu.memory_space<vmem>>
      %dma_start3A_569 = arith.constant 0 : i32
      %dma_start3A_570 = tpu.memref_slice %arg28[%dma_start3A_569] : memref<131072xf32, #tpu.memory_space<vmem_shared>> -> memref<131072xf32, #tpu.memory_space<vmem_shared>>
      tpu.enqueue_indirect_dma source(%dma_start3A_570 : memref<131072xf32, #tpu.memory_space<vmem_shared>>) target(%dma_start3A_565 : memref<128xf32, #tpu.memory_space<vmem>>) offsets(%dma_start3A_568 : memref<128xi32, #tpu.memory_space<vmem>>) semaphore(%arg34 : memref<!tpu.dma_semaphore, #tpu.memory_space<semaphore_mem>>)
      %dma_start3A_571 = tpu.memref_slice %arg15[%mul3A_564] : memref<8192xf32, #tpu.memory_space<vmem>> -> memref<128xf32, #tpu.memory_space<vmem>>
      %dma_start3A_572 = arith.constant 0 : i32
      %dma_start3A_573 = tpu.memref_slice %arg10[%add3A_562, %dma_start3A_572] : memref<64x128xi32, #tpu.memory_space<vmem>> -> memref<1x128xi32, #tpu.memory_space<vmem>>
      %dma_start3A_574 = tpu.memref_squeeze %dma_start3A_573 : memref<1x128xi32, #tpu.memory_space<vmem>> -> memref<128xi32, #tpu.memory_space<vmem>>
      %dma_start3A_575 = arith.constant 0 : i32
      %dma_start3A_576 = tpu.memref_slice %arg29[%dma_start3A_575] : memref<131072xf32, #tpu.memory_space<vmem_shared>> -> memref<131072xf32, #tpu.memory_space<vmem_shared>>
      tpu.enqueue_indirect_dma source(%dma_start3A_576 : memref<131072xf32, #tpu.memory_space<vmem_shared>>) target(%dma_start3A_571 : memref<128xf32, #tpu.memory_space<vmem>>) offsets(%dma_start3A_574 : memref<128xi32, #tpu.memory_space<vmem>>) semaphore(%arg34 : memref<!tpu.dma_semaphore, #tpu.memory_space<semaphore_mem>>)
      %mul3A_577 = arith.constant 16 : i32
      %mul3A_578 = arith.muli %scan3A_397, %mul3A_577 : i32
      %add3A_579 = arith.constant 10 : i32
      %add3A_580 = arith.addi %mul3A_578, %add3A_579 : i32
      %mul3A_581 = arith.constant 128 : i32
      %mul3A_582 = arith.muli %add3A_580, %mul3A_581 : i32
      %dma_start3A_583 = tpu.memref_slice %arg14[%mul3A_582] : memref<8192xf32, #tpu.memory_space<vmem>> -> memref<128xf32, #tpu.memory_space<vmem>>
      %dma_start3A_584 = arith.constant 0 : i32
      %dma_start3A_585 = tpu.memref_slice %arg10[%add3A_580, %dma_start3A_584] : memref<64x128xi32, #tpu.memory_space<vmem>> -> memref<1x128xi32, #tpu.memory_space<vmem>>
      %dma_start3A_586 = tpu.memref_squeeze %dma_start3A_585 : memref<1x128xi32, #tpu.memory_space<vmem>> -> memref<128xi32, #tpu.memory_space<vmem>>
      %dma_start3A_587 = arith.constant 0 : i32
      %dma_start3A_588 = tpu.memref_slice %arg28[%dma_start3A_587] : memref<131072xf32, #tpu.memory_space<vmem_shared>> -> memref<131072xf32, #tpu.memory_space<vmem_shared>>
      tpu.enqueue_indirect_dma source(%dma_start3A_588 : memref<131072xf32, #tpu.memory_space<vmem_shared>>) target(%dma_start3A_583 : memref<128xf32, #tpu.memory_space<vmem>>) offsets(%dma_start3A_586 : memref<128xi32, #tpu.memory_space<vmem>>) semaphore(%arg34 : memref<!tpu.dma_semaphore, #tpu.memory_space<semaphore_mem>>)
      %dma_start3A_589 = tpu.memref_slice %arg15[%mul3A_582] : memref<8192xf32, #tpu.memory_space<vmem>> -> memref<128xf32, #tpu.memory_space<vmem>>
      %dma_start3A_590 = arith.constant 0 : i32
      %dma_start3A_591 = tpu.memref_slice %arg10[%add3A_580, %dma_start3A_590] : memref<64x128xi32, #tpu.memory_space<vmem>> -> memref<1x128xi32, #tpu.memory_space<vmem>>
      %dma_start3A_592 = tpu.memref_squeeze %dma_start3A_591 : memref<1x128xi32, #tpu.memory_space<vmem>> -> memref<128xi32, #tpu.memory_space<vmem>>
      %dma_start3A_593 = arith.constant 0 : i32
      %dma_start3A_594 = tpu.memref_slice %arg29[%dma_start3A_593] : memref<131072xf32, #tpu.memory_space<vmem_shared>> -> memref<131072xf32, #tpu.memory_space<vmem_shared>>
      tpu.enqueue_indirect_dma source(%dma_start3A_594 : memref<131072xf32, #tpu.memory_space<vmem_shared>>) target(%dma_start3A_589 : memref<128xf32, #tpu.memory_space<vmem>>) offsets(%dma_start3A_592 : memref<128xi32, #tpu.memory_space<vmem>>) semaphore(%arg34 : memref<!tpu.dma_semaphore, #tpu.memory_space<semaphore_mem>>)
      %mul3A_595 = arith.constant 16 : i32
      %mul3A_596 = arith.muli %scan3A_397, %mul3A_595 : i32
      %add3A_597 = arith.constant 11 : i32
      %add3A_598 = arith.addi %mul3A_596, %add3A_597 : i32
      %mul3A_599 = arith.constant 128 : i32
      %mul3A_600 = arith.muli %add3A_598, %mul3A_599 : i32
      %dma_start3A_601 = tpu.memref_slice %arg14[%mul3A_600] : memref<8192xf32, #tpu.memory_space<vmem>> -> memref<128xf32, #tpu.memory_space<vmem>>
      %dma_start3A_602 = arith.constant 0 : i32
      %dma_start3A_603 = tpu.memref_slice %arg10[%add3A_598, %dma_start3A_602] : memref<64x128xi32, #tpu.memory_space<vmem>> -> memref<1x128xi32, #tpu.memory_space<vmem>>
      %dma_start3A_604 = tpu.memref_squeeze %dma_start3A_603 : memref<1x128xi32, #tpu.memory_space<vmem>> -> memref<128xi32, #tpu.memory_space<vmem>>
      %dma_start3A_605 = arith.constant 0 : i32
      %dma_start3A_606 = tpu.memref_slice %arg28[%dma_start3A_605] : memref<131072xf32, #tpu.memory_space<vmem_shared>> -> memref<131072xf32, #tpu.memory_space<vmem_shared>>
      tpu.enqueue_indirect_dma source(%dma_start3A_606 : memref<131072xf32, #tpu.memory_space<vmem_shared>>) target(%dma_start3A_601 : memref<128xf32, #tpu.memory_space<vmem>>) offsets(%dma_start3A_604 : memref<128xi32, #tpu.memory_space<vmem>>) semaphore(%arg34 : memref<!tpu.dma_semaphore, #tpu.memory_space<semaphore_mem>>)
      %dma_start3A_607 = tpu.memref_slice %arg15[%mul3A_600] : memref<8192xf32, #tpu.memory_space<vmem>> -> memref<128xf32, #tpu.memory_space<vmem>>
      %dma_start3A_608 = arith.constant 0 : i32
      %dma_start3A_609 = tpu.memref_slice %arg10[%add3A_598, %dma_start3A_608] : memref<64x128xi32, #tpu.memory_space<vmem>> -> memref<1x128xi32, #tpu.memory_space<vmem>>
      %dma_start3A_610 = tpu.memref_squeeze %dma_start3A_609 : memref<1x128xi32, #tpu.memory_space<vmem>> -> memref<128xi32, #tpu.memory_space<vmem>>
      %dma_start3A_611 = arith.constant 0 : i32
      %dma_start3A_612 = tpu.memref_slice %arg29[%dma_start3A_611] : memref<131072xf32, #tpu.memory_space<vmem_shared>> -> memref<131072xf32, #tpu.memory_space<vmem_shared>>
      tpu.enqueue_indirect_dma source(%dma_start3A_612 : memref<131072xf32, #tpu.memory_space<vmem_shared>>) target(%dma_start3A_607 : memref<128xf32, #tpu.memory_space<vmem>>) offsets(%dma_start3A_610 : memref<128xi32, #tpu.memory_space<vmem>>) semaphore(%arg34 : memref<!tpu.dma_semaphore, #tpu.memory_space<semaphore_mem>>)
      %mul3A_613 = arith.constant 16 : i32
      %mul3A_614 = arith.muli %scan3A_397, %mul3A_613 : i32
      %add3A_615 = arith.constant 12 : i32
      %add3A_616 = arith.addi %mul3A_614, %add3A_615 : i32
      %mul3A_617 = arith.constant 128 : i32
      %mul3A_618 = arith.muli %add3A_616, %mul3A_617 : i32
      %dma_start3A_619 = tpu.memref_slice %arg14[%mul3A_618] : memref<8192xf32, #tpu.memory_space<vmem>> -> memref<128xf32, #tpu.memory_space<vmem>>
      %dma_start3A_620 = arith.constant 0 : i32
      %dma_start3A_621 = tpu.memref_slice %arg10[%add3A_616, %dma_start3A_620] : memref<64x128xi32, #tpu.memory_space<vmem>> -> memref<1x128xi32, #tpu.memory_space<vmem>>
      %dma_start3A_622 = tpu.memref_squeeze %dma_start3A_621 : memref<1x128xi32, #tpu.memory_space<vmem>> -> memref<128xi32, #tpu.memory_space<vmem>>
      %dma_start3A_623 = arith.constant 0 : i32
      %dma_start3A_624 = tpu.memref_slice %arg28[%dma_start3A_623] : memref<131072xf32, #tpu.memory_space<vmem_shared>> -> memref<131072xf32, #tpu.memory_space<vmem_shared>>
      tpu.enqueue_indirect_dma source(%dma_start3A_624 : memref<131072xf32, #tpu.memory_space<vmem_shared>>) target(%dma_start3A_619 : memref<128xf32, #tpu.memory_space<vmem>>) offsets(%dma_start3A_622 : memref<128xi32, #tpu.memory_space<vmem>>) semaphore(%arg34 : memref<!tpu.dma_semaphore, #tpu.memory_space<semaphore_mem>>)
      %dma_start3A_625 = tpu.memref_slice %arg15[%mul3A_618] : memref<8192xf32, #tpu.memory_space<vmem>> -> memref<128xf32, #tpu.memory_space<vmem>>
      %dma_start3A_626 = arith.constant 0 : i32
      %dma_start3A_627 = tpu.memref_slice %arg10[%add3A_616, %dma_start3A_626] : memref<64x128xi32, #tpu.memory_space<vmem>> -> memref<1x128xi32, #tpu.memory_space<vmem>>
      %dma_start3A_628 = tpu.memref_squeeze %dma_start3A_627 : memref<1x128xi32, #tpu.memory_space<vmem>> -> memref<128xi32, #tpu.memory_space<vmem>>
      %dma_start3A_629 = arith.constant 0 : i32
      %dma_start3A_630 = tpu.memref_slice %arg29[%dma_start3A_629] : memref<131072xf32, #tpu.memory_space<vmem_shared>> -> memref<131072xf32, #tpu.memory_space<vmem_shared>>
      tpu.enqueue_indirect_dma source(%dma_start3A_630 : memref<131072xf32, #tpu.memory_space<vmem_shared>>) target(%dma_start3A_625 : memref<128xf32, #tpu.memory_space<vmem>>) offsets(%dma_start3A_628 : memref<128xi32, #tpu.memory_space<vmem>>) semaphore(%arg34 : memref<!tpu.dma_semaphore, #tpu.memory_space<semaphore_mem>>)
      %mul3A_631 = arith.constant 16 : i32
      %mul3A_632 = arith.muli %scan3A_397, %mul3A_631 : i32
      %add3A_633 = arith.constant 13 : i32
      %add3A_634 = arith.addi %mul3A_632, %add3A_633 : i32
      %mul3A_635 = arith.constant 128 : i32
      %mul3A_636 = arith.muli %add3A_634, %mul3A_635 : i32
      %dma_start3A_637 = tpu.memref_slice %arg14[%mul3A_636] : memref<8192xf32, #tpu.memory_space<vmem>> -> memref<128xf32, #tpu.memory_space<vmem>>
      %dma_start3A_638 = arith.constant 0 : i32
      %dma_start3A_639 = tpu.memref_slice %arg10[%add3A_634, %dma_start3A_638] : memref<64x128xi32, #tpu.memory_space<vmem>> -> memref<1x128xi32, #tpu.memory_space<vmem>>
      %dma_start3A_640 = tpu.memref_squeeze %dma_start3A_639 : memref<1x128xi32, #tpu.memory_space<vmem>> -> memref<128xi32, #tpu.memory_space<vmem>>
      %dma_start3A_641 = arith.constant 0 : i32
      %dma_start3A_642 = tpu.memref_slice %arg28[%dma_start3A_641] : memref<131072xf32, #tpu.memory_space<vmem_shared>> -> memref<131072xf32, #tpu.memory_space<vmem_shared>>
      tpu.enqueue_indirect_dma source(%dma_start3A_642 : memref<131072xf32, #tpu.memory_space<vmem_shared>>) target(%dma_start3A_637 : memref<128xf32, #tpu.memory_space<vmem>>) offsets(%dma_start3A_640 : memref<128xi32, #tpu.memory_space<vmem>>) semaphore(%arg34 : memref<!tpu.dma_semaphore, #tpu.memory_space<semaphore_mem>>)
      %dma_start3A_643 = tpu.memref_slice %arg15[%mul3A_636] : memref<8192xf32, #tpu.memory_space<vmem>> -> memref<128xf32, #tpu.memory_space<vmem>>
      %dma_start3A_644 = arith.constant 0 : i32
      %dma_start3A_645 = tpu.memref_slice %arg10[%add3A_634, %dma_start3A_644] : memref<64x128xi32, #tpu.memory_space<vmem>> -> memref<1x128xi32, #tpu.memory_space<vmem>>
      %dma_start3A_646 = tpu.memref_squeeze %dma_start3A_645 : memref<1x128xi32, #tpu.memory_space<vmem>> -> memref<128xi32, #tpu.memory_space<vmem>>
      %dma_start3A_647 = arith.constant 0 : i32
      %dma_start3A_648 = tpu.memref_slice %arg29[%dma_start3A_647] : memref<131072xf32, #tpu.memory_space<vmem_shared>> -> memref<131072xf32, #tpu.memory_space<vmem_shared>>
      tpu.enqueue_indirect_dma source(%dma_start3A_648 : memref<131072xf32, #tpu.memory_space<vmem_shared>>) target(%dma_start3A_643 : memref<128xf32, #tpu.memory_space<vmem>>) offsets(%dma_start3A_646 : memref<128xi32, #tpu.memory_space<vmem>>) semaphore(%arg34 : memref<!tpu.dma_semaphore, #tpu.memory_space<semaphore_mem>>)
      %mul3A_649 = arith.constant 16 : i32
      %mul3A_650 = arith.muli %scan3A_397, %mul3A_649 : i32
      %add3A_651 = arith.constant 14 : i32
      %add3A_652 = arith.addi %mul3A_650, %add3A_651 : i32
      %mul3A_653 = arith.constant 128 : i32
      %mul3A_654 = arith.muli %add3A_652, %mul3A_653 : i32
      %dma_start3A_655 = tpu.memref_slice %arg14[%mul3A_654] : memref<8192xf32, #tpu.memory_space<vmem>> -> memref<128xf32, #tpu.memory_space<vmem>>
      %dma_start3A_656 = arith.constant 0 : i32
      %dma_start3A_657 = tpu.memref_slice %arg10[%add3A_652, %dma_start3A_656] : memref<64x128xi32, #tpu.memory_space<vmem>> -> memref<1x128xi32, #tpu.memory_space<vmem>>
      %dma_start3A_658 = tpu.memref_squeeze %dma_start3A_657 : memref<1x128xi32, #tpu.memory_space<vmem>> -> memref<128xi32, #tpu.memory_space<vmem>>
      %dma_start3A_659 = arith.constant 0 : i32
      %dma_start3A_660 = tpu.memref_slice %arg28[%dma_start3A_659] : memref<131072xf32, #tpu.memory_space<vmem_shared>> -> memref<131072xf32, #tpu.memory_space<vmem_shared>>
      tpu.enqueue_indirect_dma source(%dma_start3A_660 : memref<131072xf32, #tpu.memory_space<vmem_shared>>) target(%dma_start3A_655 : memref<128xf32, #tpu.memory_space<vmem>>) offsets(%dma_start3A_658 : memref<128xi32, #tpu.memory_space<vmem>>) semaphore(%arg34 : memref<!tpu.dma_semaphore, #tpu.memory_space<semaphore_mem>>)
      %dma_start3A_661 = tpu.memref_slice %arg15[%mul3A_654] : memref<8192xf32, #tpu.memory_space<vmem>> -> memref<128xf32, #tpu.memory_space<vmem>>
      %dma_start3A_662 = arith.constant 0 : i32
      %dma_start3A_663 = tpu.memref_slice %arg10[%add3A_652, %dma_start3A_662] : memref<64x128xi32, #tpu.memory_space<vmem>> -> memref<1x128xi32, #tpu.memory_space<vmem>>
      %dma_start3A_664 = tpu.memref_squeeze %dma_start3A_663 : memref<1x128xi32, #tpu.memory_space<vmem>> -> memref<128xi32, #tpu.memory_space<vmem>>
      %dma_start3A_665 = arith.constant 0 : i32
      %dma_start3A_666 = tpu.memref_slice %arg29[%dma_start3A_665] : memref<131072xf32, #tpu.memory_space<vmem_shared>> -> memref<131072xf32, #tpu.memory_space<vmem_shared>>
      tpu.enqueue_indirect_dma source(%dma_start3A_666 : memref<131072xf32, #tpu.memory_space<vmem_shared>>) target(%dma_start3A_661 : memref<128xf32, #tpu.memory_space<vmem>>) offsets(%dma_start3A_664 : memref<128xi32, #tpu.memory_space<vmem>>) semaphore(%arg34 : memref<!tpu.dma_semaphore, #tpu.memory_space<semaphore_mem>>)
      %mul3A_667 = arith.constant 16 : i32
      %mul3A_668 = arith.muli %scan3A_397, %mul3A_667 : i32
      %add3A_669 = arith.constant 15 : i32
      %add3A_670 = arith.addi %mul3A_668, %add3A_669 : i32
      %mul3A_671 = arith.constant 128 : i32
      %mul3A_672 = arith.muli %add3A_670, %mul3A_671 : i32
      %dma_start3A_673 = tpu.memref_slice %arg14[%mul3A_672] : memref<8192xf32, #tpu.memory_space<vmem>> -> memref<128xf32, #tpu.memory_space<vmem>>
      %dma_start3A_674 = arith.constant 0 : i32
      %dma_start3A_675 = tpu.memref_slice %arg10[%add3A_670, %dma_start3A_674] : memref<64x128xi32, #tpu.memory_space<vmem>> -> memref<1x128xi32, #tpu.memory_space<vmem>>
      %dma_start3A_676 = tpu.memref_squeeze %dma_start3A_675 : memref<1x128xi32, #tpu.memory_space<vmem>> -> memref<128xi32, #tpu.memory_space<vmem>>
      %dma_start3A_677 = arith.constant 0 : i32
      %dma_start3A_678 = tpu.memref_slice %arg28[%dma_start3A_677] : memref<131072xf32, #tpu.memory_space<vmem_shared>> -> memref<131072xf32, #tpu.memory_space<vmem_shared>>
      tpu.enqueue_indirect_dma source(%dma_start3A_678 : memref<131072xf32, #tpu.memory_space<vmem_shared>>) target(%dma_start3A_673 : memref<128xf32, #tpu.memory_space<vmem>>) offsets(%dma_start3A_676 : memref<128xi32, #tpu.memory_space<vmem>>) semaphore(%arg34 : memref<!tpu.dma_semaphore, #tpu.memory_space<semaphore_mem>>)
      %dma_start3A_679 = tpu.memref_slice %arg15[%mul3A_672] : memref<8192xf32, #tpu.memory_space<vmem>> -> memref<128xf32, #tpu.memory_space<vmem>>
      %dma_start3A_680 = arith.constant 0 : i32
      %dma_start3A_681 = tpu.memref_slice %arg10[%add3A_670, %dma_start3A_680] : memref<64x128xi32, #tpu.memory_space<vmem>> -> memref<1x128xi32, #tpu.memory_space<vmem>>
      %dma_start3A_682 = tpu.memref_squeeze %dma_start3A_681 : memref<1x128xi32, #tpu.memory_space<vmem>> -> memref<128xi32, #tpu.memory_space<vmem>>
      %dma_start3A_683 = arith.constant 0 : i32
      %dma_start3A_684 = tpu.memref_slice %arg29[%dma_start3A_683] : memref<131072xf32, #tpu.memory_space<vmem_shared>> -> memref<131072xf32, #tpu.memory_space<vmem_shared>>
      tpu.enqueue_indirect_dma source(%dma_start3A_684 : memref<131072xf32, #tpu.memory_space<vmem_shared>>) target(%dma_start3A_679 : memref<128xf32, #tpu.memory_space<vmem>>) offsets(%dma_start3A_682 : memref<128xi32, #tpu.memory_space<vmem>>) semaphore(%arg34 : memref<!tpu.dma_semaphore, #tpu.memory_space<semaphore_mem>>)
      %dma_wait3A = tpu.memref_slice %arg14[%mul3A_403] : memref<8192xf32, #tpu.memory_space<vmem>> -> memref<128xf32, #tpu.memory_space<vmem>>
      %dma_wait3A_685 = arith.constant 0 : i32
      %dma_wait3A_686 = tpu.memref_slice %arg10[%add3A_401, %dma_wait3A_685] : memref<64x128xi32, #tpu.memory_space<vmem>> -> memref<1x128xi32, #tpu.memory_space<vmem>>
      %dma_wait3A_687 = tpu.memref_squeeze %dma_wait3A_686 : memref<1x128xi32, #tpu.memory_space<vmem>> -> memref<128xi32, #tpu.memory_space<vmem>>
      %dma_wait3A_688 = arith.constant 0 : i32
      %dma_wait3A_689 = tpu.memref_slice %arg28[%dma_wait3A_688] : memref<131072xf32, #tpu.memory_space<vmem_shared>> -> memref<131072xf32, #tpu.memory_space<vmem_shared>>
      tpu.wait_indirect_dma semaphore(%arg34 : memref<!tpu.dma_semaphore, #tpu.memory_space<semaphore_mem>>) src(%dma_wait3A_689 : memref<131072xf32, #tpu.memory_space<vmem_shared>>) dst(%dma_wait3A : memref<128xf32, #tpu.memory_space<vmem>>)
      %dma_wait3A_690 = tpu.memref_slice %arg15[%mul3A_403] : memref<8192xf32, #tpu.memory_space<vmem>> -> memref<128xf32, #tpu.memory_space<vmem>>
      %dma_wait3A_691 = arith.constant 0 : i32
      %dma_wait3A_692 = tpu.memref_slice %arg10[%add3A_401, %dma_wait3A_691] : memref<64x128xi32, #tpu.memory_space<vmem>> -> memref<1x128xi32, #tpu.memory_space<vmem>>
      %dma_wait3A_693 = tpu.memref_squeeze %dma_wait3A_692 : memref<1x128xi32, #tpu.memory_space<vmem>> -> memref<128xi32, #tpu.memory_space<vmem>>
      %dma_wait3A_694 = arith.constant 0 : i32
      %dma_wait3A_695 = tpu.memref_slice %arg29[%dma_wait3A_694] : memref<131072xf32, #tpu.memory_space<vmem_shared>> -> memref<131072xf32, #tpu.memory_space<vmem_shared>>
      tpu.wait_indirect_dma semaphore(%arg34 : memref<!tpu.dma_semaphore, #tpu.memory_space<semaphore_mem>>) src(%dma_wait3A_695 : memref<131072xf32, #tpu.memory_space<vmem_shared>>) dst(%dma_wait3A_690 : memref<128xf32, #tpu.memory_space<vmem>>)
      %dma_wait3A_696 = tpu.memref_slice %arg14[%mul3A_420] : memref<8192xf32, #tpu.memory_space<vmem>> -> memref<128xf32, #tpu.memory_space<vmem>>
      %dma_wait3A_697 = arith.constant 0 : i32
      %dma_wait3A_698 = tpu.memref_slice %arg10[%add3A_418, %dma_wait3A_697] : memref<64x128xi32, #tpu.memory_space<vmem>> -> memref<1x128xi32, #tpu.memory_space<vmem>>
      %dma_wait3A_699 = tpu.memref_squeeze %dma_wait3A_698 : memref<1x128xi32, #tpu.memory_space<vmem>> -> memref<128xi32, #tpu.memory_space<vmem>>
      %dma_wait3A_700 = arith.constant 0 : i32
      %dma_wait3A_701 = tpu.memref_slice %arg28[%dma_wait3A_700] : memref<131072xf32, #tpu.memory_space<vmem_shared>> -> memref<131072xf32, #tpu.memory_space<vmem_shared>>
      tpu.wait_indirect_dma semaphore(%arg34 : memref<!tpu.dma_semaphore, #tpu.memory_space<semaphore_mem>>) src(%dma_wait3A_701 : memref<131072xf32, #tpu.memory_space<vmem_shared>>) dst(%dma_wait3A_696 : memref<128xf32, #tpu.memory_space<vmem>>)
      %dma_wait3A_702 = tpu.memref_slice %arg15[%mul3A_420] : memref<8192xf32, #tpu.memory_space<vmem>> -> memref<128xf32, #tpu.memory_space<vmem>>
      %dma_wait3A_703 = arith.constant 0 : i32
      %dma_wait3A_704 = tpu.memref_slice %arg10[%add3A_418, %dma_wait3A_703] : memref<64x128xi32, #tpu.memory_space<vmem>> -> memref<1x128xi32, #tpu.memory_space<vmem>>
      %dma_wait3A_705 = tpu.memref_squeeze %dma_wait3A_704 : memref<1x128xi32, #tpu.memory_space<vmem>> -> memref<128xi32, #tpu.memory_space<vmem>>
      %dma_wait3A_706 = arith.constant 0 : i32
      %dma_wait3A_707 = tpu.memref_slice %arg29[%dma_wait3A_706] : memref<131072xf32, #tpu.memory_space<vmem_shared>> -> memref<131072xf32, #tpu.memory_space<vmem_shared>>
      tpu.wait_indirect_dma semaphore(%arg34 : memref<!tpu.dma_semaphore, #tpu.memory_space<semaphore_mem>>) src(%dma_wait3A_707 : memref<131072xf32, #tpu.memory_space<vmem_shared>>) dst(%dma_wait3A_702 : memref<128xf32, #tpu.memory_space<vmem>>)
      %dma_wait3A_708 = tpu.memref_slice %arg14[%mul3A_438] : memref<8192xf32, #tpu.memory_space<vmem>> -> memref<128xf32, #tpu.memory_space<vmem>>
      %dma_wait3A_709 = arith.constant 0 : i32
      %dma_wait3A_710 = tpu.memref_slice %arg10[%add3A_436, %dma_wait3A_709] : memref<64x128xi32, #tpu.memory_space<vmem>> -> memref<1x128xi32, #tpu.memory_space<vmem>>
      %dma_wait3A_711 = tpu.memref_squeeze %dma_wait3A_710 : memref<1x128xi32, #tpu.memory_space<vmem>> -> memref<128xi32, #tpu.memory_space<vmem>>
      %dma_wait3A_712 = arith.constant 0 : i32
      %dma_wait3A_713 = tpu.memref_slice %arg28[%dma_wait3A_712] : memref<131072xf32, #tpu.memory_space<vmem_shared>> -> memref<131072xf32, #tpu.memory_space<vmem_shared>>
      tpu.wait_indirect_dma semaphore(%arg34 : memref<!tpu.dma_semaphore, #tpu.memory_space<semaphore_mem>>) src(%dma_wait3A_713 : memref<131072xf32, #tpu.memory_space<vmem_shared>>) dst(%dma_wait3A_708 : memref<128xf32, #tpu.memory_space<vmem>>)
      %dma_wait3A_714 = tpu.memref_slice %arg15[%mul3A_438] : memref<8192xf32, #tpu.memory_space<vmem>> -> memref<128xf32, #tpu.memory_space<vmem>>
      %dma_wait3A_715 = arith.constant 0 : i32
      %dma_wait3A_716 = tpu.memref_slice %arg10[%add3A_436, %dma_wait3A_715] : memref<64x128xi32, #tpu.memory_space<vmem>> -> memref<1x128xi32, #tpu.memory_space<vmem>>
      %dma_wait3A_717 = tpu.memref_squeeze %dma_wait3A_716 : memref<1x128xi32, #tpu.memory_space<vmem>> -> memref<128xi32, #tpu.memory_space<vmem>>
      %dma_wait3A_718 = arith.constant 0 : i32
      %dma_wait3A_719 = tpu.memref_slice %arg29[%dma_wait3A_718] : memref<131072xf32, #tpu.memory_space<vmem_shared>> -> memref<131072xf32, #tpu.memory_space<vmem_shared>>
      tpu.wait_indirect_dma semaphore(%arg34 : memref<!tpu.dma_semaphore, #tpu.memory_space<semaphore_mem>>) src(%dma_wait3A_719 : memref<131072xf32, #tpu.memory_space<vmem_shared>>) dst(%dma_wait3A_714 : memref<128xf32, #tpu.memory_space<vmem>>)
      %dma_wait3A_720 = tpu.memref_slice %arg14[%mul3A_456] : memref<8192xf32, #tpu.memory_space<vmem>> -> memref<128xf32, #tpu.memory_space<vmem>>
      %dma_wait3A_721 = arith.constant 0 : i32
      %dma_wait3A_722 = tpu.memref_slice %arg10[%add3A_454, %dma_wait3A_721] : memref<64x128xi32, #tpu.memory_space<vmem>> -> memref<1x128xi32, #tpu.memory_space<vmem>>
      %dma_wait3A_723 = tpu.memref_squeeze %dma_wait3A_722 : memref<1x128xi32, #tpu.memory_space<vmem>> -> memref<128xi32, #tpu.memory_space<vmem>>
      %dma_wait3A_724 = arith.constant 0 : i32
      %dma_wait3A_725 = tpu.memref_slice %arg28[%dma_wait3A_724] : memref<131072xf32, #tpu.memory_space<vmem_shared>> -> memref<131072xf32, #tpu.memory_space<vmem_shared>>
      tpu.wait_indirect_dma semaphore(%arg34 : memref<!tpu.dma_semaphore, #tpu.memory_space<semaphore_mem>>) src(%dma_wait3A_725 : memref<131072xf32, #tpu.memory_space<vmem_shared>>) dst(%dma_wait3A_720 : memref<128xf32, #tpu.memory_space<vmem>>)
      %dma_wait3A_726 = tpu.memref_slice %arg15[%mul3A_456] : memref<8192xf32, #tpu.memory_space<vmem>> -> memref<128xf32, #tpu.memory_space<vmem>>
      %dma_wait3A_727 = arith.constant 0 : i32
      %dma_wait3A_728 = tpu.memref_slice %arg10[%add3A_454, %dma_wait3A_727] : memref<64x128xi32, #tpu.memory_space<vmem>> -> memref<1x128xi32, #tpu.memory_space<vmem>>
      %dma_wait3A_729 = tpu.memref_squeeze %dma_wait3A_728 : memref<1x128xi32, #tpu.memory_space<vmem>> -> memref<128xi32, #tpu.memory_space<vmem>>
      %dma_wait3A_730 = arith.constant 0 : i32
      %dma_wait3A_731 = tpu.memref_slice %arg29[%dma_wait3A_730] : memref<131072xf32, #tpu.memory_space<vmem_shared>> -> memref<131072xf32, #tpu.memory_space<vmem_shared>>
      tpu.wait_indirect_dma semaphore(%arg34 : memref<!tpu.dma_semaphore, #tpu.memory_space<semaphore_mem>>) src(%dma_wait3A_731 : memref<131072xf32, #tpu.memory_space<vmem_shared>>) dst(%dma_wait3A_726 : memref<128xf32, #tpu.memory_space<vmem>>)
      %dma_wait3A_732 = tpu.memref_slice %arg14[%mul3A_474] : memref<8192xf32, #tpu.memory_space<vmem>> -> memref<128xf32, #tpu.memory_space<vmem>>
      %dma_wait3A_733 = arith.constant 0 : i32
      %dma_wait3A_734 = tpu.memref_slice %arg10[%add3A_472, %dma_wait3A_733] : memref<64x128xi32, #tpu.memory_space<vmem>> -> memref<1x128xi32, #tpu.memory_space<vmem>>
      %dma_wait3A_735 = tpu.memref_squeeze %dma_wait3A_734 : memref<1x128xi32, #tpu.memory_space<vmem>> -> memref<128xi32, #tpu.memory_space<vmem>>
      %dma_wait3A_736 = arith.constant 0 : i32
      %dma_wait3A_737 = tpu.memref_slice %arg28[%dma_wait3A_736] : memref<131072xf32, #tpu.memory_space<vmem_shared>> -> memref<131072xf32, #tpu.memory_space<vmem_shared>>
      tpu.wait_indirect_dma semaphore(%arg34 : memref<!tpu.dma_semaphore, #tpu.memory_space<semaphore_mem>>) src(%dma_wait3A_737 : memref<131072xf32, #tpu.memory_space<vmem_shared>>) dst(%dma_wait3A_732 : memref<128xf32, #tpu.memory_space<vmem>>)
      %dma_wait3A_738 = tpu.memref_slice %arg15[%mul3A_474] : memref<8192xf32, #tpu.memory_space<vmem>> -> memref<128xf32, #tpu.memory_space<vmem>>
      %dma_wait3A_739 = arith.constant 0 : i32
      %dma_wait3A_740 = tpu.memref_slice %arg10[%add3A_472, %dma_wait3A_739] : memref<64x128xi32, #tpu.memory_space<vmem>> -> memref<1x128xi32, #tpu.memory_space<vmem>>
      %dma_wait3A_741 = tpu.memref_squeeze %dma_wait3A_740 : memref<1x128xi32, #tpu.memory_space<vmem>> -> memref<128xi32, #tpu.memory_space<vmem>>
      %dma_wait3A_742 = arith.constant 0 : i32
      %dma_wait3A_743 = tpu.memref_slice %arg29[%dma_wait3A_742] : memref<131072xf32, #tpu.memory_space<vmem_shared>> -> memref<131072xf32, #tpu.memory_space<vmem_shared>>
      tpu.wait_indirect_dma semaphore(%arg34 : memref<!tpu.dma_semaphore, #tpu.memory_space<semaphore_mem>>) src(%dma_wait3A_743 : memref<131072xf32, #tpu.memory_space<vmem_shared>>) dst(%dma_wait3A_738 : memref<128xf32, #tpu.memory_space<vmem>>)
      %dma_wait3A_744 = tpu.memref_slice %arg14[%mul3A_492] : memref<8192xf32, #tpu.memory_space<vmem>> -> memref<128xf32, #tpu.memory_space<vmem>>
      %dma_wait3A_745 = arith.constant 0 : i32
      %dma_wait3A_746 = tpu.memref_slice %arg10[%add3A_490, %dma_wait3A_745] : memref<64x128xi32, #tpu.memory_space<vmem>> -> memref<1x128xi32, #tpu.memory_space<vmem>>
      %dma_wait3A_747 = tpu.memref_squeeze %dma_wait3A_746 : memref<1x128xi32, #tpu.memory_space<vmem>> -> memref<128xi32, #tpu.memory_space<vmem>>
      %dma_wait3A_748 = arith.constant 0 : i32
      %dma_wait3A_749 = tpu.memref_slice %arg28[%dma_wait3A_748] : memref<131072xf32, #tpu.memory_space<vmem_shared>> -> memref<131072xf32, #tpu.memory_space<vmem_shared>>
      tpu.wait_indirect_dma semaphore(%arg34 : memref<!tpu.dma_semaphore, #tpu.memory_space<semaphore_mem>>) src(%dma_wait3A_749 : memref<131072xf32, #tpu.memory_space<vmem_shared>>) dst(%dma_wait3A_744 : memref<128xf32, #tpu.memory_space<vmem>>)
      %dma_wait3A_750 = tpu.memref_slice %arg15[%mul3A_492] : memref<8192xf32, #tpu.memory_space<vmem>> -> memref<128xf32, #tpu.memory_space<vmem>>
      %dma_wait3A_751 = arith.constant 0 : i32
      %dma_wait3A_752 = tpu.memref_slice %arg10[%add3A_490, %dma_wait3A_751] : memref<64x128xi32, #tpu.memory_space<vmem>> -> memref<1x128xi32, #tpu.memory_space<vmem>>
      %dma_wait3A_753 = tpu.memref_squeeze %dma_wait3A_752 : memref<1x128xi32, #tpu.memory_space<vmem>> -> memref<128xi32, #tpu.memory_space<vmem>>
      %dma_wait3A_754 = arith.constant 0 : i32
      %dma_wait3A_755 = tpu.memref_slice %arg29[%dma_wait3A_754] : memref<131072xf32, #tpu.memory_space<vmem_shared>> -> memref<131072xf32, #tpu.memory_space<vmem_shared>>
      tpu.wait_indirect_dma semaphore(%arg34 : memref<!tpu.dma_semaphore, #tpu.memory_space<semaphore_mem>>) src(%dma_wait3A_755 : memref<131072xf32, #tpu.memory_space<vmem_shared>>) dst(%dma_wait3A_750 : memref<128xf32, #tpu.memory_space<vmem>>)
      %dma_wait3A_756 = tpu.memref_slice %arg14[%mul3A_510] : memref<8192xf32, #tpu.memory_space<vmem>> -> memref<128xf32, #tpu.memory_space<vmem>>
      %dma_wait3A_757 = arith.constant 0 : i32
      %dma_wait3A_758 = tpu.memref_slice %arg10[%add3A_508, %dma_wait3A_757] : memref<64x128xi32, #tpu.memory_space<vmem>> -> memref<1x128xi32, #tpu.memory_space<vmem>>
      %dma_wait3A_759 = tpu.memref_squeeze %dma_wait3A_758 : memref<1x128xi32, #tpu.memory_space<vmem>> -> memref<128xi32, #tpu.memory_space<vmem>>
      %dma_wait3A_760 = arith.constant 0 : i32
      %dma_wait3A_761 = tpu.memref_slice %arg28[%dma_wait3A_760] : memref<131072xf32, #tpu.memory_space<vmem_shared>> -> memref<131072xf32, #tpu.memory_space<vmem_shared>>
      tpu.wait_indirect_dma semaphore(%arg34 : memref<!tpu.dma_semaphore, #tpu.memory_space<semaphore_mem>>) src(%dma_wait3A_761 : memref<131072xf32, #tpu.memory_space<vmem_shared>>) dst(%dma_wait3A_756 : memref<128xf32, #tpu.memory_space<vmem>>)
      %dma_wait3A_762 = tpu.memref_slice %arg15[%mul3A_510] : memref<8192xf32, #tpu.memory_space<vmem>> -> memref<128xf32, #tpu.memory_space<vmem>>
      %dma_wait3A_763 = arith.constant 0 : i32
      %dma_wait3A_764 = tpu.memref_slice %arg10[%add3A_508, %dma_wait3A_763] : memref<64x128xi32, #tpu.memory_space<vmem>> -> memref<1x128xi32, #tpu.memory_space<vmem>>
      %dma_wait3A_765 = tpu.memref_squeeze %dma_wait3A_764 : memref<1x128xi32, #tpu.memory_space<vmem>> -> memref<128xi32, #tpu.memory_space<vmem>>
      %dma_wait3A_766 = arith.constant 0 : i32
      %dma_wait3A_767 = tpu.memref_slice %arg29[%dma_wait3A_766] : memref<131072xf32, #tpu.memory_space<vmem_shared>> -> memref<131072xf32, #tpu.memory_space<vmem_shared>>
      tpu.wait_indirect_dma semaphore(%arg34 : memref<!tpu.dma_semaphore, #tpu.memory_space<semaphore_mem>>) src(%dma_wait3A_767 : memref<131072xf32, #tpu.memory_space<vmem_shared>>) dst(%dma_wait3A_762 : memref<128xf32, #tpu.memory_space<vmem>>)
      %dma_wait3A_768 = tpu.memref_slice %arg14[%mul3A_528] : memref<8192xf32, #tpu.memory_space<vmem>> -> memref<128xf32, #tpu.memory_space<vmem>>
      %dma_wait3A_769 = arith.constant 0 : i32
      %dma_wait3A_770 = tpu.memref_slice %arg10[%add3A_526, %dma_wait3A_769] : memref<64x128xi32, #tpu.memory_space<vmem>> -> memref<1x128xi32, #tpu.memory_space<vmem>>
      %dma_wait3A_771 = tpu.memref_squeeze %dma_wait3A_770 : memref<1x128xi32, #tpu.memory_space<vmem>> -> memref<128xi32, #tpu.memory_space<vmem>>
      %dma_wait3A_772 = arith.constant 0 : i32
      %dma_wait3A_773 = tpu.memref_slice %arg28[%dma_wait3A_772] : memref<131072xf32, #tpu.memory_space<vmem_shared>> -> memref<131072xf32, #tpu.memory_space<vmem_shared>>
      tpu.wait_indirect_dma semaphore(%arg34 : memref<!tpu.dma_semaphore, #tpu.memory_space<semaphore_mem>>) src(%dma_wait3A_773 : memref<131072xf32, #tpu.memory_space<vmem_shared>>) dst(%dma_wait3A_768 : memref<128xf32, #tpu.memory_space<vmem>>)
      %dma_wait3A_774 = tpu.memref_slice %arg15[%mul3A_528] : memref<8192xf32, #tpu.memory_space<vmem>> -> memref<128xf32, #tpu.memory_space<vmem>>
      %dma_wait3A_775 = arith.constant 0 : i32
      %dma_wait3A_776 = tpu.memref_slice %arg10[%add3A_526, %dma_wait3A_775] : memref<64x128xi32, #tpu.memory_space<vmem>> -> memref<1x128xi32, #tpu.memory_space<vmem>>
      %dma_wait3A_777 = tpu.memref_squeeze %dma_wait3A_776 : memref<1x128xi32, #tpu.memory_space<vmem>> -> memref<128xi32, #tpu.memory_space<vmem>>
      %dma_wait3A_778 = arith.constant 0 : i32
      %dma_wait3A_779 = tpu.memref_slice %arg29[%dma_wait3A_778] : memref<131072xf32, #tpu.memory_space<vmem_shared>> -> memref<131072xf32, #tpu.memory_space<vmem_shared>>
      tpu.wait_indirect_dma semaphore(%arg34 : memref<!tpu.dma_semaphore, #tpu.memory_space<semaphore_mem>>) src(%dma_wait3A_779 : memref<131072xf32, #tpu.memory_space<vmem_shared>>) dst(%dma_wait3A_774 : memref<128xf32, #tpu.memory_space<vmem>>)
      %dma_wait3A_780 = tpu.memref_slice %arg14[%mul3A_546] : memref<8192xf32, #tpu.memory_space<vmem>> -> memref<128xf32, #tpu.memory_space<vmem>>
      %dma_wait3A_781 = arith.constant 0 : i32
      %dma_wait3A_782 = tpu.memref_slice %arg10[%add3A_544, %dma_wait3A_781] : memref<64x128xi32, #tpu.memory_space<vmem>> -> memref<1x128xi32, #tpu.memory_space<vmem>>
      %dma_wait3A_783 = tpu.memref_squeeze %dma_wait3A_782 : memref<1x128xi32, #tpu.memory_space<vmem>> -> memref<128xi32, #tpu.memory_space<vmem>>
      %dma_wait3A_784 = arith.constant 0 : i32
      %dma_wait3A_785 = tpu.memref_slice %arg28[%dma_wait3A_784] : memref<131072xf32, #tpu.memory_space<vmem_shared>> -> memref<131072xf32, #tpu.memory_space<vmem_shared>>
      tpu.wait_indirect_dma semaphore(%arg34 : memref<!tpu.dma_semaphore, #tpu.memory_space<semaphore_mem>>) src(%dma_wait3A_785 : memref<131072xf32, #tpu.memory_space<vmem_shared>>) dst(%dma_wait3A_780 : memref<128xf32, #tpu.memory_space<vmem>>)
      %dma_wait3A_786 = tpu.memref_slice %arg15[%mul3A_546] : memref<8192xf32, #tpu.memory_space<vmem>> -> memref<128xf32, #tpu.memory_space<vmem>>
      %dma_wait3A_787 = arith.constant 0 : i32
      %dma_wait3A_788 = tpu.memref_slice %arg10[%add3A_544, %dma_wait3A_787] : memref<64x128xi32, #tpu.memory_space<vmem>> -> memref<1x128xi32, #tpu.memory_space<vmem>>
      %dma_wait3A_789 = tpu.memref_squeeze %dma_wait3A_788 : memref<1x128xi32, #tpu.memory_space<vmem>> -> memref<128xi32, #tpu.memory_space<vmem>>
      %dma_wait3A_790 = arith.constant 0 : i32
      %dma_wait3A_791 = tpu.memref_slice %arg29[%dma_wait3A_790] : memref<131072xf32, #tpu.memory_space<vmem_shared>> -> memref<131072xf32, #tpu.memory_space<vmem_shared>>
      tpu.wait_indirect_dma semaphore(%arg34 : memref<!tpu.dma_semaphore, #tpu.memory_space<semaphore_mem>>) src(%dma_wait3A_791 : memref<131072xf32, #tpu.memory_space<vmem_shared>>) dst(%dma_wait3A_786 : memref<128xf32, #tpu.memory_space<vmem>>)
      %dma_wait3A_792 = tpu.memref_slice %arg14[%mul3A_564] : memref<8192xf32, #tpu.memory_space<vmem>> -> memref<128xf32, #tpu.memory_space<vmem>>
      %dma_wait3A_793 = arith.constant 0 : i32
      %dma_wait3A_794 = tpu.memref_slice %arg10[%add3A_562, %dma_wait3A_793] : memref<64x128xi32, #tpu.memory_space<vmem>> -> memref<1x128xi32, #tpu.memory_space<vmem>>
      %dma_wait3A_795 = tpu.memref_squeeze %dma_wait3A_794 : memref<1x128xi32, #tpu.memory_space<vmem>> -> memref<128xi32, #tpu.memory_space<vmem>>
      %dma_wait3A_796 = arith.constant 0 : i32
      %dma_wait3A_797 = tpu.memref_slice %arg28[%dma_wait3A_796] : memref<131072xf32, #tpu.memory_space<vmem_shared>> -> memref<131072xf32, #tpu.memory_space<vmem_shared>>
      tpu.wait_indirect_dma semaphore(%arg34 : memref<!tpu.dma_semaphore, #tpu.memory_space<semaphore_mem>>) src(%dma_wait3A_797 : memref<131072xf32, #tpu.memory_space<vmem_shared>>) dst(%dma_wait3A_792 : memref<128xf32, #tpu.memory_space<vmem>>)
      %dma_wait3A_798 = tpu.memref_slice %arg15[%mul3A_564] : memref<8192xf32, #tpu.memory_space<vmem>> -> memref<128xf32, #tpu.memory_space<vmem>>
      %dma_wait3A_799 = arith.constant 0 : i32
      %dma_wait3A_800 = tpu.memref_slice %arg10[%add3A_562, %dma_wait3A_799] : memref<64x128xi32, #tpu.memory_space<vmem>> -> memref<1x128xi32, #tpu.memory_space<vmem>>
      %dma_wait3A_801 = tpu.memref_squeeze %dma_wait3A_800 : memref<1x128xi32, #tpu.memory_space<vmem>> -> memref<128xi32, #tpu.memory_space<vmem>>
      %dma_wait3A_802 = arith.constant 0 : i32
      %dma_wait3A_803 = tpu.memref_slice %arg29[%dma_wait3A_802] : memref<131072xf32, #tpu.memory_space<vmem_shared>> -> memref<131072xf32, #tpu.memory_space<vmem_shared>>
      tpu.wait_indirect_dma semaphore(%arg34 : memref<!tpu.dma_semaphore, #tpu.memory_space<semaphore_mem>>) src(%dma_wait3A_803 : memref<131072xf32, #tpu.memory_space<vmem_shared>>) dst(%dma_wait3A_798 : memref<128xf32, #tpu.memory_space<vmem>>)
      %dma_wait3A_804 = tpu.memref_slice %arg14[%mul3A_582] : memref<8192xf32, #tpu.memory_space<vmem>> -> memref<128xf32, #tpu.memory_space<vmem>>
      %dma_wait3A_805 = arith.constant 0 : i32
      %dma_wait3A_806 = tpu.memref_slice %arg10[%add3A_580, %dma_wait3A_805] : memref<64x128xi32, #tpu.memory_space<vmem>> -> memref<1x128xi32, #tpu.memory_space<vmem>>
      %dma_wait3A_807 = tpu.memref_squeeze %dma_wait3A_806 : memref<1x128xi32, #tpu.memory_space<vmem>> -> memref<128xi32, #tpu.memory_space<vmem>>
      %dma_wait3A_808 = arith.constant 0 : i32
      %dma_wait3A_809 = tpu.memref_slice %arg28[%dma_wait3A_808] : memref<131072xf32, #tpu.memory_space<vmem_shared>> -> memref<131072xf32, #tpu.memory_space<vmem_shared>>
      tpu.wait_indirect_dma semaphore(%arg34 : memref<!tpu.dma_semaphore, #tpu.memory_space<semaphore_mem>>) src(%dma_wait3A_809 : memref<131072xf32, #tpu.memory_space<vmem_shared>>) dst(%dma_wait3A_804 : memref<128xf32, #tpu.memory_space<vmem>>)
      %dma_wait3A_810 = tpu.memref_slice %arg15[%mul3A_582] : memref<8192xf32, #tpu.memory_space<vmem>> -> memref<128xf32, #tpu.memory_space<vmem>>
      %dma_wait3A_811 = arith.constant 0 : i32
      %dma_wait3A_812 = tpu.memref_slice %arg10[%add3A_580, %dma_wait3A_811] : memref<64x128xi32, #tpu.memory_space<vmem>> -> memref<1x128xi32, #tpu.memory_space<vmem>>
      %dma_wait3A_813 = tpu.memref_squeeze %dma_wait3A_812 : memref<1x128xi32, #tpu.memory_space<vmem>> -> memref<128xi32, #tpu.memory_space<vmem>>
      %dma_wait3A_814 = arith.constant 0 : i32
      %dma_wait3A_815 = tpu.memref_slice %arg29[%dma_wait3A_814] : memref<131072xf32, #tpu.memory_space<vmem_shared>> -> memref<131072xf32, #tpu.memory_space<vmem_shared>>
      tpu.wait_indirect_dma semaphore(%arg34 : memref<!tpu.dma_semaphore, #tpu.memory_space<semaphore_mem>>) src(%dma_wait3A_815 : memref<131072xf32, #tpu.memory_space<vmem_shared>>) dst(%dma_wait3A_810 : memref<128xf32, #tpu.memory_space<vmem>>)
      %dma_wait3A_816 = tpu.memref_slice %arg14[%mul3A_600] : memref<8192xf32, #tpu.memory_space<vmem>> -> memref<128xf32, #tpu.memory_space<vmem>>
      %dma_wait3A_817 = arith.constant 0 : i32
      %dma_wait3A_818 = tpu.memref_slice %arg10[%add3A_598, %dma_wait3A_817] : memref<64x128xi32, #tpu.memory_space<vmem>> -> memref<1x128xi32, #tpu.memory_space<vmem>>
      %dma_wait3A_819 = tpu.memref_squeeze %dma_wait3A_818 : memref<1x128xi32, #tpu.memory_space<vmem>> -> memref<128xi32, #tpu.memory_space<vmem>>
      %dma_wait3A_820 = arith.constant 0 : i32
      %dma_wait3A_821 = tpu.memref_slice %arg28[%dma_wait3A_820] : memref<131072xf32, #tpu.memory_space<vmem_shared>> -> memref<131072xf32, #tpu.memory_space<vmem_shared>>
      tpu.wait_indirect_dma semaphore(%arg34 : memref<!tpu.dma_semaphore, #tpu.memory_space<semaphore_mem>>) src(%dma_wait3A_821 : memref<131072xf32, #tpu.memory_space<vmem_shared>>) dst(%dma_wait3A_816 : memref<128xf32, #tpu.memory_space<vmem>>)
      %dma_wait3A_822 = tpu.memref_slice %arg15[%mul3A_600] : memref<8192xf32, #tpu.memory_space<vmem>> -> memref<128xf32, #tpu.memory_space<vmem>>
      %dma_wait3A_823 = arith.constant 0 : i32
      %dma_wait3A_824 = tpu.memref_slice %arg10[%add3A_598, %dma_wait3A_823] : memref<64x128xi32, #tpu.memory_space<vmem>> -> memref<1x128xi32, #tpu.memory_space<vmem>>
      %dma_wait3A_825 = tpu.memref_squeeze %dma_wait3A_824 : memref<1x128xi32, #tpu.memory_space<vmem>> -> memref<128xi32, #tpu.memory_space<vmem>>
      %dma_wait3A_826 = arith.constant 0 : i32
      %dma_wait3A_827 = tpu.memref_slice %arg29[%dma_wait3A_826] : memref<131072xf32, #tpu.memory_space<vmem_shared>> -> memref<131072xf32, #tpu.memory_space<vmem_shared>>
      tpu.wait_indirect_dma semaphore(%arg34 : memref<!tpu.dma_semaphore, #tpu.memory_space<semaphore_mem>>) src(%dma_wait3A_827 : memref<131072xf32, #tpu.memory_space<vmem_shared>>) dst(%dma_wait3A_822 : memref<128xf32, #tpu.memory_space<vmem>>)
      %dma_wait3A_828 = tpu.memref_slice %arg14[%mul3A_618] : memref<8192xf32, #tpu.memory_space<vmem>> -> memref<128xf32, #tpu.memory_space<vmem>>
      %dma_wait3A_829 = arith.constant 0 : i32
      %dma_wait3A_830 = tpu.memref_slice %arg10[%add3A_616, %dma_wait3A_829] : memref<64x128xi32, #tpu.memory_space<vmem>> -> memref<1x128xi32, #tpu.memory_space<vmem>>
      %dma_wait3A_831 = tpu.memref_squeeze %dma_wait3A_830 : memref<1x128xi32, #tpu.memory_space<vmem>> -> memref<128xi32, #tpu.memory_space<vmem>>
      %dma_wait3A_832 = arith.constant 0 : i32
      %dma_wait3A_833 = tpu.memref_slice %arg28[%dma_wait3A_832] : memref<131072xf32, #tpu.memory_space<vmem_shared>> -> memref<131072xf32, #tpu.memory_space<vmem_shared>>
      tpu.wait_indirect_dma semaphore(%arg34 : memref<!tpu.dma_semaphore, #tpu.memory_space<semaphore_mem>>) src(%dma_wait3A_833 : memref<131072xf32, #tpu.memory_space<vmem_shared>>) dst(%dma_wait3A_828 : memref<128xf32, #tpu.memory_space<vmem>>)
      %dma_wait3A_834 = tpu.memref_slice %arg15[%mul3A_618] : memref<8192xf32, #tpu.memory_space<vmem>> -> memref<128xf32, #tpu.memory_space<vmem>>
      %dma_wait3A_835 = arith.constant 0 : i32
      %dma_wait3A_836 = tpu.memref_slice %arg10[%add3A_616, %dma_wait3A_835] : memref<64x128xi32, #tpu.memory_space<vmem>> -> memref<1x128xi32, #tpu.memory_space<vmem>>
      %dma_wait3A_837 = tpu.memref_squeeze %dma_wait3A_836 : memref<1x128xi32, #tpu.memory_space<vmem>> -> memref<128xi32, #tpu.memory_space<vmem>>
      %dma_wait3A_838 = arith.constant 0 : i32
      %dma_wait3A_839 = tpu.memref_slice %arg29[%dma_wait3A_838] : memref<131072xf32, #tpu.memory_space<vmem_shared>> -> memref<131072xf32, #tpu.memory_space<vmem_shared>>
      tpu.wait_indirect_dma semaphore(%arg34 : memref<!tpu.dma_semaphore, #tpu.memory_space<semaphore_mem>>) src(%dma_wait3A_839 : memref<131072xf32, #tpu.memory_space<vmem_shared>>) dst(%dma_wait3A_834 : memref<128xf32, #tpu.memory_space<vmem>>)
      %dma_wait3A_840 = tpu.memref_slice %arg14[%mul3A_636] : memref<8192xf32, #tpu.memory_space<vmem>> -> memref<128xf32, #tpu.memory_space<vmem>>
      %dma_wait3A_841 = arith.constant 0 : i32
      %dma_wait3A_842 = tpu.memref_slice %arg10[%add3A_634, %dma_wait3A_841] : memref<64x128xi32, #tpu.memory_space<vmem>> -> memref<1x128xi32, #tpu.memory_space<vmem>>
      %dma_wait3A_843 = tpu.memref_squeeze %dma_wait3A_842 : memref<1x128xi32, #tpu.memory_space<vmem>> -> memref<128xi32, #tpu.memory_space<vmem>>
      %dma_wait3A_844 = arith.constant 0 : i32
      %dma_wait3A_845 = tpu.memref_slice %arg28[%dma_wait3A_844] : memref<131072xf32, #tpu.memory_space<vmem_shared>> -> memref<131072xf32, #tpu.memory_space<vmem_shared>>
      tpu.wait_indirect_dma semaphore(%arg34 : memref<!tpu.dma_semaphore, #tpu.memory_space<semaphore_mem>>) src(%dma_wait3A_845 : memref<131072xf32, #tpu.memory_space<vmem_shared>>) dst(%dma_wait3A_840 : memref<128xf32, #tpu.memory_space<vmem>>)
      %dma_wait3A_846 = tpu.memref_slice %arg15[%mul3A_636] : memref<8192xf32, #tpu.memory_space<vmem>> -> memref<128xf32, #tpu.memory_space<vmem>>
      %dma_wait3A_847 = arith.constant 0 : i32
      %dma_wait3A_848 = tpu.memref_slice %arg10[%add3A_634, %dma_wait3A_847] : memref<64x128xi32, #tpu.memory_space<vmem>> -> memref<1x128xi32, #tpu.memory_space<vmem>>
      %dma_wait3A_849 = tpu.memref_squeeze %dma_wait3A_848 : memref<1x128xi32, #tpu.memory_space<vmem>> -> memref<128xi32, #tpu.memory_space<vmem>>
      %dma_wait3A_850 = arith.constant 0 : i32
      %dma_wait3A_851 = tpu.memref_slice %arg29[%dma_wait3A_850] : memref<131072xf32, #tpu.memory_space<vmem_shared>> -> memref<131072xf32, #tpu.memory_space<vmem_shared>>
      tpu.wait_indirect_dma semaphore(%arg34 : memref<!tpu.dma_semaphore, #tpu.memory_space<semaphore_mem>>) src(%dma_wait3A_851 : memref<131072xf32, #tpu.memory_space<vmem_shared>>) dst(%dma_wait3A_846 : memref<128xf32, #tpu.memory_space<vmem>>)
      %dma_wait3A_852 = tpu.memref_slice %arg14[%mul3A_654] : memref<8192xf32, #tpu.memory_space<vmem>> -> memref<128xf32, #tpu.memory_space<vmem>>
      %dma_wait3A_853 = arith.constant 0 : i32
      %dma_wait3A_854 = tpu.memref_slice %arg10[%add3A_652, %dma_wait3A_853] : memref<64x128xi32, #tpu.memory_space<vmem>> -> memref<1x128xi32, #tpu.memory_space<vmem>>
      %dma_wait3A_855 = tpu.memref_squeeze %dma_wait3A_854 : memref<1x128xi32, #tpu.memory_space<vmem>> -> memref<128xi32, #tpu.memory_space<vmem>>
      %dma_wait3A_856 = arith.constant 0 : i32
      %dma_wait3A_857 = tpu.memref_slice %arg28[%dma_wait3A_856] : memref<131072xf32, #tpu.memory_space<vmem_shared>> -> memref<131072xf32, #tpu.memory_space<vmem_shared>>
      tpu.wait_indirect_dma semaphore(%arg34 : memref<!tpu.dma_semaphore, #tpu.memory_space<semaphore_mem>>) src(%dma_wait3A_857 : memref<131072xf32, #tpu.memory_space<vmem_shared>>) dst(%dma_wait3A_852 : memref<128xf32, #tpu.memory_space<vmem>>)
      %dma_wait3A_858 = tpu.memref_slice %arg15[%mul3A_654] : memref<8192xf32, #tpu.memory_space<vmem>> -> memref<128xf32, #tpu.memory_space<vmem>>
      %dma_wait3A_859 = arith.constant 0 : i32
      %dma_wait3A_860 = tpu.memref_slice %arg10[%add3A_652, %dma_wait3A_859] : memref<64x128xi32, #tpu.memory_space<vmem>> -> memref<1x128xi32, #tpu.memory_space<vmem>>
      %dma_wait3A_861 = tpu.memref_squeeze %dma_wait3A_860 : memref<1x128xi32, #tpu.memory_space<vmem>> -> memref<128xi32, #tpu.memory_space<vmem>>
      %dma_wait3A_862 = arith.constant 0 : i32
      %dma_wait3A_863 = tpu.memref_slice %arg29[%dma_wait3A_862] : memref<131072xf32, #tpu.memory_space<vmem_shared>> -> memref<131072xf32, #tpu.memory_space<vmem_shared>>
      tpu.wait_indirect_dma semaphore(%arg34 : memref<!tpu.dma_semaphore, #tpu.memory_space<semaphore_mem>>) src(%dma_wait3A_863 : memref<131072xf32, #tpu.memory_space<vmem_shared>>) dst(%dma_wait3A_858 : memref<128xf32, #tpu.memory_space<vmem>>)
      %dma_wait3A_864 = tpu.memref_slice %arg14[%mul3A_672] : memref<8192xf32, #tpu.memory_space<vmem>> -> memref<128xf32, #tpu.memory_space<vmem>>
      %dma_wait3A_865 = arith.constant 0 : i32
      %dma_wait3A_866 = tpu.memref_slice %arg10[%add3A_670, %dma_wait3A_865] : memref<64x128xi32, #tpu.memory_space<vmem>> -> memref<1x128xi32, #tpu.memory_space<vmem>>
      %dma_wait3A_867 = tpu.memref_squeeze %dma_wait3A_866 : memref<1x128xi32, #tpu.memory_space<vmem>> -> memref<128xi32, #tpu.memory_space<vmem>>
      %dma_wait3A_868 = arith.constant 0 : i32
      %dma_wait3A_869 = tpu.memref_slice %arg28[%dma_wait3A_868] : memref<131072xf32, #tpu.memory_space<vmem_shared>> -> memref<131072xf32, #tpu.memory_space<vmem_shared>>
      tpu.wait_indirect_dma semaphore(%arg34 : memref<!tpu.dma_semaphore, #tpu.memory_space<semaphore_mem>>) src(%dma_wait3A_869 : memref<131072xf32, #tpu.memory_space<vmem_shared>>) dst(%dma_wait3A_864 : memref<128xf32, #tpu.memory_space<vmem>>)
      %dma_wait3A_870 = tpu.memref_slice %arg15[%mul3A_672] : memref<8192xf32, #tpu.memory_space<vmem>> -> memref<128xf32, #tpu.memory_space<vmem>>
      %dma_wait3A_871 = arith.constant 0 : i32
      %dma_wait3A_872 = tpu.memref_slice %arg10[%add3A_670, %dma_wait3A_871] : memref<64x128xi32, #tpu.memory_space<vmem>> -> memref<1x128xi32, #tpu.memory_space<vmem>>
      %dma_wait3A_873 = tpu.memref_squeeze %dma_wait3A_872 : memref<1x128xi32, #tpu.memory_space<vmem>> -> memref<128xi32, #tpu.memory_space<vmem>>
      %dma_wait3A_874 = arith.constant 0 : i32
      %dma_wait3A_875 = tpu.memref_slice %arg29[%dma_wait3A_874] : memref<131072xf32, #tpu.memory_space<vmem_shared>> -> memref<131072xf32, #tpu.memory_space<vmem_shared>>
      tpu.wait_indirect_dma semaphore(%arg34 : memref<!tpu.dma_semaphore, #tpu.memory_space<semaphore_mem>>) src(%dma_wait3A_875 : memref<131072xf32, #tpu.memory_space<vmem_shared>>) dst(%dma_wait3A_870 : memref<128xf32, #tpu.memory_space<vmem>>)
    }
    %scan3A_374 = arith.constant 4 : i32
    %scan3A_375 = arith.constant 0 : i32
    %scan3A_376 = arith.constant 512 : i32
    %scan3A_377 = arith.addi %scan3A_375, %scan3A_376 : i32
    %scan3A_378 = arith.constant 1 : i32
    scf.for %scan3A_397 = %scan3A_375 to %scan3A_377 step %scan3A_378  : i32 {
      %mul3A_398 = arith.constant 16 : i32
      %mul3A_399 = arith.muli %scan3A_397, %mul3A_398 : i32
      %get3A_400 = arith.index_cast %mul3A_399 : i32 to index
      %get3A_401 = tpu.vector_load %arg9[%get3A_400] {strides = array<i32>} : memref<8192xi32, #tpu.memory_space<vmem>>, vector<16xi32>,
      %shift_right_arithmetic3A = arith.constant 12 : i32
      %shift_right_arithmetic3A_402 = vector.broadcast %shift_right_arithmetic3A : i32 to vector<16xi32>
      %shift_right_arithmetic3A_403 = arith.shrsi %get3A_401, %shift_right_arithmetic3A_402 : vector<16xi32>
      %and3A = arith.constant 4095 : i32
      %and3A_404 = vector.broadcast %and3A : i32 to vector<16xi32>
      %and3A_405 = arith.andi %shift_right_arithmetic3A_403, %and3A_404 : vector<16xi32>
      %shift_right_arithmetic3A_406 = arith.constant 26 : i32
      %shift_right_arithmetic3A_407 = vector.broadcast %shift_right_arithmetic3A_406 : i32 to vector<16xi32>
      %shift_right_arithmetic3A_408 = arith.shrsi %get3A_401, %shift_right_arithmetic3A_407 : vector<16xi32>
      %and3A_409 = arith.constant 1 : i32
      %and3A_410 = vector.broadcast %and3A_409 : i32 to vector<16xi32>
      %and3A_411 = arith.andi %shift_right_arithmetic3A_408, %and3A_410 : vector<16xi32>
      %convert_element_type3A_412 = arith.sitofp %and3A_411 : vector<16xi32> to vector<16xf32>
      %gather3A_413 = tpu.vector_load_idx %arg8[%and3A_405] : memref<4096xf32, #tpu.memory_space<vmem>>[vector<16xi32>], vector<16xf32>,
      %get3A_414 = arith.index_cast %mul3A_399 : i32 to index
      %get3A_415 = tpu.vector_load %arg14[%get3A_414] {strides = array<i32>} : memref<8192xf32, #tpu.memory_space<vmem>>, vector<16xf32>,
      %get3A_416 = arith.index_cast %mul3A_399 : i32 to index
      %get3A_417 = tpu.vector_load %arg15[%get3A_416] {strides = array<i32>} : memref<8192xf32, #tpu.memory_space<vmem>>, vector<16xf32>,
      %ge3A = arith.constant 0.000000e+00 : f32
      %ge3A_418 = vector.broadcast %ge3A : f32 to vector<16xf32>
      %ge3A_419 = arith.cmpf oge, %get3A_415, %ge3A_418 : vector<16xf32>
      %mul3A_420 = arith.constant 2.000000e-01 : f32
      %mul3A_421 = vector.broadcast %mul3A_420 : f32 to vector<16xf32>
      %mul3A_422 = arith.mulf %mul3A_421, %get3A_415 : vector<16xf32>
      %select_n3A_423 = arith.select %ge3A_419, %get3A_415, %mul3A_422 : vector<16xi1>, vector<16xf32>
      %exp3A = math.exp %select_n3A_423 : vector<16xf32>
      %sub3A = arith.constant 1.000000e+00 : f32
      %sub3A_424 = vector.broadcast %sub3A : f32 to vector<16xf32>
      %sub3A_425 = arith.subf %exp3A, %sub3A_424 : vector<16xf32>
      %mul3A_426 = arith.mulf %sub3A_425, %convert_element_type3A_412 : vector<16xf32>
      %ge3A_427 = arith.constant 0.000000e+00 : f32
      %ge3A_428 = vector.broadcast %ge3A_427 : f32 to vector<16xf32>
      %ge3A_429 = arith.cmpf oge, %get3A_417, %ge3A_428 : vector<16xf32>
      %mul3A_430 = arith.constant 2.000000e-01 : f32
      %mul3A_431 = vector.broadcast %mul3A_430 : f32 to vector<16xf32>
      %mul3A_432 = arith.mulf %mul3A_431, %get3A_417 : vector<16xf32>
      %select_n3A_433 = arith.select %ge3A_429, %get3A_417, %mul3A_432 : vector<16xi1>, vector<16xf32>
      %exp3A_434 = math.exp %select_n3A_433 : vector<16xf32>
      %sub3A_435 = arith.constant 1.000000e+00 : f32
      %sub3A_436 = vector.broadcast %sub3A_435 : f32 to vector<16xf32>
      %sub3A_437 = arith.subf %exp3A_434, %sub3A_436 : vector<16xf32>
      %mul3A_438 = arith.mulf %sub3A_437, %convert_element_type3A_412 : vector<16xf32>
      %swap3A_439 = arith.index_cast %mul3A_399 : i32 to index
      %swap3A_440 = tpu.vector_load %arg16[%swap3A_439] {strides = array<i32>} : memref<8192xf32, #tpu.memory_space<vmem>>, vector<16xf32>,
      tpu.vector_store %arg16[%swap3A_439], %mul3A_426 {strides = array<i32>} : memref<8192xf32, #tpu.memory_space<vmem>>, vector<16xf32>,
      %mul3A_441 = arith.mulf %mul3A_426, %gather3A_413 : vector<16xf32>
      %swap3A_442 = arith.index_cast %mul3A_399 : i32 to index
      %swap3A_443 = tpu.vector_load %arg17[%swap3A_442] {strides = array<i32>} : memref<8192xf32, #tpu.memory_space<vmem>>, vector<16xf32>,
      tpu.vector_store %arg17[%swap3A_442], %mul3A_441 {strides = array<i32>} : memref<8192xf32, #tpu.memory_space<vmem>>, vector<16xf32>,
      %swap3A_444 = arith.index_cast %mul3A_399 : i32 to index
      %swap3A_445 = tpu.vector_load %arg18[%swap3A_444] {strides = array<i32>} : memref<8192xf32, #tpu.memory_space<vmem>>, vector<16xf32>,
      tpu.vector_store %arg18[%swap3A_444], %mul3A_438 {strides = array<i32>} : memref<8192xf32, #tpu.memory_space<vmem>>, vector<16xf32>,
      %mul3A_446 = arith.mulf %mul3A_438, %gather3A_413 : vector<16xf32>
      %swap3A_447 = arith.index_cast %mul3A_399 : i32 to index
      %swap3A_448 = tpu.vector_load %arg19[%swap3A_447] {strides = array<i32>} : memref<8192xf32, #tpu.memory_space<vmem>>, vector<16xf32>,
      tpu.vector_store %arg19[%swap3A_447], %mul3A_446 {strides = array<i32>} : memref<8192xf32, #tpu.memory_space<vmem>>, vector<16xf32>,
    }
    %scan3A_379 = arith.constant 512 : i32
    %scan3A_380 = arith.constant 0 : i32
    %scan3A_381 = arith.constant 8 : i32
    %scan3A_382 = arith.addi %scan3A_380, %scan3A_381 : i32
    %scan3A_383 = arith.constant 1 : i32
    scf.for %scan3A_397 = %scan3A_380 to %scan3A_382 step %scan3A_383  : i32 {
      %mul3A_398 = arith.constant 8 : i32
      %mul3A_399 = arith.muli %scan3A_397, %mul3A_398 : i32
      %add3A_400 = arith.constant 0 : i32
      %add3A_401 = arith.addi %mul3A_399, %add3A_400 : i32
      %mul3A_402 = arith.constant 128 : i32
      %mul3A_403 = arith.muli %add3A_401, %mul3A_402 : i32
      %dma_start3A = tpu.memref_slice %arg16[%mul3A_403] : memref<8192xf32, #tpu.memory_space<vmem>> -> memref<128xf32, #tpu.memory_space<vmem>>
      %dma_start3A_404 = arith.constant 0 : i32
      %dma_start3A_405 = tpu.memref_slice %arg11[%add3A_401, %dma_start3A_404] : memref<64x128xi32, #tpu.memory_space<vmem>> -> memref<1x128xi32, #tpu.memory_space<vmem>>
      %dma_start3A_406 = tpu.memref_squeeze %dma_start3A_405 : memref<1x128xi32, #tpu.memory_space<vmem>> -> memref<128xi32, #tpu.memory_space<vmem>>
      %dma_start3A_407 = arith.constant 0 : i32
      %dma_start3A_408 = tpu.memref_slice %arg30[%dma_start3A_407] : memref<2056xf32, #tpu.memory_space<vmem_shared>> -> memref<2056xf32, #tpu.memory_space<vmem_shared>>
      tpu.enqueue_indirect_dma source(%dma_start3A : memref<128xf32, #tpu.memory_space<vmem>>) target(%dma_start3A_408 : memref<2056xf32, #tpu.memory_space<vmem_shared>>) offsets(%dma_start3A_406 : memref<128xi32, #tpu.memory_space<vmem>>) semaphore(%arg34 : memref<!tpu.dma_semaphore, #tpu.memory_space<semaphore_mem>>) {add = true}
      %dma_start3A_409 = tpu.memref_slice %arg17[%mul3A_403] : memref<8192xf32, #tpu.memory_space<vmem>> -> memref<128xf32, #tpu.memory_space<vmem>>
      %dma_start3A_410 = arith.constant 0 : i32
      %dma_start3A_411 = tpu.memref_slice %arg11[%add3A_401, %dma_start3A_410] : memref<64x128xi32, #tpu.memory_space<vmem>> -> memref<1x128xi32, #tpu.memory_space<vmem>>
      %dma_start3A_412 = tpu.memref_squeeze %dma_start3A_411 : memref<1x128xi32, #tpu.memory_space<vmem>> -> memref<128xi32, #tpu.memory_space<vmem>>
      %dma_start3A_413 = arith.constant 0 : i32
      %dma_start3A_414 = tpu.memref_slice %arg31[%dma_start3A_413] : memref<2056xf32, #tpu.memory_space<vmem_shared>> -> memref<2056xf32, #tpu.memory_space<vmem_shared>>
      tpu.enqueue_indirect_dma source(%dma_start3A_409 : memref<128xf32, #tpu.memory_space<vmem>>) target(%dma_start3A_414 : memref<2056xf32, #tpu.memory_space<vmem_shared>>) offsets(%dma_start3A_412 : memref<128xi32, #tpu.memory_space<vmem>>) semaphore(%arg34 : memref<!tpu.dma_semaphore, #tpu.memory_space<semaphore_mem>>) {add = true}
      %dma_start3A_415 = tpu.memref_slice %arg18[%mul3A_403] : memref<8192xf32, #tpu.memory_space<vmem>> -> memref<128xf32, #tpu.memory_space<vmem>>
      %dma_start3A_416 = arith.constant 0 : i32
      %dma_start3A_417 = tpu.memref_slice %arg11[%add3A_401, %dma_start3A_416] : memref<64x128xi32, #tpu.memory_space<vmem>> -> memref<1x128xi32, #tpu.memory_space<vmem>>
      %dma_start3A_418 = tpu.memref_squeeze %dma_start3A_417 : memref<1x128xi32, #tpu.memory_space<vmem>> -> memref<128xi32, #tpu.memory_space<vmem>>
      %dma_start3A_419 = arith.constant 0 : i32
      %dma_start3A_420 = tpu.memref_slice %arg32[%dma_start3A_419] : memref<2056xf32, #tpu.memory_space<vmem_shared>> -> memref<2056xf32, #tpu.memory_space<vmem_shared>>
      tpu.enqueue_indirect_dma source(%dma_start3A_415 : memref<128xf32, #tpu.memory_space<vmem>>) target(%dma_start3A_420 : memref<2056xf32, #tpu.memory_space<vmem_shared>>) offsets(%dma_start3A_418 : memref<128xi32, #tpu.memory_space<vmem>>) semaphore(%arg34 : memref<!tpu.dma_semaphore, #tpu.memory_space<semaphore_mem>>) {add = true}
      %dma_start3A_421 = tpu.memref_slice %arg19[%mul3A_403] : memref<8192xf32, #tpu.memory_space<vmem>> -> memref<128xf32, #tpu.memory_space<vmem>>
      %dma_start3A_422 = arith.constant 0 : i32
      %dma_start3A_423 = tpu.memref_slice %arg11[%add3A_401, %dma_start3A_422] : memref<64x128xi32, #tpu.memory_space<vmem>> -> memref<1x128xi32, #tpu.memory_space<vmem>>
      %dma_start3A_424 = tpu.memref_squeeze %dma_start3A_423 : memref<1x128xi32, #tpu.memory_space<vmem>> -> memref<128xi32, #tpu.memory_space<vmem>>
      %dma_start3A_425 = arith.constant 0 : i32
      %dma_start3A_426 = tpu.memref_slice %arg33[%dma_start3A_425] : memref<2056xf32, #tpu.memory_space<vmem_shared>> -> memref<2056xf32, #tpu.memory_space<vmem_shared>>
      tpu.enqueue_indirect_dma source(%dma_start3A_421 : memref<128xf32, #tpu.memory_space<vmem>>) target(%dma_start3A_426 : memref<2056xf32, #tpu.memory_space<vmem_shared>>) offsets(%dma_start3A_424 : memref<128xi32, #tpu.memory_space<vmem>>) semaphore(%arg34 : memref<!tpu.dma_semaphore, #tpu.memory_space<semaphore_mem>>) {add = true}
      %mul3A_427 = arith.constant 8 : i32
      %mul3A_428 = arith.muli %scan3A_397, %mul3A_427 : i32
      %add3A_429 = arith.constant 1 : i32
      %add3A_430 = arith.addi %mul3A_428, %add3A_429 : i32
      %mul3A_431 = arith.constant 128 : i32
      %mul3A_432 = arith.muli %add3A_430, %mul3A_431 : i32
      %dma_start3A_433 = tpu.memref_slice %arg16[%mul3A_432] : memref<8192xf32, #tpu.memory_space<vmem>> -> memref<128xf32, #tpu.memory_space<vmem>>
      %dma_start3A_434 = arith.constant 0 : i32
      %dma_start3A_435 = tpu.memref_slice %arg11[%add3A_430, %dma_start3A_434] : memref<64x128xi32, #tpu.memory_space<vmem>> -> memref<1x128xi32, #tpu.memory_space<vmem>>
      %dma_start3A_436 = tpu.memref_squeeze %dma_start3A_435 : memref<1x128xi32, #tpu.memory_space<vmem>> -> memref<128xi32, #tpu.memory_space<vmem>>
      %dma_start3A_437 = arith.constant 0 : i32
      %dma_start3A_438 = tpu.memref_slice %arg30[%dma_start3A_437] : memref<2056xf32, #tpu.memory_space<vmem_shared>> -> memref<2056xf32, #tpu.memory_space<vmem_shared>>
      tpu.enqueue_indirect_dma source(%dma_start3A_433 : memref<128xf32, #tpu.memory_space<vmem>>) target(%dma_start3A_438 : memref<2056xf32, #tpu.memory_space<vmem_shared>>) offsets(%dma_start3A_436 : memref<128xi32, #tpu.memory_space<vmem>>) semaphore(%arg34 : memref<!tpu.dma_semaphore, #tpu.memory_space<semaphore_mem>>) {add = true}
      %dma_start3A_439 = tpu.memref_slice %arg17[%mul3A_432] : memref<8192xf32, #tpu.memory_space<vmem>> -> memref<128xf32, #tpu.memory_space<vmem>>
      %dma_start3A_440 = arith.constant 0 : i32
      %dma_start3A_441 = tpu.memref_slice %arg11[%add3A_430, %dma_start3A_440] : memref<64x128xi32, #tpu.memory_space<vmem>> -> memref<1x128xi32, #tpu.memory_space<vmem>>
      %dma_start3A_442 = tpu.memref_squeeze %dma_start3A_441 : memref<1x128xi32, #tpu.memory_space<vmem>> -> memref<128xi32, #tpu.memory_space<vmem>>
      %dma_start3A_443 = arith.constant 0 : i32
      %dma_start3A_444 = tpu.memref_slice %arg31[%dma_start3A_443] : memref<2056xf32, #tpu.memory_space<vmem_shared>> -> memref<2056xf32, #tpu.memory_space<vmem_shared>>
      tpu.enqueue_indirect_dma source(%dma_start3A_439 : memref<128xf32, #tpu.memory_space<vmem>>) target(%dma_start3A_444 : memref<2056xf32, #tpu.memory_space<vmem_shared>>) offsets(%dma_start3A_442 : memref<128xi32, #tpu.memory_space<vmem>>) semaphore(%arg34 : memref<!tpu.dma_semaphore, #tpu.memory_space<semaphore_mem>>) {add = true}
      %dma_start3A_445 = tpu.memref_slice %arg18[%mul3A_432] : memref<8192xf32, #tpu.memory_space<vmem>> -> memref<128xf32, #tpu.memory_space<vmem>>
      %dma_start3A_446 = arith.constant 0 : i32
      %dma_start3A_447 = tpu.memref_slice %arg11[%add3A_430, %dma_start3A_446] : memref<64x128xi32, #tpu.memory_space<vmem>> -> memref<1x128xi32, #tpu.memory_space<vmem>>
      %dma_start3A_448 = tpu.memref_squeeze %dma_start3A_447 : memref<1x128xi32, #tpu.memory_space<vmem>> -> memref<128xi32, #tpu.memory_space<vmem>>
      %dma_start3A_449 = arith.constant 0 : i32
      %dma_start3A_450 = tpu.memref_slice %arg32[%dma_start3A_449] : memref<2056xf32, #tpu.memory_space<vmem_shared>> -> memref<2056xf32, #tpu.memory_space<vmem_shared>>
      tpu.enqueue_indirect_dma source(%dma_start3A_445 : memref<128xf32, #tpu.memory_space<vmem>>) target(%dma_start3A_450 : memref<2056xf32, #tpu.memory_space<vmem_shared>>) offsets(%dma_start3A_448 : memref<128xi32, #tpu.memory_space<vmem>>) semaphore(%arg34 : memref<!tpu.dma_semaphore, #tpu.memory_space<semaphore_mem>>) {add = true}
      %dma_start3A_451 = tpu.memref_slice %arg19[%mul3A_432] : memref<8192xf32, #tpu.memory_space<vmem>> -> memref<128xf32, #tpu.memory_space<vmem>>
      %dma_start3A_452 = arith.constant 0 : i32
      %dma_start3A_453 = tpu.memref_slice %arg11[%add3A_430, %dma_start3A_452] : memref<64x128xi32, #tpu.memory_space<vmem>> -> memref<1x128xi32, #tpu.memory_space<vmem>>
      %dma_start3A_454 = tpu.memref_squeeze %dma_start3A_453 : memref<1x128xi32, #tpu.memory_space<vmem>> -> memref<128xi32, #tpu.memory_space<vmem>>
      %dma_start3A_455 = arith.constant 0 : i32
      %dma_start3A_456 = tpu.memref_slice %arg33[%dma_start3A_455] : memref<2056xf32, #tpu.memory_space<vmem_shared>> -> memref<2056xf32, #tpu.memory_space<vmem_shared>>
      tpu.enqueue_indirect_dma source(%dma_start3A_451 : memref<128xf32, #tpu.memory_space<vmem>>) target(%dma_start3A_456 : memref<2056xf32, #tpu.memory_space<vmem_shared>>) offsets(%dma_start3A_454 : memref<128xi32, #tpu.memory_space<vmem>>) semaphore(%arg34 : memref<!tpu.dma_semaphore, #tpu.memory_space<semaphore_mem>>) {add = true}
      %mul3A_457 = arith.constant 8 : i32
      %mul3A_458 = arith.muli %scan3A_397, %mul3A_457 : i32
      %add3A_459 = arith.constant 2 : i32
      %add3A_460 = arith.addi %mul3A_458, %add3A_459 : i32
      %mul3A_461 = arith.constant 128 : i32
      %mul3A_462 = arith.muli %add3A_460, %mul3A_461 : i32
      %dma_start3A_463 = tpu.memref_slice %arg16[%mul3A_462] : memref<8192xf32, #tpu.memory_space<vmem>> -> memref<128xf32, #tpu.memory_space<vmem>>
      %dma_start3A_464 = arith.constant 0 : i32
      %dma_start3A_465 = tpu.memref_slice %arg11[%add3A_460, %dma_start3A_464] : memref<64x128xi32, #tpu.memory_space<vmem>> -> memref<1x128xi32, #tpu.memory_space<vmem>>
      %dma_start3A_466 = tpu.memref_squeeze %dma_start3A_465 : memref<1x128xi32, #tpu.memory_space<vmem>> -> memref<128xi32, #tpu.memory_space<vmem>>
      %dma_start3A_467 = arith.constant 0 : i32
      %dma_start3A_468 = tpu.memref_slice %arg30[%dma_start3A_467] : memref<2056xf32, #tpu.memory_space<vmem_shared>> -> memref<2056xf32, #tpu.memory_space<vmem_shared>>
      tpu.enqueue_indirect_dma source(%dma_start3A_463 : memref<128xf32, #tpu.memory_space<vmem>>) target(%dma_start3A_468 : memref<2056xf32, #tpu.memory_space<vmem_shared>>) offsets(%dma_start3A_466 : memref<128xi32, #tpu.memory_space<vmem>>) semaphore(%arg34 : memref<!tpu.dma_semaphore, #tpu.memory_space<semaphore_mem>>) {add = true}
      %dma_start3A_469 = tpu.memref_slice %arg17[%mul3A_462] : memref<8192xf32, #tpu.memory_space<vmem>> -> memref<128xf32, #tpu.memory_space<vmem>>
      %dma_start3A_470 = arith.constant 0 : i32
      %dma_start3A_471 = tpu.memref_slice %arg11[%add3A_460, %dma_start3A_470] : memref<64x128xi32, #tpu.memory_space<vmem>> -> memref<1x128xi32, #tpu.memory_space<vmem>>
      %dma_start3A_472 = tpu.memref_squeeze %dma_start3A_471 : memref<1x128xi32, #tpu.memory_space<vmem>> -> memref<128xi32, #tpu.memory_space<vmem>>
      %dma_start3A_473 = arith.constant 0 : i32
      %dma_start3A_474 = tpu.memref_slice %arg31[%dma_start3A_473] : memref<2056xf32, #tpu.memory_space<vmem_shared>> -> memref<2056xf32, #tpu.memory_space<vmem_shared>>
      tpu.enqueue_indirect_dma source(%dma_start3A_469 : memref<128xf32, #tpu.memory_space<vmem>>) target(%dma_start3A_474 : memref<2056xf32, #tpu.memory_space<vmem_shared>>) offsets(%dma_start3A_472 : memref<128xi32, #tpu.memory_space<vmem>>) semaphore(%arg34 : memref<!tpu.dma_semaphore, #tpu.memory_space<semaphore_mem>>) {add = true}
      %dma_start3A_475 = tpu.memref_slice %arg18[%mul3A_462] : memref<8192xf32, #tpu.memory_space<vmem>> -> memref<128xf32, #tpu.memory_space<vmem>>
      %dma_start3A_476 = arith.constant 0 : i32
      %dma_start3A_477 = tpu.memref_slice %arg11[%add3A_460, %dma_start3A_476] : memref<64x128xi32, #tpu.memory_space<vmem>> -> memref<1x128xi32, #tpu.memory_space<vmem>>
      %dma_start3A_478 = tpu.memref_squeeze %dma_start3A_477 : memref<1x128xi32, #tpu.memory_space<vmem>> -> memref<128xi32, #tpu.memory_space<vmem>>
      %dma_start3A_479 = arith.constant 0 : i32
      %dma_start3A_480 = tpu.memref_slice %arg32[%dma_start3A_479] : memref<2056xf32, #tpu.memory_space<vmem_shared>> -> memref<2056xf32, #tpu.memory_space<vmem_shared>>
      tpu.enqueue_indirect_dma source(%dma_start3A_475 : memref<128xf32, #tpu.memory_space<vmem>>) target(%dma_start3A_480 : memref<2056xf32, #tpu.memory_space<vmem_shared>>) offsets(%dma_start3A_478 : memref<128xi32, #tpu.memory_space<vmem>>) semaphore(%arg34 : memref<!tpu.dma_semaphore, #tpu.memory_space<semaphore_mem>>) {add = true}
      %dma_start3A_481 = tpu.memref_slice %arg19[%mul3A_462] : memref<8192xf32, #tpu.memory_space<vmem>> -> memref<128xf32, #tpu.memory_space<vmem>>
      %dma_start3A_482 = arith.constant 0 : i32
      %dma_start3A_483 = tpu.memref_slice %arg11[%add3A_460, %dma_start3A_482] : memref<64x128xi32, #tpu.memory_space<vmem>> -> memref<1x128xi32, #tpu.memory_space<vmem>>
      %dma_start3A_484 = tpu.memref_squeeze %dma_start3A_483 : memref<1x128xi32, #tpu.memory_space<vmem>> -> memref<128xi32, #tpu.memory_space<vmem>>
      %dma_start3A_485 = arith.constant 0 : i32
      %dma_start3A_486 = tpu.memref_slice %arg33[%dma_start3A_485] : memref<2056xf32, #tpu.memory_space<vmem_shared>> -> memref<2056xf32, #tpu.memory_space<vmem_shared>>
      tpu.enqueue_indirect_dma source(%dma_start3A_481 : memref<128xf32, #tpu.memory_space<vmem>>) target(%dma_start3A_486 : memref<2056xf32, #tpu.memory_space<vmem_shared>>) offsets(%dma_start3A_484 : memref<128xi32, #tpu.memory_space<vmem>>) semaphore(%arg34 : memref<!tpu.dma_semaphore, #tpu.memory_space<semaphore_mem>>) {add = true}
      %mul3A_487 = arith.constant 8 : i32
      %mul3A_488 = arith.muli %scan3A_397, %mul3A_487 : i32
      %add3A_489 = arith.constant 3 : i32
      %add3A_490 = arith.addi %mul3A_488, %add3A_489 : i32
      %mul3A_491 = arith.constant 128 : i32
      %mul3A_492 = arith.muli %add3A_490, %mul3A_491 : i32
      %dma_start3A_493 = tpu.memref_slice %arg16[%mul3A_492] : memref<8192xf32, #tpu.memory_space<vmem>> -> memref<128xf32, #tpu.memory_space<vmem>>
      %dma_start3A_494 = arith.constant 0 : i32
      %dma_start3A_495 = tpu.memref_slice %arg11[%add3A_490, %dma_start3A_494] : memref<64x128xi32, #tpu.memory_space<vmem>> -> memref<1x128xi32, #tpu.memory_space<vmem>>
      %dma_start3A_496 = tpu.memref_squeeze %dma_start3A_495 : memref<1x128xi32, #tpu.memory_space<vmem>> -> memref<128xi32, #tpu.memory_space<vmem>>
      %dma_start3A_497 = arith.constant 0 : i32
      %dma_start3A_498 = tpu.memref_slice %arg30[%dma_start3A_497] : memref<2056xf32, #tpu.memory_space<vmem_shared>> -> memref<2056xf32, #tpu.memory_space<vmem_shared>>
      tpu.enqueue_indirect_dma source(%dma_start3A_493 : memref<128xf32, #tpu.memory_space<vmem>>) target(%dma_start3A_498 : memref<2056xf32, #tpu.memory_space<vmem_shared>>) offsets(%dma_start3A_496 : memref<128xi32, #tpu.memory_space<vmem>>) semaphore(%arg34 : memref<!tpu.dma_semaphore, #tpu.memory_space<semaphore_mem>>) {add = true}
      %dma_start3A_499 = tpu.memref_slice %arg17[%mul3A_492] : memref<8192xf32, #tpu.memory_space<vmem>> -> memref<128xf32, #tpu.memory_space<vmem>>
      %dma_start3A_500 = arith.constant 0 : i32
      %dma_start3A_501 = tpu.memref_slice %arg11[%add3A_490, %dma_start3A_500] : memref<64x128xi32, #tpu.memory_space<vmem>> -> memref<1x128xi32, #tpu.memory_space<vmem>>
      %dma_start3A_502 = tpu.memref_squeeze %dma_start3A_501 : memref<1x128xi32, #tpu.memory_space<vmem>> -> memref<128xi32, #tpu.memory_space<vmem>>
      %dma_start3A_503 = arith.constant 0 : i32
      %dma_start3A_504 = tpu.memref_slice %arg31[%dma_start3A_503] : memref<2056xf32, #tpu.memory_space<vmem_shared>> -> memref<2056xf32, #tpu.memory_space<vmem_shared>>
      tpu.enqueue_indirect_dma source(%dma_start3A_499 : memref<128xf32, #tpu.memory_space<vmem>>) target(%dma_start3A_504 : memref<2056xf32, #tpu.memory_space<vmem_shared>>) offsets(%dma_start3A_502 : memref<128xi32, #tpu.memory_space<vmem>>) semaphore(%arg34 : memref<!tpu.dma_semaphore, #tpu.memory_space<semaphore_mem>>) {add = true}
      %dma_start3A_505 = tpu.memref_slice %arg18[%mul3A_492] : memref<8192xf32, #tpu.memory_space<vmem>> -> memref<128xf32, #tpu.memory_space<vmem>>
      %dma_start3A_506 = arith.constant 0 : i32
      %dma_start3A_507 = tpu.memref_slice %arg11[%add3A_490, %dma_start3A_506] : memref<64x128xi32, #tpu.memory_space<vmem>> -> memref<1x128xi32, #tpu.memory_space<vmem>>
      %dma_start3A_508 = tpu.memref_squeeze %dma_start3A_507 : memref<1x128xi32, #tpu.memory_space<vmem>> -> memref<128xi32, #tpu.memory_space<vmem>>
      %dma_start3A_509 = arith.constant 0 : i32
      %dma_start3A_510 = tpu.memref_slice %arg32[%dma_start3A_509] : memref<2056xf32, #tpu.memory_space<vmem_shared>> -> memref<2056xf32, #tpu.memory_space<vmem_shared>>
      tpu.enqueue_indirect_dma source(%dma_start3A_505 : memref<128xf32, #tpu.memory_space<vmem>>) target(%dma_start3A_510 : memref<2056xf32, #tpu.memory_space<vmem_shared>>) offsets(%dma_start3A_508 : memref<128xi32, #tpu.memory_space<vmem>>) semaphore(%arg34 : memref<!tpu.dma_semaphore, #tpu.memory_space<semaphore_mem>>) {add = true}
      %dma_start3A_511 = tpu.memref_slice %arg19[%mul3A_492] : memref<8192xf32, #tpu.memory_space<vmem>> -> memref<128xf32, #tpu.memory_space<vmem>>
      %dma_start3A_512 = arith.constant 0 : i32
      %dma_start3A_513 = tpu.memref_slice %arg11[%add3A_490, %dma_start3A_512] : memref<64x128xi32, #tpu.memory_space<vmem>> -> memref<1x128xi32, #tpu.memory_space<vmem>>
      %dma_start3A_514 = tpu.memref_squeeze %dma_start3A_513 : memref<1x128xi32, #tpu.memory_space<vmem>> -> memref<128xi32, #tpu.memory_space<vmem>>
      %dma_start3A_515 = arith.constant 0 : i32
      %dma_start3A_516 = tpu.memref_slice %arg33[%dma_start3A_515] : memref<2056xf32, #tpu.memory_space<vmem_shared>> -> memref<2056xf32, #tpu.memory_space<vmem_shared>>
      tpu.enqueue_indirect_dma source(%dma_start3A_511 : memref<128xf32, #tpu.memory_space<vmem>>) target(%dma_start3A_516 : memref<2056xf32, #tpu.memory_space<vmem_shared>>) offsets(%dma_start3A_514 : memref<128xi32, #tpu.memory_space<vmem>>) semaphore(%arg34 : memref<!tpu.dma_semaphore, #tpu.memory_space<semaphore_mem>>) {add = true}
      %mul3A_517 = arith.constant 8 : i32
      %mul3A_518 = arith.muli %scan3A_397, %mul3A_517 : i32
      %add3A_519 = arith.constant 4 : i32
      %add3A_520 = arith.addi %mul3A_518, %add3A_519 : i32
      %mul3A_521 = arith.constant 128 : i32
      %mul3A_522 = arith.muli %add3A_520, %mul3A_521 : i32
      %dma_start3A_523 = tpu.memref_slice %arg16[%mul3A_522] : memref<8192xf32, #tpu.memory_space<vmem>> -> memref<128xf32, #tpu.memory_space<vmem>>
      %dma_start3A_524 = arith.constant 0 : i32
      %dma_start3A_525 = tpu.memref_slice %arg11[%add3A_520, %dma_start3A_524] : memref<64x128xi32, #tpu.memory_space<vmem>> -> memref<1x128xi32, #tpu.memory_space<vmem>>
      %dma_start3A_526 = tpu.memref_squeeze %dma_start3A_525 : memref<1x128xi32, #tpu.memory_space<vmem>> -> memref<128xi32, #tpu.memory_space<vmem>>
      %dma_start3A_527 = arith.constant 0 : i32
      %dma_start3A_528 = tpu.memref_slice %arg30[%dma_start3A_527] : memref<2056xf32, #tpu.memory_space<vmem_shared>> -> memref<2056xf32, #tpu.memory_space<vmem_shared>>
      tpu.enqueue_indirect_dma source(%dma_start3A_523 : memref<128xf32, #tpu.memory_space<vmem>>) target(%dma_start3A_528 : memref<2056xf32, #tpu.memory_space<vmem_shared>>) offsets(%dma_start3A_526 : memref<128xi32, #tpu.memory_space<vmem>>) semaphore(%arg34 : memref<!tpu.dma_semaphore, #tpu.memory_space<semaphore_mem>>) {add = true}
      %dma_start3A_529 = tpu.memref_slice %arg17[%mul3A_522] : memref<8192xf32, #tpu.memory_space<vmem>> -> memref<128xf32, #tpu.memory_space<vmem>>
      %dma_start3A_530 = arith.constant 0 : i32
      %dma_start3A_531 = tpu.memref_slice %arg11[%add3A_520, %dma_start3A_530] : memref<64x128xi32, #tpu.memory_space<vmem>> -> memref<1x128xi32, #tpu.memory_space<vmem>>
      %dma_start3A_532 = tpu.memref_squeeze %dma_start3A_531 : memref<1x128xi32, #tpu.memory_space<vmem>> -> memref<128xi32, #tpu.memory_space<vmem>>
      %dma_start3A_533 = arith.constant 0 : i32
      %dma_start3A_534 = tpu.memref_slice %arg31[%dma_start3A_533] : memref<2056xf32, #tpu.memory_space<vmem_shared>> -> memref<2056xf32, #tpu.memory_space<vmem_shared>>
      tpu.enqueue_indirect_dma source(%dma_start3A_529 : memref<128xf32, #tpu.memory_space<vmem>>) target(%dma_start3A_534 : memref<2056xf32, #tpu.memory_space<vmem_shared>>) offsets(%dma_start3A_532 : memref<128xi32, #tpu.memory_space<vmem>>) semaphore(%arg34 : memref<!tpu.dma_semaphore, #tpu.memory_space<semaphore_mem>>) {add = true}
      %dma_start3A_535 = tpu.memref_slice %arg18[%mul3A_522] : memref<8192xf32, #tpu.memory_space<vmem>> -> memref<128xf32, #tpu.memory_space<vmem>>
      %dma_start3A_536 = arith.constant 0 : i32
      %dma_start3A_537 = tpu.memref_slice %arg11[%add3A_520, %dma_start3A_536] : memref<64x128xi32, #tpu.memory_space<vmem>> -> memref<1x128xi32, #tpu.memory_space<vmem>>
      %dma_start3A_538 = tpu.memref_squeeze %dma_start3A_537 : memref<1x128xi32, #tpu.memory_space<vmem>> -> memref<128xi32, #tpu.memory_space<vmem>>
      %dma_start3A_539 = arith.constant 0 : i32
      %dma_start3A_540 = tpu.memref_slice %arg32[%dma_start3A_539] : memref<2056xf32, #tpu.memory_space<vmem_shared>> -> memref<2056xf32, #tpu.memory_space<vmem_shared>>
      tpu.enqueue_indirect_dma source(%dma_start3A_535 : memref<128xf32, #tpu.memory_space<vmem>>) target(%dma_start3A_540 : memref<2056xf32, #tpu.memory_space<vmem_shared>>) offsets(%dma_start3A_538 : memref<128xi32, #tpu.memory_space<vmem>>) semaphore(%arg34 : memref<!tpu.dma_semaphore, #tpu.memory_space<semaphore_mem>>) {add = true}
      %dma_start3A_541 = tpu.memref_slice %arg19[%mul3A_522] : memref<8192xf32, #tpu.memory_space<vmem>> -> memref<128xf32, #tpu.memory_space<vmem>>
      %dma_start3A_542 = arith.constant 0 : i32
      %dma_start3A_543 = tpu.memref_slice %arg11[%add3A_520, %dma_start3A_542] : memref<64x128xi32, #tpu.memory_space<vmem>> -> memref<1x128xi32, #tpu.memory_space<vmem>>
      %dma_start3A_544 = tpu.memref_squeeze %dma_start3A_543 : memref<1x128xi32, #tpu.memory_space<vmem>> -> memref<128xi32, #tpu.memory_space<vmem>>
      %dma_start3A_545 = arith.constant 0 : i32
      %dma_start3A_546 = tpu.memref_slice %arg33[%dma_start3A_545] : memref<2056xf32, #tpu.memory_space<vmem_shared>> -> memref<2056xf32, #tpu.memory_space<vmem_shared>>
      tpu.enqueue_indirect_dma source(%dma_start3A_541 : memref<128xf32, #tpu.memory_space<vmem>>) target(%dma_start3A_546 : memref<2056xf32, #tpu.memory_space<vmem_shared>>) offsets(%dma_start3A_544 : memref<128xi32, #tpu.memory_space<vmem>>) semaphore(%arg34 : memref<!tpu.dma_semaphore, #tpu.memory_space<semaphore_mem>>) {add = true}
      %mul3A_547 = arith.constant 8 : i32
      %mul3A_548 = arith.muli %scan3A_397, %mul3A_547 : i32
      %add3A_549 = arith.constant 5 : i32
      %add3A_550 = arith.addi %mul3A_548, %add3A_549 : i32
      %mul3A_551 = arith.constant 128 : i32
      %mul3A_552 = arith.muli %add3A_550, %mul3A_551 : i32
      %dma_start3A_553 = tpu.memref_slice %arg16[%mul3A_552] : memref<8192xf32, #tpu.memory_space<vmem>> -> memref<128xf32, #tpu.memory_space<vmem>>
      %dma_start3A_554 = arith.constant 0 : i32
      %dma_start3A_555 = tpu.memref_slice %arg11[%add3A_550, %dma_start3A_554] : memref<64x128xi32, #tpu.memory_space<vmem>> -> memref<1x128xi32, #tpu.memory_space<vmem>>
      %dma_start3A_556 = tpu.memref_squeeze %dma_start3A_555 : memref<1x128xi32, #tpu.memory_space<vmem>> -> memref<128xi32, #tpu.memory_space<vmem>>
      %dma_start3A_557 = arith.constant 0 : i32
      %dma_start3A_558 = tpu.memref_slice %arg30[%dma_start3A_557] : memref<2056xf32, #tpu.memory_space<vmem_shared>> -> memref<2056xf32, #tpu.memory_space<vmem_shared>>
      tpu.enqueue_indirect_dma source(%dma_start3A_553 : memref<128xf32, #tpu.memory_space<vmem>>) target(%dma_start3A_558 : memref<2056xf32, #tpu.memory_space<vmem_shared>>) offsets(%dma_start3A_556 : memref<128xi32, #tpu.memory_space<vmem>>) semaphore(%arg34 : memref<!tpu.dma_semaphore, #tpu.memory_space<semaphore_mem>>) {add = true}
      %dma_start3A_559 = tpu.memref_slice %arg17[%mul3A_552] : memref<8192xf32, #tpu.memory_space<vmem>> -> memref<128xf32, #tpu.memory_space<vmem>>
      %dma_start3A_560 = arith.constant 0 : i32
      %dma_start3A_561 = tpu.memref_slice %arg11[%add3A_550, %dma_start3A_560] : memref<64x128xi32, #tpu.memory_space<vmem>> -> memref<1x128xi32, #tpu.memory_space<vmem>>
      %dma_start3A_562 = tpu.memref_squeeze %dma_start3A_561 : memref<1x128xi32, #tpu.memory_space<vmem>> -> memref<128xi32, #tpu.memory_space<vmem>>
      %dma_start3A_563 = arith.constant 0 : i32
      %dma_start3A_564 = tpu.memref_slice %arg31[%dma_start3A_563] : memref<2056xf32, #tpu.memory_space<vmem_shared>> -> memref<2056xf32, #tpu.memory_space<vmem_shared>>
      tpu.enqueue_indirect_dma source(%dma_start3A_559 : memref<128xf32, #tpu.memory_space<vmem>>) target(%dma_start3A_564 : memref<2056xf32, #tpu.memory_space<vmem_shared>>) offsets(%dma_start3A_562 : memref<128xi32, #tpu.memory_space<vmem>>) semaphore(%arg34 : memref<!tpu.dma_semaphore, #tpu.memory_space<semaphore_mem>>) {add = true}
      %dma_start3A_565 = tpu.memref_slice %arg18[%mul3A_552] : memref<8192xf32, #tpu.memory_space<vmem>> -> memref<128xf32, #tpu.memory_space<vmem>>
      %dma_start3A_566 = arith.constant 0 : i32
      %dma_start3A_567 = tpu.memref_slice %arg11[%add3A_550, %dma_start3A_566] : memref<64x128xi32, #tpu.memory_space<vmem>> -> memref<1x128xi32, #tpu.memory_space<vmem>>
      %dma_start3A_568 = tpu.memref_squeeze %dma_start3A_567 : memref<1x128xi32, #tpu.memory_space<vmem>> -> memref<128xi32, #tpu.memory_space<vmem>>
      %dma_start3A_569 = arith.constant 0 : i32
      %dma_start3A_570 = tpu.memref_slice %arg32[%dma_start3A_569] : memref<2056xf32, #tpu.memory_space<vmem_shared>> -> memref<2056xf32, #tpu.memory_space<vmem_shared>>
      tpu.enqueue_indirect_dma source(%dma_start3A_565 : memref<128xf32, #tpu.memory_space<vmem>>) target(%dma_start3A_570 : memref<2056xf32, #tpu.memory_space<vmem_shared>>) offsets(%dma_start3A_568 : memref<128xi32, #tpu.memory_space<vmem>>) semaphore(%arg34 : memref<!tpu.dma_semaphore, #tpu.memory_space<semaphore_mem>>) {add = true}
      %dma_start3A_571 = tpu.memref_slice %arg19[%mul3A_552] : memref<8192xf32, #tpu.memory_space<vmem>> -> memref<128xf32, #tpu.memory_space<vmem>>
      %dma_start3A_572 = arith.constant 0 : i32
      %dma_start3A_573 = tpu.memref_slice %arg11[%add3A_550, %dma_start3A_572] : memref<64x128xi32, #tpu.memory_space<vmem>> -> memref<1x128xi32, #tpu.memory_space<vmem>>
      %dma_start3A_574 = tpu.memref_squeeze %dma_start3A_573 : memref<1x128xi32, #tpu.memory_space<vmem>> -> memref<128xi32, #tpu.memory_space<vmem>>
      %dma_start3A_575 = arith.constant 0 : i32
      %dma_start3A_576 = tpu.memref_slice %arg33[%dma_start3A_575] : memref<2056xf32, #tpu.memory_space<vmem_shared>> -> memref<2056xf32, #tpu.memory_space<vmem_shared>>
      tpu.enqueue_indirect_dma source(%dma_start3A_571 : memref<128xf32, #tpu.memory_space<vmem>>) target(%dma_start3A_576 : memref<2056xf32, #tpu.memory_space<vmem_shared>>) offsets(%dma_start3A_574 : memref<128xi32, #tpu.memory_space<vmem>>) semaphore(%arg34 : memref<!tpu.dma_semaphore, #tpu.memory_space<semaphore_mem>>) {add = true}
      %mul3A_577 = arith.constant 8 : i32
      %mul3A_578 = arith.muli %scan3A_397, %mul3A_577 : i32
      %add3A_579 = arith.constant 6 : i32
      %add3A_580 = arith.addi %mul3A_578, %add3A_579 : i32
      %mul3A_581 = arith.constant 128 : i32
      %mul3A_582 = arith.muli %add3A_580, %mul3A_581 : i32
      %dma_start3A_583 = tpu.memref_slice %arg16[%mul3A_582] : memref<8192xf32, #tpu.memory_space<vmem>> -> memref<128xf32, #tpu.memory_space<vmem>>
      %dma_start3A_584 = arith.constant 0 : i32
      %dma_start3A_585 = tpu.memref_slice %arg11[%add3A_580, %dma_start3A_584] : memref<64x128xi32, #tpu.memory_space<vmem>> -> memref<1x128xi32, #tpu.memory_space<vmem>>
      %dma_start3A_586 = tpu.memref_squeeze %dma_start3A_585 : memref<1x128xi32, #tpu.memory_space<vmem>> -> memref<128xi32, #tpu.memory_space<vmem>>
      %dma_start3A_587 = arith.constant 0 : i32
      %dma_start3A_588 = tpu.memref_slice %arg30[%dma_start3A_587] : memref<2056xf32, #tpu.memory_space<vmem_shared>> -> memref<2056xf32, #tpu.memory_space<vmem_shared>>
      tpu.enqueue_indirect_dma source(%dma_start3A_583 : memref<128xf32, #tpu.memory_space<vmem>>) target(%dma_start3A_588 : memref<2056xf32, #tpu.memory_space<vmem_shared>>) offsets(%dma_start3A_586 : memref<128xi32, #tpu.memory_space<vmem>>) semaphore(%arg34 : memref<!tpu.dma_semaphore, #tpu.memory_space<semaphore_mem>>) {add = true}
      %dma_start3A_589 = tpu.memref_slice %arg17[%mul3A_582] : memref<8192xf32, #tpu.memory_space<vmem>> -> memref<128xf32, #tpu.memory_space<vmem>>
      %dma_start3A_590 = arith.constant 0 : i32
      %dma_start3A_591 = tpu.memref_slice %arg11[%add3A_580, %dma_start3A_590] : memref<64x128xi32, #tpu.memory_space<vmem>> -> memref<1x128xi32, #tpu.memory_space<vmem>>
      %dma_start3A_592 = tpu.memref_squeeze %dma_start3A_591 : memref<1x128xi32, #tpu.memory_space<vmem>> -> memref<128xi32, #tpu.memory_space<vmem>>
      %dma_start3A_593 = arith.constant 0 : i32
      %dma_start3A_594 = tpu.memref_slice %arg31[%dma_start3A_593] : memref<2056xf32, #tpu.memory_space<vmem_shared>> -> memref<2056xf32, #tpu.memory_space<vmem_shared>>
      tpu.enqueue_indirect_dma source(%dma_start3A_589 : memref<128xf32, #tpu.memory_space<vmem>>) target(%dma_start3A_594 : memref<2056xf32, #tpu.memory_space<vmem_shared>>) offsets(%dma_start3A_592 : memref<128xi32, #tpu.memory_space<vmem>>) semaphore(%arg34 : memref<!tpu.dma_semaphore, #tpu.memory_space<semaphore_mem>>) {add = true}
      %dma_start3A_595 = tpu.memref_slice %arg18[%mul3A_582] : memref<8192xf32, #tpu.memory_space<vmem>> -> memref<128xf32, #tpu.memory_space<vmem>>
      %dma_start3A_596 = arith.constant 0 : i32
      %dma_start3A_597 = tpu.memref_slice %arg11[%add3A_580, %dma_start3A_596] : memref<64x128xi32, #tpu.memory_space<vmem>> -> memref<1x128xi32, #tpu.memory_space<vmem>>
      %dma_start3A_598 = tpu.memref_squeeze %dma_start3A_597 : memref<1x128xi32, #tpu.memory_space<vmem>> -> memref<128xi32, #tpu.memory_space<vmem>>
      %dma_start3A_599 = arith.constant 0 : i32
      %dma_start3A_600 = tpu.memref_slice %arg32[%dma_start3A_599] : memref<2056xf32, #tpu.memory_space<vmem_shared>> -> memref<2056xf32, #tpu.memory_space<vmem_shared>>
      tpu.enqueue_indirect_dma source(%dma_start3A_595 : memref<128xf32, #tpu.memory_space<vmem>>) target(%dma_start3A_600 : memref<2056xf32, #tpu.memory_space<vmem_shared>>) offsets(%dma_start3A_598 : memref<128xi32, #tpu.memory_space<vmem>>) semaphore(%arg34 : memref<!tpu.dma_semaphore, #tpu.memory_space<semaphore_mem>>) {add = true}
      %dma_start3A_601 = tpu.memref_slice %arg19[%mul3A_582] : memref<8192xf32, #tpu.memory_space<vmem>> -> memref<128xf32, #tpu.memory_space<vmem>>
      %dma_start3A_602 = arith.constant 0 : i32
      %dma_start3A_603 = tpu.memref_slice %arg11[%add3A_580, %dma_start3A_602] : memref<64x128xi32, #tpu.memory_space<vmem>> -> memref<1x128xi32, #tpu.memory_space<vmem>>
      %dma_start3A_604 = tpu.memref_squeeze %dma_start3A_603 : memref<1x128xi32, #tpu.memory_space<vmem>> -> memref<128xi32, #tpu.memory_space<vmem>>
      %dma_start3A_605 = arith.constant 0 : i32
      %dma_start3A_606 = tpu.memref_slice %arg33[%dma_start3A_605] : memref<2056xf32, #tpu.memory_space<vmem_shared>> -> memref<2056xf32, #tpu.memory_space<vmem_shared>>
      tpu.enqueue_indirect_dma source(%dma_start3A_601 : memref<128xf32, #tpu.memory_space<vmem>>) target(%dma_start3A_606 : memref<2056xf32, #tpu.memory_space<vmem_shared>>) offsets(%dma_start3A_604 : memref<128xi32, #tpu.memory_space<vmem>>) semaphore(%arg34 : memref<!tpu.dma_semaphore, #tpu.memory_space<semaphore_mem>>) {add = true}
      %mul3A_607 = arith.constant 8 : i32
      %mul3A_608 = arith.muli %scan3A_397, %mul3A_607 : i32
      %add3A_609 = arith.constant 7 : i32
      %add3A_610 = arith.addi %mul3A_608, %add3A_609 : i32
      %mul3A_611 = arith.constant 128 : i32
      %mul3A_612 = arith.muli %add3A_610, %mul3A_611 : i32
      %dma_start3A_613 = tpu.memref_slice %arg16[%mul3A_612] : memref<8192xf32, #tpu.memory_space<vmem>> -> memref<128xf32, #tpu.memory_space<vmem>>
      %dma_start3A_614 = arith.constant 0 : i32
      %dma_start3A_615 = tpu.memref_slice %arg11[%add3A_610, %dma_start3A_614] : memref<64x128xi32, #tpu.memory_space<vmem>> -> memref<1x128xi32, #tpu.memory_space<vmem>>
      %dma_start3A_616 = tpu.memref_squeeze %dma_start3A_615 : memref<1x128xi32, #tpu.memory_space<vmem>> -> memref<128xi32, #tpu.memory_space<vmem>>
      %dma_start3A_617 = arith.constant 0 : i32
      %dma_start3A_618 = tpu.memref_slice %arg30[%dma_start3A_617] : memref<2056xf32, #tpu.memory_space<vmem_shared>> -> memref<2056xf32, #tpu.memory_space<vmem_shared>>
      tpu.enqueue_indirect_dma source(%dma_start3A_613 : memref<128xf32, #tpu.memory_space<vmem>>) target(%dma_start3A_618 : memref<2056xf32, #tpu.memory_space<vmem_shared>>) offsets(%dma_start3A_616 : memref<128xi32, #tpu.memory_space<vmem>>) semaphore(%arg34 : memref<!tpu.dma_semaphore, #tpu.memory_space<semaphore_mem>>) {add = true}
      %dma_start3A_619 = tpu.memref_slice %arg17[%mul3A_612] : memref<8192xf32, #tpu.memory_space<vmem>> -> memref<128xf32, #tpu.memory_space<vmem>>
      %dma_start3A_620 = arith.constant 0 : i32
      %dma_start3A_621 = tpu.memref_slice %arg11[%add3A_610, %dma_start3A_620] : memref<64x128xi32, #tpu.memory_space<vmem>> -> memref<1x128xi32, #tpu.memory_space<vmem>>
      %dma_start3A_622 = tpu.memref_squeeze %dma_start3A_621 : memref<1x128xi32, #tpu.memory_space<vmem>> -> memref<128xi32, #tpu.memory_space<vmem>>
      %dma_start3A_623 = arith.constant 0 : i32
      %dma_start3A_624 = tpu.memref_slice %arg31[%dma_start3A_623] : memref<2056xf32, #tpu.memory_space<vmem_shared>> -> memref<2056xf32, #tpu.memory_space<vmem_shared>>
      tpu.enqueue_indirect_dma source(%dma_start3A_619 : memref<128xf32, #tpu.memory_space<vmem>>) target(%dma_start3A_624 : memref<2056xf32, #tpu.memory_space<vmem_shared>>) offsets(%dma_start3A_622 : memref<128xi32, #tpu.memory_space<vmem>>) semaphore(%arg34 : memref<!tpu.dma_semaphore, #tpu.memory_space<semaphore_mem>>) {add = true}
      %dma_start3A_625 = tpu.memref_slice %arg18[%mul3A_612] : memref<8192xf32, #tpu.memory_space<vmem>> -> memref<128xf32, #tpu.memory_space<vmem>>
      %dma_start3A_626 = arith.constant 0 : i32
      %dma_start3A_627 = tpu.memref_slice %arg11[%add3A_610, %dma_start3A_626] : memref<64x128xi32, #tpu.memory_space<vmem>> -> memref<1x128xi32, #tpu.memory_space<vmem>>
      %dma_start3A_628 = tpu.memref_squeeze %dma_start3A_627 : memref<1x128xi32, #tpu.memory_space<vmem>> -> memref<128xi32, #tpu.memory_space<vmem>>
      %dma_start3A_629 = arith.constant 0 : i32
      %dma_start3A_630 = tpu.memref_slice %arg32[%dma_start3A_629] : memref<2056xf32, #tpu.memory_space<vmem_shared>> -> memref<2056xf32, #tpu.memory_space<vmem_shared>>
      tpu.enqueue_indirect_dma source(%dma_start3A_625 : memref<128xf32, #tpu.memory_space<vmem>>) target(%dma_start3A_630 : memref<2056xf32, #tpu.memory_space<vmem_shared>>) offsets(%dma_start3A_628 : memref<128xi32, #tpu.memory_space<vmem>>) semaphore(%arg34 : memref<!tpu.dma_semaphore, #tpu.memory_space<semaphore_mem>>) {add = true}
      %dma_start3A_631 = tpu.memref_slice %arg19[%mul3A_612] : memref<8192xf32, #tpu.memory_space<vmem>> -> memref<128xf32, #tpu.memory_space<vmem>>
      %dma_start3A_632 = arith.constant 0 : i32
      %dma_start3A_633 = tpu.memref_slice %arg11[%add3A_610, %dma_start3A_632] : memref<64x128xi32, #tpu.memory_space<vmem>> -> memref<1x128xi32, #tpu.memory_space<vmem>>
      %dma_start3A_634 = tpu.memref_squeeze %dma_start3A_633 : memref<1x128xi32, #tpu.memory_space<vmem>> -> memref<128xi32, #tpu.memory_space<vmem>>
      %dma_start3A_635 = arith.constant 0 : i32
      %dma_start3A_636 = tpu.memref_slice %arg33[%dma_start3A_635] : memref<2056xf32, #tpu.memory_space<vmem_shared>> -> memref<2056xf32, #tpu.memory_space<vmem_shared>>
      tpu.enqueue_indirect_dma source(%dma_start3A_631 : memref<128xf32, #tpu.memory_space<vmem>>) target(%dma_start3A_636 : memref<2056xf32, #tpu.memory_space<vmem_shared>>) offsets(%dma_start3A_634 : memref<128xi32, #tpu.memory_space<vmem>>) semaphore(%arg34 : memref<!tpu.dma_semaphore, #tpu.memory_space<semaphore_mem>>) {add = true}
      %dma_wait3A = tpu.memref_slice %arg16[%mul3A_403] : memref<8192xf32, #tpu.memory_space<vmem>> -> memref<128xf32, #tpu.memory_space<vmem>>
      %dma_wait3A_637 = arith.constant 0 : i32
      %dma_wait3A_638 = tpu.memref_slice %arg11[%add3A_401, %dma_wait3A_637] : memref<64x128xi32, #tpu.memory_space<vmem>> -> memref<1x128xi32, #tpu.memory_space<vmem>>
      %dma_wait3A_639 = tpu.memref_squeeze %dma_wait3A_638 : memref<1x128xi32, #tpu.memory_space<vmem>> -> memref<128xi32, #tpu.memory_space<vmem>>
      %dma_wait3A_640 = arith.constant 0 : i32
      %dma_wait3A_641 = tpu.memref_slice %arg30[%dma_wait3A_640] : memref<2056xf32, #tpu.memory_space<vmem_shared>> -> memref<2056xf32, #tpu.memory_space<vmem_shared>>
      tpu.wait_indirect_dma semaphore(%arg34 : memref<!tpu.dma_semaphore, #tpu.memory_space<semaphore_mem>>) src(%dma_wait3A : memref<128xf32, #tpu.memory_space<vmem>>) dst(%dma_wait3A_641 : memref<2056xf32, #tpu.memory_space<vmem_shared>>)
      %dma_wait3A_642 = tpu.memref_slice %arg17[%mul3A_403] : memref<8192xf32, #tpu.memory_space<vmem>> -> memref<128xf32, #tpu.memory_space<vmem>>
      %dma_wait3A_643 = arith.constant 0 : i32
      %dma_wait3A_644 = tpu.memref_slice %arg11[%add3A_401, %dma_wait3A_643] : memref<64x128xi32, #tpu.memory_space<vmem>> -> memref<1x128xi32, #tpu.memory_space<vmem>>
      %dma_wait3A_645 = tpu.memref_squeeze %dma_wait3A_644 : memref<1x128xi32, #tpu.memory_space<vmem>> -> memref<128xi32, #tpu.memory_space<vmem>>
      %dma_wait3A_646 = arith.constant 0 : i32
      %dma_wait3A_647 = tpu.memref_slice %arg31[%dma_wait3A_646] : memref<2056xf32, #tpu.memory_space<vmem_shared>> -> memref<2056xf32, #tpu.memory_space<vmem_shared>>
      tpu.wait_indirect_dma semaphore(%arg34 : memref<!tpu.dma_semaphore, #tpu.memory_space<semaphore_mem>>) src(%dma_wait3A_642 : memref<128xf32, #tpu.memory_space<vmem>>) dst(%dma_wait3A_647 : memref<2056xf32, #tpu.memory_space<vmem_shared>>)
      %dma_wait3A_648 = tpu.memref_slice %arg18[%mul3A_403] : memref<8192xf32, #tpu.memory_space<vmem>> -> memref<128xf32, #tpu.memory_space<vmem>>
      %dma_wait3A_649 = arith.constant 0 : i32
      %dma_wait3A_650 = tpu.memref_slice %arg11[%add3A_401, %dma_wait3A_649] : memref<64x128xi32, #tpu.memory_space<vmem>> -> memref<1x128xi32, #tpu.memory_space<vmem>>
      %dma_wait3A_651 = tpu.memref_squeeze %dma_wait3A_650 : memref<1x128xi32, #tpu.memory_space<vmem>> -> memref<128xi32, #tpu.memory_space<vmem>>
      %dma_wait3A_652 = arith.constant 0 : i32
      %dma_wait3A_653 = tpu.memref_slice %arg32[%dma_wait3A_652] : memref<2056xf32, #tpu.memory_space<vmem_shared>> -> memref<2056xf32, #tpu.memory_space<vmem_shared>>
      tpu.wait_indirect_dma semaphore(%arg34 : memref<!tpu.dma_semaphore, #tpu.memory_space<semaphore_mem>>) src(%dma_wait3A_648 : memref<128xf32, #tpu.memory_space<vmem>>) dst(%dma_wait3A_653 : memref<2056xf32, #tpu.memory_space<vmem_shared>>)
      %dma_wait3A_654 = tpu.memref_slice %arg19[%mul3A_403] : memref<8192xf32, #tpu.memory_space<vmem>> -> memref<128xf32, #tpu.memory_space<vmem>>
      %dma_wait3A_655 = arith.constant 0 : i32
      %dma_wait3A_656 = tpu.memref_slice %arg11[%add3A_401, %dma_wait3A_655] : memref<64x128xi32, #tpu.memory_space<vmem>> -> memref<1x128xi32, #tpu.memory_space<vmem>>
      %dma_wait3A_657 = tpu.memref_squeeze %dma_wait3A_656 : memref<1x128xi32, #tpu.memory_space<vmem>> -> memref<128xi32, #tpu.memory_space<vmem>>
      %dma_wait3A_658 = arith.constant 0 : i32
      %dma_wait3A_659 = tpu.memref_slice %arg33[%dma_wait3A_658] : memref<2056xf32, #tpu.memory_space<vmem_shared>> -> memref<2056xf32, #tpu.memory_space<vmem_shared>>
      tpu.wait_indirect_dma semaphore(%arg34 : memref<!tpu.dma_semaphore, #tpu.memory_space<semaphore_mem>>) src(%dma_wait3A_654 : memref<128xf32, #tpu.memory_space<vmem>>) dst(%dma_wait3A_659 : memref<2056xf32, #tpu.memory_space<vmem_shared>>)
      %dma_wait3A_660 = tpu.memref_slice %arg16[%mul3A_432] : memref<8192xf32, #tpu.memory_space<vmem>> -> memref<128xf32, #tpu.memory_space<vmem>>
      %dma_wait3A_661 = arith.constant 0 : i32
      %dma_wait3A_662 = tpu.memref_slice %arg11[%add3A_430, %dma_wait3A_661] : memref<64x128xi32, #tpu.memory_space<vmem>> -> memref<1x128xi32, #tpu.memory_space<vmem>>
      %dma_wait3A_663 = tpu.memref_squeeze %dma_wait3A_662 : memref<1x128xi32, #tpu.memory_space<vmem>> -> memref<128xi32, #tpu.memory_space<vmem>>
      %dma_wait3A_664 = arith.constant 0 : i32
      %dma_wait3A_665 = tpu.memref_slice %arg30[%dma_wait3A_664] : memref<2056xf32, #tpu.memory_space<vmem_shared>> -> memref<2056xf32, #tpu.memory_space<vmem_shared>>
      tpu.wait_indirect_dma semaphore(%arg34 : memref<!tpu.dma_semaphore, #tpu.memory_space<semaphore_mem>>) src(%dma_wait3A_660 : memref<128xf32, #tpu.memory_space<vmem>>) dst(%dma_wait3A_665 : memref<2056xf32, #tpu.memory_space<vmem_shared>>)
      %dma_wait3A_666 = tpu.memref_slice %arg17[%mul3A_432] : memref<8192xf32, #tpu.memory_space<vmem>> -> memref<128xf32, #tpu.memory_space<vmem>>
      %dma_wait3A_667 = arith.constant 0 : i32
      %dma_wait3A_668 = tpu.memref_slice %arg11[%add3A_430, %dma_wait3A_667] : memref<64x128xi32, #tpu.memory_space<vmem>> -> memref<1x128xi32, #tpu.memory_space<vmem>>
      %dma_wait3A_669 = tpu.memref_squeeze %dma_wait3A_668 : memref<1x128xi32, #tpu.memory_space<vmem>> -> memref<128xi32, #tpu.memory_space<vmem>>
      %dma_wait3A_670 = arith.constant 0 : i32
      %dma_wait3A_671 = tpu.memref_slice %arg31[%dma_wait3A_670] : memref<2056xf32, #tpu.memory_space<vmem_shared>> -> memref<2056xf32, #tpu.memory_space<vmem_shared>>
      tpu.wait_indirect_dma semaphore(%arg34 : memref<!tpu.dma_semaphore, #tpu.memory_space<semaphore_mem>>) src(%dma_wait3A_666 : memref<128xf32, #tpu.memory_space<vmem>>) dst(%dma_wait3A_671 : memref<2056xf32, #tpu.memory_space<vmem_shared>>)
      %dma_wait3A_672 = tpu.memref_slice %arg18[%mul3A_432] : memref<8192xf32, #tpu.memory_space<vmem>> -> memref<128xf32, #tpu.memory_space<vmem>>
      %dma_wait3A_673 = arith.constant 0 : i32
      %dma_wait3A_674 = tpu.memref_slice %arg11[%add3A_430, %dma_wait3A_673] : memref<64x128xi32, #tpu.memory_space<vmem>> -> memref<1x128xi32, #tpu.memory_space<vmem>>
      %dma_wait3A_675 = tpu.memref_squeeze %dma_wait3A_674 : memref<1x128xi32, #tpu.memory_space<vmem>> -> memref<128xi32, #tpu.memory_space<vmem>>
      %dma_wait3A_676 = arith.constant 0 : i32
      %dma_wait3A_677 = tpu.memref_slice %arg32[%dma_wait3A_676] : memref<2056xf32, #tpu.memory_space<vmem_shared>> -> memref<2056xf32, #tpu.memory_space<vmem_shared>>
      tpu.wait_indirect_dma semaphore(%arg34 : memref<!tpu.dma_semaphore, #tpu.memory_space<semaphore_mem>>) src(%dma_wait3A_672 : memref<128xf32, #tpu.memory_space<vmem>>) dst(%dma_wait3A_677 : memref<2056xf32, #tpu.memory_space<vmem_shared>>)
      %dma_wait3A_678 = tpu.memref_slice %arg19[%mul3A_432] : memref<8192xf32, #tpu.memory_space<vmem>> -> memref<128xf32, #tpu.memory_space<vmem>>
      %dma_wait3A_679 = arith.constant 0 : i32
      %dma_wait3A_680 = tpu.memref_slice %arg11[%add3A_430, %dma_wait3A_679] : memref<64x128xi32, #tpu.memory_space<vmem>> -> memref<1x128xi32, #tpu.memory_space<vmem>>
      %dma_wait3A_681 = tpu.memref_squeeze %dma_wait3A_680 : memref<1x128xi32, #tpu.memory_space<vmem>> -> memref<128xi32, #tpu.memory_space<vmem>>
      %dma_wait3A_682 = arith.constant 0 : i32
      %dma_wait3A_683 = tpu.memref_slice %arg33[%dma_wait3A_682] : memref<2056xf32, #tpu.memory_space<vmem_shared>> -> memref<2056xf32, #tpu.memory_space<vmem_shared>>
      tpu.wait_indirect_dma semaphore(%arg34 : memref<!tpu.dma_semaphore, #tpu.memory_space<semaphore_mem>>) src(%dma_wait3A_678 : memref<128xf32, #tpu.memory_space<vmem>>) dst(%dma_wait3A_683 : memref<2056xf32, #tpu.memory_space<vmem_shared>>)
      %dma_wait3A_684 = tpu.memref_slice %arg16[%mul3A_462] : memref<8192xf32, #tpu.memory_space<vmem>> -> memref<128xf32, #tpu.memory_space<vmem>>
      %dma_wait3A_685 = arith.constant 0 : i32
      %dma_wait3A_686 = tpu.memref_slice %arg11[%add3A_460, %dma_wait3A_685] : memref<64x128xi32, #tpu.memory_space<vmem>> -> memref<1x128xi32, #tpu.memory_space<vmem>>
      %dma_wait3A_687 = tpu.memref_squeeze %dma_wait3A_686 : memref<1x128xi32, #tpu.memory_space<vmem>> -> memref<128xi32, #tpu.memory_space<vmem>>
      %dma_wait3A_688 = arith.constant 0 : i32
      %dma_wait3A_689 = tpu.memref_slice %arg30[%dma_wait3A_688] : memref<2056xf32, #tpu.memory_space<vmem_shared>> -> memref<2056xf32, #tpu.memory_space<vmem_shared>>
      tpu.wait_indirect_dma semaphore(%arg34 : memref<!tpu.dma_semaphore, #tpu.memory_space<semaphore_mem>>) src(%dma_wait3A_684 : memref<128xf32, #tpu.memory_space<vmem>>) dst(%dma_wait3A_689 : memref<2056xf32, #tpu.memory_space<vmem_shared>>)
      %dma_wait3A_690 = tpu.memref_slice %arg17[%mul3A_462] : memref<8192xf32, #tpu.memory_space<vmem>> -> memref<128xf32, #tpu.memory_space<vmem>>
      %dma_wait3A_691 = arith.constant 0 : i32
      %dma_wait3A_692 = tpu.memref_slice %arg11[%add3A_460, %dma_wait3A_691] : memref<64x128xi32, #tpu.memory_space<vmem>> -> memref<1x128xi32, #tpu.memory_space<vmem>>
      %dma_wait3A_693 = tpu.memref_squeeze %dma_wait3A_692 : memref<1x128xi32, #tpu.memory_space<vmem>> -> memref<128xi32, #tpu.memory_space<vmem>>
      %dma_wait3A_694 = arith.constant 0 : i32
      %dma_wait3A_695 = tpu.memref_slice %arg31[%dma_wait3A_694] : memref<2056xf32, #tpu.memory_space<vmem_shared>> -> memref<2056xf32, #tpu.memory_space<vmem_shared>>
      tpu.wait_indirect_dma semaphore(%arg34 : memref<!tpu.dma_semaphore, #tpu.memory_space<semaphore_mem>>) src(%dma_wait3A_690 : memref<128xf32, #tpu.memory_space<vmem>>) dst(%dma_wait3A_695 : memref<2056xf32, #tpu.memory_space<vmem_shared>>)
      %dma_wait3A_696 = tpu.memref_slice %arg18[%mul3A_462] : memref<8192xf32, #tpu.memory_space<vmem>> -> memref<128xf32, #tpu.memory_space<vmem>>
      %dma_wait3A_697 = arith.constant 0 : i32
      %dma_wait3A_698 = tpu.memref_slice %arg11[%add3A_460, %dma_wait3A_697] : memref<64x128xi32, #tpu.memory_space<vmem>> -> memref<1x128xi32, #tpu.memory_space<vmem>>
      %dma_wait3A_699 = tpu.memref_squeeze %dma_wait3A_698 : memref<1x128xi32, #tpu.memory_space<vmem>> -> memref<128xi32, #tpu.memory_space<vmem>>
      %dma_wait3A_700 = arith.constant 0 : i32
      %dma_wait3A_701 = tpu.memref_slice %arg32[%dma_wait3A_700] : memref<2056xf32, #tpu.memory_space<vmem_shared>> -> memref<2056xf32, #tpu.memory_space<vmem_shared>>
      tpu.wait_indirect_dma semaphore(%arg34 : memref<!tpu.dma_semaphore, #tpu.memory_space<semaphore_mem>>) src(%dma_wait3A_696 : memref<128xf32, #tpu.memory_space<vmem>>) dst(%dma_wait3A_701 : memref<2056xf32, #tpu.memory_space<vmem_shared>>)
      %dma_wait3A_702 = tpu.memref_slice %arg19[%mul3A_462] : memref<8192xf32, #tpu.memory_space<vmem>> -> memref<128xf32, #tpu.memory_space<vmem>>
      %dma_wait3A_703 = arith.constant 0 : i32
      %dma_wait3A_704 = tpu.memref_slice %arg11[%add3A_460, %dma_wait3A_703] : memref<64x128xi32, #tpu.memory_space<vmem>> -> memref<1x128xi32, #tpu.memory_space<vmem>>
      %dma_wait3A_705 = tpu.memref_squeeze %dma_wait3A_704 : memref<1x128xi32, #tpu.memory_space<vmem>> -> memref<128xi32, #tpu.memory_space<vmem>>
      %dma_wait3A_706 = arith.constant 0 : i32
      %dma_wait3A_707 = tpu.memref_slice %arg33[%dma_wait3A_706] : memref<2056xf32, #tpu.memory_space<vmem_shared>> -> memref<2056xf32, #tpu.memory_space<vmem_shared>>
      tpu.wait_indirect_dma semaphore(%arg34 : memref<!tpu.dma_semaphore, #tpu.memory_space<semaphore_mem>>) src(%dma_wait3A_702 : memref<128xf32, #tpu.memory_space<vmem>>) dst(%dma_wait3A_707 : memref<2056xf32, #tpu.memory_space<vmem_shared>>)
      %dma_wait3A_708 = tpu.memref_slice %arg16[%mul3A_492] : memref<8192xf32, #tpu.memory_space<vmem>> -> memref<128xf32, #tpu.memory_space<vmem>>
      %dma_wait3A_709 = arith.constant 0 : i32
      %dma_wait3A_710 = tpu.memref_slice %arg11[%add3A_490, %dma_wait3A_709] : memref<64x128xi32, #tpu.memory_space<vmem>> -> memref<1x128xi32, #tpu.memory_space<vmem>>
      %dma_wait3A_711 = tpu.memref_squeeze %dma_wait3A_710 : memref<1x128xi32, #tpu.memory_space<vmem>> -> memref<128xi32, #tpu.memory_space<vmem>>
      %dma_wait3A_712 = arith.constant 0 : i32
      %dma_wait3A_713 = tpu.memref_slice %arg30[%dma_wait3A_712] : memref<2056xf32, #tpu.memory_space<vmem_shared>> -> memref<2056xf32, #tpu.memory_space<vmem_shared>>
      tpu.wait_indirect_dma semaphore(%arg34 : memref<!tpu.dma_semaphore, #tpu.memory_space<semaphore_mem>>) src(%dma_wait3A_708 : memref<128xf32, #tpu.memory_space<vmem>>) dst(%dma_wait3A_713 : memref<2056xf32, #tpu.memory_space<vmem_shared>>)
      %dma_wait3A_714 = tpu.memref_slice %arg17[%mul3A_492] : memref<8192xf32, #tpu.memory_space<vmem>> -> memref<128xf32, #tpu.memory_space<vmem>>
      %dma_wait3A_715 = arith.constant 0 : i32
      %dma_wait3A_716 = tpu.memref_slice %arg11[%add3A_490, %dma_wait3A_715] : memref<64x128xi32, #tpu.memory_space<vmem>> -> memref<1x128xi32, #tpu.memory_space<vmem>>
      %dma_wait3A_717 = tpu.memref_squeeze %dma_wait3A_716 : memref<1x128xi32, #tpu.memory_space<vmem>> -> memref<128xi32, #tpu.memory_space<vmem>>
      %dma_wait3A_718 = arith.constant 0 : i32
      %dma_wait3A_719 = tpu.memref_slice %arg31[%dma_wait3A_718] : memref<2056xf32, #tpu.memory_space<vmem_shared>> -> memref<2056xf32, #tpu.memory_space<vmem_shared>>
      tpu.wait_indirect_dma semaphore(%arg34 : memref<!tpu.dma_semaphore, #tpu.memory_space<semaphore_mem>>) src(%dma_wait3A_714 : memref<128xf32, #tpu.memory_space<vmem>>) dst(%dma_wait3A_719 : memref<2056xf32, #tpu.memory_space<vmem_shared>>)
      %dma_wait3A_720 = tpu.memref_slice %arg18[%mul3A_492] : memref<8192xf32, #tpu.memory_space<vmem>> -> memref<128xf32, #tpu.memory_space<vmem>>
      %dma_wait3A_721 = arith.constant 0 : i32
      %dma_wait3A_722 = tpu.memref_slice %arg11[%add3A_490, %dma_wait3A_721] : memref<64x128xi32, #tpu.memory_space<vmem>> -> memref<1x128xi32, #tpu.memory_space<vmem>>
      %dma_wait3A_723 = tpu.memref_squeeze %dma_wait3A_722 : memref<1x128xi32, #tpu.memory_space<vmem>> -> memref<128xi32, #tpu.memory_space<vmem>>
      %dma_wait3A_724 = arith.constant 0 : i32
      %dma_wait3A_725 = tpu.memref_slice %arg32[%dma_wait3A_724] : memref<2056xf32, #tpu.memory_space<vmem_shared>> -> memref<2056xf32, #tpu.memory_space<vmem_shared>>
      tpu.wait_indirect_dma semaphore(%arg34 : memref<!tpu.dma_semaphore, #tpu.memory_space<semaphore_mem>>) src(%dma_wait3A_720 : memref<128xf32, #tpu.memory_space<vmem>>) dst(%dma_wait3A_725 : memref<2056xf32, #tpu.memory_space<vmem_shared>>)
      %dma_wait3A_726 = tpu.memref_slice %arg19[%mul3A_492] : memref<8192xf32, #tpu.memory_space<vmem>> -> memref<128xf32, #tpu.memory_space<vmem>>
      %dma_wait3A_727 = arith.constant 0 : i32
      %dma_wait3A_728 = tpu.memref_slice %arg11[%add3A_490, %dma_wait3A_727] : memref<64x128xi32, #tpu.memory_space<vmem>> -> memref<1x128xi32, #tpu.memory_space<vmem>>
      %dma_wait3A_729 = tpu.memref_squeeze %dma_wait3A_728 : memref<1x128xi32, #tpu.memory_space<vmem>> -> memref<128xi32, #tpu.memory_space<vmem>>
      %dma_wait3A_730 = arith.constant 0 : i32
      %dma_wait3A_731 = tpu.memref_slice %arg33[%dma_wait3A_730] : memref<2056xf32, #tpu.memory_space<vmem_shared>> -> memref<2056xf32, #tpu.memory_space<vmem_shared>>
      tpu.wait_indirect_dma semaphore(%arg34 : memref<!tpu.dma_semaphore, #tpu.memory_space<semaphore_mem>>) src(%dma_wait3A_726 : memref<128xf32, #tpu.memory_space<vmem>>) dst(%dma_wait3A_731 : memref<2056xf32, #tpu.memory_space<vmem_shared>>)
      %dma_wait3A_732 = tpu.memref_slice %arg16[%mul3A_522] : memref<8192xf32, #tpu.memory_space<vmem>> -> memref<128xf32, #tpu.memory_space<vmem>>
      %dma_wait3A_733 = arith.constant 0 : i32
      %dma_wait3A_734 = tpu.memref_slice %arg11[%add3A_520, %dma_wait3A_733] : memref<64x128xi32, #tpu.memory_space<vmem>> -> memref<1x128xi32, #tpu.memory_space<vmem>>
      %dma_wait3A_735 = tpu.memref_squeeze %dma_wait3A_734 : memref<1x128xi32, #tpu.memory_space<vmem>> -> memref<128xi32, #tpu.memory_space<vmem>>
      %dma_wait3A_736 = arith.constant 0 : i32
      %dma_wait3A_737 = tpu.memref_slice %arg30[%dma_wait3A_736] : memref<2056xf32, #tpu.memory_space<vmem_shared>> -> memref<2056xf32, #tpu.memory_space<vmem_shared>>
      tpu.wait_indirect_dma semaphore(%arg34 : memref<!tpu.dma_semaphore, #tpu.memory_space<semaphore_mem>>) src(%dma_wait3A_732 : memref<128xf32, #tpu.memory_space<vmem>>) dst(%dma_wait3A_737 : memref<2056xf32, #tpu.memory_space<vmem_shared>>)
      %dma_wait3A_738 = tpu.memref_slice %arg17[%mul3A_522] : memref<8192xf32, #tpu.memory_space<vmem>> -> memref<128xf32, #tpu.memory_space<vmem>>
      %dma_wait3A_739 = arith.constant 0 : i32
      %dma_wait3A_740 = tpu.memref_slice %arg11[%add3A_520, %dma_wait3A_739] : memref<64x128xi32, #tpu.memory_space<vmem>> -> memref<1x128xi32, #tpu.memory_space<vmem>>
      %dma_wait3A_741 = tpu.memref_squeeze %dma_wait3A_740 : memref<1x128xi32, #tpu.memory_space<vmem>> -> memref<128xi32, #tpu.memory_space<vmem>>
      %dma_wait3A_742 = arith.constant 0 : i32
      %dma_wait3A_743 = tpu.memref_slice %arg31[%dma_wait3A_742] : memref<2056xf32, #tpu.memory_space<vmem_shared>> -> memref<2056xf32, #tpu.memory_space<vmem_shared>>
      tpu.wait_indirect_dma semaphore(%arg34 : memref<!tpu.dma_semaphore, #tpu.memory_space<semaphore_mem>>) src(%dma_wait3A_738 : memref<128xf32, #tpu.memory_space<vmem>>) dst(%dma_wait3A_743 : memref<2056xf32, #tpu.memory_space<vmem_shared>>)
      %dma_wait3A_744 = tpu.memref_slice %arg18[%mul3A_522] : memref<8192xf32, #tpu.memory_space<vmem>> -> memref<128xf32, #tpu.memory_space<vmem>>
      %dma_wait3A_745 = arith.constant 0 : i32
      %dma_wait3A_746 = tpu.memref_slice %arg11[%add3A_520, %dma_wait3A_745] : memref<64x128xi32, #tpu.memory_space<vmem>> -> memref<1x128xi32, #tpu.memory_space<vmem>>
      %dma_wait3A_747 = tpu.memref_squeeze %dma_wait3A_746 : memref<1x128xi32, #tpu.memory_space<vmem>> -> memref<128xi32, #tpu.memory_space<vmem>>
      %dma_wait3A_748 = arith.constant 0 : i32
      %dma_wait3A_749 = tpu.memref_slice %arg32[%dma_wait3A_748] : memref<2056xf32, #tpu.memory_space<vmem_shared>> -> memref<2056xf32, #tpu.memory_space<vmem_shared>>
      tpu.wait_indirect_dma semaphore(%arg34 : memref<!tpu.dma_semaphore, #tpu.memory_space<semaphore_mem>>) src(%dma_wait3A_744 : memref<128xf32, #tpu.memory_space<vmem>>) dst(%dma_wait3A_749 : memref<2056xf32, #tpu.memory_space<vmem_shared>>)
      %dma_wait3A_750 = tpu.memref_slice %arg19[%mul3A_522] : memref<8192xf32, #tpu.memory_space<vmem>> -> memref<128xf32, #tpu.memory_space<vmem>>
      %dma_wait3A_751 = arith.constant 0 : i32
      %dma_wait3A_752 = tpu.memref_slice %arg11[%add3A_520, %dma_wait3A_751] : memref<64x128xi32, #tpu.memory_space<vmem>> -> memref<1x128xi32, #tpu.memory_space<vmem>>
      %dma_wait3A_753 = tpu.memref_squeeze %dma_wait3A_752 : memref<1x128xi32, #tpu.memory_space<vmem>> -> memref<128xi32, #tpu.memory_space<vmem>>
      %dma_wait3A_754 = arith.constant 0 : i32
      %dma_wait3A_755 = tpu.memref_slice %arg33[%dma_wait3A_754] : memref<2056xf32, #tpu.memory_space<vmem_shared>> -> memref<2056xf32, #tpu.memory_space<vmem_shared>>
      tpu.wait_indirect_dma semaphore(%arg34 : memref<!tpu.dma_semaphore, #tpu.memory_space<semaphore_mem>>) src(%dma_wait3A_750 : memref<128xf32, #tpu.memory_space<vmem>>) dst(%dma_wait3A_755 : memref<2056xf32, #tpu.memory_space<vmem_shared>>)
      %dma_wait3A_756 = tpu.memref_slice %arg16[%mul3A_552] : memref<8192xf32, #tpu.memory_space<vmem>> -> memref<128xf32, #tpu.memory_space<vmem>>
      %dma_wait3A_757 = arith.constant 0 : i32
      %dma_wait3A_758 = tpu.memref_slice %arg11[%add3A_550, %dma_wait3A_757] : memref<64x128xi32, #tpu.memory_space<vmem>> -> memref<1x128xi32, #tpu.memory_space<vmem>>
      %dma_wait3A_759 = tpu.memref_squeeze %dma_wait3A_758 : memref<1x128xi32, #tpu.memory_space<vmem>> -> memref<128xi32, #tpu.memory_space<vmem>>
      %dma_wait3A_760 = arith.constant 0 : i32
      %dma_wait3A_761 = tpu.memref_slice %arg30[%dma_wait3A_760] : memref<2056xf32, #tpu.memory_space<vmem_shared>> -> memref<2056xf32, #tpu.memory_space<vmem_shared>>
      tpu.wait_indirect_dma semaphore(%arg34 : memref<!tpu.dma_semaphore, #tpu.memory_space<semaphore_mem>>) src(%dma_wait3A_756 : memref<128xf32, #tpu.memory_space<vmem>>) dst(%dma_wait3A_761 : memref<2056xf32, #tpu.memory_space<vmem_shared>>)
      %dma_wait3A_762 = tpu.memref_slice %arg17[%mul3A_552] : memref<8192xf32, #tpu.memory_space<vmem>> -> memref<128xf32, #tpu.memory_space<vmem>>
      %dma_wait3A_763 = arith.constant 0 : i32
      %dma_wait3A_764 = tpu.memref_slice %arg11[%add3A_550, %dma_wait3A_763] : memref<64x128xi32, #tpu.memory_space<vmem>> -> memref<1x128xi32, #tpu.memory_space<vmem>>
      %dma_wait3A_765 = tpu.memref_squeeze %dma_wait3A_764 : memref<1x128xi32, #tpu.memory_space<vmem>> -> memref<128xi32, #tpu.memory_space<vmem>>
      %dma_wait3A_766 = arith.constant 0 : i32
      %dma_wait3A_767 = tpu.memref_slice %arg31[%dma_wait3A_766] : memref<2056xf32, #tpu.memory_space<vmem_shared>> -> memref<2056xf32, #tpu.memory_space<vmem_shared>>
      tpu.wait_indirect_dma semaphore(%arg34 : memref<!tpu.dma_semaphore, #tpu.memory_space<semaphore_mem>>) src(%dma_wait3A_762 : memref<128xf32, #tpu.memory_space<vmem>>) dst(%dma_wait3A_767 : memref<2056xf32, #tpu.memory_space<vmem_shared>>)
      %dma_wait3A_768 = tpu.memref_slice %arg18[%mul3A_552] : memref<8192xf32, #tpu.memory_space<vmem>> -> memref<128xf32, #tpu.memory_space<vmem>>
      %dma_wait3A_769 = arith.constant 0 : i32
      %dma_wait3A_770 = tpu.memref_slice %arg11[%add3A_550, %dma_wait3A_769] : memref<64x128xi32, #tpu.memory_space<vmem>> -> memref<1x128xi32, #tpu.memory_space<vmem>>
      %dma_wait3A_771 = tpu.memref_squeeze %dma_wait3A_770 : memref<1x128xi32, #tpu.memory_space<vmem>> -> memref<128xi32, #tpu.memory_space<vmem>>
      %dma_wait3A_772 = arith.constant 0 : i32
      %dma_wait3A_773 = tpu.memref_slice %arg32[%dma_wait3A_772] : memref<2056xf32, #tpu.memory_space<vmem_shared>> -> memref<2056xf32, #tpu.memory_space<vmem_shared>>
      tpu.wait_indirect_dma semaphore(%arg34 : memref<!tpu.dma_semaphore, #tpu.memory_space<semaphore_mem>>) src(%dma_wait3A_768 : memref<128xf32, #tpu.memory_space<vmem>>) dst(%dma_wait3A_773 : memref<2056xf32, #tpu.memory_space<vmem_shared>>)
      %dma_wait3A_774 = tpu.memref_slice %arg19[%mul3A_552] : memref<8192xf32, #tpu.memory_space<vmem>> -> memref<128xf32, #tpu.memory_space<vmem>>
      %dma_wait3A_775 = arith.constant 0 : i32
      %dma_wait3A_776 = tpu.memref_slice %arg11[%add3A_550, %dma_wait3A_775] : memref<64x128xi32, #tpu.memory_space<vmem>> -> memref<1x128xi32, #tpu.memory_space<vmem>>
      %dma_wait3A_777 = tpu.memref_squeeze %dma_wait3A_776 : memref<1x128xi32, #tpu.memory_space<vmem>> -> memref<128xi32, #tpu.memory_space<vmem>>
      %dma_wait3A_778 = arith.constant 0 : i32
      %dma_wait3A_779 = tpu.memref_slice %arg33[%dma_wait3A_778] : memref<2056xf32, #tpu.memory_space<vmem_shared>> -> memref<2056xf32, #tpu.memory_space<vmem_shared>>
      tpu.wait_indirect_dma semaphore(%arg34 : memref<!tpu.dma_semaphore, #tpu.memory_space<semaphore_mem>>) src(%dma_wait3A_774 : memref<128xf32, #tpu.memory_space<vmem>>) dst(%dma_wait3A_779 : memref<2056xf32, #tpu.memory_space<vmem_shared>>)
      %dma_wait3A_780 = tpu.memref_slice %arg16[%mul3A_582] : memref<8192xf32, #tpu.memory_space<vmem>> -> memref<128xf32, #tpu.memory_space<vmem>>
      %dma_wait3A_781 = arith.constant 0 : i32
      %dma_wait3A_782 = tpu.memref_slice %arg11[%add3A_580, %dma_wait3A_781] : memref<64x128xi32, #tpu.memory_space<vmem>> -> memref<1x128xi32, #tpu.memory_space<vmem>>
      %dma_wait3A_783 = tpu.memref_squeeze %dma_wait3A_782 : memref<1x128xi32, #tpu.memory_space<vmem>> -> memref<128xi32, #tpu.memory_space<vmem>>
      %dma_wait3A_784 = arith.constant 0 : i32
      %dma_wait3A_785 = tpu.memref_slice %arg30[%dma_wait3A_784] : memref<2056xf32, #tpu.memory_space<vmem_shared>> -> memref<2056xf32, #tpu.memory_space<vmem_shared>>
      tpu.wait_indirect_dma semaphore(%arg34 : memref<!tpu.dma_semaphore, #tpu.memory_space<semaphore_mem>>) src(%dma_wait3A_780 : memref<128xf32, #tpu.memory_space<vmem>>) dst(%dma_wait3A_785 : memref<2056xf32, #tpu.memory_space<vmem_shared>>)
      %dma_wait3A_786 = tpu.memref_slice %arg17[%mul3A_582] : memref<8192xf32, #tpu.memory_space<vmem>> -> memref<128xf32, #tpu.memory_space<vmem>>
      %dma_wait3A_787 = arith.constant 0 : i32
      %dma_wait3A_788 = tpu.memref_slice %arg11[%add3A_580, %dma_wait3A_787] : memref<64x128xi32, #tpu.memory_space<vmem>> -> memref<1x128xi32, #tpu.memory_space<vmem>>
      %dma_wait3A_789 = tpu.memref_squeeze %dma_wait3A_788 : memref<1x128xi32, #tpu.memory_space<vmem>> -> memref<128xi32, #tpu.memory_space<vmem>>
      %dma_wait3A_790 = arith.constant 0 : i32
      %dma_wait3A_791 = tpu.memref_slice %arg31[%dma_wait3A_790] : memref<2056xf32, #tpu.memory_space<vmem_shared>> -> memref<2056xf32, #tpu.memory_space<vmem_shared>>
      tpu.wait_indirect_dma semaphore(%arg34 : memref<!tpu.dma_semaphore, #tpu.memory_space<semaphore_mem>>) src(%dma_wait3A_786 : memref<128xf32, #tpu.memory_space<vmem>>) dst(%dma_wait3A_791 : memref<2056xf32, #tpu.memory_space<vmem_shared>>)
      %dma_wait3A_792 = tpu.memref_slice %arg18[%mul3A_582] : memref<8192xf32, #tpu.memory_space<vmem>> -> memref<128xf32, #tpu.memory_space<vmem>>
      %dma_wait3A_793 = arith.constant 0 : i32
      %dma_wait3A_794 = tpu.memref_slice %arg11[%add3A_580, %dma_wait3A_793] : memref<64x128xi32, #tpu.memory_space<vmem>> -> memref<1x128xi32, #tpu.memory_space<vmem>>
      %dma_wait3A_795 = tpu.memref_squeeze %dma_wait3A_794 : memref<1x128xi32, #tpu.memory_space<vmem>> -> memref<128xi32, #tpu.memory_space<vmem>>
      %dma_wait3A_796 = arith.constant 0 : i32
      %dma_wait3A_797 = tpu.memref_slice %arg32[%dma_wait3A_796] : memref<2056xf32, #tpu.memory_space<vmem_shared>> -> memref<2056xf32, #tpu.memory_space<vmem_shared>>
      tpu.wait_indirect_dma semaphore(%arg34 : memref<!tpu.dma_semaphore, #tpu.memory_space<semaphore_mem>>) src(%dma_wait3A_792 : memref<128xf32, #tpu.memory_space<vmem>>) dst(%dma_wait3A_797 : memref<2056xf32, #tpu.memory_space<vmem_shared>>)
      %dma_wait3A_798 = tpu.memref_slice %arg19[%mul3A_582] : memref<8192xf32, #tpu.memory_space<vmem>> -> memref<128xf32, #tpu.memory_space<vmem>>
      %dma_wait3A_799 = arith.constant 0 : i32
      %dma_wait3A_800 = tpu.memref_slice %arg11[%add3A_580, %dma_wait3A_799] : memref<64x128xi32, #tpu.memory_space<vmem>> -> memref<1x128xi32, #tpu.memory_space<vmem>>
      %dma_wait3A_801 = tpu.memref_squeeze %dma_wait3A_800 : memref<1x128xi32, #tpu.memory_space<vmem>> -> memref<128xi32, #tpu.memory_space<vmem>>
      %dma_wait3A_802 = arith.constant 0 : i32
      %dma_wait3A_803 = tpu.memref_slice %arg33[%dma_wait3A_802] : memref<2056xf32, #tpu.memory_space<vmem_shared>> -> memref<2056xf32, #tpu.memory_space<vmem_shared>>
      tpu.wait_indirect_dma semaphore(%arg34 : memref<!tpu.dma_semaphore, #tpu.memory_space<semaphore_mem>>) src(%dma_wait3A_798 : memref<128xf32, #tpu.memory_space<vmem>>) dst(%dma_wait3A_803 : memref<2056xf32, #tpu.memory_space<vmem_shared>>)
      %dma_wait3A_804 = tpu.memref_slice %arg16[%mul3A_612] : memref<8192xf32, #tpu.memory_space<vmem>> -> memref<128xf32, #tpu.memory_space<vmem>>
      %dma_wait3A_805 = arith.constant 0 : i32
      %dma_wait3A_806 = tpu.memref_slice %arg11[%add3A_610, %dma_wait3A_805] : memref<64x128xi32, #tpu.memory_space<vmem>> -> memref<1x128xi32, #tpu.memory_space<vmem>>
      %dma_wait3A_807 = tpu.memref_squeeze %dma_wait3A_806 : memref<1x128xi32, #tpu.memory_space<vmem>> -> memref<128xi32, #tpu.memory_space<vmem>>
      %dma_wait3A_808 = arith.constant 0 : i32
      %dma_wait3A_809 = tpu.memref_slice %arg30[%dma_wait3A_808] : memref<2056xf32, #tpu.memory_space<vmem_shared>> -> memref<2056xf32, #tpu.memory_space<vmem_shared>>
      tpu.wait_indirect_dma semaphore(%arg34 : memref<!tpu.dma_semaphore, #tpu.memory_space<semaphore_mem>>) src(%dma_wait3A_804 : memref<128xf32, #tpu.memory_space<vmem>>) dst(%dma_wait3A_809 : memref<2056xf32, #tpu.memory_space<vmem_shared>>)
      %dma_wait3A_810 = tpu.memref_slice %arg17[%mul3A_612] : memref<8192xf32, #tpu.memory_space<vmem>> -> memref<128xf32, #tpu.memory_space<vmem>>
      %dma_wait3A_811 = arith.constant 0 : i32
      %dma_wait3A_812 = tpu.memref_slice %arg11[%add3A_610, %dma_wait3A_811] : memref<64x128xi32, #tpu.memory_space<vmem>> -> memref<1x128xi32, #tpu.memory_space<vmem>>
      %dma_wait3A_813 = tpu.memref_squeeze %dma_wait3A_812 : memref<1x128xi32, #tpu.memory_space<vmem>> -> memref<128xi32, #tpu.memory_space<vmem>>
      %dma_wait3A_814 = arith.constant 0 : i32
      %dma_wait3A_815 = tpu.memref_slice %arg31[%dma_wait3A_814] : memref<2056xf32, #tpu.memory_space<vmem_shared>> -> memref<2056xf32, #tpu.memory_space<vmem_shared>>
      tpu.wait_indirect_dma semaphore(%arg34 : memref<!tpu.dma_semaphore, #tpu.memory_space<semaphore_mem>>) src(%dma_wait3A_810 : memref<128xf32, #tpu.memory_space<vmem>>) dst(%dma_wait3A_815 : memref<2056xf32, #tpu.memory_space<vmem_shared>>)
      %dma_wait3A_816 = tpu.memref_slice %arg18[%mul3A_612] : memref<8192xf32, #tpu.memory_space<vmem>> -> memref<128xf32, #tpu.memory_space<vmem>>
      %dma_wait3A_817 = arith.constant 0 : i32
      %dma_wait3A_818 = tpu.memref_slice %arg11[%add3A_610, %dma_wait3A_817] : memref<64x128xi32, #tpu.memory_space<vmem>> -> memref<1x128xi32, #tpu.memory_space<vmem>>
      %dma_wait3A_819 = tpu.memref_squeeze %dma_wait3A_818 : memref<1x128xi32, #tpu.memory_space<vmem>> -> memref<128xi32, #tpu.memory_space<vmem>>
      %dma_wait3A_820 = arith.constant 0 : i32
      %dma_wait3A_821 = tpu.memref_slice %arg32[%dma_wait3A_820] : memref<2056xf32, #tpu.memory_space<vmem_shared>> -> memref<2056xf32, #tpu.memory_space<vmem_shared>>
      tpu.wait_indirect_dma semaphore(%arg34 : memref<!tpu.dma_semaphore, #tpu.memory_space<semaphore_mem>>) src(%dma_wait3A_816 : memref<128xf32, #tpu.memory_space<vmem>>) dst(%dma_wait3A_821 : memref<2056xf32, #tpu.memory_space<vmem_shared>>)
      %dma_wait3A_822 = tpu.memref_slice %arg19[%mul3A_612] : memref<8192xf32, #tpu.memory_space<vmem>> -> memref<128xf32, #tpu.memory_space<vmem>>
      %dma_wait3A_823 = arith.constant 0 : i32
      %dma_wait3A_824 = tpu.memref_slice %arg11[%add3A_610, %dma_wait3A_823] : memref<64x128xi32, #tpu.memory_space<vmem>> -> memref<1x128xi32, #tpu.memory_space<vmem>>
      %dma_wait3A_825 = tpu.memref_squeeze %dma_wait3A_824 : memref<1x128xi32, #tpu.memory_space<vmem>> -> memref<128xi32, #tpu.memory_space<vmem>>
      %dma_wait3A_826 = arith.constant 0 : i32
      %dma_wait3A_827 = tpu.memref_slice %arg33[%dma_wait3A_826] : memref<2056xf32, #tpu.memory_space<vmem_shared>> -> memref<2056xf32, #tpu.memory_space<vmem_shared>>
      tpu.wait_indirect_dma semaphore(%arg34 : memref<!tpu.dma_semaphore, #tpu.memory_space<semaphore_mem>>) src(%dma_wait3A_822 : memref<128xf32, #tpu.memory_space<vmem>>) dst(%dma_wait3A_827 : memref<2056xf32, #tpu.memory_space<vmem_shared>>)
    }
    %scan3A_384 = arith.constant 8 : i32
    %barrier3A_385 = arith.constant 0 : index
    tpu.barrier barrier_id(%barrier3A_385)
    %mul3A_386 = arith.constant 128 : i32
    %mul3A_387 = arith.muli %arg1, %mul3A_386 : i32
    "tpu.region"() ({
      %run_scoped3A = tpu.sem_alloc : memref<!tpu.dma_semaphore, #tpu.memory_space<semaphore_mem>>
      %dma_start3A = tpu.memref_slice %arg30[%mul3A_387] : memref<2056xf32, #tpu.memory_space<vmem_shared>> -> memref<128xf32, #tpu.memory_space<vmem_shared>>
      %dma_start3A_397 = tpu.memref_slice %arg30[%mul3A_387] : memref<2056xf32, #tpu.memory_space<vmem_shared>> -> memref<128xf32, #tpu.memory_space<vmem_shared>>
      tpu.enqueue_dma source(%dma_start3A_397 : memref<128xf32, #tpu.memory_space<vmem_shared>>) target(%arg20 : memref<128xf32, #tpu.memory_space<vmem>>) target_semaphore(%run_scoped3A : memref<!tpu.dma_semaphore, #tpu.memory_space<semaphore_mem>>)
      %dma_wait3A = tpu.memref_slice %arg30[%mul3A_387] : memref<2056xf32, #tpu.memory_space<vmem_shared>> -> memref<128xf32, #tpu.memory_space<vmem_shared>>
      %dma_wait3A_398 = tpu.memref_slice %arg30[%mul3A_387] : memref<2056xf32, #tpu.memory_space<vmem_shared>> -> memref<128xf32, #tpu.memory_space<vmem_shared>>
      tpu.wait_dma2 semaphore(%run_scoped3A : memref<!tpu.dma_semaphore, #tpu.memory_space<semaphore_mem>>) src(%dma_wait3A_398 : memref<128xf32, #tpu.memory_space<vmem_shared>>) dst(%arg20 : memref<128xf32, #tpu.memory_space<vmem>>)
      tpu.yield
    }) : () -> ()
    "tpu.region"() ({
      %run_scoped3A = tpu.sem_alloc : memref<!tpu.dma_semaphore, #tpu.memory_space<semaphore_mem>>
      %dma_start3A = tpu.memref_slice %arg31[%mul3A_387] : memref<2056xf32, #tpu.memory_space<vmem_shared>> -> memref<128xf32, #tpu.memory_space<vmem_shared>>
      %dma_start3A_397 = tpu.memref_slice %arg31[%mul3A_387] : memref<2056xf32, #tpu.memory_space<vmem_shared>> -> memref<128xf32, #tpu.memory_space<vmem_shared>>
      tpu.enqueue_dma source(%dma_start3A_397 : memref<128xf32, #tpu.memory_space<vmem_shared>>) target(%arg21 : memref<128xf32, #tpu.memory_space<vmem>>) target_semaphore(%run_scoped3A : memref<!tpu.dma_semaphore, #tpu.memory_space<semaphore_mem>>)
      %dma_wait3A = tpu.memref_slice %arg31[%mul3A_387] : memref<2056xf32, #tpu.memory_space<vmem_shared>> -> memref<128xf32, #tpu.memory_space<vmem_shared>>
      %dma_wait3A_398 = tpu.memref_slice %arg31[%mul3A_387] : memref<2056xf32, #tpu.memory_space<vmem_shared>> -> memref<128xf32, #tpu.memory_space<vmem_shared>>
      tpu.wait_dma2 semaphore(%run_scoped3A : memref<!tpu.dma_semaphore, #tpu.memory_space<semaphore_mem>>) src(%dma_wait3A_398 : memref<128xf32, #tpu.memory_space<vmem_shared>>) dst(%arg21 : memref<128xf32, #tpu.memory_space<vmem>>)
      tpu.yield
    }) : () -> ()
    "tpu.region"() ({
      %run_scoped3A = tpu.sem_alloc : memref<!tpu.dma_semaphore, #tpu.memory_space<semaphore_mem>>
      %dma_start3A = tpu.memref_slice %arg32[%mul3A_387] : memref<2056xf32, #tpu.memory_space<vmem_shared>> -> memref<128xf32, #tpu.memory_space<vmem_shared>>
      %dma_start3A_397 = tpu.memref_slice %arg32[%mul3A_387] : memref<2056xf32, #tpu.memory_space<vmem_shared>> -> memref<128xf32, #tpu.memory_space<vmem_shared>>
      tpu.enqueue_dma source(%dma_start3A_397 : memref<128xf32, #tpu.memory_space<vmem_shared>>) target(%arg22 : memref<128xf32, #tpu.memory_space<vmem>>) target_semaphore(%run_scoped3A : memref<!tpu.dma_semaphore, #tpu.memory_space<semaphore_mem>>)
      %dma_wait3A = tpu.memref_slice %arg32[%mul3A_387] : memref<2056xf32, #tpu.memory_space<vmem_shared>> -> memref<128xf32, #tpu.memory_space<vmem_shared>>
      %dma_wait3A_398 = tpu.memref_slice %arg32[%mul3A_387] : memref<2056xf32, #tpu.memory_space<vmem_shared>> -> memref<128xf32, #tpu.memory_space<vmem_shared>>
      tpu.wait_dma2 semaphore(%run_scoped3A : memref<!tpu.dma_semaphore, #tpu.memory_space<semaphore_mem>>) src(%dma_wait3A_398 : memref<128xf32, #tpu.memory_space<vmem_shared>>) dst(%arg22 : memref<128xf32, #tpu.memory_space<vmem>>)
      tpu.yield
    }) : () -> ()
    "tpu.region"() ({
      %run_scoped3A = tpu.sem_alloc : memref<!tpu.dma_semaphore, #tpu.memory_space<semaphore_mem>>
      %dma_start3A = tpu.memref_slice %arg33[%mul3A_387] : memref<2056xf32, #tpu.memory_space<vmem_shared>> -> memref<128xf32, #tpu.memory_space<vmem_shared>>
      %dma_start3A_397 = tpu.memref_slice %arg33[%mul3A_387] : memref<2056xf32, #tpu.memory_space<vmem_shared>> -> memref<128xf32, #tpu.memory_space<vmem_shared>>
      tpu.enqueue_dma source(%dma_start3A_397 : memref<128xf32, #tpu.memory_space<vmem_shared>>) target(%arg23 : memref<128xf32, #tpu.memory_space<vmem>>) target_semaphore(%run_scoped3A : memref<!tpu.dma_semaphore, #tpu.memory_space<semaphore_mem>>)
      %dma_wait3A = tpu.memref_slice %arg33[%mul3A_387] : memref<2056xf32, #tpu.memory_space<vmem_shared>> -> memref<128xf32, #tpu.memory_space<vmem_shared>>
      %dma_wait3A_398 = tpu.memref_slice %arg33[%mul3A_387] : memref<2056xf32, #tpu.memory_space<vmem_shared>> -> memref<128xf32, #tpu.memory_space<vmem_shared>>
      tpu.wait_dma2 semaphore(%run_scoped3A : memref<!tpu.dma_semaphore, #tpu.memory_space<semaphore_mem>>) src(%dma_wait3A_398 : memref<128xf32, #tpu.memory_space<vmem_shared>>) dst(%arg23 : memref<128xf32, #tpu.memory_space<vmem>>)
      tpu.yield
    }) : () -> ()
    %scan3A_388 = arith.constant 4.096000e+03 : f32
    %scan3A_389 = arith.constant 0 : i32
    %scan3A_390 = arith.constant 8 : i32
    %scan3A_391 = arith.addi %scan3A_389, %scan3A_390 : i32
    %scan3A_392 = arith.constant 1 : i32
    scf.for %scan3A_397 = %scan3A_389 to %scan3A_391 step %scan3A_392  : i32 {
      %mul3A_398 = arith.constant 16 : i32
      %mul3A_399 = arith.muli %scan3A_397, %mul3A_398 : i32
      %get3A_400 = arith.index_cast %mul3A_399 : i32 to index
      %get3A_401 = tpu.vector_load %arg21[%get3A_400] {strides = array<i32>} : memref<128xf32, #tpu.memory_space<vmem>>, vector<16xf32>,
      %add3A_402 = arith.addf %add3A_358, %get3A_401 : vector<16xf32>
      %get3A_403 = arith.index_cast %mul3A_399 : i32 to index
      %get3A_404 = tpu.vector_load %arg20[%get3A_403] {strides = array<i32>} : memref<128xf32, #tpu.memory_space<vmem>>, vector<16xf32>,
      %add3A_405 = vector.broadcast %scan3A_388 : f32 to vector<16xf32>
      %add3A_406 = arith.addf %add3A_405, %get3A_404 : vector<16xf32>
      %div3A = arith.divf %add3A_402, %add3A_406 : vector<16xf32>
      %get3A_407 = arith.index_cast %mul3A_399 : i32 to index
      %get3A_408 = tpu.vector_load %arg23[%get3A_407] {strides = array<i32>} : memref<128xf32, #tpu.memory_space<vmem>>, vector<16xf32>,
      %add3A_409 = arith.addf %add3A_358, %get3A_408 : vector<16xf32>
      %get3A_410 = arith.index_cast %mul3A_399 : i32 to index
      %get3A_411 = tpu.vector_load %arg22[%get3A_410] {strides = array<i32>} : memref<128xf32, #tpu.memory_space<vmem>>, vector<16xf32>,
      %add3A_412 = vector.broadcast %scan3A_388 : f32 to vector<16xf32>
      %add3A_413 = arith.addf %add3A_412, %get3A_411 : vector<16xf32>
      %div3A_414 = arith.divf %add3A_409, %add3A_413 : vector<16xf32>
      %add3A_415 = arith.addf %div3A, %div3A_414 : vector<16xf32>
      %mul3A_416 = arith.constant 5.000000e-01 : f32
      %mul3A_417 = vector.broadcast %mul3A_416 : f32 to vector<16xf32>
      %mul3A_418 = arith.mulf %mul3A_417, %add3A_415 : vector<16xf32>
      %swap3A_419 = arith.index_cast %mul3A_399 : i32 to index
      %swap3A_420 = tpu.vector_load %arg24[%swap3A_419] {strides = array<i32>} : memref<128xf32, #tpu.memory_space<vmem>>, vector<16xf32>,
      tpu.vector_store %arg24[%swap3A_419], %mul3A_418 {strides = array<i32>} : memref<128xf32, #tpu.memory_space<vmem>>, vector<16xf32>,
    }
    %scan3A_393 = arith.constant 8 : i32
    %mul3A_394 = arith.constant 2048 : i32
    %mul3A_395 = arith.muli %arg0, %mul3A_394 : i32
    %add3A_396 = arith.addi %mul3A_395, %mul3A_387 : i32
    "tpu.region"() ({
      %run_scoped3A = tpu.sem_alloc : memref<!tpu.dma_semaphore, #tpu.memory_space<semaphore_mem>>
      %dma_start3A = tpu.memref_slice %arg7[%add3A_396] : memref<4096xf32, #tpu.memory_space<hbm>> -> memref<128xf32, #tpu.memory_space<hbm>>
      %dma_start3A_397 = tpu.memref_slice %arg7[%add3A_396] : memref<4096xf32, #tpu.memory_space<hbm>> -> memref<128xf32, #tpu.memory_space<hbm>>
      tpu.enqueue_dma source(%arg24 : memref<128xf32, #tpu.memory_space<vmem>>) target(%dma_start3A_397 : memref<128xf32, #tpu.memory_space<hbm>>) target_semaphore(%run_scoped3A : memref<!tpu.dma_semaphore, #tpu.memory_space<semaphore_mem>>)
      %dma_wait3A = tpu.memref_slice %arg7[%add3A_396] : memref<4096xf32, #tpu.memory_space<hbm>> -> memref<128xf32, #tpu.memory_space<hbm>>
      %dma_wait3A_398 = tpu.memref_slice %arg7[%add3A_396] : memref<4096xf32, #tpu.memory_space<hbm>> -> memref<128xf32, #tpu.memory_space<hbm>>
      tpu.wait_dma2 semaphore(%run_scoped3A : memref<!tpu.dma_semaphore, #tpu.memory_space<semaphore_mem>>) src(%arg24 : memref<128xf32, #tpu.memory_space<vmem>>) dst(%dma_wait3A_398 : memref<128xf32, #tpu.memory_space<hbm>>)
      tpu.yield
    }) : () -> ()
    return
  }
}

</mosaic_0001>

<sc_bundles>
// kernel: gather_offload_async_start.1
scs
__scs_entry_jumppad:
0x0: {  	(pc) =	sbr.rel $0x88, $3  }
0x1: {  	(tag) =	ssettag $0x0;
	lr =	simm.s32 $0x1  }
0x2: {  	[smem:$0x3F9D] =	sst lr;
	_ =	strace $0xD0000000  }
0x3: {  	_ = 	snop  }
0x4: {  	_ = 	snop  }
0x5: {  	_ = 	snop  }
0x6: {  	_ = 	snop  }
0x7: {  	_ = 	snop  }
__scs_overlays_trampoline_lowered:
0x8: {  	[smem:$0x3FAC] =	sst s0  }
0x9: {  	[smem:$0x3FAD] =	sst s1  }
0xa: {  	[smem:$0x3FAE] =	sst s2  }
0xb: {  	[smem:$0x3FAF] =	sst s3  }
0xc: {  	[smem:$0x3FB0] =	sst s4  }
0xd: {  	[smem:$0x3FB1] =	sst s5  }
0xe: {  	[smem:$0x3FB2] =	sst s6  }
0xf: {  	[smem:$0x3FB3] =	sst s7  }
0x10: {  	[smem:$0x3FB4] =	sst s8  }
0x11: {  	[smem:$0x3FB5] =	sst s9;
	s0 =	simm.s32 @!p0 $0x0  }
0x12: {  	s1 =	sld [smem:$0x3F9B];
	s0 =	simm.s32 @p0 $0x1  }
0x13: {  	[smem:$0x3FB6] =	sst s0;
	s0 =	simm.s32 @!p1 $0x0  }
0x14: {  	s2 =	sld [smem:$0x3F9A];
	s0 =	simm.s32 @p1 $0x1  }
0x15: {  	[smem:$0x3FB7] =	sst s0;
	s0 =	simm.s32 @!p2 $0x0  }
0x16: {  	s3 =	sld [smem:$0x3FDB];
	s0 =	simm.s32 @p2 $0x1  }
0x17: {  	s4 =	simm.s32 $0x1BF5;
	[smem:$0x3FB9] =	sst s0  }
0x18: {  	s0 =	sld [smem:$0x3F9C];
	_ =	swait.ge [sflag:s4], $0x0  }
0x19: {  	s7 =	sld [smem:$0x3F9D]  }
0x1a: {  	s8 =	sadd.s32 $0xFFFFE003, lr  }
0x1b: {  	s9 =	sadd.s32 $0xFFFFFEF7, lr;
	s5 =	simm.s32 $0xFFFFFFFF;
	p2 =	slt.u32 s8, $0xFFFFF086  }
0x1c: {  	p1 =	slt.u32 s9, $0xF7A;
	s5 =	simm.s32 @!p2 $0x0  }
0x1d: {  	s5 =	simm.s32 @p1 $0x1;
	p0 =	seq.s32 s7, s2  }
0x1e: {  	s7 =	smul.u32 @!p0 $0xF7A, s2;
	p2 =	seq.s32 @!p0 s5, $0x0  }
0x1f: {  	s9 =	smul.u32 $0xF7A, s1;
	s8 =	simm.s32 @!p0 $0x1BF5;
	p2 =	por !p2, p0  }
0x20: {  	[sflag:s8] =	ssyncset.s32 @!p0 $0xFFFFF086;
	s6 =	sadd.s32 @!p0 s3, s7;
	s7 =	simm.s32 @!p0 $0x108  }
0x21: {  	s3 =	sadd.s32 s3, s9;
	s6 =	sadd.s32 @!p0 $0x88, s6;
	s7 =	simm.s32 @p2 $0x1082  }
0x22: {  	[simem:s7], [sflag:s8] =	dma.local @!p0 [hbm:s6], $0xF7A  }
0x23: {  	s9 =	sor.u32 $0xD0000000, s2;
	s6 =	simm.s32 $0x108;
	_ =	swait.ge @!p0 [sflag:s8], $0x0  }
0x24: {  	s3 =	sadd.s32 $0x88, s3;
	s6 =	simm.s32 @!p1 $0x1082;
	[sflag:s4] =	ssyncset.s32 $0xFFFFF086  }
0x25: {  	[simem:s6], [sflag:s4] =	dma.local [hbm:s3], $0xF7A  }
0x26: {  	[smem:$0x3F9D] =	sst s1;
	(tag) =	ssettag s2;
	_ =	strace s9  }
0x27: {  	s1 =	sld [smem:$0x3FAD]  }
0x28: {  	s2 =	sld [smem:$0x3FAE]  }
0x29: {  	s4 =	sld [smem:$0x3FB0]  }
0x2a: {  	p0 =	seq.s32 s5, $0x0;
	s5 =	sld [smem:$0x3FB1]  }
0x2b: {  	s6 =	sld [smem:$0x3FB2]  }
0x2c: {  	s7 =	sld [smem:$0x3FB3]  }
0x2d: {  	s3 =	simm.s32 $0x108;
	s8 =	sld [smem:$0x3FB4]  }
0x2e: {  	s3 =	simm.s32 @!p0 $0x1082;
	s9 =	sld [smem:$0x3FB5]  }
0x2f: {  	lr =	sadd.s32 s0, s3;
	s0 =	sld [smem:$0x3FAC]  }
0x30: {  	s3 =	sld [smem:$0x3FAF]  }
0x31: {  	[smem:$0x3FB8] =	sst s10  }
0x32: {  	s10 =	sld [smem:$0x3FB6];
	_ =	sdelay $0x3  }
0x33: {  	p0 =	seq.s32 s10, $0x1;
	s10 =	sld [smem:$0x3FB8];
	_ =	sdelay $0x3  }
0x34: {  	[smem:$0x3FB8] =	sst s10  }
0x35: {  	s10 =	sld [smem:$0x3FB7];
	_ =	sdelay $0x3  }
0x36: {  	p1 =	seq.s32 s10, $0x1;
	s10 =	sld [smem:$0x3FB8];
	_ =	sdelay $0x3  }
0x37: {  	[smem:$0x3FB8] =	sst s10  }
0x38: {  	s10 =	sld [smem:$0x3FB9]  }
0x39: {  	_ = 	snop;
	(pc) =	sbr.ind lr, $3  }
0x3a: {  	_ = 	snop  }
0x3b: {  	_ = 	snop  }
0x3c: {  	p2 =	seq.s32 s10, $0x1;
	s10 =	sld [smem:$0x3FB8]  }
0x3d: {  	_ =	shalt  }
0x3e: {  	_ =	shalt  }
0x3f: {  	_ =	shalt  }
0x40: {  	_ =	shalt  }
0x41: {  	_ =	shalt  }
0x42: {  	_ =	shalt  }
0x43: {  	_ =	shalt  }
0x44: {  	_ =	shalt  }
0x45: {  	_ =	shalt  }
0x46: {  	_ =	shalt  }
0x47: {  	_ =	shalt  }
0x48: {  	_ =	shalt  }
0x49: {  	_ =	shalt  }
0x4a: {  	_ =	shalt  }
0x4b: {  	_ =	shalt  }
0x4c: {  	_ =	shalt  }
0x4d: {  	_ =	shalt  }
0x4e: {  	_ =	shalt  }
0x4f: {  	_ =	shalt  }
0x50: {  	_ =	shalt  }
0x51: {  	_ =	shalt  }
0x52: {  	_ =	shalt  }
0x53: {  	_ =	shalt  }
0x54: {  	_ =	shalt  }
0x55: {  	_ =	shalt  }
0x56: {  	_ =	shalt  }
0x57: {  	_ =	shalt  }
0x58: {  	_ =	shalt  }
0x59: {  	_ =	shalt  }
0x5a: {  	_ =	shalt  }
0x5b: {  	_ =	shalt  }
0x5c: {  	_ =	shalt  }
0x5d: {  	_ =	shalt  }
0x5e: {  	_ =	shalt  }
0x5f: {  	_ =	shalt  }
0x60: {  	_ =	shalt  }
0x61: {  	_ =	shalt  }
0x62: {  	_ =	shalt  }
0x63: {  	_ =	shalt  }
0x64: {  	_ =	shalt  }
0x65: {  	_ =	shalt  }
0x66: {  	_ =	shalt  }
0x67: {  	_ =	shalt  }
0x68: {  	_ =	shalt  }
0x69: {  	_ =	shalt  }
0x6a: {  	_ =	shalt  }
0x6b: {  	_ =	shalt  }
0x6c: {  	_ =	shalt  }
0x6d: {  	_ =	shalt  }
0x6e: {  	_ =	shalt  }
0x6f: {  	_ =	shalt  }
0x70: {  	_ =	shalt  }
0x71: {  	_ =	shalt  }
0x72: {  	_ =	shalt  }
0x73: {  	_ =	shalt  }
0x74: {  	_ =	shalt  }
0x75: {  	_ =	shalt  }
0x76: {  	_ =	shalt  }
0x77: {  	_ =	shalt  }
0x78: {  	_ =	shalt  }
0x79: {  	_ =	shalt  }
0x7a: {  	_ =	shalt  }
0x7b: {  	_ =	shalt  }
0x7c: {  	_ =	shalt  }
0x7d: {  	_ =	shalt  }
0x7e: {  	_ =	shalt  }
0x7f: {  	_ =	shalt  }
0x80: {  	_ =	shalt  }
0x81: {  	_ =	shalt  }
0x82: {  	_ =	shalt  }
0x83: {  	_ =	shalt  }
0x84: {  	_ =	shalt  }
0x85: {  	_ =	shalt  }
0x86: {  	_ =	shalt  }
0x87: {  	_ =	shalt  }
.Lfunc_end0:
.L_simem_size_0:
called_computation.1_lowered:
.L_overlay_start_0:
0x88: {  	s2 =	sld [smem:$0x3FD9]  }
0x89: {  	s3 =	sld [smem:$0x3FFE];
	_ =	sdelay $0x1  }
0x8a: {  	s1 =	srdreg.scid  }
0x8b: {  	s0 =	sand.u32 $0x1, s1  }
0x8c: {  	s16 =	sshll.u32 s0, $0xA;
	s2 =	sadd.s32 s3, s2  }
0x8d: {  	s2 =	sadd.s32 s2, s16  }
0x8e: {  	[smem:$0x3FC4] =	sst s2  }
0x8f: {  	_ = 	snop  }
0x90: {  	(tm) =	ssettm $0x1  }
0x91: {  	s17 =	sld [smem:$0x3FFB];
	_ =	sdelay $0x3  }
0x92: {  	_ =	strace s17  }
0x93: {  	s2 =	sld [smem:$0x3FFC];
	_ =	sdelay $0x3  }
0x94: {  	_ =	strace s2  }
0x95: {  	s2 =	sld [smem:$0x3FFD];
	_ =	sdelay $0x3  }
0x96: {  	_ =	strace s2  }
0x97: {  	_ =	strace $0x8FFFFFFF  }
0x98: {  	s18 =	sld [smem:$0x3FDB];
	_ =	sdelay $0x1  }
0x99: {  	s19 =	simm.s32 $_scs_section_size  }
0x9a: {  	s4 =	simm.s32 $_size__tile_overlayer_lowered;
	s5 =	simm.s32 $_tile_overlayer_lowered  }
0x9b: {  	s22 =	simm.s32 $0x1BFF;
	s21 =	sshll.u32 s5, $0x1;
	s2 =	sadd.s32 s19, s18  }
0x9c: {  	s6 =	simm.s32 $0x0;
	s20 =	sshll.u32 s4, $0x1;
	s4 =	sadd.s32 s21, s2  }
0x9d: {  	[timem:s6], [sflag:s22] =	dma.local [hbm:s4], s20  }
0x9e: {  	_ =	swait.ge [sflag:s22], s20  }
0x9f: {  	s3 =	ssub.s32 $0x0, s20;
	[sflag:s22] =	ssyncset.done $0x0  }
0xa0: {  	[sflag:s22] =	ssyncadd.s32 s3;
	_ =	sdelay $0x1  }
0xa1: {  	s23 =	simm.s32 $0x1B8B  }
0xa2: {  	_ =	swait.ge [sflag:s23], $0x1  }
0xa3: {  	[sflag:s23] =	ssyncset.done $0x0  }
0xa4: {  	s25 =	simm.s32 $0x1B8E;
	s24 =	sld [smem:$0x3FFE];
	[sflag:s23] =	ssyncadd.s32 $0xFFFFFFFF  }
0xa5: {  	s26 =	simm.s32 $execute0_lowered;
	[smem:$0x3FD2] =	sst s25  }
0xa6: {  	s4 =	sshll.u32 s26, $0x1;
	_ =	strace $0x8000004C;
	[dreg:$0x1] =	wrdreg $0xFFFFFFFF  }
0xa7: {  	s28 =	simm.s32 $_size_execute0_lowered;
	s2 =	sadd.s32 s2, s4;
	[dreg:$0x0] =	wrdreg $0x0  }
0xa8: {  	s4 =	sshll.u32 s28, $0x1;
	[dreg:$0x2] =	wrdreg s2  }
0xa9: {  	[dreg:$0x3] =	wrdreg s4  }
0xaa: {  	[dreg:$0x4] =	wrdreg $0xC0  }
0xab: {  	_ =	task [dreg:s6], $0x5FFFF  }
0xac: {  	[dreg:$0x1] =	wrdreg $0xFFFFFFFF  }
0xad: {  	[dreg:$0x0] =	wrdreg $0x60  }
0xae: {  	[dreg:$0x2] =	wrdreg s24  }
0xaf: {  	[dreg:$0x3] =	wrdreg $0x9  }
0xb0: {  	_ =	task.clear_ibuf [dreg:s6], $0x4FFFF;
	_ =	strace $0x9000004C  }
0xb1: {  	s29 =	simm.s32 $0x9;
	_ =	strace $0x8000004E  }
0xb2: {  	_ =	swait.ge [sflag:s29], $0x1  }
0xb3: {  	[sflag:s29] =	ssyncadd.s32 $0xFFFFFFFF  }
0xb4: {  	_ =	strace $0x9000004E  }
0xb5: {  	_ =	sfence  }
0xb6: {  	s30 =	sld [smem:$0x0];
	_ =	sdelay $0x2  }
0xb7: {  	s31 =	sshll.u32 s1, $0xD;
	s1 =	sshrl.u32 s1, $0x2  }
0xb8: {  	s3 =	sand.u32 $0x4000, s31;
	s1 =	sadd.s32 s1, s30  }
0xb9: {  	s0 =	sor.u32 s3, s0;
	s1 =	sshll.u32 s1, $0x11  }
0xba: {  	s0 =	sor.u32 s1, s0  }
0xbb: {  	s0 =	sadd.s32 $0x8F2B, s0  }
0xbc: {  	[sflag:s0] =	ssyncadd.remote.s32 $0x1  }
0xbd: {  	_ =	sfence.sel $0xFFFF  }
0xbe: {  	[dreg:$0x0] =	wrdreg $0xFFFFFFFF;
	(pc) =	sbr.abs _section_cstart, $3  }
0xbf: {  	[dreg:$0x1] =	wrdreg $0xFFFFFFFF  }
0xc0: {  	_ =	task.clear_ibuf [dreg:s6], $0x2FFFF;
	_ =	strace $0x9FFFFFFF  }
0xc1: {  	(tm) =	ssettm $0x7FFFFFFF  }
tec
execute0_lowered:
.L_overlay_start_1:
0x0: {  	(tag) =	ssettag $0x1  }
0x1: {  	s0 =	srdreg.scid;
	s5 =	rddreg [dreg:$0x0]  }
0x2: {  	s1 =	stileid.u32;
	s6 =	simm.s32 $0x1;
	s9 =	simm.s32 $0x1  }
0x3: {  	s10 =	simm.s32 $0x3;
	s13 =	simm.s32 $0x0;
	s2 =	sshll.u32 s0, $0xB  }
0x4: {  	s12 =	simm.s32 $0x0;
	s3 =	sshll.u32 s1, $0xC;
	s2 =	sand.u32 $0x800, s2  }
0x5: {  	s0 =	rddreg [dreg:$0x1];
	_ =	strace $0x8000004D;
	s2 =	sor.u32 s3, s2  }
0x6: {  	s4 =	sadd.s32 $0x11400, s5;
	[sflag:s6] =	ssyncpa.u1 $0x0;
	s8 =	ssub.s32 $0x20000, s2  }
.Ltmp0:
0x7: {  	s3 =	sadd.s32 $0x1400, s5;
	s7 =	sand.u32 $0xF800, s8;
	(pc) =	sbr.rel .LBB2_1-.Ltmp0, $4  }
0x8: {  	s5 =	sadd.s32 $0x21400, s5;
	s11 =	smov.u32 s2;
	p0 =	sne.s32 s7, $0x0  }
0x9: {  	s8 =	sshrl.u32 s8, $0x10;
	s7 =	simm.s32 $0x2;
	s9 =	simm.s32 @!p0 $0x0  }
0xa: {  	[sflag:s7] =	ssyncpa.u1 $0x0;
	p0 =	por $0x0, $0x0;
	s8 =	sadd.s32 s9, s8  }
0xb: {  	vm0 =	vmmov $0xffff;
	[sflag:s10] =	ssyncpa.u1 $0x0;
	s10 =	simm.s32 $0x0;
	s9 =	sadd.s32 $0x1, s8  }
.LBB2_4:
0xc: {  	v2 =	vnsel vm1, $0x0, v2  }
0xd: {  	vm1 =	vgt.s32 v0, $0x0;
	v2 =	vmin.u32 v2, $0x1FFFF  }
0xe: {  	v0 =	vnsel vm1, $0x0, v0  }
0xf: {  	v0 =	vmin.u32 v0, $0x1FFFF  }
0x10: {  	[tilespmem:s15], [sflag:$0x1] =	stream.indirect_vreg.gather [hbm4b:s3+s10], $0x1, v1, vm0, $0x4038;
	[tilespmem:$0x2000] =	vst v63  }
0x11: {  	(ifvalue) =	ssetifvalue $0x7FFFFFFF  }
0x12: {  	[tilespmem:s16], [sflag:$0x1] =	stream.indirect_vreg.gather [hbm4b:s3+s10], $0x1, v2, vm0, $0x4038;
	[tilespmem:$0x2000] =	vst v63  }
0x13: {  	s29 =	sadd.s32 $0x10, s16;
	(ifvalue) =	ssetifvalue $0x7FFFFFFF  }
0x14: {  	[tilespmem:s29], [sflag:$0x1] =	stream.indirect_vreg.gather [hbm4b:s3+s10], $0x1, v0, vm0, $0x4038;
	[tilespmem:$0x2000] =	vst v63  }
0x15: {  	_ =	swait.ge [sflag:s6], $0x800  }
0x16: {  	s30 =	sshrl.u32 s13, $0x3;
	[sflag:s6] =	ssyncset.done $0x0  }
0x17: {  	s31 =	sand.u32 $0x7, s13;
	s15 =	sadd.s32 s5, s30;
	[sflag:s6] =	ssyncadd.s32 $0xFFFFF800  }
0x18: {  	[hbm4b:s15+s31] =	stream.linear.scatter [tilespmem:s14], [sflag:$0x3], $0x800, $0x38;
	[tilespmem:$0x2000] =	vst v63  }
.LBB2_5:
0x19: {  	s15 =	sadd.s32 $0x10000, s11  }
0x1a: {  	p2 =	sgt.s32 s15, $0x1FFFF  }
0x1b: {  	s15 =	smov.u32 @p2 s2;
	p2 =	sne.s32 s12, s9  }
.Ltmp1:
0x1c: {  	p1 =	slt.u32 s12, $0x2;
	(pc) =	sbr.rel @!p2 .LBB2_6-.Ltmp1, $4  }
0x1d: {  	s14 =	simm.s32 @!p1 $0x3  }
0x1e: {  	s16 =	sadd.s32 $0x1, s12;
	_ =	swait.ge @!p1 [sflag:s14], $0x800  }
0x1f: {  	s13 =	smov.u32 s11;
	p0 =	por !p0, !p0;
	[sflag:s14] =	ssyncset.done @!p1 $0x0  }
0x20: {  	s12 =	smov.u32 s16;
	s11 =	smov.u32 s15;
	[sflag:s14] =	ssyncadd.s32 @!p1 $0xFFFFF800  }
.LBB2_1:
0x21: {  	p1 =	sge.u32 s12, s8  }
0x22: {  	s14 =	sxor.u32 @!p1 $0xFFFFFFFF, s12  }
0x23: {  	s31 =	sadd.s32 $0xFFFFFFFF, s12;
	s15 =	sshrl.u32 @!p1 s11, $0x3;
	s14 =	sshll.u32 @!p1 s14, $0xB  }
0x24: {  	s16 =	sand.u32 @!p1 $0x7, s11;
	s15 =	sadd.s32 @!p1 s4, s15;
	s14 =	sand.u32 @!p1 $0x800, s14  }
0x25: {  	[tilespmem:s14], [sflag:$0x2] =	stream.linear.gather @!p1 [hbm4b:s15+s16], $0x800, $0x38;
	[tilespmem:$0x2000] =	vst v63  }
0x26: {  	p1 =	sge.u32 s31, s8  }
.Ltmp2:
0x27: {  	_ = 	snop;
	(pc) =	sbr.rel @p1 .LBB2_5-.Ltmp2, $1  }
0x28: {  	_ =	sdelay $0x3  }
0x29: {  	s14 =	simm.s32 $0x1  }
0x2a: {  	_ =	swait.ge [sflag:s7], $0x800;
	s14 =	simm.s32 @!p0 $0x0  }
0x2b: {  	[sflag:s7] =	ssyncset.done $0x0;
	s14 =	sshll.u32 s14, $0xB  }
0x2c: {  	[sflag:s7] =	ssyncadd.s32 $0xFFFFF800;
	(ifvalue) =	ssetifvalue $0x7FFFFFFF;
	v0 =	vld.msk [tilespmem:s14+$0x0 ss:$0x1], $0xffff;
	_ =	sdelay $0x4  }
0x2d: {  	s15 =	sadd.s32 $0x10, s14;
	vm1 =	vgt.s32 v0, $0x0  }
0x2e: {  	v2 =	vld.msk [tilespmem:s15+$0x0 ss:$0x1], $0xffff;
	v1 =	vnsel vm1, $0x0, v0  }
0x2f: {  	v1 =	vmin.u32 v1, $0x1FFFF;
	_ =	sdelay $0x1  }
0x30: {  	s16 =	sshll.u32 s12, $0xB;
	s18 =	simm.s32 $0x20  }
0x31: {  	s16 =	sand.u32 $0x800, s16;
	s17 =	sadd.s32 $0x10, s15;
	s15 =	sor.u32 $0x1000, s14  }
0x32: {  	s14 =	sor.u32 $0x1000, s16;
	s16 =	sadd.s32 $0x10, s15;
	v0 =	vld.msk [tilespmem:s17+$0x0 ss:$0x1], $0xffff;
	vm1 =	vgt.s32 v2, $0x0;
	(ifvalue) =	ssetifvalue $0x7FFFFFFF  }
.LBB2_3:
0x33: {  	[tilespmem:s15], [sflag:$0x1] =	stream.indirect_vreg.gather [hbm4b:s3+s10], $0x1, v1, vm0, $0x4038;
	[tilespmem:$0x2000] =	vst v63  }
0x34: {  	s18 =	sadd.s32 $0x10, s18  }
0x35: {  	v2 =	vnsel vm1, $0x0, v2;
	p1 =	slt.u32 s18, $0x7F0  }
.Ltmp3:
0x36: {  	s15 =	smov.u32 s16;
	v1 =	vmin.u32 v2, $0x1FFFF;
	(pc) =	sbr.rel @p1 .LBB2_3-.Ltmp3, $3  }
0x37: {  	_ =	sdelay $0x1  }
0x38: {  	s17 =	sadd.s32 $0x10, s17  }
0x39: {  	vm1 =	vgt.s32 v0, $0x0;
	s16 =	sadd.s32 $0x10, s16;
	v2 =	vmov v0;
	(ifvalue) =	ssetifvalue $0x7FFFFFFF;
	v0 =	vld.msk [tilespmem:s17+$0x0 ss:$0x1], $0xffff  }
.Ltmp4:
0x3a: {  	_ = 	snop;
	(pc) =	sbr.rel .LBB2_4-.Ltmp4, $1  }
0x3b: {  	_ =	sdelay $0x3  }
.LBB2_6:
0x3c: {  	_ =	sfence.sel $0x180000  }
0x3d: {  	s2 =	simm.s32 $0x2;
	[bflag:$0x0] =	sbarrier.arrive $0xFFFF  }
0x3e: {  	s30 =	simm.s32 $0x3;
	[sflag:s2] =	ssyncpa.u1 $0x1  }
0x3f: {  	s31 =	simm.s32 $0x1;
	[sflag:s30] =	ssyncpa.u1 $0x1  }
0x40: {  	[sflag:s31] =	ssyncpa.u1 $0x1  }
0x41: {  	p0 =	sne.s32 s1, $0x0;
	_ =	strace $0x9000004D  }
0x42: {  	s0 =	sadd.s32 @!p0 $0x100000, s0;
	[bflag:$0x2] =	sbarrier.arrive $0xFFFF  }
0x43: {  	[sflag:s0] =	ssyncadd.tile.s32 @!p0 $0x1;
	_ =	shalt  }
.Lfunc_end2:
_tile_overlayer_lowered:
.L_overlay_start_2:
0x44: {  	(tag) =	ssettag $0x2  }
0x45: {  	s0 =	rddreg [dreg:$0x0];
	s2 =	stileid.u32  }
0x46: {  	s1 =	rddreg [dreg:$0x1];
	p0 =	sne.s32 s2, $0x0  }
0x47: {  	s3 =	rddreg [dreg:$0x2];
	[bflag:$0x3] =	sbarrier.arrive $0xFFFF;
	s2 =	simm.s32 @!p0 $0x1C01  }
0x48: {  	[timem:s3], [sflag:s2] =	dma.local @!p0 [hbm:s0], s1  }
0x49: {  	s0 =	simm.s32 @!p0 $0x1  }
0x4a: {  	_ =	swait.ge @!p0 [sflag:s0], s1  }
0x4b: {  	s1 =	ssub.s32 @!p0 $0x0, s1;
	[sflag:s0] =	ssyncset.done @!p0 $0x0  }
0x4c: {  	[sflag:s0] =	ssyncadd.s32 @!p0 s1  }
0x4d: {  	[bflag:$0x3] =	sbarrier.arrive $0xFFFF  }
0x4e: {  	_ =	shalt  }

// kernel: gather_offload_async_start.2
scs
__scs_entry_jumppad:
0x0: {  	(pc) =	sbr.rel $0x88, $3  }
0x1: {  	(tag) =	ssettag $0x0;
	lr =	simm.s32 $0x1  }
0x2: {  	[smem:$0x3F9D] =	sst lr;
	_ =	strace $0xD0000000  }
0x3: {  	_ = 	snop  }
0x4: {  	_ = 	snop  }
0x5: {  	_ = 	snop  }
0x6: {  	_ = 	snop  }
0x7: {  	_ = 	snop  }
__scs_overlays_trampoline_lowered:
0x8: {  	[smem:$0x3FAC] =	sst s0  }
0x9: {  	[smem:$0x3FAD] =	sst s1  }
0xa: {  	[smem:$0x3FAE] =	sst s2  }
0xb: {  	[smem:$0x3FAF] =	sst s3  }
0xc: {  	[smem:$0x3FB0] =	sst s4  }
0xd: {  	[smem:$0x3FB1] =	sst s5  }
0xe: {  	[smem:$0x3FB2] =	sst s6  }
0xf: {  	[smem:$0x3FB3] =	sst s7  }
0x10: {  	[smem:$0x3FB4] =	sst s8  }
0x11: {  	[smem:$0x3FB5] =	sst s9;
	s0 =	simm.s32 @!p0 $0x0  }
0x12: {  	s1 =	sld [smem:$0x3F9B];
	s0 =	simm.s32 @p0 $0x1  }
0x13: {  	[smem:$0x3FB6] =	sst s0;
	s0 =	simm.s32 @!p1 $0x0  }
0x14: {  	s2 =	sld [smem:$0x3F9A];
	s0 =	simm.s32 @p1 $0x1  }
0x15: {  	[smem:$0x3FB7] =	sst s0;
	s0 =	simm.s32 @!p2 $0x0  }
0x16: {  	s3 =	sld [smem:$0x3FDB];
	s0 =	simm.s32 @p2 $0x1  }
0x17: {  	s4 =	simm.s32 $0x1BF5;
	[smem:$0x3FB9] =	sst s0  }
0x18: {  	s0 =	sld [smem:$0x3F9C];
	_ =	swait.ge [sflag:s4], $0x0  }
0x19: {  	s7 =	sld [smem:$0x3F9D]  }
0x1a: {  	s8 =	sadd.s32 $0xFFFFE003, lr  }
0x1b: {  	s9 =	sadd.s32 $0xFFFFFEF7, lr;
	s5 =	simm.s32 $0xFFFFFFFF;
	p2 =	slt.u32 s8, $0xFFFFF086  }
0x1c: {  	p1 =	slt.u32 s9, $0xF7A;
	s5 =	simm.s32 @!p2 $0x0  }
0x1d: {  	s5 =	simm.s32 @p1 $0x1;
	p0 =	seq.s32 s7, s2  }
0x1e: {  	s7 =	smul.u32 @!p0 $0xF7A, s2;
	p2 =	seq.s32 @!p0 s5, $0x0  }
0x1f: {  	s9 =	smul.u32 $0xF7A, s1;
	s8 =	simm.s32 @!p0 $0x1BF5;
	p2 =	por !p2, p0  }
0x20: {  	[sflag:s8] =	ssyncset.s32 @!p0 $0xFFFFF086;
	s6 =	sadd.s32 @!p0 s3, s7;
	s7 =	simm.s32 @!p0 $0x108  }
0x21: {  	s3 =	sadd.s32 s3, s9;
	s6 =	sadd.s32 @!p0 $0x88, s6;
	s7 =	simm.s32 @p2 $0x1082  }
0x22: {  	[simem:s7], [sflag:s8] =	dma.local @!p0 [hbm:s6], $0xF7A  }
0x23: {  	s9 =	sor.u32 $0xD0000000, s2;
	s6 =	simm.s32 $0x108;
	_ =	swait.ge @!p0 [sflag:s8], $0x0  }
0x24: {  	s3 =	sadd.s32 $0x88, s3;
	s6 =	simm.s32 @!p1 $0x1082;
	[sflag:s4] =	ssyncset.s32 $0xFFFFF086  }
0x25: {  	[simem:s6], [sflag:s4] =	dma.local [hbm:s3], $0xF7A  }
0x26: {  	[smem:$0x3F9D] =	sst s1;
	(tag) =	ssettag s2;
	_ =	strace s9  }
0x27: {  	s1 =	sld [smem:$0x3FAD]  }
0x28: {  	s2 =	sld [smem:$0x3FAE]  }
0x29: {  	s4 =	sld [smem:$0x3FB0]  }
0x2a: {  	p0 =	seq.s32 s5, $0x0;
	s5 =	sld [smem:$0x3FB1]  }
0x2b: {  	s6 =	sld [smem:$0x3FB2]  }
0x2c: {  	s7 =	sld [smem:$0x3FB3]  }
0x2d: {  	s3 =	simm.s32 $0x108;
	s8 =	sld [smem:$0x3FB4]  }
0x2e: {  	s3 =	simm.s32 @!p0 $0x1082;
	s9 =	sld [smem:$0x3FB5]  }
0x2f: {  	lr =	sadd.s32 s0, s3;
	s0 =	sld [smem:$0x3FAC]  }
0x30: {  	s3 =	sld [smem:$0x3FAF]  }
0x31: {  	[smem:$0x3FB8] =	sst s10  }
0x32: {  	s10 =	sld [smem:$0x3FB6];
	_ =	sdelay $0x3  }
0x33: {  	p0 =	seq.s32 s10, $0x1;
	s10 =	sld [smem:$0x3FB8];
	_ =	sdelay $0x3  }
0x34: {  	[smem:$0x3FB8] =	sst s10  }
0x35: {  	s10 =	sld [smem:$0x3FB7];
	_ =	sdelay $0x3  }
0x36: {  	p1 =	seq.s32 s10, $0x1;
	s10 =	sld [smem:$0x3FB8];
	_ =	sdelay $0x3  }
0x37: {  	[smem:$0x3FB8] =	sst s10  }
0x38: {  	s10 =	sld [smem:$0x3FB9]  }
0x39: {  	_ = 	snop;
	(pc) =	sbr.ind lr, $3  }
0x3a: {  	_ = 	snop  }
0x3b: {  	_ = 	snop  }
0x3c: {  	p2 =	seq.s32 s10, $0x1;
	s10 =	sld [smem:$0x3FB8]  }
0x3d: {  	_ =	shalt  }
0x3e: {  	_ =	shalt  }
0x3f: {  	_ =	shalt  }
0x40: {  	_ =	shalt  }
0x41: {  	_ =	shalt  }
0x42: {  	_ =	shalt  }
0x43: {  	_ =	shalt  }
0x44: {  	_ =	shalt  }
0x45: {  	_ =	shalt  }
0x46: {  	_ =	shalt  }
0x47: {  	_ =	shalt  }
0x48: {  	_ =	shalt  }
0x49: {  	_ =	shalt  }
0x4a: {  	_ =	shalt  }
0x4b: {  	_ =	shalt  }
0x4c: {  	_ =	shalt  }
0x4d: {  	_ =	shalt  }
0x4e: {  	_ =	shalt  }
0x4f: {  	_ =	shalt  }
0x50: {  	_ =	shalt  }
0x51: {  	_ =	shalt  }
0x52: {  	_ =	shalt  }
0x53: {  	_ =	shalt  }
0x54: {  	_ =	shalt  }
0x55: {  	_ =	shalt  }
0x56: {  	_ =	shalt  }
0x57: {  	_ =	shalt  }
0x58: {  	_ =	shalt  }
0x59: {  	_ =	shalt  }
0x5a: {  	_ =	shalt  }
0x5b: {  	_ =	shalt  }
0x5c: {  	_ =	shalt  }
0x5d: {  	_ =	shalt  }
0x5e: {  	_ =	shalt  }
0x5f: {  	_ =	shalt  }
0x60: {  	_ =	shalt  }
0x61: {  	_ =	shalt  }
0x62: {  	_ =	shalt  }
0x63: {  	_ =	shalt  }
0x64: {  	_ =	shalt  }
0x65: {  	_ =	shalt  }
0x66: {  	_ =	shalt  }
0x67: {  	_ =	shalt  }
0x68: {  	_ =	shalt  }
0x69: {  	_ =	shalt  }
0x6a: {  	_ =	shalt  }
0x6b: {  	_ =	shalt  }
0x6c: {  	_ =	shalt  }
0x6d: {  	_ =	shalt  }
0x6e: {  	_ =	shalt  }
0x6f: {  	_ =	shalt  }
0x70: {  	_ =	shalt  }
0x71: {  	_ =	shalt  }
0x72: {  	_ =	shalt  }
0x73: {  	_ =	shalt  }
0x74: {  	_ =	shalt  }
0x75: {  	_ =	shalt  }
0x76: {  	_ =	shalt  }
0x77: {  	_ =	shalt  }
0x78: {  	_ =	shalt  }
0x79: {  	_ =	shalt  }
0x7a: {  	_ =	shalt  }
0x7b: {  	_ =	shalt  }
0x7c: {  	_ =	shalt  }
0x7d: {  	_ =	shalt  }
0x7e: {  	_ =	shalt  }
0x7f: {  	_ =	shalt  }
0x80: {  	_ =	shalt  }
0x81: {  	_ =	shalt  }
0x82: {  	_ =	shalt  }
0x83: {  	_ =	shalt  }
0x84: {  	_ =	shalt  }
0x85: {  	_ =	shalt  }
0x86: {  	_ =	shalt  }
0x87: {  	_ =	shalt  }
.Lfunc_end0:
.L_simem_size_0:
called_computation.2_lowered:
.L_overlay_start_0:
0x88: {  	s2 =	sld [smem:$0x3FD9]  }
0x89: {  	s3 =	sld [smem:$0x3FFE];
	_ =	sdelay $0x1  }
0x8a: {  	s1 =	srdreg.scid  }
0x8b: {  	s0 =	sand.u32 $0x1, s1  }
0x8c: {  	s16 =	sshll.u32 s0, $0xA;
	s2 =	sadd.s32 s3, s2  }
0x8d: {  	s2 =	sadd.s32 s2, s16  }
0x8e: {  	[smem:$0x3FC4] =	sst s2  }
0x8f: {  	_ = 	snop  }
0x90: {  	(tm) =	ssettm $0x1  }
0x91: {  	s17 =	sld [smem:$0x3FFB];
	_ =	sdelay $0x3  }
0x92: {  	_ =	strace s17  }
0x93: {  	s2 =	sld [smem:$0x3FFC];
	_ =	sdelay $0x3  }
0x94: {  	_ =	strace s2  }
0x95: {  	s2 =	sld [smem:$0x3FFD];
	_ =	sdelay $0x3  }
0x96: {  	_ =	strace s2  }
0x97: {  	_ =	strace $0x8FFFFFFF  }
0x98: {  	s18 =	sld [smem:$0x3FDB];
	_ =	sdelay $0x1  }
0x99: {  	s19 =	simm.s32 $_scs_section_size  }
0x9a: {  	s4 =	simm.s32 $_size__tile_overlayer_lowered;
	s5 =	simm.s32 $_tile_overlayer_lowered  }
0x9b: {  	s22 =	simm.s32 $0x1BFF;
	s21 =	sshll.u32 s5, $0x1;
	s2 =	sadd.s32 s19, s18  }
0x9c: {  	s6 =	simm.s32 $0x0;
	s20 =	sshll.u32 s4, $0x1;
	s4 =	sadd.s32 s21, s2  }
0x9d: {  	[timem:s6], [sflag:s22] =	dma.local [hbm:s4], s20  }
0x9e: {  	_ =	swait.ge [sflag:s22], s20  }
0x9f: {  	s3 =	ssub.s32 $0x0, s20;
	[sflag:s22] =	ssyncset.done $0x0  }
0xa0: {  	[sflag:s22] =	ssyncadd.s32 s3;
	_ =	sdelay $0x1  }
0xa1: {  	s23 =	simm.s32 $0x1B8B  }
0xa2: {  	_ =	swait.ge [sflag:s23], $0x1  }
0xa3: {  	[sflag:s23] =	ssyncset.done $0x0  }
0xa4: {  	s25 =	simm.s32 $0x1B8E;
	s24 =	sld [smem:$0x3FFE];
	[sflag:s23] =	ssyncadd.s32 $0xFFFFFFFF  }
0xa5: {  	s26 =	simm.s32 $execute0_lowered;
	[smem:$0x3FD2] =	sst s25  }
0xa6: {  	s4 =	sshll.u32 s26, $0x1;
	_ =	strace $0x80000046;
	[dreg:$0x1] =	wrdreg $0xFFFFFFFF  }
0xa7: {  	s28 =	simm.s32 $_size_execute0_lowered;
	s2 =	sadd.s32 s2, s4;
	[dreg:$0x0] =	wrdreg $0x0  }
0xa8: {  	s4 =	sshll.u32 s28, $0x1;
	[dreg:$0x2] =	wrdreg s2  }
0xa9: {  	[dreg:$0x3] =	wrdreg s4  }
0xaa: {  	[dreg:$0x4] =	wrdreg $0xC0  }
0xab: {  	_ =	task [dreg:s6], $0x5FFFF  }
0xac: {  	[dreg:$0x1] =	wrdreg $0xFFFFFFFF  }
0xad: {  	[dreg:$0x0] =	wrdreg $0x60  }
0xae: {  	[dreg:$0x2] =	wrdreg s24  }
0xaf: {  	[dreg:$0x3] =	wrdreg $0x9  }
0xb0: {  	_ =	task.clear_ibuf [dreg:s6], $0x4FFFF;
	_ =	strace $0x90000046  }
0xb1: {  	s29 =	simm.s32 $0x9;
	_ =	strace $0x80000048  }
0xb2: {  	_ =	swait.ge [sflag:s29], $0x1  }
0xb3: {  	[sflag:s29] =	ssyncadd.s32 $0xFFFFFFFF  }
0xb4: {  	_ =	strace $0x90000048  }
0xb5: {  	_ =	sfence  }
0xb6: {  	s30 =	sld [smem:$0x0];
	_ =	sdelay $0x2  }
0xb7: {  	s31 =	sshll.u32 s1, $0xD;
	s1 =	sshrl.u32 s1, $0x2  }
0xb8: {  	s3 =	sand.u32 $0x4000, s31;
	s1 =	sadd.s32 s1, s30  }
0xb9: {  	s0 =	sor.u32 s3, s0;
	s1 =	sshll.u32 s1, $0x11  }
0xba: {  	s0 =	sor.u32 s1, s0  }
0xbb: {  	s0 =	sadd.s32 $0x8F2B, s0  }
0xbc: {  	[sflag:s0] =	ssyncadd.remote.s32 $0x1  }
0xbd: {  	_ =	sfence.sel $0xFFFF  }
0xbe: {  	[dreg:$0x0] =	wrdreg $0xFFFFFFFF;
	(pc) =	sbr.abs _section_cstart, $3  }
0xbf: {  	[dreg:$0x1] =	wrdreg $0xFFFFFFFF  }
0xc0: {  	_ =	task.clear_ibuf [dreg:s6], $0x2FFFF;
	_ =	strace $0x9FFFFFFF  }
0xc1: {  	(tm) =	ssettm $0x7FFFFFFF  }
tec
execute0_lowered:
.L_overlay_start_1:
0x0: {  	(tag) =	ssettag $0x1  }
0x1: {  	s0 =	srdreg.scid;
	s5 =	rddreg [dreg:$0x0]  }
0x2: {  	s1 =	stileid.u32;
	s6 =	simm.s32 $0x1;
	s9 =	simm.s32 $0x1  }
0x3: {  	s10 =	simm.s32 $0x3;
	s13 =	simm.s32 $0x0;
	s2 =	sshll.u32 s0, $0xB  }
0x4: {  	s12 =	simm.s32 $0x0;
	s3 =	sshll.u32 s1, $0xC;
	s2 =	sand.u32 $0x800, s2  }
0x5: {  	s0 =	rddreg [dreg:$0x1];
	_ =	strace $0x80000047;
	s2 =	sor.u32 s3, s2  }
0x6: {  	s4 =	sadd.s32 $0x11400, s5;
	[sflag:s6] =	ssyncpa.u1 $0x0;
	s8 =	ssub.s32 $0x20000, s2  }
.Ltmp0:
0x7: {  	s3 =	sadd.s32 $0x9400, s5;
	s7 =	sand.u32 $0xF800, s8;
	(pc) =	sbr.rel .LBB2_1-.Ltmp0, $4  }
0x8: {  	s5 =	sadd.s32 $0x15400, s5;
	s11 =	smov.u32 s2;
	p0 =	sne.s32 s7, $0x0  }
0x9: {  	s8 =	sshrl.u32 s8, $0x10;
	s7 =	simm.s32 $0x2;
	s9 =	simm.s32 @!p0 $0x0  }
0xa: {  	[sflag:s7] =	ssyncpa.u1 $0x0;
	p0 =	por $0x0, $0x0;
	s8 =	sadd.s32 s9, s8  }
0xb: {  	vm0 =	vmmov $0xffff;
	[sflag:s10] =	ssyncpa.u1 $0x0;
	s10 =	simm.s32 $0x0;
	s9 =	sadd.s32 $0x1, s8  }
.LBB2_4:
0xc: {  	v2 =	vnsel vm1, $0x0, v2  }
0xd: {  	vm1 =	vgt.s32 v0, $0x0;
	v2 =	vmin.u32 v2, $0x1FFFF  }
0xe: {  	v0 =	vnsel vm1, $0x0, v0  }
0xf: {  	v0 =	vmin.u32 v0, $0x1FFFF  }
0x10: {  	[tilespmem:s15], [sflag:$0x1] =	stream.indirect_vreg.gather [hbm4b:s3+s10], $0x1, v1, vm0, $0x4038;
	[tilespmem:$0x2000] =	vst v63  }
0x11: {  	(ifvalue) =	ssetifvalue $0x7FFFFFFF  }
0x12: {  	[tilespmem:s16], [sflag:$0x1] =	stream.indirect_vreg.gather [hbm4b:s3+s10], $0x1, v2, vm0, $0x4038;
	[tilespmem:$0x2000] =	vst v63  }
0x13: {  	s29 =	sadd.s32 $0x10, s16;
	(ifvalue) =	ssetifvalue $0x7FFFFFFF  }
0x14: {  	[tilespmem:s29], [sflag:$0x1] =	stream.indirect_vreg.gather [hbm4b:s3+s10], $0x1, v0, vm0, $0x4038;
	[tilespmem:$0x2000] =	vst v63  }
0x15: {  	_ =	swait.ge [sflag:s6], $0x800  }
0x16: {  	s30 =	sshrl.u32 s13, $0x3;
	[sflag:s6] =	ssyncset.done $0x0  }
0x17: {  	s31 =	sand.u32 $0x7, s13;
	s15 =	sadd.s32 s5, s30;
	[sflag:s6] =	ssyncadd.s32 $0xFFFFF800  }
0x18: {  	[hbm4b:s15+s31] =	stream.linear.scatter [tilespmem:s14], [sflag:$0x3], $0x800, $0x38;
	[tilespmem:$0x2000] =	vst v63  }
.LBB2_5:
0x19: {  	s15 =	sadd.s32 $0x10000, s11  }
0x1a: {  	p2 =	sgt.s32 s15, $0x1FFFF  }
0x1b: {  	s15 =	smov.u32 @p2 s2;
	p2 =	sne.s32 s12, s9  }
.Ltmp1:
0x1c: {  	p1 =	slt.u32 s12, $0x2;
	(pc) =	sbr.rel @!p2 .LBB2_6-.Ltmp1, $4  }
0x1d: {  	s14 =	simm.s32 @!p1 $0x3  }
0x1e: {  	s16 =	sadd.s32 $0x1, s12;
	_ =	swait.ge @!p1 [sflag:s14], $0x800  }
0x1f: {  	s13 =	smov.u32 s11;
	p0 =	por !p0, !p0;
	[sflag:s14] =	ssyncset.done @!p1 $0x0  }
0x20: {  	s12 =	smov.u32 s16;
	s11 =	smov.u32 s15;
	[sflag:s14] =	ssyncadd.s32 @!p1 $0xFFFFF800  }
.LBB2_1:
0x21: {  	p1 =	sge.u32 s12, s8  }
0x22: {  	s14 =	sxor.u32 @!p1 $0xFFFFFFFF, s12  }
0x23: {  	s31 =	sadd.s32 $0xFFFFFFFF, s12;
	s15 =	sshrl.u32 @!p1 s11, $0x3;
	s14 =	sshll.u32 @!p1 s14, $0xB  }
0x24: {  	s16 =	sand.u32 @!p1 $0x7, s11;
	s15 =	sadd.s32 @!p1 s4, s15;
	s14 =	sand.u32 @!p1 $0x800, s14  }
0x25: {  	[tilespmem:s14], [sflag:$0x2] =	stream.linear.gather @!p1 [hbm4b:s15+s16], $0x800, $0x38;
	[tilespmem:$0x2000] =	vst v63  }
0x26: {  	p1 =	sge.u32 s31, s8  }
.Ltmp2:
0x27: {  	_ = 	snop;
	(pc) =	sbr.rel @p1 .LBB2_5-.Ltmp2, $1  }
0x28: {  	_ =	sdelay $0x3  }
0x29: {  	s14 =	simm.s32 $0x1  }
0x2a: {  	_ =	swait.ge [sflag:s7], $0x800;
	s14 =	simm.s32 @!p0 $0x0  }
0x2b: {  	[sflag:s7] =	ssyncset.done $0x0;
	s14 =	sshll.u32 s14, $0xB  }
0x2c: {  	[sflag:s7] =	ssyncadd.s32 $0xFFFFF800;
	(ifvalue) =	ssetifvalue $0x7FFFFFFF;
	v0 =	vld.msk [tilespmem:s14+$0x0 ss:$0x1], $0xffff;
	_ =	sdelay $0x4  }
0x2d: {  	s15 =	sadd.s32 $0x10, s14;
	vm1 =	vgt.s32 v0, $0x0  }
0x2e: {  	v2 =	vld.msk [tilespmem:s15+$0x0 ss:$0x1], $0xffff;
	v1 =	vnsel vm1, $0x0, v0  }
0x2f: {  	v1 =	vmin.u32 v1, $0x1FFFF;
	_ =	sdelay $0x1  }
0x30: {  	s16 =	sshll.u32 s12, $0xB;
	s18 =	simm.s32 $0x20  }
0x31: {  	s16 =	sand.u32 $0x800, s16;
	s17 =	sadd.s32 $0x10, s15;
	s15 =	sor.u32 $0x1000, s14  }
0x32: {  	s14 =	sor.u32 $0x1000, s16;
	s16 =	sadd.s32 $0x10, s15;
	v0 =	vld.msk [tilespmem:s17+$0x0 ss:$0x1], $0xffff;
	vm1 =	vgt.s32 v2, $0x0;
	(ifvalue) =	ssetifvalue $0x7FFFFFFF  }
.LBB2_3:
0x33: {  	[tilespmem:s15], [sflag:$0x1] =	stream.indirect_vreg.gather [hbm4b:s3+s10], $0x1, v1, vm0, $0x4038;
	[tilespmem:$0x2000] =	vst v63  }
0x34: {  	s18 =	sadd.s32 $0x10, s18  }
0x35: {  	v2 =	vnsel vm1, $0x0, v2;
	p1 =	slt.u32 s18, $0x7F0  }
.Ltmp3:
0x36: {  	s15 =	smov.u32 s16;
	v1 =	vmin.u32 v2, $0x1FFFF;
	(pc) =	sbr.rel @p1 .LBB2_3-.Ltmp3, $3  }
0x37: {  	_ =	sdelay $0x1  }
0x38: {  	s17 =	sadd.s32 $0x10, s17  }
0x39: {  	vm1 =	vgt.s32 v0, $0x0;
	s16 =	sadd.s32 $0x10, s16;
	v2 =	vmov v0;
	(ifvalue) =	ssetifvalue $0x7FFFFFFF;
	v0 =	vld.msk [tilespmem:s17+$0x0 ss:$0x1], $0xffff  }
.Ltmp4:
0x3a: {  	_ = 	snop;
	(pc) =	sbr.rel .LBB2_4-.Ltmp4, $1  }
0x3b: {  	_ =	sdelay $0x3  }
.LBB2_6:
0x3c: {  	_ =	sfence.sel $0x180000  }
0x3d: {  	s2 =	simm.s32 $0x2;
	[bflag:$0x0] =	sbarrier.arrive $0xFFFF  }
0x3e: {  	s30 =	simm.s32 $0x3;
	[sflag:s2] =	ssyncpa.u1 $0x1  }
0x3f: {  	s31 =	simm.s32 $0x1;
	[sflag:s30] =	ssyncpa.u1 $0x1  }
0x40: {  	[sflag:s31] =	ssyncpa.u1 $0x1  }
0x41: {  	p0 =	sne.s32 s1, $0x0;
	_ =	strace $0x90000047  }
0x42: {  	s0 =	sadd.s32 @!p0 $0x100000, s0;
	[bflag:$0x2] =	sbarrier.arrive $0xFFFF  }
0x43: {  	[sflag:s0] =	ssyncadd.tile.s32 @!p0 $0x1;
	_ =	shalt  }
.Lfunc_end2:
_tile_overlayer_lowered:
.L_overlay_start_2:
0x44: {  	(tag) =	ssettag $0x2  }
0x45: {  	s0 =	rddreg [dreg:$0x0];
	s2 =	stileid.u32  }
0x46: {  	s1 =	rddreg [dreg:$0x1];
	p0 =	sne.s32 s2, $0x0  }
0x47: {  	s3 =	rddreg [dreg:$0x2];
	[bflag:$0x3] =	sbarrier.arrive $0xFFFF;
	s2 =	simm.s32 @!p0 $0x1C01  }
0x48: {  	[timem:s3], [sflag:s2] =	dma.local @!p0 [hbm:s0], s1  }
0x49: {  	s0 =	simm.s32 @!p0 $0x1  }
0x4a: {  	_ =	swait.ge @!p0 [sflag:s0], s1  }
0x4b: {  	s1 =	ssub.s32 @!p0 $0x0, s1;
	[sflag:s0] =	ssyncset.done @!p0 $0x0  }
0x4c: {  	[sflag:s0] =	ssyncadd.s32 @!p0 s1  }
0x4d: {  	[bflag:$0x3] =	sbarrier.arrive $0xFFFF  }
0x4e: {  	_ =	shalt  }

// kernel: gather_offload_async_start
scs
__scs_entry_jumppad:
0x0: {  	(pc) =	sbr.rel $0x88, $3  }
0x1: {  	(tag) =	ssettag $0x0;
	lr =	simm.s32 $0x1  }
0x2: {  	[smem:$0x3F9D] =	sst lr;
	_ =	strace $0xD0000000  }
0x3: {  	_ = 	snop  }
0x4: {  	_ = 	snop  }
0x5: {  	_ = 	snop  }
0x6: {  	_ = 	snop  }
0x7: {  	_ = 	snop  }
__scs_overlays_trampoline_lowered:
0x8: {  	[smem:$0x3FAC] =	sst s0  }
0x9: {  	[smem:$0x3FAD] =	sst s1  }
0xa: {  	[smem:$0x3FAE] =	sst s2  }
0xb: {  	[smem:$0x3FAF] =	sst s3  }
0xc: {  	[smem:$0x3FB0] =	sst s4  }
0xd: {  	[smem:$0x3FB1] =	sst s5  }
0xe: {  	[smem:$0x3FB2] =	sst s6  }
0xf: {  	[smem:$0x3FB3] =	sst s7  }
0x10: {  	[smem:$0x3FB4] =	sst s8  }
0x11: {  	[smem:$0x3FB5] =	sst s9;
	s0 =	simm.s32 @!p0 $0x0  }
0x12: {  	s1 =	sld [smem:$0x3F9B];
	s0 =	simm.s32 @p0 $0x1  }
0x13: {  	[smem:$0x3FB6] =	sst s0;
	s0 =	simm.s32 @!p1 $0x0  }
0x14: {  	s2 =	sld [smem:$0x3F9A];
	s0 =	simm.s32 @p1 $0x1  }
0x15: {  	[smem:$0x3FB7] =	sst s0;
	s0 =	simm.s32 @!p2 $0x0  }
0x16: {  	s3 =	sld [smem:$0x3FDB];
	s0 =	simm.s32 @p2 $0x1  }
0x17: {  	s4 =	simm.s32 $0x1BF5;
	[smem:$0x3FB9] =	sst s0  }
0x18: {  	s0 =	sld [smem:$0x3F9C];
	_ =	swait.ge [sflag:s4], $0x0  }
0x19: {  	s7 =	sld [smem:$0x3F9D]  }
0x1a: {  	s8 =	sadd.s32 $0xFFFFE003, lr  }
0x1b: {  	s9 =	sadd.s32 $0xFFFFFEF7, lr;
	s5 =	simm.s32 $0xFFFFFFFF;
	p2 =	slt.u32 s8, $0xFFFFF086  }
0x1c: {  	p1 =	slt.u32 s9, $0xF7A;
	s5 =	simm.s32 @!p2 $0x0  }
0x1d: {  	s5 =	simm.s32 @p1 $0x1;
	p0 =	seq.s32 s7, s2  }
0x1e: {  	s7 =	smul.u32 @!p0 $0xF7A, s2;
	p2 =	seq.s32 @!p0 s5, $0x0  }
0x1f: {  	s9 =	smul.u32 $0xF7A, s1;
	s8 =	simm.s32 @!p0 $0x1BF5;
	p2 =	por !p2, p0  }
0x20: {  	[sflag:s8] =	ssyncset.s32 @!p0 $0xFFFFF086;
	s6 =	sadd.s32 @!p0 s3, s7;
	s7 =	simm.s32 @!p0 $0x108  }
0x21: {  	s3 =	sadd.s32 s3, s9;
	s6 =	sadd.s32 @!p0 $0x88, s6;
	s7 =	simm.s32 @p2 $0x1082  }
0x22: {  	[simem:s7], [sflag:s8] =	dma.local @!p0 [hbm:s6], $0xF7A  }
0x23: {  	s9 =	sor.u32 $0xD0000000, s2;
	s6 =	simm.s32 $0x108;
	_ =	swait.ge @!p0 [sflag:s8], $0x0  }
0x24: {  	s3 =	sadd.s32 $0x88, s3;
	s6 =	simm.s32 @!p1 $0x1082;
	[sflag:s4] =	ssyncset.s32 $0xFFFFF086  }
0x25: {  	[simem:s6], [sflag:s4] =	dma.local [hbm:s3], $0xF7A  }
0x26: {  	[smem:$0x3F9D] =	sst s1;
	(tag) =	ssettag s2;
	_ =	strace s9  }
0x27: {  	s1 =	sld [smem:$0x3FAD]  }
0x28: {  	s2 =	sld [smem:$0x3FAE]  }
0x29: {  	s4 =	sld [smem:$0x3FB0]  }
0x2a: {  	p0 =	seq.s32 s5, $0x0;
	s5 =	sld [smem:$0x3FB1]  }
0x2b: {  	s6 =	sld [smem:$0x3FB2]  }
0x2c: {  	s7 =	sld [smem:$0x3FB3]  }
0x2d: {  	s3 =	simm.s32 $0x108;
	s8 =	sld [smem:$0x3FB4]  }
0x2e: {  	s3 =	simm.s32 @!p0 $0x1082;
	s9 =	sld [smem:$0x3FB5]  }
0x2f: {  	lr =	sadd.s32 s0, s3;
	s0 =	sld [smem:$0x3FAC]  }
0x30: {  	s3 =	sld [smem:$0x3FAF]  }
0x31: {  	[smem:$0x3FB8] =	sst s10  }
0x32: {  	s10 =	sld [smem:$0x3FB6];
	_ =	sdelay $0x3  }
0x33: {  	p0 =	seq.s32 s10, $0x1;
	s10 =	sld [smem:$0x3FB8];
	_ =	sdelay $0x3  }
0x34: {  	[smem:$0x3FB8] =	sst s10  }
0x35: {  	s10 =	sld [smem:$0x3FB7];
	_ =	sdelay $0x3  }
0x36: {  	p1 =	seq.s32 s10, $0x1;
	s10 =	sld [smem:$0x3FB8];
	_ =	sdelay $0x3  }
0x37: {  	[smem:$0x3FB8] =	sst s10  }
0x38: {  	s10 =	sld [smem:$0x3FB9]  }
0x39: {  	_ = 	snop;
	(pc) =	sbr.ind lr, $3  }
0x3a: {  	_ = 	snop  }
0x3b: {  	_ = 	snop  }
0x3c: {  	p2 =	seq.s32 s10, $0x1;
	s10 =	sld [smem:$0x3FB8]  }
0x3d: {  	_ =	shalt  }
0x3e: {  	_ =	shalt  }
0x3f: {  	_ =	shalt  }
0x40: {  	_ =	shalt  }
0x41: {  	_ =	shalt  }
0x42: {  	_ =	shalt  }
0x43: {  	_ =	shalt  }
0x44: {  	_ =	shalt  }
0x45: {  	_ =	shalt  }
0x46: {  	_ =	shalt  }
0x47: {  	_ =	shalt  }
0x48: {  	_ =	shalt  }
0x49: {  	_ =	shalt  }
0x4a: {  	_ =	shalt  }
0x4b: {  	_ =	shalt  }
0x4c: {  	_ =	shalt  }
0x4d: {  	_ =	shalt  }
0x4e: {  	_ =	shalt  }
0x4f: {  	_ =	shalt  }
0x50: {  	_ =	shalt  }
0x51: {  	_ =	shalt  }
0x52: {  	_ =	shalt  }
0x53: {  	_ =	shalt  }
0x54: {  	_ =	shalt  }
0x55: {  	_ =	shalt  }
0x56: {  	_ =	shalt  }
0x57: {  	_ =	shalt  }
0x58: {  	_ =	shalt  }
0x59: {  	_ =	shalt  }
0x5a: {  	_ =	shalt  }
0x5b: {  	_ =	shalt  }
0x5c: {  	_ =	shalt  }
0x5d: {  	_ =	shalt  }
0x5e: {  	_ =	shalt  }
0x5f: {  	_ =	shalt  }
0x60: {  	_ =	shalt  }
0x61: {  	_ =	shalt  }
0x62: {  	_ =	shalt  }
0x63: {  	_ =	shalt  }
0x64: {  	_ =	shalt  }
0x65: {  	_ =	shalt  }
0x66: {  	_ =	shalt  }
0x67: {  	_ =	shalt  }
0x68: {  	_ =	shalt  }
0x69: {  	_ =	shalt  }
0x6a: {  	_ =	shalt  }
0x6b: {  	_ =	shalt  }
0x6c: {  	_ =	shalt  }
0x6d: {  	_ =	shalt  }
0x6e: {  	_ =	shalt  }
0x6f: {  	_ =	shalt  }
0x70: {  	_ =	shalt  }
0x71: {  	_ =	shalt  }
0x72: {  	_ =	shalt  }
0x73: {  	_ =	shalt  }
0x74: {  	_ =	shalt  }
0x75: {  	_ =	shalt  }
0x76: {  	_ =	shalt  }
0x77: {  	_ =	shalt  }
0x78: {  	_ =	shalt  }
0x79: {  	_ =	shalt  }
0x7a: {  	_ =	shalt  }
0x7b: {  	_ =	shalt  }
0x7c: {  	_ =	shalt  }
0x7d: {  	_ =	shalt  }
0x7e: {  	_ =	shalt  }
0x7f: {  	_ =	shalt  }
0x80: {  	_ =	shalt  }
0x81: {  	_ =	shalt  }
0x82: {  	_ =	shalt  }
0x83: {  	_ =	shalt  }
0x84: {  	_ =	shalt  }
0x85: {  	_ =	shalt  }
0x86: {  	_ =	shalt  }
0x87: {  	_ =	shalt  }
.Lfunc_end0:
.L_simem_size_0:
called_computation_lowered:
.L_overlay_start_0:
0x88: {  	s2 =	sld [smem:$0x3FD9]  }
0x89: {  	s3 =	sld [smem:$0x3FFE];
	_ =	sdelay $0x1  }
0x8a: {  	s1 =	srdreg.scid  }
0x8b: {  	s0 =	sand.u32 $0x1, s1  }
0x8c: {  	s16 =	sshll.u32 s0, $0xA;
	s2 =	sadd.s32 s3, s2  }
0x8d: {  	s2 =	sadd.s32 s2, s16  }
0x8e: {  	[smem:$0x3FC4] =	sst s2  }
0x8f: {  	_ = 	snop  }
0x90: {  	(tm) =	ssettm $0x1  }
0x91: {  	s17 =	sld [smem:$0x3FFB];
	_ =	sdelay $0x3  }
0x92: {  	_ =	strace s17  }
0x93: {  	s2 =	sld [smem:$0x3FFC];
	_ =	sdelay $0x3  }
0x94: {  	_ =	strace s2  }
0x95: {  	s2 =	sld [smem:$0x3FFD];
	_ =	sdelay $0x3  }
0x96: {  	_ =	strace s2  }
0x97: {  	_ =	strace $0x8FFFFFFF  }
0x98: {  	s18 =	sld [smem:$0x3FDB];
	_ =	sdelay $0x1  }
0x99: {  	s19 =	simm.s32 $_scs_section_size  }
0x9a: {  	s4 =	simm.s32 $_size__tile_overlayer_lowered;
	s5 =	simm.s32 $_tile_overlayer_lowered  }
0x9b: {  	s22 =	simm.s32 $0x1BFF;
	s21 =	sshll.u32 s5, $0x1;
	s2 =	sadd.s32 s19, s18  }
0x9c: {  	s6 =	simm.s32 $0x0;
	s20 =	sshll.u32 s4, $0x1;
	s4 =	sadd.s32 s21, s2  }
0x9d: {  	[timem:s6], [sflag:s22] =	dma.local [hbm:s4], s20  }
0x9e: {  	_ =	swait.ge [sflag:s22], s20  }
0x9f: {  	s3 =	ssub.s32 $0x0, s20;
	[sflag:s22] =	ssyncset.done $0x0  }
0xa0: {  	[sflag:s22] =	ssyncadd.s32 s3;
	_ =	sdelay $0x1  }
0xa1: {  	s23 =	simm.s32 $0x1B8B  }
0xa2: {  	_ =	swait.ge [sflag:s23], $0x1  }
0xa3: {  	[sflag:s23] =	ssyncset.done $0x0  }
0xa4: {  	s25 =	simm.s32 $0x1B8E;
	s24 =	sld [smem:$0x3FFE];
	[sflag:s23] =	ssyncadd.s32 $0xFFFFFFFF  }
0xa5: {  	s26 =	simm.s32 $execute0_lowered;
	[smem:$0x3FD2] =	sst s25  }
0xa6: {  	s4 =	sshll.u32 s26, $0x1;
	_ =	strace $0x80000049;
	[dreg:$0x1] =	wrdreg $0xFFFFFFFF  }
0xa7: {  	s28 =	simm.s32 $_size_execute0_lowered;
	s2 =	sadd.s32 s2, s4;
	[dreg:$0x0] =	wrdreg $0x0  }
0xa8: {  	s4 =	sshll.u32 s28, $0x1;
	[dreg:$0x2] =	wrdreg s2  }
0xa9: {  	[dreg:$0x3] =	wrdreg s4  }
0xaa: {  	[dreg:$0x4] =	wrdreg $0xC0  }
0xab: {  	_ =	task [dreg:s6], $0x5FFFF  }
0xac: {  	[dreg:$0x1] =	wrdreg $0xFFFFFFFF  }
0xad: {  	[dreg:$0x0] =	wrdreg $0x60  }
0xae: {  	[dreg:$0x2] =	wrdreg s24  }
0xaf: {  	[dreg:$0x3] =	wrdreg $0x9  }
0xb0: {  	_ =	task.clear_ibuf [dreg:s6], $0x4FFFF;
	_ =	strace $0x90000049  }
0xb1: {  	s29 =	simm.s32 $0x9;
	_ =	strace $0x8000004B  }
0xb2: {  	_ =	swait.ge [sflag:s29], $0x1  }
0xb3: {  	[sflag:s29] =	ssyncadd.s32 $0xFFFFFFFF  }
0xb4: {  	_ =	strace $0x9000004B  }
0xb5: {  	_ =	sfence  }
0xb6: {  	s30 =	sld [smem:$0x0];
	_ =	sdelay $0x2  }
0xb7: {  	s31 =	sshll.u32 s1, $0xD;
	s1 =	sshrl.u32 s1, $0x2  }
0xb8: {  	s3 =	sand.u32 $0x4000, s31;
	s1 =	sadd.s32 s1, s30  }
0xb9: {  	s0 =	sor.u32 s3, s0;
	s1 =	sshll.u32 s1, $0x11  }
0xba: {  	s0 =	sor.u32 s1, s0  }
0xbb: {  	s0 =	sadd.s32 $0x8F2B, s0  }
0xbc: {  	[sflag:s0] =	ssyncadd.remote.s32 $0x1  }
0xbd: {  	_ =	sfence.sel $0xFFFF  }
0xbe: {  	[dreg:$0x0] =	wrdreg $0xFFFFFFFF;
	(pc) =	sbr.abs _section_cstart, $3  }
0xbf: {  	[dreg:$0x1] =	wrdreg $0xFFFFFFFF  }
0xc0: {  	_ =	task.clear_ibuf [dreg:s6], $0x2FFFF;
	_ =	strace $0x9FFFFFFF  }
0xc1: {  	(tm) =	ssettm $0x7FFFFFFF  }
tec
execute0_lowered:
.L_overlay_start_1:
0x0: {  	(tag) =	ssettag $0x1  }
0x1: {  	s0 =	srdreg.scid;
	s5 =	rddreg [dreg:$0x0]  }
0x2: {  	s1 =	stileid.u32;
	s6 =	simm.s32 $0x1;
	s9 =	simm.s32 $0x1  }
0x3: {  	s10 =	simm.s32 $0x3;
	s13 =	simm.s32 $0x0;
	s2 =	sshll.u32 s0, $0xB  }
0x4: {  	s12 =	simm.s32 $0x0;
	s3 =	sshll.u32 s1, $0xC;
	s2 =	sand.u32 $0x800, s2  }
0x5: {  	s0 =	rddreg [dreg:$0x1];
	_ =	strace $0x8000004A;
	s2 =	sor.u32 s3, s2  }
0x6: {  	s4 =	sadd.s32 $0x11400, s5;
	[sflag:s6] =	ssyncpa.u1 $0x0;
	s8 =	ssub.s32 $0x20000, s2  }
.Ltmp0:
0x7: {  	s3 =	sadd.s32 $0x5400, s5;
	s7 =	sand.u32 $0xF800, s8;
	(pc) =	sbr.rel .LBB2_1-.Ltmp0, $4  }
0x8: {  	s5 =	sadd.s32 $0x19400, s5;
	s11 =	smov.u32 s2;
	p0 =	sne.s32 s7, $0x0  }
0x9: {  	s8 =	sshrl.u32 s8, $0x10;
	s7 =	simm.s32 $0x2;
	s9 =	simm.s32 @!p0 $0x0  }
0xa: {  	[sflag:s7] =	ssyncpa.u1 $0x0;
	p0 =	por $0x0, $0x0;
	s8 =	sadd.s32 s9, s8  }
0xb: {  	vm0 =	vmmov $0xffff;
	[sflag:s10] =	ssyncpa.u1 $0x0;
	s10 =	simm.s32 $0x0;
	s9 =	sadd.s32 $0x1, s8  }
.LBB2_4:
0xc: {  	v2 =	vnsel vm1, $0x0, v2  }
0xd: {  	vm1 =	vgt.s32 v0, $0x0;
	v2 =	vmin.u32 v2, $0x1FFFF  }
0xe: {  	v0 =	vnsel vm1, $0x0, v0  }
0xf: {  	v0 =	vmin.u32 v0, $0x1FFFF  }
0x10: {  	[tilespmem:s15], [sflag:$0x1] =	stream.indirect_vreg.gather [hbm4b:s3+s10], $0x1, v1, vm0, $0x4038;
	[tilespmem:$0x2000] =	vst v63  }
0x11: {  	(ifvalue) =	ssetifvalue $0x7FFFFFFF  }
0x12: {  	[tilespmem:s16], [sflag:$0x1] =	stream.indirect_vreg.gather [hbm4b:s3+s10], $0x1, v2, vm0, $0x4038;
	[tilespmem:$0x2000] =	vst v63  }
0x13: {  	s29 =	sadd.s32 $0x10, s16;
	(ifvalue) =	ssetifvalue $0x7FFFFFFF  }
0x14: {  	[tilespmem:s29], [sflag:$0x1] =	stream.indirect_vreg.gather [hbm4b:s3+s10], $0x1, v0, vm0, $0x4038;
	[tilespmem:$0x2000] =	vst v63  }
0x15: {  	_ =	swait.ge [sflag:s6], $0x800  }
0x16: {  	s30 =	sshrl.u32 s13, $0x3;
	[sflag:s6] =	ssyncset.done $0x0  }
0x17: {  	s31 =	sand.u32 $0x7, s13;
	s15 =	sadd.s32 s5, s30;
	[sflag:s6] =	ssyncadd.s32 $0xFFFFF800  }
0x18: {  	[hbm4b:s15+s31] =	stream.linear.scatter [tilespmem:s14], [sflag:$0x3], $0x800, $0x38;
	[tilespmem:$0x2000] =	vst v63  }
.LBB2_5:
0x19: {  	s15 =	sadd.s32 $0x10000, s11  }
0x1a: {  	p2 =	sgt.s32 s15, $0x1FFFF  }
0x1b: {  	s15 =	smov.u32 @p2 s2;
	p2 =	sne.s32 s12, s9  }
.Ltmp1:
0x1c: {  	p1 =	slt.u32 s12, $0x2;
	(pc) =	sbr.rel @!p2 .LBB2_6-.Ltmp1, $4  }
0x1d: {  	s14 =	simm.s32 @!p1 $0x3  }
0x1e: {  	s16 =	sadd.s32 $0x1, s12;
	_ =	swait.ge @!p1 [sflag:s14], $0x800  }
0x1f: {  	s13 =	smov.u32 s11;
	p0 =	por !p0, !p0;
	[sflag:s14] =	ssyncset.done @!p1 $0x0  }
0x20: {  	s12 =	smov.u32 s16;
	s11 =	smov.u32 s15;
	[sflag:s14] =	ssyncadd.s32 @!p1 $0xFFFFF800  }
.LBB2_1:
0x21: {  	p1 =	sge.u32 s12, s8  }
0x22: {  	s14 =	sxor.u32 @!p1 $0xFFFFFFFF, s12  }
0x23: {  	s31 =	sadd.s32 $0xFFFFFFFF, s12;
	s15 =	sshrl.u32 @!p1 s11, $0x3;
	s14 =	sshll.u32 @!p1 s14, $0xB  }
0x24: {  	s16 =	sand.u32 @!p1 $0x7, s11;
	s15 =	sadd.s32 @!p1 s4, s15;
	s14 =	sand.u32 @!p1 $0x800, s14  }
0x25: {  	[tilespmem:s14], [sflag:$0x2] =	stream.linear.gather @!p1 [hbm4b:s15+s16], $0x800, $0x38;
	[tilespmem:$0x2000] =	vst v63  }
0x26: {  	p1 =	sge.u32 s31, s8  }
.Ltmp2:
0x27: {  	_ = 	snop;
	(pc) =	sbr.rel @p1 .LBB2_5-.Ltmp2, $1  }
0x28: {  	_ =	sdelay $0x3  }
0x29: {  	s14 =	simm.s32 $0x1  }
0x2a: {  	_ =	swait.ge [sflag:s7], $0x800;
	s14 =	simm.s32 @!p0 $0x0  }
0x2b: {  	[sflag:s7] =	ssyncset.done $0x0;
	s14 =	sshll.u32 s14, $0xB  }
0x2c: {  	[sflag:s7] =	ssyncadd.s32 $0xFFFFF800;
	(ifvalue) =	ssetifvalue $0x7FFFFFFF;
	v0 =	vld.msk [tilespmem:s14+$0x0 ss:$0x1], $0xffff;
	_ =	sdelay $0x4  }
0x2d: {  	s15 =	sadd.s32 $0x10, s14;
	vm1 =	vgt.s32 v0, $0x0  }
0x2e: {  	v2 =	vld.msk [tilespmem:s15+$0x0 ss:$0x1], $0xffff;
	v1 =	vnsel vm1, $0x0, v0  }
0x2f: {  	v1 =	vmin.u32 v1, $0x1FFFF;
	_ =	sdelay $0x1  }
0x30: {  	s16 =	sshll.u32 s12, $0xB;
	s18 =	simm.s32 $0x20  }
0x31: {  	s16 =	sand.u32 $0x800, s16;
	s17 =	sadd.s32 $0x10, s15;
	s15 =	sor.u32 $0x1000, s14  }
0x32: {  	s14 =	sor.u32 $0x1000, s16;
	s16 =	sadd.s32 $0x10, s15;
	v0 =	vld.msk [tilespmem:s17+$0x0 ss:$0x1], $0xffff;
	vm1 =	vgt.s32 v2, $0x0;
	(ifvalue) =	ssetifvalue $0x7FFFFFFF  }
.LBB2_3:
0x33: {  	[tilespmem:s15], [sflag:$0x1] =	stream.indirect_vreg.gather [hbm4b:s3+s10], $0x1, v1, vm0, $0x4038;
	[tilespmem:$0x2000] =	vst v63  }
0x34: {  	s18 =	sadd.s32 $0x10, s18  }
0x35: {  	v2 =	vnsel vm1, $0x0, v2;
	p1 =	slt.u32 s18, $0x7F0  }
.Ltmp3:
0x36: {  	s15 =	smov.u32 s16;
	v1 =	vmin.u32 v2, $0x1FFFF;
	(pc) =	sbr.rel @p1 .LBB2_3-.Ltmp3, $3  }
0x37: {  	_ =	sdelay $0x1  }
0x38: {  	s17 =	sadd.s32 $0x10, s17  }
0x39: {  	vm1 =	vgt.s32 v0, $0x0;
	s16 =	sadd.s32 $0x10, s16;
	v2 =	vmov v0;
	(ifvalue) =	ssetifvalue $0x7FFFFFFF;
	v0 =	vld.msk [tilespmem:s17+$0x0 ss:$0x1], $0xffff  }
.Ltmp4:
0x3a: {  	_ = 	snop;
	(pc) =	sbr.rel .LBB2_4-.Ltmp4, $1  }
0x3b: {  	_ =	sdelay $0x3  }
.LBB2_6:
0x3c: {  	_ =	sfence.sel $0x180000  }
0x3d: {  	s2 =	simm.s32 $0x2;
	[bflag:$0x0] =	sbarrier.arrive $0xFFFF  }
0x3e: {  	s30 =	simm.s32 $0x3;
	[sflag:s2] =	ssyncpa.u1 $0x1  }
0x3f: {  	s31 =	simm.s32 $0x1;
	[sflag:s30] =	ssyncpa.u1 $0x1  }
0x40: {  	[sflag:s31] =	ssyncpa.u1 $0x1  }
0x41: {  	p0 =	sne.s32 s1, $0x0;
	_ =	strace $0x9000004A  }
0x42: {  	s0 =	sadd.s32 @!p0 $0x100000, s0;
	[bflag:$0x2] =	sbarrier.arrive $0xFFFF  }
0x43: {  	[sflag:s0] =	ssyncadd.tile.s32 @!p0 $0x1;
	_ =	shalt  }
.Lfunc_end2:
_tile_overlayer_lowered:
.L_overlay_start_2:
0x44: {  	(tag) =	ssettag $0x2  }
0x45: {  	s0 =	rddreg [dreg:$0x0];
	s2 =	stileid.u32  }
0x46: {  	s1 =	rddreg [dreg:$0x1];
	p0 =	sne.s32 s2, $0x0  }
0x47: {  	s3 =	rddreg [dreg:$0x2];
	[bflag:$0x3] =	sbarrier.arrive $0xFFFF;
	s2 =	simm.s32 @!p0 $0x1C01  }
0x48: {  	[timem:s3], [sflag:s2] =	dma.local @!p0 [hbm:s0], s1  }
0x49: {  	s0 =	simm.s32 @!p0 $0x1  }
0x4a: {  	_ =	swait.ge @!p0 [sflag:s0], s1  }
0x4b: {  	s1 =	ssub.s32 @!p0 $0x0, s1;
	[sflag:s0] =	ssyncset.done @!p0 $0x0  }
0x4c: {  	[sflag:s0] =	ssyncadd.s32 @!p0 s1  }
0x4d: {  	[bflag:$0x3] =	sbarrier.arrive $0xFFFF  }
0x4e: {  	_ =	shalt  }

// kernel: kernel.3.cloned.1.call-start
scs
__scs_entry_jumppad:
0x0: {  	(pc) =	sbr.rel $0x88, $3  }
0x1: {  	(tag) =	ssettag $0x0;
	lr =	simm.s32 $0x1  }
0x2: {  	[smem:$0x3F9D] =	sst lr;
	_ =	strace $0xD0000000  }
0x3: {  	_ = 	snop  }
0x4: {  	_ = 	snop  }
0x5: {  	_ = 	snop  }
0x6: {  	_ = 	snop  }
0x7: {  	_ = 	snop  }
__scs_overlays_trampoline_lowered:
0x8: {  	[smem:$0x3FAC] =	sst s0  }
0x9: {  	[smem:$0x3FAD] =	sst s1  }
0xa: {  	[smem:$0x3FAE] =	sst s2  }
0xb: {  	[smem:$0x3FAF] =	sst s3  }
0xc: {  	[smem:$0x3FB0] =	sst s4  }
0xd: {  	[smem:$0x3FB1] =	sst s5  }
0xe: {  	[smem:$0x3FB2] =	sst s6  }
0xf: {  	[smem:$0x3FB3] =	sst s7  }
0x10: {  	[smem:$0x3FB4] =	sst s8  }
0x11: {  	[smem:$0x3FB5] =	sst s9;
	s0 =	simm.s32 @!p0 $0x0  }
0x12: {  	s1 =	sld [smem:$0x3F9B];
	s0 =	simm.s32 @p0 $0x1  }
0x13: {  	[smem:$0x3FB6] =	sst s0;
	s0 =	simm.s32 @!p1 $0x0  }
0x14: {  	s2 =	sld [smem:$0x3F9A];
	s0 =	simm.s32 @p1 $0x1  }
0x15: {  	[smem:$0x3FB7] =	sst s0;
	s0 =	simm.s32 @!p2 $0x0  }
0x16: {  	s3 =	sld [smem:$0x3FDB];
	s0 =	simm.s32 @p2 $0x1  }
0x17: {  	s4 =	simm.s32 $0x1BF5;
	[smem:$0x3FB9] =	sst s0  }
0x18: {  	s0 =	sld [smem:$0x3F9C];
	_ =	swait.ge [sflag:s4], $0x0  }
0x19: {  	s7 =	sld [smem:$0x3F9D]  }
0x1a: {  	s8 =	sadd.s32 $0xFFFFE003, lr  }
0x1b: {  	s9 =	sadd.s32 $0xFFFFFEF7, lr;
	s5 =	simm.s32 $0xFFFFFFFF;
	p2 =	slt.u32 s8, $0xFFFFF086  }
0x1c: {  	p1 =	slt.u32 s9, $0xF7A;
	s5 =	simm.s32 @!p2 $0x0  }
0x1d: {  	s5 =	simm.s32 @p1 $0x1;
	p0 =	seq.s32 s7, s2  }
0x1e: {  	s7 =	smul.u32 @!p0 $0xF7A, s2;
	p2 =	seq.s32 @!p0 s5, $0x0  }
0x1f: {  	s9 =	smul.u32 $0xF7A, s1;
	s8 =	simm.s32 @!p0 $0x1BF5;
	p2 =	por !p2, p0  }
0x20: {  	[sflag:s8] =	ssyncset.s32 @!p0 $0xFFFFF086;
	s6 =	sadd.s32 @!p0 s3, s7;
	s7 =	simm.s32 @!p0 $0x108  }
0x21: {  	s3 =	sadd.s32 s3, s9;
	s6 =	sadd.s32 @!p0 $0x88, s6;
	s7 =	simm.s32 @p2 $0x1082  }
0x22: {  	[simem:s7], [sflag:s8] =	dma.local @!p0 [hbm:s6], $0xF7A  }
0x23: {  	s9 =	sor.u32 $0xD0000000, s2;
	s6 =	simm.s32 $0x108;
	_ =	swait.ge @!p0 [sflag:s8], $0x0  }
0x24: {  	s3 =	sadd.s32 $0x88, s3;
	s6 =	simm.s32 @!p1 $0x1082;
	[sflag:s4] =	ssyncset.s32 $0xFFFFF086  }
0x25: {  	[simem:s6], [sflag:s4] =	dma.local [hbm:s3], $0xF7A  }
0x26: {  	[smem:$0x3F9D] =	sst s1;
	(tag) =	ssettag s2;
	_ =	strace s9  }
0x27: {  	s1 =	sld [smem:$0x3FAD]  }
0x28: {  	s2 =	sld [smem:$0x3FAE]  }
0x29: {  	s4 =	sld [smem:$0x3FB0]  }
0x2a: {  	p0 =	seq.s32 s5, $0x0;
	s5 =	sld [smem:$0x3FB1]  }
0x2b: {  	s6 =	sld [smem:$0x3FB2]  }
0x2c: {  	s7 =	sld [smem:$0x3FB3]  }
0x2d: {  	s3 =	simm.s32 $0x108;
	s8 =	sld [smem:$0x3FB4]  }
0x2e: {  	s3 =	simm.s32 @!p0 $0x1082;
	s9 =	sld [smem:$0x3FB5]  }
0x2f: {  	lr =	sadd.s32 s0, s3;
	s0 =	sld [smem:$0x3FAC]  }
0x30: {  	s3 =	sld [smem:$0x3FAF]  }
0x31: {  	[smem:$0x3FB8] =	sst s10  }
0x32: {  	s10 =	sld [smem:$0x3FB6];
	_ =	sdelay $0x3  }
0x33: {  	p0 =	seq.s32 s10, $0x1;
	s10 =	sld [smem:$0x3FB8];
	_ =	sdelay $0x3  }
0x34: {  	[smem:$0x3FB8] =	sst s10  }
0x35: {  	s10 =	sld [smem:$0x3FB7];
	_ =	sdelay $0x3  }
0x36: {  	p1 =	seq.s32 s10, $0x1;
	s10 =	sld [smem:$0x3FB8];
	_ =	sdelay $0x3  }
0x37: {  	[smem:$0x3FB8] =	sst s10  }
0x38: {  	s10 =	sld [smem:$0x3FB9]  }
0x39: {  	_ = 	snop;
	(pc) =	sbr.ind lr, $3  }
0x3a: {  	_ = 	snop  }
0x3b: {  	_ = 	snop  }
0x3c: {  	p2 =	seq.s32 s10, $0x1;
	s10 =	sld [smem:$0x3FB8]  }
0x3d: {  	_ =	shalt  }
0x3e: {  	_ =	shalt  }
0x3f: {  	_ =	shalt  }
0x40: {  	_ =	shalt  }
0x41: {  	_ =	shalt  }
0x42: {  	_ =	shalt  }
0x43: {  	_ =	shalt  }
0x44: {  	_ =	shalt  }
0x45: {  	_ =	shalt  }
0x46: {  	_ =	shalt  }
0x47: {  	_ =	shalt  }
0x48: {  	_ =	shalt  }
0x49: {  	_ =	shalt  }
0x4a: {  	_ =	shalt  }
0x4b: {  	_ =	shalt  }
0x4c: {  	_ =	shalt  }
0x4d: {  	_ =	shalt  }
0x4e: {  	_ =	shalt  }
0x4f: {  	_ =	shalt  }
0x50: {  	_ =	shalt  }
0x51: {  	_ =	shalt  }
0x52: {  	_ =	shalt  }
0x53: {  	_ =	shalt  }
0x54: {  	_ =	shalt  }
0x55: {  	_ =	shalt  }
0x56: {  	_ =	shalt  }
0x57: {  	_ =	shalt  }
0x58: {  	_ =	shalt  }
0x59: {  	_ =	shalt  }
0x5a: {  	_ =	shalt  }
0x5b: {  	_ =	shalt  }
0x5c: {  	_ =	shalt  }
0x5d: {  	_ =	shalt  }
0x5e: {  	_ =	shalt  }
0x5f: {  	_ =	shalt  }
0x60: {  	_ =	shalt  }
0x61: {  	_ =	shalt  }
0x62: {  	_ =	shalt  }
0x63: {  	_ =	shalt  }
0x64: {  	_ =	shalt  }
0x65: {  	_ =	shalt  }
0x66: {  	_ =	shalt  }
0x67: {  	_ =	shalt  }
0x68: {  	_ =	shalt  }
0x69: {  	_ =	shalt  }
0x6a: {  	_ =	shalt  }
0x6b: {  	_ =	shalt  }
0x6c: {  	_ =	shalt  }
0x6d: {  	_ =	shalt  }
0x6e: {  	_ =	shalt  }
0x6f: {  	_ =	shalt  }
0x70: {  	_ =	shalt  }
0x71: {  	_ =	shalt  }
0x72: {  	_ =	shalt  }
0x73: {  	_ =	shalt  }
0x74: {  	_ =	shalt  }
0x75: {  	_ =	shalt  }
0x76: {  	_ =	shalt  }
0x77: {  	_ =	shalt  }
0x78: {  	_ =	shalt  }
0x79: {  	_ =	shalt  }
0x7a: {  	_ =	shalt  }
0x7b: {  	_ =	shalt  }
0x7c: {  	_ =	shalt  }
0x7d: {  	_ =	shalt  }
0x7e: {  	_ =	shalt  }
0x7f: {  	_ =	shalt  }
0x80: {  	_ =	shalt  }
0x81: {  	_ =	shalt  }
0x82: {  	_ =	shalt  }
0x83: {  	_ =	shalt  }
0x84: {  	_ =	shalt  }
0x85: {  	_ =	shalt  }
0x86: {  	_ =	shalt  }
0x87: {  	_ =	shalt  }
.Lfunc_end0:
.L_simem_size_0:
called_computation.3_lowered:
.L_overlay_start_0:
0x88: {  	s2 =	sld [smem:$0x3FD9]  }
0x89: {  	s3 =	sld [smem:$0x3FFE];
	_ =	sdelay $0x1  }
0x8a: {  	s1 =	srdreg.scid  }
0x8b: {  	s0 =	sand.u32 $0x1, s1  }
0x8c: {  	s17 =	sshll.u32 s0, $0xA;
	s2 =	sadd.s32 s3, s2  }
0x8d: {  	s2 =	sadd.s32 s2, s17  }
0x8e: {  	[smem:$0x3FC4] =	sst s2  }
0x8f: {  	_ = 	snop  }
0x90: {  	s2 =	sld [smem:$0x3FC9]  }
0x91: {  	s18 =	sld [smem:$0x3FD0];
	(tm) =	ssettm $0x1  }
0x92: {  	s4 =	sld [smem:$0x3FFB];
	_ =	sdelay $0x3  }
0x93: {  	_ =	strace s4  }
0x94: {  	s4 =	sld [smem:$0x3FFC];
	_ =	sdelay $0x3  }
0x95: {  	_ =	strace s4  }
0x96: {  	s4 =	sld [smem:$0x3FFD];
	_ =	sdelay $0x3  }
0x97: {  	_ =	strace s4  }
0x98: {  	_ =	strace $0x8FFFFFFF  }
0x99: {  	s19 =	sld [smem:$0x3FDB];
	_ =	sdelay $0x1  }
0x9a: {  	s5 =	simm.s32 $_scs_section_size  }
0x9b: {  	s6 =	simm.s32 $_size__tile_overlayer_lowered;
	s7 =	simm.s32 $_tile_overlayer_lowered  }
0x9c: {  	s22 =	simm.s32 $0x1BFF;
	s21 =	sshll.u32 s7, $0x1;
	s4 =	sadd.s32 s5, s19  }
0x9d: {  	s8 =	simm.s32 $0x0;
	s20 =	sshll.u32 s6, $0x1;
	s6 =	sadd.s32 s21, s4  }
0x9e: {  	[timem:s8], [sflag:s22] =	dma.local [hbm:s6], s20  }
0x9f: {  	_ =	swait.ge [sflag:s22], s20  }
0xa0: {  	s5 =	ssub.s32 $0x0, s20;
	[sflag:s22] =	ssyncset.done $0x0  }
0xa1: {  	[sflag:s22] =	ssyncadd.s32 s5;
	_ =	sdelay $0x1  }
0xa2: {  	s23 =	simm.s32 $0x1B8B  }
0xa3: {  	_ =	swait.ge [sflag:s23], $0x1  }
0xa4: {  	[sflag:s23] =	ssyncset.done $0x0  }
0xa5: {  	s25 =	simm.s32 $0x1B8E;
	s24 =	sld [smem:$0x3FFE];
	[sflag:s23] =	ssyncadd.s32 $0xFFFFFFFF  }
0xa6: {  	s26 =	simm.s32 $execute0_lowered;
	[smem:$0x3FD2] =	sst s25  }
0xa7: {  	s6 =	sshll.u32 s26, $0x1;
	_ =	strace $0x8000004F;
	[dreg:$0x1] =	wrdreg $0xFFFFFFFF  }
0xa8: {  	s28 =	simm.s32 $_size_execute0_lowered;
	s4 =	sadd.s32 s4, s6;
	[dreg:$0x0] =	wrdreg $0x0  }
0xa9: {  	s6 =	sshll.u32 s28, $0x1;
	[dreg:$0x2] =	wrdreg s4  }
0xaa: {  	[dreg:$0x3] =	wrdreg s6  }
0xab: {  	[dreg:$0x4] =	wrdreg $0xC0  }
0xac: {  	_ =	task [dreg:s8], $0x5FFFF  }
0xad: {  	[dreg:$0x1] =	wrdreg $0xFFFFFFFF  }
0xae: {  	[dreg:$0x0] =	wrdreg $0x60  }
0xaf: {  	[dreg:$0x2] =	wrdreg s2  }
0xb0: {  	[dreg:$0x3] =	wrdreg s24  }
0xb1: {  	[dreg:$0x4] =	wrdreg s18  }
0xb2: {  	[dreg:$0x5] =	wrdreg $0x17B800  }
0xb3: {  	[dreg:$0x6] =	wrdreg $0x19B800  }
0xb4: {  	[dreg:$0x7] =	wrdreg $0x1BB800  }
0xb5: {  	[dreg:$0x8] =	wrdreg $0x1BC080  }
0xb6: {  	[dreg:$0x9] =	wrdreg $0x1BC900  }
0xb7: {  	[dreg:$0xa] =	wrdreg $0x1BD180  }
0xb8: {  	[dreg:$0xb] =	wrdreg $0x9  }
0xb9: {  	_ =	task.clear_ibuf [dreg:s8], $0xCFFFF;
	_ =	strace $0x9000004F  }
0xba: {  	s29 =	simm.s32 $0x9;
	_ =	strace $0x80000051  }
0xbb: {  	_ =	swait.ge [sflag:s29], $0x1  }
0xbc: {  	[sflag:s29] =	ssyncadd.s32 $0xFFFFFFFF  }
0xbd: {  	_ =	strace $0x90000051  }
0xbe: {  	_ =	sfence  }
0xbf: {  	s30 =	sld [smem:$0x0];
	_ =	sdelay $0x2  }
0xc0: {  	s31 =	sshll.u32 s1, $0xD;
	s1 =	sshrl.u32 s1, $0x2  }
0xc1: {  	s3 =	sand.u32 $0x4000, s31;
	s1 =	sadd.s32 s1, s30  }
0xc2: {  	s0 =	sor.u32 s3, s0;
	s1 =	sshll.u32 s1, $0x11  }
0xc3: {  	s0 =	sor.u32 s1, s0  }
0xc4: {  	s0 =	sadd.s32 $0x8F2B, s0  }
0xc5: {  	[sflag:s0] =	ssyncadd.remote.s32 $0x1  }
0xc6: {  	_ =	sfence.sel $0xFFFF  }
0xc7: {  	[dreg:$0x0] =	wrdreg $0xFFFFFFFF;
	(pc) =	sbr.abs _section_cstart, $3  }
0xc8: {  	[dreg:$0x1] =	wrdreg $0xFFFFFFFF  }
0xc9: {  	_ =	task.clear_ibuf [dreg:s8], $0x2FFFF;
	_ =	strace $0x9FFFFFFF  }
0xca: {  	(tm) =	ssettm $0x7FFFFFFF  }
0xcb: {  	_ =	shalt  }
tec
execute0_lowered:
.L_overlay_start_1:
0x0: {  	(tag) =	ssettag $0x1  }
0x1: {  	s0 =	rddreg [dreg:$0x1]  }
0x2: {  	s2 =	rddreg [dreg:$0x2]  }
0x3: {  	s1 =	rddreg [dreg:$0x3]  }
0x4: {  	s3 =	rddreg [dreg:$0x4]  }
0x5: {  	s4 =	rddreg [dreg:$0x5]  }
0x6: {  	s5 =	rddreg [dreg:$0x6]  }
0x7: {  	s6 =	rddreg [dreg:$0x7]  }
0x8: {  	s7 =	rddreg [dreg:$0x8];
	s8 =	simm.s32 $0x0  }
0x9: {  	s9 =	srdreg.scid;
	s22 =	stileid.u32;
	v0 =	vimm.s32 $0xFEDCBA98;
	v1 =	vimm.s32 $0x76543210;
	v2 =	vimm.s32 $0xBA98FEDC;
	s21 =	simm.s32 $0x2  }
0xa: {  	v3 =	vimm.s32 $0x32107654;
	s28 =	simm.s32 $0x17200;
	s29 =	simm.s32 $0x17280;
	s30 =	simm.s32 $0x17300  }
0xb: {  	v4 =	vimm.s32 $0xDCFE98BA;
	v5 =	vimm.s32 $0x54761032;
	s31 =	simm.s32 $0x80;
	[smem:$0x7FF] =	sst s8;
	s9 =	sand.u32 $0x1, s9  }
0xc: {  	v6 =	vimm.s32 $0xEFCDAB89;
	s10 =	sshll.u32 s22, $0xA;
	s14 =	sshll.u32 s22, $0xD;
	s24 =	sadd.s32 $0xC00, s0  }
0xd: {  	v7 =	vimm.s32 $0x67452301;
	vm0 =	vmmov $0x1;
	vm1 =	vcmask $0x310;
	s26 =	sshll.u32 s22, $0x7;
	p0 =	sne.s32 s22, $0x0;
	s11 =	sshll.u32 s9, $0x11  }
0xe: {  	v0 =	vunpack.c.l.s4.s8 v0;
	v1 =	vunpack.c.l.s4.s8 v1;
	v2 =	vunpack.c.l.s4.s8 v2;
	_ =	strace $0x80000050;
	s12 =	sadd.s32 s10, s0;
	[dreg:$0xa] =	wrdreg s24  }
0xf: {  	v3 =	vunpack.c.l.s4.s8 v3;
	v4 =	vunpack.c.l.s4.s8 v4;
	v5 =	vunpack.c.l.s4.s8 v5;
	s15 =	ssub.s32 $0x2, s9;
	s9 =	sshll.u32 s9, $0xB;
	s17 =	sadd.s32 s26, s6  }
0x10: {  	v6 =	vunpack.c.l.s4.s8 v6;
	v7 =	vunpack.c.l.s4.s8 v7;
	s18 =	sadd.s32 s26, s7;
	s23 =	sor.u32 s14, s11;
	s16 =	sshrl.u32 s15, $0x1;
	v0 =	vunpack.c.0.s8.s32 v0  }
0x11: {  	s25 =	sadd.s32 $0x19400, s12;
	s11 =	sadd.s32 $0x15400, s12;
	s9 =	sor.u32 s26, s9;
	v2 =	vunpack.c.0.s8.s32 v2;
	v3 =	vunpack.c.0.s8.s32 v3;
	v4 =	vunpack.c.0.s8.s32 v4  }
0x12: {  	v5 =	vunpack.c.0.s8.s32 v5;
	v6 =	vunpack.c.0.s8.s32 v6;
	v7 =	vunpack.c.0.s8.s32 v7;
	s13 =	sshrl.u32 s23, $0x3;
	[dreg:$0xb] =	wrdreg s25;
	s20 =	ssub.s32 s15, s16  }
0x13: {  	vm2 =	vcmask $0x710;
	v1 =	vunpack.c.0.s8.s32 v1;
	s15 =	sadd.s32 s26, s4;
	s16 =	sadd.s32 s26, s5;
	s9 =	sshrl.u32 s9, $0x3;
	v2 =	vcombine.low v3, v2  }
0x14: {  	s26 =	simm.s32 $0x7000;
	s25 =	simm.s32 $0x0;
	s0 =	sadd.s32 s13, s0;
	v3 =	vcombine.low v5, v4;
	v4 =	vand.u32 $0xF, v0;
	v5 =	vcombine.low v7, v6  }
0x15: {  	vm3 =	vcmask $0xB10;
	s13 =	sadd.s32 s14, s1;
	s14 =	sadd.s32 s14, s3;
	s19 =	sadd.s32 s2, s9;
	v0 =	vimm.f32 $0.0e+00;
	v1 =	vcombine.low v4, v1  }
0x16: {  	s20 =	smax.u32 s20, $0x1;
	s2 =	simm.s32 $0x1;
	s12 =	sadd.s32 $0x25400, s0;
	v2 =	vand.u32 $0xF, v2;
	v3 =	vand.u32 $0xF, v3;
	v4 =	vand.u32 $0xF, v5  }
.LBB2_1:
0x17: {  	s0 =	rddreg [dreg:$0x0]  }
0x18: {  	[tilespmem:s8], [sflag:$0x2] =	stream.linear.gather [hbm4b:s0+s8], $0x1000, $0x38;
	[tilespmem:$0x1BDA0] =	vst v63  }
0x19: {  	_ =	swait.ge [sflag:s21], $0x1000  }
0x1a: {  	[sflag:s21] =	ssyncset.done $0x0  }
0x1b: {  	s9 =	simm.s32 $0x1000;
	s24 =	rddreg [dreg:$0xb];
	[sflag:s21] =	ssyncadd.s32 $0xFFFFF000  }
0x1c: {  	[tilespmem:s9], [sflag:$0x2] =	stream.linear.gather [hbm4b:s24+s8], $0x2000, $0x38;
	[tilespmem:$0x1BDA0] =	vst v63  }
0x1d: {  	_ =	swait.ge [sflag:s21], $0x2000  }
0x1e: {  	[sflag:s21] =	ssyncset.done $0x0  }
0x1f: {  	s10 =	simm.s32 $0x3000;
	[sflag:s21] =	ssyncadd.s32 $0xFFFFE000  }
0x20: {  	[tilespmem:s10], [sflag:$0x2] =	stream.linear.gather [hbm4b:s11+s8], $0x2000, $0x38;
	[tilespmem:$0x1BDA0] =	vst v63  }
0x21: {  	_ =	swait.ge [sflag:s21], $0x2000  }
0x22: {  	[sflag:s21] =	ssyncset.done $0x0  }
0x23: {  	s22 =	simm.s32 $0x5000;
	[sflag:s21] =	ssyncadd.s32 $0xFFFFE000  }
0x24: {  	[tilespmem:s22], [sflag:$0x2] =	stream.linear.gather [hbm4b:s12+s8], $0x2000, $0x38;
	[tilespmem:$0x1BDA0] =	vst v63  }
0x25: {  	_ =	swait.ge [sflag:s21], $0x2000  }
0x26: {  	[sflag:s21] =	ssyncset.done $0x0  }
0x27: {  	s24 =	simm.s32 $0x17380;
	s23 =	rddreg [dreg:$0xa];
	[sflag:s21] =	ssyncadd.s32 $0xFFFFE000  }
0x28: {  	[tilespmem:s24], [sflag:$0x2] =	stream.linear.gather [hbm4b:s23+s8], $0x800, $0x38;
	[tilespmem:$0x1BDA0] =	vst v63  }
0x29: {  	_ =	swait.ge [sflag:s21], $0x800  }
0x2a: {  	[sflag:s21] =	ssyncset.done $0x0  }
0x2b: {  	s0 =	simm.s32 $0x40;
	s9 =	simm.s32 $0x0;
	[sflag:s21] =	ssyncadd.s32 $0xFFFFF800  }
.LBB2_2:
0x2c: {  	p1 =	sne.s32 s0, $0x7FC0;
	[tilespmem:s9+$0x7000] =	vst v0;
	s9 =	smov.u32 s0;
	s0 =	sadd.s32 $0x40, s0  }
.Ltmp0:
0x2d: {  	(pc) =	sbr.rel @p1 .LBB2_2-.Ltmp0, $2  }
0x2e: {  	_ =	sdelay $0x2  }
0x2f: {  	s9 =	sshra.s32 s9, $0x2  }
0x30: {  	[tilespmem:s9+$0x7000] =	vst v0  }
0x31: {  	[spmem:s13] =	stream.linear.scatter [tilespmem:s26], [sflag:$0x2], $0x2000, $0x38;
	[tilespmem:$0x1BDA0] =	vst v63  }
0x32: {  	_ =	swait.ge [sflag:s21], $0x2000  }
0x33: {  	[sflag:s21] =	ssyncset.done $0x0  }
0x34: {  	[sflag:s21] =	ssyncadd.s32 $0xFFFFE000  }
0x35: {  	[spmem:s14] =	stream.linear.scatter [tilespmem:s26], [sflag:$0x2], $0x2000, $0x38;
	[tilespmem:$0x1BDA0] =	vst v63  }
0x36: {  	_ =	swait.ge [sflag:s21], $0x2000  }
0x37: {  	[sflag:s21] =	ssyncset.done $0x0  }
0x38: {  	s0 =	simm.s32 @!p0 $0x7000;
	s9 =	simm.s32 @!p0 $0x2;
	[sflag:s21] =	ssyncadd.s32 $0xFFFFE000  }
0x39: {  	[spmem:s4] =	stream.linear.scatter @!p0 [tilespmem:s0], [sflag:$0x2], $0x808, $0x38;
	[tilespmem:$0x1BDA0] =	vst v63  }
0x3a: {  	_ =	swait.ge @!p0 [sflag:s9], $0x808  }
0x3b: {  	[sflag:s9] =	ssyncset.done @!p0 $0x0  }
0x3c: {  	[sflag:s9] =	ssyncadd.s32 @!p0 $0xFFFFF7F8  }
0x3d: {  	[spmem:s5] =	stream.linear.scatter @!p0 [tilespmem:s0], [sflag:$0x2], $0x808, $0x38;
	[tilespmem:$0x1BDA0] =	vst v63  }
0x3e: {  	_ =	swait.ge @!p0 [sflag:s9], $0x808  }
0x3f: {  	[sflag:s9] =	ssyncset.done @!p0 $0x0  }
0x40: {  	[sflag:s9] =	ssyncadd.s32 @!p0 $0xFFFFF7F8  }
0x41: {  	[spmem:s6] =	stream.linear.scatter @!p0 [tilespmem:s0], [sflag:$0x2], $0x808, $0x38;
	[tilespmem:$0x1BDA0] =	vst v63  }
0x42: {  	_ =	swait.ge @!p0 [sflag:s9], $0x808  }
0x43: {  	[sflag:s9] =	ssyncset.done @!p0 $0x0  }
0x44: {  	[sflag:s9] =	ssyncadd.s32 @!p0 $0xFFFFF7F8  }
0x45: {  	[spmem:s7] =	stream.linear.scatter @!p0 [tilespmem:s0], [sflag:$0x2], $0x808, $0x38;
	[tilespmem:$0x1BDA0] =	vst v63  }
0x46: {  	_ =	swait.ge @!p0 [sflag:s9], $0x808  }
0x47: {  	[sflag:s9] =	ssyncset.done @!p0 $0x0  }
0x48: {  	[sflag:s9] =	ssyncadd.s32 @!p0 $0xFFFFF7F8  }
0x49: {  	v5 =	vld [tilespmem:$0x17580]  }
0x4a: {  	v6 =	vld [tilespmem:$0x17380];
	_ =	sdelay $0x4  }
0x4b: {  	v7 =	vmul.f32 v6, v5;
	_ =	sdelay $0x1  }
0x4c: {  	[tilespmem:$0x17200] =	vst v7  }
0x4d: {  	v8 =	vld.idx.msk [tilespmem:v1+s28+$0x0], $0xffff;
	_ =	sdelay $0x4  }
0x4e: {  	v7 =	vadd.f32 v8, v7;
	_ =	sdelay $0x1  }
0x4f: {  	[tilespmem:$0x17200] =	vst v7  }
0x50: {  	v8 =	vld.idx.msk [tilespmem:v2+s28+$0x0], $0xffff;
	_ =	sdelay $0x4  }
0x51: {  	v7 =	vadd.f32 v8, v7;
	_ =	sdelay $0x1  }
0x52: {  	[tilespmem:$0x17200] =	vst v7  }
0x53: {  	v8 =	vld.idx.msk [tilespmem:v3+s28+$0x0], $0xffff  }
0x54: {  	v9 =	vld [tilespmem:$0x17600];
	_ =	sdelay $0x3  }
0x55: {  	v7 =	vadd.f32 v8, v7  }
0x56: {  	v6 =	vmul.f32 v6, v9  }
0x57: {  	[tilespmem:$0x17200] =	vst v7  }
0x58: {  	v8 =	vld.idx.msk [tilespmem:v4+s28+$0x0], $0xffff;
	[tilespmem:$0x17200] =	vst v6  }
0x59: {  	v10 =	vld.idx.msk [tilespmem:v1+s28+$0x0], $0xffff;
	_ =	sdelay $0x4  }
0x5a: {  	v6 =	vadd.f32 v10, v6;
	_ =	sdelay $0x1  }
0x5b: {  	[tilespmem:$0x17200] =	vst v6  }
0x5c: {  	v10 =	vld.idx.msk [tilespmem:v2+s28+$0x0], $0xffff;
	_ =	sdelay $0x4  }
0x5d: {  	v6 =	vadd.f32 v10, v6;
	_ =	sdelay $0x1  }
0x5e: {  	[tilespmem:$0x17200] =	vst v6  }
0x5f: {  	v10 =	vld.idx.msk [tilespmem:v3+s28+$0x0], $0xffff  }
0x60: {  	v11 =	vld [tilespmem:$0x17400];
	_ =	sdelay $0x3  }
0x61: {  	v6 =	vadd.f32 v10, v6  }
0x62: {  	v10 =	vmul.f32 v11, v5  }
0x63: {  	[tilespmem:$0x17200] =	vst v6  }
0x64: {  	v12 =	vld.idx.msk [tilespmem:v4+s28+$0x0], $0xffff;
	[tilespmem:$0x17200] =	vst v10  }
0x65: {  	v13 =	vld.idx.msk [tilespmem:v1+s28+$0x0], $0xffff;
	_ =	sdelay $0x4  }
0x66: {  	v10 =	vadd.f32 v13, v10;
	_ =	sdelay $0x1  }
0x67: {  	[tilespmem:$0x17200] =	vst v10  }
0x68: {  	v44 =	vld.idx.msk [tilespmem:v2+s28+$0x0], $0xffff;
	_ =	sdelay $0x4  }
0x69: {  	v10 =	vadd.f32 v44, v10;
	_ =	sdelay $0x1  }
0x6a: {  	[tilespmem:$0x17200] =	vst v10  }
0x6b: {  	v45 =	vld.idx.msk [tilespmem:v3+s28+$0x0], $0xffff;
	_ =	sdelay $0x4  }
0x6c: {  	v10 =	vadd.f32 v45, v10  }
0x6d: {  	v11 =	vmul.f32 v11, v9  }
0x6e: {  	[tilespmem:$0x17200] =	vst v10  }
0x6f: {  	v46 =	vld.idx.msk [tilespmem:v4+s28+$0x0], $0xffff;
	[tilespmem:$0x17200] =	vst v11  }
0x70: {  	v14 =	vld.idx.msk [tilespmem:v1+s28+$0x0], $0xffff;
	_ =	sdelay $0x4  }
0x71: {  	v11 =	vadd.f32 v14, v11;
	_ =	sdelay $0x1  }
0x72: {  	[tilespmem:$0x17200] =	vst v11  }
0x73: {  	v47 =	vld.idx.msk [tilespmem:v2+s28+$0x0], $0xffff;
	_ =	sdelay $0x4  }
0x74: {  	v11 =	vadd.f32 v47, v11;
	_ =	sdelay $0x1  }
0x75: {  	[tilespmem:$0x17200] =	vst v11  }
0x76: {  	v48 =	vld.idx.msk [tilespmem:v3+s28+$0x0], $0xffff  }
0x77: {  	v15 =	vld [tilespmem:$0x17480];
	_ =	sdelay $0x3  }
0x78: {  	v11 =	vadd.f32 v48, v11  }
0x79: {  	v49 =	vmul.f32 v15, v5  }
0x7a: {  	[tilespmem:$0x17200] =	vst v11  }
0x7b: {  	v16 =	vld.idx.msk [tilespmem:v4+s28+$0x0], $0xffff;
	[tilespmem:$0x17200] =	vst v49  }
0x7c: {  	v17 =	vld.idx.msk [tilespmem:v1+s28+$0x0], $0xffff;
	_ =	sdelay $0x4  }
0x7d: {  	v14 =	vadd.f32 v17, v49;
	_ =	sdelay $0x1  }
0x7e: {  	[tilespmem:$0x17200] =	vst v14  }
0x7f: {  	v50 =	vld.idx.msk [tilespmem:v2+s28+$0x0], $0xffff;
	_ =	sdelay $0x4  }
0x80: {  	v14 =	vadd.f32 v50, v14;
	_ =	sdelay $0x1  }
0x81: {  	[tilespmem:$0x17200] =	vst v14  }
0x82: {  	v51 =	vld.idx.msk [tilespmem:v3+s28+$0x0], $0xffff;
	_ =	sdelay $0x4  }
0x83: {  	v14 =	vadd.f32 v51, v14  }
0x84: {  	v15 =	vmul.f32 v15, v9  }
0x85: {  	[tilespmem:$0x17200] =	vst v14  }
0x86: {  	v52 =	vld.idx.msk [tilespmem:v4+s28+$0x0], $0xffff;
	[tilespmem:$0x17200] =	vst v15  }
0x87: {  	v18 =	vld.idx.msk [tilespmem:v1+s28+$0x0], $0xffff;
	_ =	sdelay $0x4  }
0x88: {  	v15 =	vadd.f32 v18, v15;
	_ =	sdelay $0x1  }
0x89: {  	[tilespmem:$0x17200] =	vst v15  }
0x8a: {  	v53 =	vld.idx.msk [tilespmem:v2+s28+$0x0], $0xffff;
	_ =	sdelay $0x4  }
0x8b: {  	v15 =	vadd.f32 v53, v15;
	_ =	sdelay $0x1  }
0x8c: {  	[tilespmem:$0x17200] =	vst v15  }
0x8d: {  	v54 =	vld.idx.msk [tilespmem:v3+s28+$0x0], $0xffff  }
0x8e: {  	v19 =	vld [tilespmem:$0x17500];
	_ =	sdelay $0x3  }
0x8f: {  	v15 =	vadd.f32 v54, v15  }
0x90: {  	v5 =	vmul.f32 v19, v5  }
0x91: {  	[tilespmem:$0x17200] =	vst v15  }
0x92: {  	v55 =	vld.idx.msk [tilespmem:v4+s28+$0x0], $0xffff;
	[tilespmem:$0x17200] =	vst v5  }
0x93: {  	v20 =	vld.idx.msk [tilespmem:v1+s28+$0x0], $0xffff;
	_ =	sdelay $0x4  }
0x94: {  	v5 =	vadd.f32 v20, v5;
	_ =	sdelay $0x1  }
0x95: {  	[tilespmem:$0x17200] =	vst v5  }
0x96: {  	v56 =	vld.idx.msk [tilespmem:v2+s28+$0x0], $0xffff;
	_ =	sdelay $0x4  }
0x97: {  	v5 =	vadd.f32 v56, v5;
	_ =	sdelay $0x1  }
0x98: {  	[tilespmem:$0x17200] =	vst v5  }
0x99: {  	v57 =	vld.idx.msk [tilespmem:v3+s28+$0x0], $0xffff;
	_ =	sdelay $0x4  }
0x9a: {  	v5 =	vadd.f32 v57, v5  }
0x9b: {  	v9 =	vmul.f32 v19, v9  }
0x9c: {  	[tilespmem:$0x17200] =	vst v5  }
0x9d: {  	v58 =	vld.idx.msk [tilespmem:v4+s28+$0x0], $0xffff;
	[tilespmem:$0x17200] =	vst v9  }
0x9e: {  	v59 =	vld.idx.msk [tilespmem:v1+s28+$0x0], $0xffff;
	_ =	sdelay $0x4  }
0x9f: {  	v9 =	vadd.f32 v59, v9;
	_ =	sdelay $0x1  }
0xa0: {  	[tilespmem:$0x17200] =	vst v9  }
0xa1: {  	v60 =	vld.idx.msk [tilespmem:v2+s28+$0x0], $0xffff;
	_ =	sdelay $0x4  }
0xa2: {  	v9 =	vadd.f32 v60, v9;
	_ =	sdelay $0x1  }
0xa3: {  	[tilespmem:$0x17200] =	vst v9  }
0xa4: {  	v61 =	vld.idx.msk [tilespmem:v3+s28+$0x0], $0xffff;
	_ =	sdelay $0x4  }
0xa5: {  	v9 =	vadd.f32 v61, v9;
	_ =	sdelay $0x1  }
0xa6: {  	[tilespmem:$0x17200] =	vst v9  }
0xa7: {  	v7 =	vadd.f32 v8, v7;
	v62 =	vld.idx.msk [tilespmem:v4+s28+$0x0], $0xffff  }
0xa8: {  	v6 =	vadd.f32 v12, v6  }
0xa9: {  	v7 =	vnsel vm0, $0x0, v7;
	v8 =	vadd.f32 v46, v10  }
0xaa: {  	v6 =	vnsel vm0, $0x0, v6;
	v10 =	vadd.f32 v16, v11;
	v11 =	vadd.f32 v52, v14  }
0xab: {  	v8 =	vsel vm1, v7, v8;
	v63 =	vadd.f32 v55, v15;
	v5 =	vadd.f32 v58, v5  }
0xac: {  	v7 =	vld [tilespmem:$0x17680];
	v6 =	vsel vm1, v6, v10;
	v10 =	vsel vm2, v8, v11;
	v11 =	vadd.f32 v62, v9  }
0xad: {  	v6 =	vsel vm2, v6, v63;
	v5 =	vsel vm3, v10, v5;
	v10 =	vld [tilespmem:$0x17800]  }
0xae: {  	[tilespmem:$0x17280] =	vst v5;
	v9 =	vld [tilespmem:$0x17780];
	v6 =	vsel vm3, v6, v11  }
0xaf: {  	s24 =	simm.s32 $0x0;
	v8 =	vld [tilespmem:$0x17700];
	[tilespmem:$0x17300] =	vst v6  }
0xb0: {  	s0 =	simm.s32 $0x40;
	v5 =	vimm.f32 $0.0e+00;
	v6 =	vld [tilespmem:s24+$0x0]  }
.LBB2_4:
0xb1: {  	p1 =	sne.s32 s0, $0x3FC0  }
.Ltmp1:
0xb2: {  	_ = 	snop;
	(pc) =	sbr.rel @p1 .LBB2_4-.Ltmp1, $3  }
0xb3: {  	_ =	sdelay $0x1  }
0xb4: {  	s9 =	sshra.s32 s0, $0x2;
	s0 =	sadd.s32 $0x40, s0;
	v5 =	vadd.f32 v6, v5  }
0xb5: {  	v6 =	vld [tilespmem:s9+$0x0]  }
0xb6: {  	_ =	sdelay $0x3  }
0xb7: {  	v5 =	vadd.f32 v6, v5;
	_ =	sdelay $0x1  }
0xb8: {  	[tilespmem:$0x17200] =	vst v5  }
0xb9: {  	v6 =	vld.idx.msk [tilespmem:v1+s28+$0x0], $0xffff;
	_ =	sdelay $0x4  }
0xba: {  	v5 =	vadd.f32 v6, v5;
	_ =	sdelay $0x1  }
0xbb: {  	[tilespmem:$0x17200] =	vst v5  }
0xbc: {  	v6 =	vld.idx.msk [tilespmem:v2+s28+$0x0], $0xffff;
	_ =	sdelay $0x4  }
0xbd: {  	v5 =	vadd.f32 v6, v5;
	_ =	sdelay $0x1  }
0xbe: {  	[tilespmem:$0x17200] =	vst v5  }
0xbf: {  	v6 =	vld.idx.msk [tilespmem:v3+s28+$0x0], $0xffff;
	_ =	sdelay $0x4  }
0xc0: {  	v5 =	vadd.f32 v6, v5;
	_ =	sdelay $0x1  }
0xc1: {  	[tilespmem:$0x17200] =	vst v5  }
0xc2: {  	s0 =	simm.s32 $0x0;
	v6 =	vld.idx.msk [tilespmem:v4+s28+$0x0], $0xffff;
	[bflag:$0x0] =	sbarrier.arrive $0xFFFF  }
0xc3: {  	v11 =	vld [tilespmem:s0+$0x1000];
	_ =	sdelay $0x4  }
0xc4: {  	v12 =	vshrl.u32 v11, $0xC;
	v13 =	vand.u32 $0xFFF, v11  }
0xc5: {  	v11 =	vshrl.u32 v11, $0x18;
	v12 =	vand.u32 $0xFFF, v12  }
0xc6: {  	v11 =	vand.u32 $0x3, v11;
	_ =	sdelay $0x1  }
0xc7: {  	s22 =	simm.s32 $0x0  }
0xc8: {  	v14 =	vld.idx.msk [tilespmem:v13+s22+$0x0], $0xffff  }
0xc9: {  	v13 =	vld.idx.msk [tilespmem:v12+s22+$0x0], $0xffff  }
0xca: {  	v12 =	vld.idx.msk [tilespmem:v11+s30+$0x0], $0xffff  }
0xcb: {  	s23 =	simm.s32 $0x10;
	s9 =	simm.s32 $0x80;
	v11 =	vld.idx.msk [tilespmem:v11+s29+$0x0], $0xffff  }
.LBB2_6:
0xcc: {  	p1 =	sne.s32 s9, $0x7FC0;
	v15 =	vld [tilespmem:s23+$0x1000]  }
0xcd: {  	v16 =	vmul.f32 v14, v7  }
0xce: {  	v14 =	vmul.f32 v14, v9;
	v17 =	vmul.f32 v13, v10  }
0xcf: {  	v13 =	vmul.f32 v13, v8  }
0xd0: {  	v14 =	vadd.f32 v17, v14  }
0xd1: {  	v13 =	vadd.f32 v13, v16;
	v17 =	vshrl.u32 v15, $0xC;
	v18 =	vand.u32 $0xFFF, v15  }
0xd2: {  	v15 =	vshrl.u32 v15, $0x18;
	v12 =	vadd.f32 v12, v14;
	v16 =	vand.u32 $0xFFF, v17  }
0xd3: {  	v11 =	vadd.f32 v13, v11;
	v15 =	vand.u32 $0x3, v15  }
0xd4: {  	[tilespmem:s0+$0x9000] =	vst v12  }
0xd5: {  	[tilespmem:s0+$0x7000] =	vst v11;
	s0 =	smov.u32 s23  }
.Ltmp2:
0xd6: {  	v14 =	vld.idx.msk [tilespmem:v18+s22+$0x0], $0xffff;
	(pc) =	sbr.rel @p1 .LBB2_6-.Ltmp2, $4  }
0xd7: {  	v13 =	vld.idx.msk [tilespmem:v16+s22+$0x0], $0xffff  }
0xd8: {  	v12 =	vld.idx.msk [tilespmem:v15+s30+$0x0], $0xffff  }
0xd9: {  	v11 =	vld.idx.msk [tilespmem:v15+s29+$0x0], $0xffff  }
0xda: {  	s23 =	sshra.s32 s9, $0x2;
	s9 =	sadd.s32 $0x40, s9  }
0xdb: {  	v15 =	vld [tilespmem:s23+$0x1000];
	_ =	sdelay $0x1  }
0xdc: {  	v16 =	vmul.f32 v14, v9;
	v17 =	vmul.f32 v13, v10  }
0xdd: {  	v53 =	vmul.f32 v14, v7;
	v54 =	vmul.f32 v13, v8  }
0xde: {  	v16 =	vadd.f32 v17, v16  }
0xdf: {  	v13 =	vadd.f32 v54, v53;
	v55 =	vshrl.u32 v15, $0xC;
	v18 =	vand.u32 $0xFFF, v15  }
0xe0: {  	v12 =	vadd.f32 v12, v16;
	v56 =	vand.u32 $0xFFF, v55  }
0xe1: {  	v11 =	vadd.f32 v13, v11  }
0xe2: {  	[tilespmem:s0+$0x9000] =	vst v12  }
0xe3: {  	v57 =	vshrl.u32 v15, $0x18;
	[tilespmem:s0+$0x7000] =	vst v11  }
0xe4: {  	v58 =	vand.u32 $0x3, v57;
	v59 =	vld.idx.msk [tilespmem:v18+s22+$0x0], $0xffff  }
0xe5: {  	v60 =	vld.idx.msk [tilespmem:v56+s22+$0x0], $0xffff;
	_ =	sdelay $0x3  }
0xe6: {  	v61 =	vld.idx.msk [tilespmem:v58+s30+$0x0], $0xffff  }
0xe7: {  	v11 =	vld.idx.msk [tilespmem:v58+s29+$0x0], $0xffff;
	v62 =	vmul.f32 v59, v9;
	v63 =	vmul.f32 v60, v10  }
0xe8: {  	v7 =	vmul.f32 v59, v7;
	v8 =	vmul.f32 v60, v8  }
0xe9: {  	v9 =	vadd.f32 v63, v62  }
0xea: {  	v7 =	vadd.f32 v8, v7  }
0xeb: {  	v8 =	vadd.f32 v61, v9  }
0xec: {  	v7 =	vadd.f32 v7, v11  }
0xed: {  	[tilespmem:s23+$0x9000] =	vst v8  }
0xee: {  	s9 =	simm.s32 $0x3000;
	[tilespmem:s23+$0x7000] =	vst v7;
	s23 =	simm.s32 $0x7000  }
0xef: {  	[spmem:s1] =	stream.indirect.scatter.add.f32 [tilespmem:s23], [sflag:$0x1], $0x1, s9, s31, $0xb8;
	[tilespmem:$0x1BDA0] =	vst v63  }
0xf0: {  	s24 =	simm.s32 $0x9000  }
0xf1: {  	[spmem:s3] =	stream.indirect.scatter.add.f32 [tilespmem:s24], [sflag:$0x1], $0x1, s9, s31, $0xb8;
	[tilespmem:$0x1BDA0] =	vst v63  }
0xf2: {  	s10 =	simm.s32 $0x3080;
	s9 =	simm.s32 $0x7080  }
0xf3: {  	[spmem:s1] =	stream.indirect.scatter.add.f32 [tilespmem:s9], [sflag:$0x1], $0x1, s10, s31, $0xb8;
	[tilespmem:$0x1BDA0] =	vst v63  }
0xf4: {  	s22 =	simm.s32 $0x9080  }
0xf5: {  	[spmem:s3] =	stream.indirect.scatter.add.f32 [tilespmem:s22], [sflag:$0x1], $0x1, s10, s31, $0xb8;
	[tilespmem:$0x1BDA0] =	vst v63  }
0xf6: {  	s23 =	simm.s32 $0x7100;
	s24 =	simm.s32 $0x3100  }
0xf7: {  	[spmem:s1] =	stream.indirect.scatter.add.f32 [tilespmem:s23], [sflag:$0x1], $0x1, s24, s31, $0xb8;
	[tilespmem:$0x1BDA0] =	vst v63  }
0xf8: {  	s10 =	simm.s32 $0x9100  }
0xf9: {  	[spmem:s3] =	stream.indirect.scatter.add.f32 [tilespmem:s10], [sflag:$0x1], $0x1, s24, s31, $0xb8;
	[tilespmem:$0x1BDA0] =	vst v63  }
0xfa: {  	s22 =	simm.s32 $0x7180;
	s23 =	simm.s32 $0x3180  }
0xfb: {  	[spmem:s1] =	stream.indirect.scatter.add.f32 [tilespmem:s22], [sflag:$0x1], $0x1, s23, s31, $0xb8;
	[tilespmem:$0x1BDA0] =	vst v63  }
0xfc: {  	s24 =	simm.s32 $0x9180  }
0xfd: {  	[spmem:s3] =	stream.indirect.scatter.add.f32 [tilespmem:s24], [sflag:$0x1], $0x1, s23, s31, $0xb8;
	[tilespmem:$0x1BDA0] =	vst v63  }
0xfe: {  	s9 =	simm.s32 $0x7200;
	s10 =	simm.s32 $0x3200  }
0xff: {  	[spmem:s1] =	stream.indirect.scatter.add.f32 [tilespmem:s9], [sflag:$0x1], $0x1, s10, s31, $0xb8;
	[tilespmem:$0x1BDA0] =	vst v63  }
0x100: {  	s22 =	simm.s32 $0x9200  }
0x101: {  	[spmem:s3] =	stream.indirect.scatter.add.f32 [tilespmem:s22], [sflag:$0x1], $0x1, s10, s31, $0xb8;
	[tilespmem:$0x1BDA0] =	vst v63  }
0x102: {  	s23 =	simm.s32 $0x7280;
	s24 =	simm.s32 $0x3280  }
0x103: {  	[spmem:s1] =	stream.indirect.scatter.add.f32 [tilespmem:s23], [sflag:$0x1], $0x1, s24, s31, $0xb8;
	[tilespmem:$0x1BDA0] =	vst v63  }
0x104: {  	s10 =	simm.s32 $0x9280  }
0x105: {  	[spmem:s3] =	stream.indirect.scatter.add.f32 [tilespmem:s10], [sflag:$0x1], $0x1, s24, s31, $0xb8;
	[tilespmem:$0x1BDA0] =	vst v63  }
0x106: {  	s22 =	simm.s32 $0x7300;
	s23 =	simm.s32 $0x3300  }
0x107: {  	[spmem:s1] =	stream.indirect.scatter.add.f32 [tilespmem:s22], [sflag:$0x1], $0x1, s23, s31, $0xb8;
	[tilespmem:$0x1BDA0] =	vst v63  }
0x108: {  	s24 =	simm.s32 $0x9300  }
0x109: {  	[spmem:s3] =	stream.indirect.scatter.add.f32 [tilespmem:s24], [sflag:$0x1], $0x1, s23, s31, $0xb8;
	[tilespmem:$0x1BDA0] =	vst v63  }
0x10a: {  	s9 =	simm.s32 $0x7380;
	s10 =	simm.s32 $0x3380  }
0x10b: {  	[spmem:s1] =	stream.indirect.scatter.add.f32 [tilespmem:s9], [sflag:$0x1], $0x1, s10, s31, $0xb8;
	[tilespmem:$0x1BDA0] =	vst v63  }
0x10c: {  	s22 =	simm.s32 $0x9380  }
0x10d: {  	[spmem:s3] =	stream.indirect.scatter.add.f32 [tilespmem:s22], [sflag:$0x1], $0x1, s10, s31, $0xb8;
	[tilespmem:$0x1BDA0] =	vst v63  }
0x10e: {  	s23 =	simm.s32 $0x7400;
	s24 =	simm.s32 $0x3400  }
0x10f: {  	[spmem:s1] =	stream.indirect.scatter.add.f32 [tilespmem:s23], [sflag:$0x1], $0x1, s24, s31, $0xb8;
	[tilespmem:$0x1BDA0] =	vst v63  }
0x110: {  	s10 =	simm.s32 $0x9400  }
0x111: {  	[spmem:s3] =	stream.indirect.scatter.add.f32 [tilespmem:s10], [sflag:$0x1], $0x1, s24, s31, $0xb8;
	[tilespmem:$0x1BDA0] =	vst v63  }
0x112: {  	s22 =	simm.s32 $0x7480;
	s23 =	simm.s32 $0x3480  }
0x113: {  	[spmem:s1] =	stream.indirect.scatter.add.f32 [tilespmem:s22], [sflag:$0x1], $0x1, s23, s31, $0xb8;
	[tilespmem:$0x1BDA0] =	vst v63  }
0x114: {  	s24 =	simm.s32 $0x9480  }
0x115: {  	[spmem:s3] =	stream.indirect.scatter.add.f32 [tilespmem:s24], [sflag:$0x1], $0x1, s23, s31, $0xb8;
	[tilespmem:$0x1BDA0] =	vst v63  }
0x116: {  	s9 =	simm.s32 $0x7500;
	s10 =	simm.s32 $0x3500  }
0x117: {  	[spmem:s1] =	stream.indirect.scatter.add.f32 [tilespmem:s9], [sflag:$0x1], $0x1, s10, s31, $0xb8;
	[tilespmem:$0x1BDA0] =	vst v63  }
0x118: {  	s22 =	simm.s32 $0x9500  }
0x119: {  	[spmem:s3] =	stream.indirect.scatter.add.f32 [tilespmem:s22], [sflag:$0x1], $0x1, s10, s31, $0xb8;
	[tilespmem:$0x1BDA0] =	vst v63  }
0x11a: {  	s23 =	simm.s32 $0x7580;
	s24 =	simm.s32 $0x3580  }
0x11b: {  	[spmem:s1] =	stream.indirect.scatter.add.f32 [tilespmem:s23], [sflag:$0x1], $0x1, s24, s31, $0xb8;
	[tilespmem:$0x1BDA0] =	vst v63  }
0x11c: {  	s10 =	simm.s32 $0x9580  }
0x11d: {  	[spmem:s3] =	stream.indirect.scatter.add.f32 [tilespmem:s10], [sflag:$0x1], $0x1, s24, s31, $0xb8;
	[tilespmem:$0x1BDA0] =	vst v63  }
0x11e: {  	s22 =	simm.s32 $0x7600;
	s23 =	simm.s32 $0x3600  }
0x11f: {  	[spmem:s1] =	stream.indirect.scatter.add.f32 [tilespmem:s22], [sflag:$0x1], $0x1, s23, s31, $0xb8;
	[tilespmem:$0x1BDA0] =	vst v63  }
0x120: {  	s24 =	simm.s32 $0x9600  }
0x121: {  	[spmem:s3] =	stream.indirect.scatter.add.f32 [tilespmem:s24], [sflag:$0x1], $0x1, s23, s31, $0xb8;
	[tilespmem:$0x1BDA0] =	vst v63  }
0x122: {  	s9 =	simm.s32 $0x7680;
	s10 =	simm.s32 $0x3680  }
0x123: {  	[spmem:s1] =	stream.indirect.scatter.add.f32 [tilespmem:s9], [sflag:$0x1], $0x1, s10, s31, $0xb8;
	[tilespmem:$0x1BDA0] =	vst v63  }
0x124: {  	s22 =	simm.s32 $0x9680  }
0x125: {  	[spmem:s3] =	stream.indirect.scatter.add.f32 [tilespmem:s22], [sflag:$0x1], $0x1, s10, s31, $0xb8;
	[tilespmem:$0x1BDA0] =	vst v63  }
0x126: {  	s23 =	simm.s32 $0x7700;
	s24 =	simm.s32 $0x3700  }
0x127: {  	[spmem:s1] =	stream.indirect.scatter.add.f32 [tilespmem:s23], [sflag:$0x1], $0x1, s24, s31, $0xb8;
	[tilespmem:$0x1BDA0] =	vst v63  }
0x128: {  	s10 =	simm.s32 $0x9700  }
0x129: {  	[spmem:s3] =	stream.indirect.scatter.add.f32 [tilespmem:s10], [sflag:$0x1], $0x1, s24, s31, $0xb8;
	[tilespmem:$0x1BDA0] =	vst v63  }
0x12a: {  	s22 =	simm.s32 $0x7780;
	s23 =	simm.s32 $0x3780  }
0x12b: {  	[spmem:s1] =	stream.indirect.scatter.add.f32 [tilespmem:s22], [sflag:$0x1], $0x1, s23, s31, $0xb8;
	[tilespmem:$0x1BDA0] =	vst v63  }
0x12c: {  	s24 =	simm.s32 $0x9780  }
0x12d: {  	[spmem:s3] =	stream.indirect.scatter.add.f32 [tilespmem:s24], [sflag:$0x1], $0x1, s23, s31, $0xb8;
	[tilespmem:$0x1BDA0] =	vst v63  }
0x12e: {  	_ =	swait.ge [sflag:s2], $0x80  }
0x12f: {  	[sflag:s2] =	ssyncset.done $0x0  }
0x130: {  	[sflag:s2] =	ssyncadd.s32 $0xFFFFFF80  }
0x131: {  	_ =	swait.ge [sflag:s2], $0x80  }
0x132: {  	[sflag:s2] =	ssyncset.done $0x0  }
0x133: {  	[sflag:s2] =	ssyncadd.s32 $0xFFFFFF80  }
0x134: {  	_ =	swait.ge [sflag:s2], $0x80  }
0x135: {  	[sflag:s2] =	ssyncset.done $0x0  }
0x136: {  	[sflag:s2] =	ssyncadd.s32 $0xFFFFFF80  }
0x137: {  	_ =	swait.ge [sflag:s2], $0x80  }
0x138: {  	[sflag:s2] =	ssyncset.done $0x0  }
0x139: {  	[sflag:s2] =	ssyncadd.s32 $0xFFFFFF80  }
0x13a: {  	_ =	swait.ge [sflag:s2], $0x80  }
0x13b: {  	[sflag:s2] =	ssyncset.done $0x0  }
0x13c: {  	[sflag:s2] =	ssyncadd.s32 $0xFFFFFF80  }
0x13d: {  	_ =	swait.ge [sflag:s2], $0x80  }
0x13e: {  	[sflag:s2] =	ssyncset.done $0x0  }
0x13f: {  	[sflag:s2] =	ssyncadd.s32 $0xFFFFFF80  }
0x140: {  	_ =	swait.ge [sflag:s2], $0x80  }
0x141: {  	[sflag:s2] =	ssyncset.done $0x0  }
0x142: {  	[sflag:s2] =	ssyncadd.s32 $0xFFFFFF80  }
0x143: {  	_ =	swait.ge [sflag:s2], $0x80  }
0x144: {  	[sflag:s2] =	ssyncset.done $0x0  }
0x145: {  	[sflag:s2] =	ssyncadd.s32 $0xFFFFFF80  }
0x146: {  	_ =	swait.ge [sflag:s2], $0x80  }
0x147: {  	[sflag:s2] =	ssyncset.done $0x0  }
0x148: {  	[sflag:s2] =	ssyncadd.s32 $0xFFFFFF80  }
0x149: {  	_ =	swait.ge [sflag:s2], $0x80  }
0x14a: {  	[sflag:s2] =	ssyncset.done $0x0  }
0x14b: {  	[sflag:s2] =	ssyncadd.s32 $0xFFFFFF80  }
0x14c: {  	_ =	swait.ge [sflag:s2], $0x80  }
0x14d: {  	[sflag:s2] =	ssyncset.done $0x0  }
0x14e: {  	[sflag:s2] =	ssyncadd.s32 $0xFFFFFF80  }
0x14f: {  	_ =	swait.ge [sflag:s2], $0x80  }
0x150: {  	[sflag:s2] =	ssyncset.done $0x0  }
0x151: {  	[sflag:s2] =	ssyncadd.s32 $0xFFFFFF80  }
0x152: {  	_ =	swait.ge [sflag:s2], $0x80  }
0x153: {  	[sflag:s2] =	ssyncset.done $0x0  }
0x154: {  	[sflag:s2] =	ssyncadd.s32 $0xFFFFFF80  }
0x155: {  	_ =	swait.ge [sflag:s2], $0x80  }
0x156: {  	[sflag:s2] =	ssyncset.done $0x0  }
0x157: {  	[sflag:s2] =	ssyncadd.s32 $0xFFFFFF80  }
0x158: {  	_ =	swait.ge [sflag:s2], $0x80  }
0x159: {  	[sflag:s2] =	ssyncset.done $0x0  }
0x15a: {  	[sflag:s2] =	ssyncadd.s32 $0xFFFFFF80  }
0x15b: {  	_ =	swait.ge [sflag:s2], $0x80  }
0x15c: {  	[sflag:s2] =	ssyncset.done $0x0  }
0x15d: {  	[sflag:s2] =	ssyncadd.s32 $0xFFFFFF80  }
0x15e: {  	_ =	swait.ge [sflag:s2], $0x80  }
0x15f: {  	[sflag:s2] =	ssyncset.done $0x0  }
0x160: {  	[sflag:s2] =	ssyncadd.s32 $0xFFFFFF80  }
0x161: {  	_ =	swait.ge [sflag:s2], $0x80  }
0x162: {  	[sflag:s2] =	ssyncset.done $0x0  }
0x163: {  	[sflag:s2] =	ssyncadd.s32 $0xFFFFFF80  }
0x164: {  	_ =	swait.ge [sflag:s2], $0x80  }
0x165: {  	[sflag:s2] =	ssyncset.done $0x0  }
0x166: {  	[sflag:s2] =	ssyncadd.s32 $0xFFFFFF80  }
0x167: {  	_ =	swait.ge [sflag:s2], $0x80  }
0x168: {  	[sflag:s2] =	ssyncset.done $0x0  }
0x169: {  	[sflag:s2] =	ssyncadd.s32 $0xFFFFFF80  }
0x16a: {  	_ =	swait.ge [sflag:s2], $0x80  }
0x16b: {  	[sflag:s2] =	ssyncset.done $0x0  }
0x16c: {  	[sflag:s2] =	ssyncadd.s32 $0xFFFFFF80  }
0x16d: {  	_ =	swait.ge [sflag:s2], $0x80  }
0x16e: {  	[sflag:s2] =	ssyncset.done $0x0  }
0x16f: {  	[sflag:s2] =	ssyncadd.s32 $0xFFFFFF80  }
0x170: {  	_ =	swait.ge [sflag:s2], $0x80  }
0x171: {  	[sflag:s2] =	ssyncset.done $0x0  }
0x172: {  	[sflag:s2] =	ssyncadd.s32 $0xFFFFFF80  }
0x173: {  	_ =	swait.ge [sflag:s2], $0x80  }
0x174: {  	[sflag:s2] =	ssyncset.done $0x0  }
0x175: {  	[sflag:s2] =	ssyncadd.s32 $0xFFFFFF80  }
0x176: {  	_ =	swait.ge [sflag:s2], $0x80  }
0x177: {  	[sflag:s2] =	ssyncset.done $0x0  }
0x178: {  	[sflag:s2] =	ssyncadd.s32 $0xFFFFFF80  }
0x179: {  	_ =	swait.ge [sflag:s2], $0x80  }
0x17a: {  	[sflag:s2] =	ssyncset.done $0x0  }
0x17b: {  	[sflag:s2] =	ssyncadd.s32 $0xFFFFFF80  }
0x17c: {  	_ =	swait.ge [sflag:s2], $0x80  }
0x17d: {  	[sflag:s2] =	ssyncset.done $0x0  }
0x17e: {  	[sflag:s2] =	ssyncadd.s32 $0xFFFFFF80  }
0x17f: {  	_ =	swait.ge [sflag:s2], $0x80  }
0x180: {  	[sflag:s2] =	ssyncset.done $0x0  }
0x181: {  	[sflag:s2] =	ssyncadd.s32 $0xFFFFFF80  }
0x182: {  	_ =	swait.ge [sflag:s2], $0x80  }
0x183: {  	[sflag:s2] =	ssyncset.done $0x0  }
0x184: {  	[sflag:s2] =	ssyncadd.s32 $0xFFFFFF80  }
0x185: {  	_ =	swait.ge [sflag:s2], $0x80  }
0x186: {  	[sflag:s2] =	ssyncset.done $0x0  }
0x187: {  	[sflag:s2] =	ssyncadd.s32 $0xFFFFFF80  }
0x188: {  	_ =	swait.ge [sflag:s2], $0x80  }
0x189: {  	[sflag:s2] =	ssyncset.done $0x0  }
0x18a: {  	[sflag:s2] =	ssyncadd.s32 $0xFFFFFF80  }
0x18b: {  	_ =	swait.ge [sflag:s2], $0x80  }
0x18c: {  	s0 =	simm.s32 $0x4000;
	s23 =	simm.s32 $0x800;
	[sflag:s2] =	ssyncset.done $0x0  }
.LBB2_8:
0x18d: {  	s9 =	sadd.s32 $0x7000, s23  }
0x18e: {  	s24 =	sadd.s32 $0x3000, s23;
	[sflag:s2] =	ssyncadd.s32 $0xFFFFFF80;
	s22 =	smov.u32 s0  }
0x18f: {  	[spmem:s1] =	stream.indirect.scatter.add.f32 [tilespmem:s9], [sflag:$0x1], $0x1, s24, s31, $0xb8;
	[tilespmem:$0x1BDA0] =	vst v63  }
0x190: {  	p1 =	sne.s32 s0, $0x6000;
	s0 =	sadd.s32 $0x2000, s0;
	s9 =	sadd.s32 $0x9000, s23  }
0x191: {  	[spmem:s3] =	stream.indirect.scatter.add.f32 [tilespmem:s9], [sflag:$0x1], $0x1, s24, s31, $0xb8;
	[tilespmem:$0x1BDA0] =	vst v63  }
0x192: {  	s9 =	sadd.s32 $0x7080, s23;
	s24 =	sadd.s32 $0x3080, s23  }
0x193: {  	[spmem:s1] =	stream.indirect.scatter.add.f32 [tilespmem:s9], [sflag:$0x1], $0x1, s24, s31, $0xb8;
	[tilespmem:$0x1BDA0] =	vst v63  }
0x194: {  	s9 =	sadd.s32 $0x9080, s23  }
0x195: {  	[spmem:s3] =	stream.indirect.scatter.add.f32 [tilespmem:s9], [sflag:$0x1], $0x1, s24, s31, $0xb8;
	[tilespmem:$0x1BDA0] =	vst v63  }
0x196: {  	s9 =	sadd.s32 $0x7100, s23;
	s24 =	sadd.s32 $0x3100, s23  }
0x197: {  	[spmem:s1] =	stream.indirect.scatter.add.f32 [tilespmem:s9], [sflag:$0x1], $0x1, s24, s31, $0xb8;
	[tilespmem:$0x1BDA0] =	vst v63  }
0x198: {  	s9 =	sadd.s32 $0x9100, s23  }
0x199: {  	[spmem:s3] =	stream.indirect.scatter.add.f32 [tilespmem:s9], [sflag:$0x1], $0x1, s24, s31, $0xb8;
	[tilespmem:$0x1BDA0] =	vst v63  }
0x19a: {  	s9 =	sadd.s32 $0x7180, s23;
	s24 =	sadd.s32 $0x3180, s23  }
0x19b: {  	[spmem:s1] =	stream.indirect.scatter.add.f32 [tilespmem:s9], [sflag:$0x1], $0x1, s24, s31, $0xb8;
	[tilespmem:$0x1BDA0] =	vst v63  }
0x19c: {  	s9 =	sadd.s32 $0x9180, s23  }
0x19d: {  	[spmem:s3] =	stream.indirect.scatter.add.f32 [tilespmem:s9], [sflag:$0x1], $0x1, s24, s31, $0xb8;
	[tilespmem:$0x1BDA0] =	vst v63  }
0x19e: {  	s9 =	sadd.s32 $0x7200, s23;
	s24 =	sadd.s32 $0x3200, s23  }
0x19f: {  	[spmem:s1] =	stream.indirect.scatter.add.f32 [tilespmem:s9], [sflag:$0x1], $0x1, s24, s31, $0xb8;
	[tilespmem:$0x1BDA0] =	vst v63  }
0x1a0: {  	s9 =	sadd.s32 $0x9200, s23  }
0x1a1: {  	[spmem:s3] =	stream.indirect.scatter.add.f32 [tilespmem:s9], [sflag:$0x1], $0x1, s24, s31, $0xb8;
	[tilespmem:$0x1BDA0] =	vst v63  }
0x1a2: {  	s9 =	sadd.s32 $0x7280, s23;
	s24 =	sadd.s32 $0x3280, s23  }
0x1a3: {  	[spmem:s1] =	stream.indirect.scatter.add.f32 [tilespmem:s9], [sflag:$0x1], $0x1, s24, s31, $0xb8;
	[tilespmem:$0x1BDA0] =	vst v63  }
0x1a4: {  	s9 =	sadd.s32 $0x9280, s23  }
0x1a5: {  	[spmem:s3] =	stream.indirect.scatter.add.f32 [tilespmem:s9], [sflag:$0x1], $0x1, s24, s31, $0xb8;
	[tilespmem:$0x1BDA0] =	vst v63  }
0x1a6: {  	s9 =	sadd.s32 $0x7300, s23;
	s24 =	sadd.s32 $0x3300, s23  }
0x1a7: {  	[spmem:s1] =	stream.indirect.scatter.add.f32 [tilespmem:s9], [sflag:$0x1], $0x1, s24, s31, $0xb8;
	[tilespmem:$0x1BDA0] =	vst v63  }
0x1a8: {  	s9 =	sadd.s32 $0x9300, s23  }
0x1a9: {  	[spmem:s3] =	stream.indirect.scatter.add.f32 [tilespmem:s9], [sflag:$0x1], $0x1, s24, s31, $0xb8;
	[tilespmem:$0x1BDA0] =	vst v63  }
0x1aa: {  	s9 =	sadd.s32 $0x7380, s23;
	s24 =	sadd.s32 $0x3380, s23  }
0x1ab: {  	[spmem:s1] =	stream.indirect.scatter.add.f32 [tilespmem:s9], [sflag:$0x1], $0x1, s24, s31, $0xb8;
	[tilespmem:$0x1BDA0] =	vst v63  }
0x1ac: {  	s9 =	sadd.s32 $0x9380, s23  }
0x1ad: {  	[spmem:s3] =	stream.indirect.scatter.add.f32 [tilespmem:s9], [sflag:$0x1], $0x1, s24, s31, $0xb8;
	[tilespmem:$0x1BDA0] =	vst v63  }
0x1ae: {  	s9 =	sadd.s32 $0x7400, s23;
	s24 =	sadd.s32 $0x3400, s23  }
0x1af: {  	[spmem:s1] =	stream.indirect.scatter.add.f32 [tilespmem:s9], [sflag:$0x1], $0x1, s24, s31, $0xb8;
	[tilespmem:$0x1BDA0] =	vst v63  }
0x1b0: {  	s9 =	sadd.s32 $0x9400, s23  }
0x1b1: {  	[spmem:s3] =	stream.indirect.scatter.add.f32 [tilespmem:s9], [sflag:$0x1], $0x1, s24, s31, $0xb8;
	[tilespmem:$0x1BDA0] =	vst v63  }
0x1b2: {  	s9 =	sadd.s32 $0x7480, s23;
	s24 =	sadd.s32 $0x3480, s23  }
0x1b3: {  	[spmem:s1] =	stream.indirect.scatter.add.f32 [tilespmem:s9], [sflag:$0x1], $0x1, s24, s31, $0xb8;
	[tilespmem:$0x1BDA0] =	vst v63  }
0x1b4: {  	s9 =	sadd.s32 $0x9480, s23  }
0x1b5: {  	[spmem:s3] =	stream.indirect.scatter.add.f32 [tilespmem:s9], [sflag:$0x1], $0x1, s24, s31, $0xb8;
	[tilespmem:$0x1BDA0] =	vst v63  }
0x1b6: {  	s9 =	sadd.s32 $0x7500, s23;
	s24 =	sadd.s32 $0x3500, s23  }
0x1b7: {  	[spmem:s1] =	stream.indirect.scatter.add.f32 [tilespmem:s9], [sflag:$0x1], $0x1, s24, s31, $0xb8;
	[tilespmem:$0x1BDA0] =	vst v63  }
0x1b8: {  	s9 =	sadd.s32 $0x9500, s23  }
0x1b9: {  	[spmem:s3] =	stream.indirect.scatter.add.f32 [tilespmem:s9], [sflag:$0x1], $0x1, s24, s31, $0xb8;
	[tilespmem:$0x1BDA0] =	vst v63  }
0x1ba: {  	s9 =	sadd.s32 $0x7580, s23;
	s24 =	sadd.s32 $0x3580, s23  }
0x1bb: {  	[spmem:s1] =	stream.indirect.scatter.add.f32 [tilespmem:s9], [sflag:$0x1], $0x1, s24, s31, $0xb8;
	[tilespmem:$0x1BDA0] =	vst v63  }
0x1bc: {  	s9 =	sadd.s32 $0x9580, s23  }
0x1bd: {  	[spmem:s3] =	stream.indirect.scatter.add.f32 [tilespmem:s9], [sflag:$0x1], $0x1, s24, s31, $0xb8;
	[tilespmem:$0x1BDA0] =	vst v63  }
0x1be: {  	s9 =	sadd.s32 $0x7600, s23;
	s24 =	sadd.s32 $0x3600, s23  }
0x1bf: {  	[spmem:s1] =	stream.indirect.scatter.add.f32 [tilespmem:s9], [sflag:$0x1], $0x1, s24, s31, $0xb8;
	[tilespmem:$0x1BDA0] =	vst v63  }
0x1c0: {  	s9 =	sadd.s32 $0x9600, s23  }
0x1c1: {  	[spmem:s3] =	stream.indirect.scatter.add.f32 [tilespmem:s9], [sflag:$0x1], $0x1, s24, s31, $0xb8;
	[tilespmem:$0x1BDA0] =	vst v63  }
0x1c2: {  	s9 =	sadd.s32 $0x7680, s23;
	s24 =	sadd.s32 $0x3680, s23  }
0x1c3: {  	[spmem:s1] =	stream.indirect.scatter.add.f32 [tilespmem:s9], [sflag:$0x1], $0x1, s24, s31, $0xb8;
	[tilespmem:$0x1BDA0] =	vst v63  }
0x1c4: {  	s9 =	sadd.s32 $0x9680, s23  }
0x1c5: {  	[spmem:s3] =	stream.indirect.scatter.add.f32 [tilespmem:s9], [sflag:$0x1], $0x1, s24, s31, $0xb8;
	[tilespmem:$0x1BDA0] =	vst v63  }
0x1c6: {  	s9 =	sadd.s32 $0x7700, s23;
	s24 =	sadd.s32 $0x3700, s23  }
0x1c7: {  	[spmem:s1] =	stream.indirect.scatter.add.f32 [tilespmem:s9], [sflag:$0x1], $0x1, s24, s31, $0xb8;
	[tilespmem:$0x1BDA0] =	vst v63  }
0x1c8: {  	s9 =	sadd.s32 $0x9700, s23  }
0x1c9: {  	[spmem:s3] =	stream.indirect.scatter.add.f32 [tilespmem:s9], [sflag:$0x1], $0x1, s24, s31, $0xb8;
	[tilespmem:$0x1BDA0] =	vst v63  }
0x1ca: {  	s9 =	sadd.s32 $0x7780, s23;
	s24 =	sadd.s32 $0x3780, s23  }
0x1cb: {  	[spmem:s1] =	stream.indirect.scatter.add.f32 [tilespmem:s9], [sflag:$0x1], $0x1, s24, s31, $0xb8;
	[tilespmem:$0x1BDA0] =	vst v63  }
0x1cc: {  	s9 =	sadd.s32 $0x9780, s23  }
0x1cd: {  	[spmem:s3] =	stream.indirect.scatter.add.f32 [tilespmem:s9], [sflag:$0x1], $0x1, s24, s31, $0xb8;
	[tilespmem:$0x1BDA0] =	vst v63  }
0x1ce: {  	_ =	swait.ge [sflag:s2], $0x80  }
0x1cf: {  	[sflag:s2] =	ssyncset.done $0x0  }
0x1d0: {  	[sflag:s2] =	ssyncadd.s32 $0xFFFFFF80  }
0x1d1: {  	_ =	swait.ge [sflag:s2], $0x80  }
0x1d2: {  	[sflag:s2] =	ssyncset.done $0x0  }
0x1d3: {  	[sflag:s2] =	ssyncadd.s32 $0xFFFFFF80  }
0x1d4: {  	_ =	swait.ge [sflag:s2], $0x80  }
0x1d5: {  	[sflag:s2] =	ssyncset.done $0x0  }
0x1d6: {  	[sflag:s2] =	ssyncadd.s32 $0xFFFFFF80  }
0x1d7: {  	_ =	swait.ge [sflag:s2], $0x80  }
0x1d8: {  	[sflag:s2] =	ssyncset.done $0x0  }
0x1d9: {  	[sflag:s2] =	ssyncadd.s32 $0xFFFFFF80  }
0x1da: {  	_ =	swait.ge [sflag:s2], $0x80  }
0x1db: {  	[sflag:s2] =	ssyncset.done $0x0  }
0x1dc: {  	[sflag:s2] =	ssyncadd.s32 $0xFFFFFF80  }
0x1dd: {  	_ =	swait.ge [sflag:s2], $0x80  }
0x1de: {  	[sflag:s2] =	ssyncset.done $0x0  }
0x1df: {  	[sflag:s2] =	ssyncadd.s32 $0xFFFFFF80  }
0x1e0: {  	_ =	swait.ge [sflag:s2], $0x80  }
0x1e1: {  	[sflag:s2] =	ssyncset.done $0x0  }
0x1e2: {  	[sflag:s2] =	ssyncadd.s32 $0xFFFFFF80  }
0x1e3: {  	_ =	swait.ge [sflag:s2], $0x80  }
0x1e4: {  	[sflag:s2] =	ssyncset.done $0x0  }
0x1e5: {  	[sflag:s2] =	ssyncadd.s32 $0xFFFFFF80  }
0x1e6: {  	_ =	swait.ge [sflag:s2], $0x80  }
0x1e7: {  	[sflag:s2] =	ssyncset.done $0x0  }
0x1e8: {  	[sflag:s2] =	ssyncadd.s32 $0xFFFFFF80  }
0x1e9: {  	_ =	swait.ge [sflag:s2], $0x80  }
0x1ea: {  	[sflag:s2] =	ssyncset.done $0x0  }
0x1eb: {  	[sflag:s2] =	ssyncadd.s32 $0xFFFFFF80  }
0x1ec: {  	_ =	swait.ge [sflag:s2], $0x80  }
0x1ed: {  	[sflag:s2] =	ssyncset.done $0x0  }
0x1ee: {  	[sflag:s2] =	ssyncadd.s32 $0xFFFFFF80  }
0x1ef: {  	_ =	swait.ge [sflag:s2], $0x80  }
0x1f0: {  	[sflag:s2] =	ssyncset.done $0x0  }
0x1f1: {  	[sflag:s2] =	ssyncadd.s32 $0xFFFFFF80  }
0x1f2: {  	_ =	swait.ge [sflag:s2], $0x80  }
0x1f3: {  	[sflag:s2] =	ssyncset.done $0x0  }
0x1f4: {  	[sflag:s2] =	ssyncadd.s32 $0xFFFFFF80  }
0x1f5: {  	_ =	swait.ge [sflag:s2], $0x80  }
0x1f6: {  	[sflag:s2] =	ssyncset.done $0x0  }
0x1f7: {  	[sflag:s2] =	ssyncadd.s32 $0xFFFFFF80  }
0x1f8: {  	_ =	swait.ge [sflag:s2], $0x80  }
0x1f9: {  	[sflag:s2] =	ssyncset.done $0x0  }
0x1fa: {  	[sflag:s2] =	ssyncadd.s32 $0xFFFFFF80  }
0x1fb: {  	_ =	swait.ge [sflag:s2], $0x80  }
0x1fc: {  	[sflag:s2] =	ssyncset.done $0x0  }
0x1fd: {  	[sflag:s2] =	ssyncadd.s32 $0xFFFFFF80  }
0x1fe: {  	_ =	swait.ge [sflag:s2], $0x80  }
0x1ff: {  	[sflag:s2] =	ssyncset.done $0x0  }
0x200: {  	[sflag:s2] =	ssyncadd.s32 $0xFFFFFF80  }
0x201: {  	_ =	swait.ge [sflag:s2], $0x80  }
0x202: {  	[sflag:s2] =	ssyncset.done $0x0  }
0x203: {  	[sflag:s2] =	ssyncadd.s32 $0xFFFFFF80  }
0x204: {  	_ =	swait.ge [sflag:s2], $0x80  }
0x205: {  	[sflag:s2] =	ssyncset.done $0x0  }
0x206: {  	[sflag:s2] =	ssyncadd.s32 $0xFFFFFF80  }
0x207: {  	_ =	swait.ge [sflag:s2], $0x80  }
0x208: {  	[sflag:s2] =	ssyncset.done $0x0  }
0x209: {  	[sflag:s2] =	ssyncadd.s32 $0xFFFFFF80  }
0x20a: {  	_ =	swait.ge [sflag:s2], $0x80  }
0x20b: {  	[sflag:s2] =	ssyncset.done $0x0  }
0x20c: {  	[sflag:s2] =	ssyncadd.s32 $0xFFFFFF80  }
0x20d: {  	_ =	swait.ge [sflag:s2], $0x80  }
0x20e: {  	[sflag:s2] =	ssyncset.done $0x0  }
0x20f: {  	[sflag:s2] =	ssyncadd.s32 $0xFFFFFF80  }
0x210: {  	_ =	swait.ge [sflag:s2], $0x80  }
0x211: {  	[sflag:s2] =	ssyncset.done $0x0  }
0x212: {  	[sflag:s2] =	ssyncadd.s32 $0xFFFFFF80  }
0x213: {  	_ =	swait.ge [sflag:s2], $0x80  }
0x214: {  	[sflag:s2] =	ssyncset.done $0x0  }
0x215: {  	[sflag:s2] =	ssyncadd.s32 $0xFFFFFF80  }
0x216: {  	_ =	swait.ge [sflag:s2], $0x80  }
0x217: {  	[sflag:s2] =	ssyncset.done $0x0  }
0x218: {  	[sflag:s2] =	ssyncadd.s32 $0xFFFFFF80  }
0x219: {  	_ =	swait.ge [sflag:s2], $0x80  }
0x21a: {  	[sflag:s2] =	ssyncset.done $0x0  }
0x21b: {  	[sflag:s2] =	ssyncadd.s32 $0xFFFFFF80  }
0x21c: {  	_ =	swait.ge [sflag:s2], $0x80  }
0x21d: {  	[sflag:s2] =	ssyncset.done $0x0  }
0x21e: {  	[sflag:s2] =	ssyncadd.s32 $0xFFFFFF80  }
0x21f: {  	_ =	swait.ge [sflag:s2], $0x80  }
0x220: {  	[sflag:s2] =	ssyncset.done $0x0  }
0x221: {  	[sflag:s2] =	ssyncadd.s32 $0xFFFFFF80  }
0x222: {  	_ =	swait.ge [sflag:s2], $0x80  }
0x223: {  	[sflag:s2] =	ssyncset.done $0x0  }
0x224: {  	[sflag:s2] =	ssyncadd.s32 $0xFFFFFF80  }
0x225: {  	_ =	swait.ge [sflag:s2], $0x80  }
0x226: {  	[sflag:s2] =	ssyncset.done $0x0  }
0x227: {  	[sflag:s2] =	ssyncadd.s32 $0xFFFFFF80  }
.Ltmp3:
0x228: {  	_ =	swait.ge [sflag:s2], $0x80;
	(pc) =	sbr.rel @p1 .LBB2_8-.Ltmp3, $4  }
0x229: {  	[sflag:s2] =	ssyncset.done $0x0  }
0x22a: {  	[sflag:s2] =	ssyncadd.s32 $0xFFFFFF80  }
0x22b: {  	_ =	swait.ge [sflag:s2], $0x80  }
0x22c: {  	s23 =	sshra.s32 s22, $0x2;
	[sflag:s2] =	ssyncset.done $0x0  }
0x22d: {  	s0 =	sadd.s32 $0x7000, s23;
	s9 =	sadd.s32 $0x3000, s23;
	[sflag:s2] =	ssyncadd.s32 $0xFFFFFF80  }
0x22e: {  	[spmem:s1] =	stream.indirect.scatter.add.f32 [tilespmem:s0], [sflag:$0x1], $0x1, s9, s31, $0xb8;
	[tilespmem:$0x1BDA0] =	vst v63  }
0x22f: {  	s10 =	sadd.s32 $0x9000, s23  }
0x230: {  	[spmem:s3] =	stream.indirect.scatter.add.f32 [tilespmem:s10], [sflag:$0x1], $0x1, s9, s31, $0xb8;
	[tilespmem:$0x1BDA0] =	vst v63  }
0x231: {  	s22 =	sadd.s32 $0x7080, s23;
	s24 =	sadd.s32 $0x3080, s23  }
0x232: {  	[spmem:s1] =	stream.indirect.scatter.add.f32 [tilespmem:s22], [sflag:$0x1], $0x1, s24, s31, $0xb8;
	[tilespmem:$0x1BDA0] =	vst v63  }
0x233: {  	s10 =	sadd.s32 $0x9080, s23  }
0x234: {  	[spmem:s3] =	stream.indirect.scatter.add.f32 [tilespmem:s10], [sflag:$0x1], $0x1, s24, s31, $0xb8;
	[tilespmem:$0x1BDA0] =	vst v63  }
0x235: {  	s22 =	sadd.s32 $0x7100, s23;
	s24 =	sadd.s32 $0x3100, s23  }
0x236: {  	[spmem:s1] =	stream.indirect.scatter.add.f32 [tilespmem:s22], [sflag:$0x1], $0x1, s24, s31, $0xb8;
	[tilespmem:$0x1BDA0] =	vst v63  }
0x237: {  	s10 =	sadd.s32 $0x9100, s23  }
0x238: {  	[spmem:s3] =	stream.indirect.scatter.add.f32 [tilespmem:s10], [sflag:$0x1], $0x1, s24, s31, $0xb8;
	[tilespmem:$0x1BDA0] =	vst v63  }
0x239: {  	s22 =	sadd.s32 $0x7180, s23;
	s24 =	sadd.s32 $0x3180, s23  }
0x23a: {  	[spmem:s1] =	stream.indirect.scatter.add.f32 [tilespmem:s22], [sflag:$0x1], $0x1, s24, s31, $0xb8;
	[tilespmem:$0x1BDA0] =	vst v63  }
0x23b: {  	s10 =	sadd.s32 $0x9180, s23  }
0x23c: {  	[spmem:s3] =	stream.indirect.scatter.add.f32 [tilespmem:s10], [sflag:$0x1], $0x1, s24, s31, $0xb8;
	[tilespmem:$0x1BDA0] =	vst v63  }
0x23d: {  	s22 =	sadd.s32 $0x7200, s23;
	s24 =	sadd.s32 $0x3200, s23  }
0x23e: {  	[spmem:s1] =	stream.indirect.scatter.add.f32 [tilespmem:s22], [sflag:$0x1], $0x1, s24, s31, $0xb8;
	[tilespmem:$0x1BDA0] =	vst v63  }
0x23f: {  	s10 =	sadd.s32 $0x9200, s23  }
0x240: {  	[spmem:s3] =	stream.indirect.scatter.add.f32 [tilespmem:s10], [sflag:$0x1], $0x1, s24, s31, $0xb8;
	[tilespmem:$0x1BDA0] =	vst v63  }
0x241: {  	s22 =	sadd.s32 $0x7280, s23;
	s24 =	sadd.s32 $0x3280, s23  }
0x242: {  	[spmem:s1] =	stream.indirect.scatter.add.f32 [tilespmem:s22], [sflag:$0x1], $0x1, s24, s31, $0xb8;
	[tilespmem:$0x1BDA0] =	vst v63  }
0x243: {  	s10 =	sadd.s32 $0x9280, s23  }
0x244: {  	[spmem:s3] =	stream.indirect.scatter.add.f32 [tilespmem:s10], [sflag:$0x1], $0x1, s24, s31, $0xb8;
	[tilespmem:$0x1BDA0] =	vst v63  }
0x245: {  	s22 =	sadd.s32 $0x7300, s23;
	s24 =	sadd.s32 $0x3300, s23  }
0x246: {  	[spmem:s1] =	stream.indirect.scatter.add.f32 [tilespmem:s22], [sflag:$0x1], $0x1, s24, s31, $0xb8;
	[tilespmem:$0x1BDA0] =	vst v63  }
0x247: {  	s10 =	sadd.s32 $0x9300, s23  }
0x248: {  	[spmem:s3] =	stream.indirect.scatter.add.f32 [tilespmem:s10], [sflag:$0x1], $0x1, s24, s31, $0xb8;
	[tilespmem:$0x1BDA0] =	vst v63  }
0x249: {  	s22 =	sadd.s32 $0x7380, s23;
	s24 =	sadd.s32 $0x3380, s23  }
0x24a: {  	[spmem:s1] =	stream.indirect.scatter.add.f32 [tilespmem:s22], [sflag:$0x1], $0x1, s24, s31, $0xb8;
	[tilespmem:$0x1BDA0] =	vst v63  }
0x24b: {  	s10 =	sadd.s32 $0x9380, s23  }
0x24c: {  	[spmem:s3] =	stream.indirect.scatter.add.f32 [tilespmem:s10], [sflag:$0x1], $0x1, s24, s31, $0xb8;
	[tilespmem:$0x1BDA0] =	vst v63  }
0x24d: {  	s22 =	sadd.s32 $0x7400, s23;
	s24 =	sadd.s32 $0x3400, s23  }
0x24e: {  	[spmem:s1] =	stream.indirect.scatter.add.f32 [tilespmem:s22], [sflag:$0x1], $0x1, s24, s31, $0xb8;
	[tilespmem:$0x1BDA0] =	vst v63  }
0x24f: {  	s10 =	sadd.s32 $0x9400, s23  }
0x250: {  	[spmem:s3] =	stream.indirect.scatter.add.f32 [tilespmem:s10], [sflag:$0x1], $0x1, s24, s31, $0xb8;
	[tilespmem:$0x1BDA0] =	vst v63  }
0x251: {  	s22 =	sadd.s32 $0x7480, s23;
	s24 =	sadd.s32 $0x3480, s23  }
0x252: {  	[spmem:s1] =	stream.indirect.scatter.add.f32 [tilespmem:s22], [sflag:$0x1], $0x1, s24, s31, $0xb8;
	[tilespmem:$0x1BDA0] =	vst v63  }
0x253: {  	s10 =	sadd.s32 $0x9480, s23  }
0x254: {  	[spmem:s3] =	stream.indirect.scatter.add.f32 [tilespmem:s10], [sflag:$0x1], $0x1, s24, s31, $0xb8;
	[tilespmem:$0x1BDA0] =	vst v63  }
0x255: {  	s22 =	sadd.s32 $0x7500, s23;
	s24 =	sadd.s32 $0x3500, s23  }
0x256: {  	[spmem:s1] =	stream.indirect.scatter.add.f32 [tilespmem:s22], [sflag:$0x1], $0x1, s24, s31, $0xb8;
	[tilespmem:$0x1BDA0] =	vst v63  }
0x257: {  	s10 =	sadd.s32 $0x9500, s23  }
0x258: {  	[spmem:s3] =	stream.indirect.scatter.add.f32 [tilespmem:s10], [sflag:$0x1], $0x1, s24, s31, $0xb8;
	[tilespmem:$0x1BDA0] =	vst v63  }
0x259: {  	s22 =	sadd.s32 $0x7580, s23;
	s24 =	sadd.s32 $0x3580, s23  }
0x25a: {  	[spmem:s1] =	stream.indirect.scatter.add.f32 [tilespmem:s22], [sflag:$0x1], $0x1, s24, s31, $0xb8;
	[tilespmem:$0x1BDA0] =	vst v63  }
0x25b: {  	s10 =	sadd.s32 $0x9580, s23  }
0x25c: {  	[spmem:s3] =	stream.indirect.scatter.add.f32 [tilespmem:s10], [sflag:$0x1], $0x1, s24, s31, $0xb8;
	[tilespmem:$0x1BDA0] =	vst v63  }
0x25d: {  	s22 =	sadd.s32 $0x7600, s23;
	s24 =	sadd.s32 $0x3600, s23  }
0x25e: {  	[spmem:s1] =	stream.indirect.scatter.add.f32 [tilespmem:s22], [sflag:$0x1], $0x1, s24, s31, $0xb8;
	[tilespmem:$0x1BDA0] =	vst v63  }
0x25f: {  	s10 =	sadd.s32 $0x9600, s23  }
0x260: {  	[spmem:s3] =	stream.indirect.scatter.add.f32 [tilespmem:s10], [sflag:$0x1], $0x1, s24, s31, $0xb8;
	[tilespmem:$0x1BDA0] =	vst v63  }
0x261: {  	s22 =	sadd.s32 $0x7680, s23;
	s24 =	sadd.s32 $0x3680, s23  }
0x262: {  	[spmem:s1] =	stream.indirect.scatter.add.f32 [tilespmem:s22], [sflag:$0x1], $0x1, s24, s31, $0xb8;
	[tilespmem:$0x1BDA0] =	vst v63  }
0x263: {  	s10 =	sadd.s32 $0x9680, s23  }
0x264: {  	[spmem:s3] =	stream.indirect.scatter.add.f32 [tilespmem:s10], [sflag:$0x1], $0x1, s24, s31, $0xb8;
	[tilespmem:$0x1BDA0] =	vst v63  }
0x265: {  	s22 =	sadd.s32 $0x7700, s23;
	s24 =	sadd.s32 $0x3700, s23  }
0x266: {  	[spmem:s1] =	stream.indirect.scatter.add.f32 [tilespmem:s22], [sflag:$0x1], $0x1, s24, s31, $0xb8;
	[tilespmem:$0x1BDA0] =	vst v63  }
0x267: {  	s10 =	sadd.s32 $0x9700, s23  }
0x268: {  	[spmem:s3] =	stream.indirect.scatter.add.f32 [tilespmem:s10], [sflag:$0x1], $0x1, s24, s31, $0xb8;
	[tilespmem:$0x1BDA0] =	vst v63  }
0x269: {  	s22 =	sadd.s32 $0x7780, s23;
	s24 =	sadd.s32 $0x3780, s23  }
0x26a: {  	[spmem:s1] =	stream.indirect.scatter.add.f32 [tilespmem:s22], [sflag:$0x1], $0x1, s24, s31, $0xb8;
	[tilespmem:$0x1BDA0] =	vst v63  }
0x26b: {  	s10 =	sadd.s32 $0x9780, s23  }
0x26c: {  	[spmem:s3] =	stream.indirect.scatter.add.f32 [tilespmem:s10], [sflag:$0x1], $0x1, s24, s31, $0xb8;
	[tilespmem:$0x1BDA0] =	vst v63  }
0x26d: {  	_ =	swait.ge [sflag:s2], $0x80  }
0x26e: {  	[sflag:s2] =	ssyncset.done $0x0  }
0x26f: {  	[sflag:s2] =	ssyncadd.s32 $0xFFFFFF80  }
0x270: {  	_ =	swait.ge [sflag:s2], $0x80  }
0x271: {  	[sflag:s2] =	ssyncset.done $0x0  }
0x272: {  	[sflag:s2] =	ssyncadd.s32 $0xFFFFFF80  }
0x273: {  	_ =	swait.ge [sflag:s2], $0x80  }
0x274: {  	[sflag:s2] =	ssyncset.done $0x0  }
0x275: {  	[sflag:s2] =	ssyncadd.s32 $0xFFFFFF80  }
0x276: {  	_ =	swait.ge [sflag:s2], $0x80  }
0x277: {  	[sflag:s2] =	ssyncset.done $0x0  }
0x278: {  	[sflag:s2] =	ssyncadd.s32 $0xFFFFFF80  }
0x279: {  	_ =	swait.ge [sflag:s2], $0x80  }
0x27a: {  	[sflag:s2] =	ssyncset.done $0x0  }
0x27b: {  	[sflag:s2] =	ssyncadd.s32 $0xFFFFFF80  }
0x27c: {  	_ =	swait.ge [sflag:s2], $0x80  }
0x27d: {  	[sflag:s2] =	ssyncset.done $0x0  }
0x27e: {  	[sflag:s2] =	ssyncadd.s32 $0xFFFFFF80  }
0x27f: {  	_ =	swait.ge [sflag:s2], $0x80  }
0x280: {  	[sflag:s2] =	ssyncset.done $0x0  }
0x281: {  	[sflag:s2] =	ssyncadd.s32 $0xFFFFFF80  }
0x282: {  	_ =	swait.ge [sflag:s2], $0x80  }
0x283: {  	[sflag:s2] =	ssyncset.done $0x0  }
0x284: {  	[sflag:s2] =	ssyncadd.s32 $0xFFFFFF80  }
0x285: {  	_ =	swait.ge [sflag:s2], $0x80  }
0x286: {  	[sflag:s2] =	ssyncset.done $0x0  }
0x287: {  	[sflag:s2] =	ssyncadd.s32 $0xFFFFFF80  }
0x288: {  	_ =	swait.ge [sflag:s2], $0x80  }
0x289: {  	[sflag:s2] =	ssyncset.done $0x0  }
0x28a: {  	[sflag:s2] =	ssyncadd.s32 $0xFFFFFF80  }
0x28b: {  	_ =	swait.ge [sflag:s2], $0x80  }
0x28c: {  	[sflag:s2] =	ssyncset.done $0x0  }
0x28d: {  	[sflag:s2] =	ssyncadd.s32 $0xFFFFFF80  }
0x28e: {  	_ =	swait.ge [sflag:s2], $0x80  }
0x28f: {  	[sflag:s2] =	ssyncset.done $0x0  }
0x290: {  	[sflag:s2] =	ssyncadd.s32 $0xFFFFFF80  }
0x291: {  	_ =	swait.ge [sflag:s2], $0x80  }
0x292: {  	[sflag:s2] =	ssyncset.done $0x0  }
0x293: {  	[sflag:s2] =	ssyncadd.s32 $0xFFFFFF80  }
0x294: {  	_ =	swait.ge [sflag:s2], $0x80  }
0x295: {  	[sflag:s2] =	ssyncset.done $0x0  }
0x296: {  	[sflag:s2] =	ssyncadd.s32 $0xFFFFFF80  }
0x297: {  	_ =	swait.ge [sflag:s2], $0x80  }
0x298: {  	[sflag:s2] =	ssyncset.done $0x0  }
0x299: {  	[sflag:s2] =	ssyncadd.s32 $0xFFFFFF80  }
0x29a: {  	_ =	swait.ge [sflag:s2], $0x80  }
0x29b: {  	[sflag:s2] =	ssyncset.done $0x0  }
0x29c: {  	[sflag:s2] =	ssyncadd.s32 $0xFFFFFF80  }
0x29d: {  	_ =	swait.ge [sflag:s2], $0x80  }
0x29e: {  	[sflag:s2] =	ssyncset.done $0x0  }
0x29f: {  	[sflag:s2] =	ssyncadd.s32 $0xFFFFFF80  }
0x2a0: {  	_ =	swait.ge [sflag:s2], $0x80  }
0x2a1: {  	[sflag:s2] =	ssyncset.done $0x0  }
0x2a2: {  	[sflag:s2] =	ssyncadd.s32 $0xFFFFFF80  }
0x2a3: {  	_ =	swait.ge [sflag:s2], $0x80  }
0x2a4: {  	[sflag:s2] =	ssyncset.done $0x0  }
0x2a5: {  	[sflag:s2] =	ssyncadd.s32 $0xFFFFFF80  }
0x2a6: {  	_ =	swait.ge [sflag:s2], $0x80  }
0x2a7: {  	[sflag:s2] =	ssyncset.done $0x0  }
0x2a8: {  	[sflag:s2] =	ssyncadd.s32 $0xFFFFFF80  }
0x2a9: {  	_ =	swait.ge [sflag:s2], $0x80  }
0x2aa: {  	[sflag:s2] =	ssyncset.done $0x0  }
0x2ab: {  	[sflag:s2] =	ssyncadd.s32 $0xFFFFFF80  }
0x2ac: {  	_ =	swait.ge [sflag:s2], $0x80  }
0x2ad: {  	[sflag:s2] =	ssyncset.done $0x0  }
0x2ae: {  	[sflag:s2] =	ssyncadd.s32 $0xFFFFFF80  }
0x2af: {  	_ =	swait.ge [sflag:s2], $0x80  }
0x2b0: {  	[sflag:s2] =	ssyncset.done $0x0  }
0x2b1: {  	[sflag:s2] =	ssyncadd.s32 $0xFFFFFF80  }
0x2b2: {  	_ =	swait.ge [sflag:s2], $0x80  }
0x2b3: {  	[sflag:s2] =	ssyncset.done $0x0  }
0x2b4: {  	[sflag:s2] =	ssyncadd.s32 $0xFFFFFF80  }
0x2b5: {  	_ =	swait.ge [sflag:s2], $0x80  }
0x2b6: {  	[sflag:s2] =	ssyncset.done $0x0  }
0x2b7: {  	[sflag:s2] =	ssyncadd.s32 $0xFFFFFF80  }
0x2b8: {  	_ =	swait.ge [sflag:s2], $0x80  }
0x2b9: {  	[sflag:s2] =	ssyncset.done $0x0  }
0x2ba: {  	[sflag:s2] =	ssyncadd.s32 $0xFFFFFF80  }
0x2bb: {  	_ =	swait.ge [sflag:s2], $0x80  }
0x2bc: {  	[sflag:s2] =	ssyncset.done $0x0  }
0x2bd: {  	[sflag:s2] =	ssyncadd.s32 $0xFFFFFF80  }
0x2be: {  	_ =	swait.ge [sflag:s2], $0x80  }
0x2bf: {  	[sflag:s2] =	ssyncset.done $0x0  }
0x2c0: {  	[sflag:s2] =	ssyncadd.s32 $0xFFFFFF80  }
0x2c1: {  	_ =	swait.ge [sflag:s2], $0x80  }
0x2c2: {  	[sflag:s2] =	ssyncset.done $0x0  }
0x2c3: {  	[sflag:s2] =	ssyncadd.s32 $0xFFFFFF80  }
0x2c4: {  	_ =	swait.ge [sflag:s2], $0x80  }
0x2c5: {  	[sflag:s2] =	ssyncset.done $0x0  }
0x2c6: {  	[sflag:s2] =	ssyncadd.s32 $0xFFFFFF80  }
0x2c7: {  	_ =	swait.ge [sflag:s2], $0x80  }
0x2c8: {  	[sflag:s2] =	ssyncset.done $0x0  }
0x2c9: {  	[sflag:s2] =	ssyncadd.s32 $0xFFFFFF80  }
0x2ca: {  	_ =	swait.ge [sflag:s2], $0x80  }
0x2cb: {  	[sflag:s2] =	ssyncset.done $0x0  }
0x2cc: {  	[sflag:s2] =	ssyncadd.s32 $0xFFFFFF80  }
0x2cd: {  	s23 =	simm.s32 $0x3000;
	s22 =	simm.s32 $0xB000;
	[bflag:$0x0] =	sbarrier.arrive $0xFFFF  }
0x2ce: {  	[tilespmem:s22], [sflag:$0x1] =	stream.indirect.gather [spmem:s1], $0x1, s23, s31, $0xb8;
	[tilespmem:$0x1BDA0] =	vst v63  }
0x2cf: {  	s24 =	simm.s32 $0xD000  }
0x2d0: {  	[tilespmem:s24], [sflag:$0x1] =	stream.indirect.gather [spmem:s3], $0x1, s23, s31, $0xb8;
	[tilespmem:$0x1BDA0] =	vst v63  }
0x2d1: {  	s9 =	simm.s32 $0xB080;
	s10 =	simm.s32 $0x3080  }
0x2d2: {  	[tilespmem:s9], [sflag:$0x1] =	stream.indirect.gather [spmem:s1], $0x1, s10, s31, $0xb8;
	[tilespmem:$0x1BDA0] =	vst v63  }
0x2d3: {  	s22 =	simm.s32 $0xD080  }
0x2d4: {  	[tilespmem:s22], [sflag:$0x1] =	stream.indirect.gather [spmem:s3], $0x1, s10, s31, $0xb8;
	[tilespmem:$0x1BDA0] =	vst v63  }
0x2d5: {  	s23 =	simm.s32 $0xB100;
	s24 =	simm.s32 $0x3100  }
0x2d6: {  	[tilespmem:s23], [sflag:$0x1] =	stream.indirect.gather [spmem:s1], $0x1, s24, s31, $0xb8;
	[tilespmem:$0x1BDA0] =	vst v63  }
0x2d7: {  	s10 =	simm.s32 $0xD100  }
0x2d8: {  	[tilespmem:s10], [sflag:$0x1] =	stream.indirect.gather [spmem:s3], $0x1, s24, s31, $0xb8;
	[tilespmem:$0x1BDA0] =	vst v63  }
0x2d9: {  	s22 =	simm.s32 $0xB180;
	s23 =	simm.s32 $0x3180  }
0x2da: {  	[tilespmem:s22], [sflag:$0x1] =	stream.indirect.gather [spmem:s1], $0x1, s23, s31, $0xb8;
	[tilespmem:$0x1BDA0] =	vst v63  }
0x2db: {  	s24 =	simm.s32 $0xD180  }
0x2dc: {  	[tilespmem:s24], [sflag:$0x1] =	stream.indirect.gather [spmem:s3], $0x1, s23, s31, $0xb8;
	[tilespmem:$0x1BDA0] =	vst v63  }
0x2dd: {  	s9 =	simm.s32 $0xB200;
	s10 =	simm.s32 $0x3200  }
0x2de: {  	[tilespmem:s9], [sflag:$0x1] =	stream.indirect.gather [spmem:s1], $0x1, s10, s31, $0xb8;
	[tilespmem:$0x1BDA0] =	vst v63  }
0x2df: {  	s22 =	simm.s32 $0xD200  }
0x2e0: {  	[tilespmem:s22], [sflag:$0x1] =	stream.indirect.gather [spmem:s3], $0x1, s10, s31, $0xb8;
	[tilespmem:$0x1BDA0] =	vst v63  }
0x2e1: {  	s23 =	simm.s32 $0xB280;
	s24 =	simm.s32 $0x3280  }
0x2e2: {  	[tilespmem:s23], [sflag:$0x1] =	stream.indirect.gather [spmem:s1], $0x1, s24, s31, $0xb8;
	[tilespmem:$0x1BDA0] =	vst v63  }
0x2e3: {  	s10 =	simm.s32 $0xD280  }
0x2e4: {  	[tilespmem:s10], [sflag:$0x1] =	stream.indirect.gather [spmem:s3], $0x1, s24, s31, $0xb8;
	[tilespmem:$0x1BDA0] =	vst v63  }
0x2e5: {  	s22 =	simm.s32 $0xB300;
	s23 =	simm.s32 $0x3300  }
0x2e6: {  	[tilespmem:s22], [sflag:$0x1] =	stream.indirect.gather [spmem:s1], $0x1, s23, s31, $0xb8;
	[tilespmem:$0x1BDA0] =	vst v63  }
0x2e7: {  	s24 =	simm.s32 $0xD300  }
0x2e8: {  	[tilespmem:s24], [sflag:$0x1] =	stream.indirect.gather [spmem:s3], $0x1, s23, s31, $0xb8;
	[tilespmem:$0x1BDA0] =	vst v63  }
0x2e9: {  	s9 =	simm.s32 $0xB380;
	s10 =	simm.s32 $0x3380  }
0x2ea: {  	[tilespmem:s9], [sflag:$0x1] =	stream.indirect.gather [spmem:s1], $0x1, s10, s31, $0xb8;
	[tilespmem:$0x1BDA0] =	vst v63  }
0x2eb: {  	s22 =	simm.s32 $0xD380  }
0x2ec: {  	[tilespmem:s22], [sflag:$0x1] =	stream.indirect.gather [spmem:s3], $0x1, s10, s31, $0xb8;
	[tilespmem:$0x1BDA0] =	vst v63  }
0x2ed: {  	s23 =	simm.s32 $0xB400;
	s24 =	simm.s32 $0x3400  }
0x2ee: {  	[tilespmem:s23], [sflag:$0x1] =	stream.indirect.gather [spmem:s1], $0x1, s24, s31, $0xb8;
	[tilespmem:$0x1BDA0] =	vst v63  }
0x2ef: {  	s10 =	simm.s32 $0xD400  }
0x2f0: {  	[tilespmem:s10], [sflag:$0x1] =	stream.indirect.gather [spmem:s3], $0x1, s24, s31, $0xb8;
	[tilespmem:$0x1BDA0] =	vst v63  }
0x2f1: {  	s22 =	simm.s32 $0xB480;
	s23 =	simm.s32 $0x3480  }
0x2f2: {  	[tilespmem:s22], [sflag:$0x1] =	stream.indirect.gather [spmem:s1], $0x1, s23, s31, $0xb8;
	[tilespmem:$0x1BDA0] =	vst v63  }
0x2f3: {  	s24 =	simm.s32 $0xD480  }
0x2f4: {  	[tilespmem:s24], [sflag:$0x1] =	stream.indirect.gather [spmem:s3], $0x1, s23, s31, $0xb8;
	[tilespmem:$0x1BDA0] =	vst v63  }
0x2f5: {  	s9 =	simm.s32 $0xB500;
	s10 =	simm.s32 $0x3500  }
0x2f6: {  	[tilespmem:s9], [sflag:$0x1] =	stream.indirect.gather [spmem:s1], $0x1, s10, s31, $0xb8;
	[tilespmem:$0x1BDA0] =	vst v63  }
0x2f7: {  	s22 =	simm.s32 $0xD500  }
0x2f8: {  	[tilespmem:s22], [sflag:$0x1] =	stream.indirect.gather [spmem:s3], $0x1, s10, s31, $0xb8;
	[tilespmem:$0x1BDA0] =	vst v63  }
0x2f9: {  	s23 =	simm.s32 $0xB580;
	s24 =	simm.s32 $0x3580  }
0x2fa: {  	[tilespmem:s23], [sflag:$0x1] =	stream.indirect.gather [spmem:s1], $0x1, s24, s31, $0xb8;
	[tilespmem:$0x1BDA0] =	vst v63  }
0x2fb: {  	s10 =	simm.s32 $0xD580  }
0x2fc: {  	[tilespmem:s10], [sflag:$0x1] =	stream.indirect.gather [spmem:s3], $0x1, s24, s31, $0xb8;
	[tilespmem:$0x1BDA0] =	vst v63  }
0x2fd: {  	s22 =	simm.s32 $0xB600;
	s23 =	simm.s32 $0x3600  }
0x2fe: {  	[tilespmem:s22], [sflag:$0x1] =	stream.indirect.gather [spmem:s1], $0x1, s23, s31, $0xb8;
	[tilespmem:$0x1BDA0] =	vst v63  }
0x2ff: {  	s24 =	simm.s32 $0xD600  }
0x300: {  	[tilespmem:s24], [sflag:$0x1] =	stream.indirect.gather [spmem:s3], $0x1, s23, s31, $0xb8;
	[tilespmem:$0x1BDA0] =	vst v63  }
0x301: {  	s9 =	simm.s32 $0xB680;
	s10 =	simm.s32 $0x3680  }
0x302: {  	[tilespmem:s9], [sflag:$0x1] =	stream.indirect.gather [spmem:s1], $0x1, s10, s31, $0xb8;
	[tilespmem:$0x1BDA0] =	vst v63  }
0x303: {  	s22 =	simm.s32 $0xD680  }
0x304: {  	[tilespmem:s22], [sflag:$0x1] =	stream.indirect.gather [spmem:s3], $0x1, s10, s31, $0xb8;
	[tilespmem:$0x1BDA0] =	vst v63  }
0x305: {  	s23 =	simm.s32 $0xB700;
	s24 =	simm.s32 $0x3700  }
0x306: {  	[tilespmem:s23], [sflag:$0x1] =	stream.indirect.gather [spmem:s1], $0x1, s24, s31, $0xb8;
	[tilespmem:$0x1BDA0] =	vst v63  }
0x307: {  	s10 =	simm.s32 $0xD700  }
0x308: {  	[tilespmem:s10], [sflag:$0x1] =	stream.indirect.gather [spmem:s3], $0x1, s24, s31, $0xb8;
	[tilespmem:$0x1BDA0] =	vst v63  }
0x309: {  	s22 =	simm.s32 $0xB780;
	s23 =	simm.s32 $0x3780  }
0x30a: {  	[tilespmem:s22], [sflag:$0x1] =	stream.indirect.gather [spmem:s1], $0x1, s23, s31, $0xb8;
	[tilespmem:$0x1BDA0] =	vst v63  }
0x30b: {  	s24 =	simm.s32 $0xD780  }
0x30c: {  	[tilespmem:s24], [sflag:$0x1] =	stream.indirect.gather [spmem:s3], $0x1, s23, s31, $0xb8;
	[tilespmem:$0x1BDA0] =	vst v63  }
0x30d: {  	_ =	swait.ge [sflag:s2], $0x80  }
0x30e: {  	[sflag:s2] =	ssyncset.done $0x0  }
0x30f: {  	[sflag:s2] =	ssyncadd.s32 $0xFFFFFF80  }
0x310: {  	_ =	swait.ge [sflag:s2], $0x80  }
0x311: {  	[sflag:s2] =	ssyncset.done $0x0  }
0x312: {  	[sflag:s2] =	ssyncadd.s32 $0xFFFFFF80  }
0x313: {  	_ =	swait.ge [sflag:s2], $0x80  }
0x314: {  	[sflag:s2] =	ssyncset.done $0x0  }
0x315: {  	[sflag:s2] =	ssyncadd.s32 $0xFFFFFF80  }
0x316: {  	_ =	swait.ge [sflag:s2], $0x80  }
0x317: {  	[sflag:s2] =	ssyncset.done $0x0  }
0x318: {  	[sflag:s2] =	ssyncadd.s32 $0xFFFFFF80  }
0x319: {  	_ =	swait.ge [sflag:s2], $0x80  }
0x31a: {  	[sflag:s2] =	ssyncset.done $0x0  }
0x31b: {  	[sflag:s2] =	ssyncadd.s32 $0xFFFFFF80  }
0x31c: {  	_ =	swait.ge [sflag:s2], $0x80  }
0x31d: {  	[sflag:s2] =	ssyncset.done $0x0  }
0x31e: {  	[sflag:s2] =	ssyncadd.s32 $0xFFFFFF80  }
0x31f: {  	_ =	swait.ge [sflag:s2], $0x80  }
0x320: {  	[sflag:s2] =	ssyncset.done $0x0  }
0x321: {  	[sflag:s2] =	ssyncadd.s32 $0xFFFFFF80  }
0x322: {  	_ =	swait.ge [sflag:s2], $0x80  }
0x323: {  	[sflag:s2] =	ssyncset.done $0x0  }
0x324: {  	[sflag:s2] =	ssyncadd.s32 $0xFFFFFF80  }
0x325: {  	_ =	swait.ge [sflag:s2], $0x80  }
0x326: {  	[sflag:s2] =	ssyncset.done $0x0  }
0x327: {  	[sflag:s2] =	ssyncadd.s32 $0xFFFFFF80  }
0x328: {  	_ =	swait.ge [sflag:s2], $0x80  }
0x329: {  	[sflag:s2] =	ssyncset.done $0x0  }
0x32a: {  	[sflag:s2] =	ssyncadd.s32 $0xFFFFFF80  }
0x32b: {  	_ =	swait.ge [sflag:s2], $0x80  }
0x32c: {  	[sflag:s2] =	ssyncset.done $0x0  }
0x32d: {  	[sflag:s2] =	ssyncadd.s32 $0xFFFFFF80  }
0x32e: {  	_ =	swait.ge [sflag:s2], $0x80  }
0x32f: {  	[sflag:s2] =	ssyncset.done $0x0  }
0x330: {  	[sflag:s2] =	ssyncadd.s32 $0xFFFFFF80  }
0x331: {  	_ =	swait.ge [sflag:s2], $0x80  }
0x332: {  	[sflag:s2] =	ssyncset.done $0x0  }
0x333: {  	[sflag:s2] =	ssyncadd.s32 $0xFFFFFF80  }
0x334: {  	_ =	swait.ge [sflag:s2], $0x80  }
0x335: {  	[sflag:s2] =	ssyncset.done $0x0  }
0x336: {  	[sflag:s2] =	ssyncadd.s32 $0xFFFFFF80  }
0x337: {  	_ =	swait.ge [sflag:s2], $0x80  }
0x338: {  	[sflag:s2] =	ssyncset.done $0x0  }
0x339: {  	[sflag:s2] =	ssyncadd.s32 $0xFFFFFF80  }
0x33a: {  	_ =	swait.ge [sflag:s2], $0x80  }
0x33b: {  	[sflag:s2] =	ssyncset.done $0x0  }
0x33c: {  	[sflag:s2] =	ssyncadd.s32 $0xFFFFFF80  }
0x33d: {  	_ =	swait.ge [sflag:s2], $0x80  }
0x33e: {  	[sflag:s2] =	ssyncset.done $0x0  }
0x33f: {  	[sflag:s2] =	ssyncadd.s32 $0xFFFFFF80  }
0x340: {  	_ =	swait.ge [sflag:s2], $0x80  }
0x341: {  	[sflag:s2] =	ssyncset.done $0x0  }
0x342: {  	[sflag:s2] =	ssyncadd.s32 $0xFFFFFF80  }
0x343: {  	_ =	swait.ge [sflag:s2], $0x80  }
0x344: {  	[sflag:s2] =	ssyncset.done $0x0  }
0x345: {  	[sflag:s2] =	ssyncadd.s32 $0xFFFFFF80  }
0x346: {  	_ =	swait.ge [sflag:s2], $0x80  }
0x347: {  	[sflag:s2] =	ssyncset.done $0x0  }
0x348: {  	[sflag:s2] =	ssyncadd.s32 $0xFFFFFF80  }
0x349: {  	_ =	swait.ge [sflag:s2], $0x80  }
0x34a: {  	[sflag:s2] =	ssyncset.done $0x0  }
0x34b: {  	[sflag:s2] =	ssyncadd.s32 $0xFFFFFF80  }
0x34c: {  	_ =	swait.ge [sflag:s2], $0x80  }
0x34d: {  	[sflag:s2] =	ssyncset.done $0x0  }
0x34e: {  	[sflag:s2] =	ssyncadd.s32 $0xFFFFFF80  }
0x34f: {  	_ =	swait.ge [sflag:s2], $0x80  }
0x350: {  	[sflag:s2] =	ssyncset.done $0x0  }
0x351: {  	[sflag:s2] =	ssyncadd.s32 $0xFFFFFF80  }
0x352: {  	_ =	swait.ge [sflag:s2], $0x80  }
0x353: {  	[sflag:s2] =	ssyncset.done $0x0  }
0x354: {  	[sflag:s2] =	ssyncadd.s32 $0xFFFFFF80  }
0x355: {  	_ =	swait.ge [sflag:s2], $0x80  }
0x356: {  	[sflag:s2] =	ssyncset.done $0x0  }
0x357: {  	[sflag:s2] =	ssyncadd.s32 $0xFFFFFF80  }
0x358: {  	_ =	swait.ge [sflag:s2], $0x80  }
0x359: {  	[sflag:s2] =	ssyncset.done $0x0  }
0x35a: {  	[sflag:s2] =	ssyncadd.s32 $0xFFFFFF80  }
0x35b: {  	_ =	swait.ge [sflag:s2], $0x80  }
0x35c: {  	[sflag:s2] =	ssyncset.done $0x0  }
0x35d: {  	[sflag:s2] =	ssyncadd.s32 $0xFFFFFF80  }
0x35e: {  	_ =	swait.ge [sflag:s2], $0x80  }
0x35f: {  	[sflag:s2] =	ssyncset.done $0x0  }
0x360: {  	[sflag:s2] =	ssyncadd.s32 $0xFFFFFF80  }
0x361: {  	_ =	swait.ge [sflag:s2], $0x80  }
0x362: {  	[sflag:s2] =	ssyncset.done $0x0  }
0x363: {  	[sflag:s2] =	ssyncadd.s32 $0xFFFFFF80  }
0x364: {  	_ =	swait.ge [sflag:s2], $0x80  }
0x365: {  	[sflag:s2] =	ssyncset.done $0x0  }
0x366: {  	[sflag:s2] =	ssyncadd.s32 $0xFFFFFF80  }
0x367: {  	_ =	swait.ge [sflag:s2], $0x80  }
0x368: {  	[sflag:s2] =	ssyncset.done $0x0  }
0x369: {  	[sflag:s2] =	ssyncadd.s32 $0xFFFFFF80  }
0x36a: {  	_ =	swait.ge [sflag:s2], $0x80  }
0x36b: {  	s0 =	simm.s32 $0x4000;
	s23 =	simm.s32 $0x800;
	[sflag:s2] =	ssyncset.done $0x0  }
.LBB2_10:
0x36c: {  	s9 =	sadd.s32 $0xB000, s23  }
0x36d: {  	s24 =	sadd.s32 $0x3000, s23;
	[sflag:s2] =	ssyncadd.s32 $0xFFFFFF80;
	s22 =	smov.u32 s0  }
0x36e: {  	[tilespmem:s9], [sflag:$0x1] =	stream.indirect.gather [spmem:s1], $0x1, s24, s31, $0xb8;
	[tilespmem:$0x1BDA0] =	vst v63  }
0x36f: {  	p1 =	sne.s32 s0, $0x6000;
	s0 =	sadd.s32 $0x2000, s0;
	s9 =	sadd.s32 $0xD000, s23  }
0x370: {  	[tilespmem:s9], [sflag:$0x1] =	stream.indirect.gather [spmem:s3], $0x1, s24, s31, $0xb8;
	[tilespmem:$0x1BDA0] =	vst v63  }
0x371: {  	s9 =	sadd.s32 $0xB080, s23;
	s24 =	sadd.s32 $0x3080, s23  }
0x372: {  	[tilespmem:s9], [sflag:$0x1] =	stream.indirect.gather [spmem:s1], $0x1, s24, s31, $0xb8;
	[tilespmem:$0x1BDA0] =	vst v63  }
0x373: {  	s9 =	sadd.s32 $0xD080, s23  }
0x374: {  	[tilespmem:s9], [sflag:$0x1] =	stream.indirect.gather [spmem:s3], $0x1, s24, s31, $0xb8;
	[tilespmem:$0x1BDA0] =	vst v63  }
0x375: {  	s9 =	sadd.s32 $0xB100, s23;
	s24 =	sadd.s32 $0x3100, s23  }
0x376: {  	[tilespmem:s9], [sflag:$0x1] =	stream.indirect.gather [spmem:s1], $0x1, s24, s31, $0xb8;
	[tilespmem:$0x1BDA0] =	vst v63  }
0x377: {  	s9 =	sadd.s32 $0xD100, s23  }
0x378: {  	[tilespmem:s9], [sflag:$0x1] =	stream.indirect.gather [spmem:s3], $0x1, s24, s31, $0xb8;
	[tilespmem:$0x1BDA0] =	vst v63  }
0x379: {  	s9 =	sadd.s32 $0xB180, s23;
	s24 =	sadd.s32 $0x3180, s23  }
0x37a: {  	[tilespmem:s9], [sflag:$0x1] =	stream.indirect.gather [spmem:s1], $0x1, s24, s31, $0xb8;
	[tilespmem:$0x1BDA0] =	vst v63  }
0x37b: {  	s9 =	sadd.s32 $0xD180, s23  }
0x37c: {  	[tilespmem:s9], [sflag:$0x1] =	stream.indirect.gather [spmem:s3], $0x1, s24, s31, $0xb8;
	[tilespmem:$0x1BDA0] =	vst v63  }
0x37d: {  	s9 =	sadd.s32 $0xB200, s23;
	s24 =	sadd.s32 $0x3200, s23  }
0x37e: {  	[tilespmem:s9], [sflag:$0x1] =	stream.indirect.gather [spmem:s1], $0x1, s24, s31, $0xb8;
	[tilespmem:$0x1BDA0] =	vst v63  }
0x37f: {  	s9 =	sadd.s32 $0xD200, s23  }
0x380: {  	[tilespmem:s9], [sflag:$0x1] =	stream.indirect.gather [spmem:s3], $0x1, s24, s31, $0xb8;
	[tilespmem:$0x1BDA0] =	vst v63  }
0x381: {  	s9 =	sadd.s32 $0xB280, s23;
	s24 =	sadd.s32 $0x3280, s23  }
0x382: {  	[tilespmem:s9], [sflag:$0x1] =	stream.indirect.gather [spmem:s1], $0x1, s24, s31, $0xb8;
	[tilespmem:$0x1BDA0] =	vst v63  }
0x383: {  	s9 =	sadd.s32 $0xD280, s23  }
0x384: {  	[tilespmem:s9], [sflag:$0x1] =	stream.indirect.gather [spmem:s3], $0x1, s24, s31, $0xb8;
	[tilespmem:$0x1BDA0] =	vst v63  }
0x385: {  	s9 =	sadd.s32 $0xB300, s23;
	s24 =	sadd.s32 $0x3300, s23  }
0x386: {  	[tilespmem:s9], [sflag:$0x1] =	stream.indirect.gather [spmem:s1], $0x1, s24, s31, $0xb8;
	[tilespmem:$0x1BDA0] =	vst v63  }
0x387: {  	s9 =	sadd.s32 $0xD300, s23  }
0x388: {  	[tilespmem:s9], [sflag:$0x1] =	stream.indirect.gather [spmem:s3], $0x1, s24, s31, $0xb8;
	[tilespmem:$0x1BDA0] =	vst v63  }
0x389: {  	s9 =	sadd.s32 $0xB380, s23;
	s24 =	sadd.s32 $0x3380, s23  }
0x38a: {  	[tilespmem:s9], [sflag:$0x1] =	stream.indirect.gather [spmem:s1], $0x1, s24, s31, $0xb8;
	[tilespmem:$0x1BDA0] =	vst v63  }
0x38b: {  	s9 =	sadd.s32 $0xD380, s23  }
0x38c: {  	[tilespmem:s9], [sflag:$0x1] =	stream.indirect.gather [spmem:s3], $0x1, s24, s31, $0xb8;
	[tilespmem:$0x1BDA0] =	vst v63  }
0x38d: {  	s9 =	sadd.s32 $0xB400, s23;
	s24 =	sadd.s32 $0x3400, s23  }
0x38e: {  	[tilespmem:s9], [sflag:$0x1] =	stream.indirect.gather [spmem:s1], $0x1, s24, s31, $0xb8;
	[tilespmem:$0x1BDA0] =	vst v63  }
0x38f: {  	s9 =	sadd.s32 $0xD400, s23  }
0x390: {  	[tilespmem:s9], [sflag:$0x1] =	stream.indirect.gather [spmem:s3], $0x1, s24, s31, $0xb8;
	[tilespmem:$0x1BDA0] =	vst v63  }
0x391: {  	s9 =	sadd.s32 $0xB480, s23;
	s24 =	sadd.s32 $0x3480, s23  }
0x392: {  	[tilespmem:s9], [sflag:$0x1] =	stream.indirect.gather [spmem:s1], $0x1, s24, s31, $0xb8;
	[tilespmem:$0x1BDA0] =	vst v63  }
0x393: {  	s9 =	sadd.s32 $0xD480, s23  }
0x394: {  	[tilespmem:s9], [sflag:$0x1] =	stream.indirect.gather [spmem:s3], $0x1, s24, s31, $0xb8;
	[tilespmem:$0x1BDA0] =	vst v63  }
0x395: {  	s9 =	sadd.s32 $0xB500, s23;
	s24 =	sadd.s32 $0x3500, s23  }
0x396: {  	[tilespmem:s9], [sflag:$0x1] =	stream.indirect.gather [spmem:s1], $0x1, s24, s31, $0xb8;
	[tilespmem:$0x1BDA0] =	vst v63  }
0x397: {  	s9 =	sadd.s32 $0xD500, s23  }
0x398: {  	[tilespmem:s9], [sflag:$0x1] =	stream.indirect.gather [spmem:s3], $0x1, s24, s31, $0xb8;
	[tilespmem:$0x1BDA0] =	vst v63  }
0x399: {  	s9 =	sadd.s32 $0xB580, s23;
	s24 =	sadd.s32 $0x3580, s23  }
0x39a: {  	[tilespmem:s9], [sflag:$0x1] =	stream.indirect.gather [spmem:s1], $0x1, s24, s31, $0xb8;
	[tilespmem:$0x1BDA0] =	vst v63  }
0x39b: {  	s9 =	sadd.s32 $0xD580, s23  }
0x39c: {  	[tilespmem:s9], [sflag:$0x1] =	stream.indirect.gather [spmem:s3], $0x1, s24, s31, $0xb8;
	[tilespmem:$0x1BDA0] =	vst v63  }
0x39d: {  	s9 =	sadd.s32 $0xB600, s23;
	s24 =	sadd.s32 $0x3600, s23  }
0x39e: {  	[tilespmem:s9], [sflag:$0x1] =	stream.indirect.gather [spmem:s1], $0x1, s24, s31, $0xb8;
	[tilespmem:$0x1BDA0] =	vst v63  }
0x39f: {  	s9 =	sadd.s32 $0xD600, s23  }
0x3a0: {  	[tilespmem:s9], [sflag:$0x1] =	stream.indirect.gather [spmem:s3], $0x1, s24, s31, $0xb8;
	[tilespmem:$0x1BDA0] =	vst v63  }
0x3a1: {  	s9 =	sadd.s32 $0xB680, s23;
	s24 =	sadd.s32 $0x3680, s23  }
0x3a2: {  	[tilespmem:s9], [sflag:$0x1] =	stream.indirect.gather [spmem:s1], $0x1, s24, s31, $0xb8;
	[tilespmem:$0x1BDA0] =	vst v63  }
0x3a3: {  	s9 =	sadd.s32 $0xD680, s23  }
0x3a4: {  	[tilespmem:s9], [sflag:$0x1] =	stream.indirect.gather [spmem:s3], $0x1, s24, s31, $0xb8;
	[tilespmem:$0x1BDA0] =	vst v63  }
0x3a5: {  	s9 =	sadd.s32 $0xB700, s23;
	s24 =	sadd.s32 $0x3700, s23  }
0x3a6: {  	[tilespmem:s9], [sflag:$0x1] =	stream.indirect.gather [spmem:s1], $0x1, s24, s31, $0xb8;
	[tilespmem:$0x1BDA0] =	vst v63  }
0x3a7: {  	s9 =	sadd.s32 $0xD700, s23  }
0x3a8: {  	[tilespmem:s9], [sflag:$0x1] =	stream.indirect.gather [spmem:s3], $0x1, s24, s31, $0xb8;
	[tilespmem:$0x1BDA0] =	vst v63  }
0x3a9: {  	s9 =	sadd.s32 $0xB780, s23;
	s24 =	sadd.s32 $0x3780, s23  }
0x3aa: {  	[tilespmem:s9], [sflag:$0x1] =	stream.indirect.gather [spmem:s1], $0x1, s24, s31, $0xb8;
	[tilespmem:$0x1BDA0] =	vst v63  }
0x3ab: {  	s9 =	sadd.s32 $0xD780, s23  }
0x3ac: {  	[tilespmem:s9], [sflag:$0x1] =	stream.indirect.gather [spmem:s3], $0x1, s24, s31, $0xb8;
	[tilespmem:$0x1BDA0] =	vst v63  }
0x3ad: {  	_ =	swait.ge [sflag:s2], $0x80  }
0x3ae: {  	[sflag:s2] =	ssyncset.done $0x0  }
0x3af: {  	[sflag:s2] =	ssyncadd.s32 $0xFFFFFF80  }
0x3b0: {  	_ =	swait.ge [sflag:s2], $0x80  }
0x3b1: {  	[sflag:s2] =	ssyncset.done $0x0  }
0x3b2: {  	[sflag:s2] =	ssyncadd.s32 $0xFFFFFF80  }
0x3b3: {  	_ =	swait.ge [sflag:s2], $0x80  }
0x3b4: {  	[sflag:s2] =	ssyncset.done $0x0  }
0x3b5: {  	[sflag:s2] =	ssyncadd.s32 $0xFFFFFF80  }
0x3b6: {  	_ =	swait.ge [sflag:s2], $0x80  }
0x3b7: {  	[sflag:s2] =	ssyncset.done $0x0  }
0x3b8: {  	[sflag:s2] =	ssyncadd.s32 $0xFFFFFF80  }
0x3b9: {  	_ =	swait.ge [sflag:s2], $0x80  }
0x3ba: {  	[sflag:s2] =	ssyncset.done $0x0  }
0x3bb: {  	[sflag:s2] =	ssyncadd.s32 $0xFFFFFF80  }
0x3bc: {  	_ =	swait.ge [sflag:s2], $0x80  }
0x3bd: {  	[sflag:s2] =	ssyncset.done $0x0  }
0x3be: {  	[sflag:s2] =	ssyncadd.s32 $0xFFFFFF80  }
0x3bf: {  	_ =	swait.ge [sflag:s2], $0x80  }
0x3c0: {  	[sflag:s2] =	ssyncset.done $0x0  }
0x3c1: {  	[sflag:s2] =	ssyncadd.s32 $0xFFFFFF80  }
0x3c2: {  	_ =	swait.ge [sflag:s2], $0x80  }
0x3c3: {  	[sflag:s2] =	ssyncset.done $0x0  }
0x3c4: {  	[sflag:s2] =	ssyncadd.s32 $0xFFFFFF80  }
0x3c5: {  	_ =	swait.ge [sflag:s2], $0x80  }
0x3c6: {  	[sflag:s2] =	ssyncset.done $0x0  }
0x3c7: {  	[sflag:s2] =	ssyncadd.s32 $0xFFFFFF80  }
0x3c8: {  	_ =	swait.ge [sflag:s2], $0x80  }
0x3c9: {  	[sflag:s2] =	ssyncset.done $0x0  }
0x3ca: {  	[sflag:s2] =	ssyncadd.s32 $0xFFFFFF80  }
0x3cb: {  	_ =	swait.ge [sflag:s2], $0x80  }
0x3cc: {  	[sflag:s2] =	ssyncset.done $0x0  }
0x3cd: {  	[sflag:s2] =	ssyncadd.s32 $0xFFFFFF80  }
0x3ce: {  	_ =	swait.ge [sflag:s2], $0x80  }
0x3cf: {  	[sflag:s2] =	ssyncset.done $0x0  }
0x3d0: {  	[sflag:s2] =	ssyncadd.s32 $0xFFFFFF80  }
0x3d1: {  	_ =	swait.ge [sflag:s2], $0x80  }
0x3d2: {  	[sflag:s2] =	ssyncset.done $0x0  }
0x3d3: {  	[sflag:s2] =	ssyncadd.s32 $0xFFFFFF80  }
0x3d4: {  	_ =	swait.ge [sflag:s2], $0x80  }
0x3d5: {  	[sflag:s2] =	ssyncset.done $0x0  }
0x3d6: {  	[sflag:s2] =	ssyncadd.s32 $0xFFFFFF80  }
0x3d7: {  	_ =	swait.ge [sflag:s2], $0x80  }
0x3d8: {  	[sflag:s2] =	ssyncset.done $0x0  }
0x3d9: {  	[sflag:s2] =	ssyncadd.s32 $0xFFFFFF80  }
0x3da: {  	_ =	swait.ge [sflag:s2], $0x80  }
0x3db: {  	[sflag:s2] =	ssyncset.done $0x0  }
0x3dc: {  	[sflag:s2] =	ssyncadd.s32 $0xFFFFFF80  }
0x3dd: {  	_ =	swait.ge [sflag:s2], $0x80  }
0x3de: {  	[sflag:s2] =	ssyncset.done $0x0  }
0x3df: {  	[sflag:s2] =	ssyncadd.s32 $0xFFFFFF80  }
0x3e0: {  	_ =	swait.ge [sflag:s2], $0x80  }
0x3e1: {  	[sflag:s2] =	ssyncset.done $0x0  }
0x3e2: {  	[sflag:s2] =	ssyncadd.s32 $0xFFFFFF80  }
0x3e3: {  	_ =	swait.ge [sflag:s2], $0x80  }
0x3e4: {  	[sflag:s2] =	ssyncset.done $0x0  }
0x3e5: {  	[sflag:s2] =	ssyncadd.s32 $0xFFFFFF80  }
0x3e6: {  	_ =	swait.ge [sflag:s2], $0x80  }
0x3e7: {  	[sflag:s2] =	ssyncset.done $0x0  }
0x3e8: {  	[sflag:s2] =	ssyncadd.s32 $0xFFFFFF80  }
0x3e9: {  	_ =	swait.ge [sflag:s2], $0x80  }
0x3ea: {  	[sflag:s2] =	ssyncset.done $0x0  }
0x3eb: {  	[sflag:s2] =	ssyncadd.s32 $0xFFFFFF80  }
0x3ec: {  	_ =	swait.ge [sflag:s2], $0x80  }
0x3ed: {  	[sflag:s2] =	ssyncset.done $0x0  }
0x3ee: {  	[sflag:s2] =	ssyncadd.s32 $0xFFFFFF80  }
0x3ef: {  	_ =	swait.ge [sflag:s2], $0x80  }
0x3f0: {  	[sflag:s2] =	ssyncset.done $0x0  }
0x3f1: {  	[sflag:s2] =	ssyncadd.s32 $0xFFFFFF80  }
0x3f2: {  	_ =	swait.ge [sflag:s2], $0x80  }
0x3f3: {  	[sflag:s2] =	ssyncset.done $0x0  }
0x3f4: {  	[sflag:s2] =	ssyncadd.s32 $0xFFFFFF80  }
0x3f5: {  	_ =	swait.ge [sflag:s2], $0x80  }
0x3f6: {  	[sflag:s2] =	ssyncset.done $0x0  }
0x3f7: {  	[sflag:s2] =	ssyncadd.s32 $0xFFFFFF80  }
0x3f8: {  	_ =	swait.ge [sflag:s2], $0x80  }
0x3f9: {  	[sflag:s2] =	ssyncset.done $0x0  }
0x3fa: {  	[sflag:s2] =	ssyncadd.s32 $0xFFFFFF80  }
0x3fb: {  	_ =	swait.ge [sflag:s2], $0x80  }
0x3fc: {  	[sflag:s2] =	ssyncset.done $0x0  }
0x3fd: {  	[sflag:s2] =	ssyncadd.s32 $0xFFFFFF80  }
0x3fe: {  	_ =	swait.ge [sflag:s2], $0x80  }
0x3ff: {  	[sflag:s2] =	ssyncset.done $0x0  }
0x400: {  	[sflag:s2] =	ssyncadd.s32 $0xFFFFFF80  }
0x401: {  	_ =	swait.ge [sflag:s2], $0x80  }
0x402: {  	[sflag:s2] =	ssyncset.done $0x0  }
0x403: {  	[sflag:s2] =	ssyncadd.s32 $0xFFFFFF80  }
0x404: {  	_ =	swait.ge [sflag:s2], $0x80  }
0x405: {  	[sflag:s2] =	ssyncset.done $0x0  }
0x406: {  	[sflag:s2] =	ssyncadd.s32 $0xFFFFFF80  }
.Ltmp4:
0x407: {  	_ =	swait.ge [sflag:s2], $0x80;
	(pc) =	sbr.rel @p1 .LBB2_10-.Ltmp4, $4  }
0x408: {  	[sflag:s2] =	ssyncset.done $0x0  }
0x409: {  	[sflag:s2] =	ssyncadd.s32 $0xFFFFFF80  }
0x40a: {  	_ =	swait.ge [sflag:s2], $0x80  }
0x40b: {  	s23 =	sshra.s32 s22, $0x2;
	[sflag:s2] =	ssyncset.done $0x0  }
0x40c: {  	s0 =	sadd.s32 $0xB000, s23;
	s9 =	sadd.s32 $0x3000, s23;
	[sflag:s2] =	ssyncadd.s32 $0xFFFFFF80  }
0x40d: {  	[tilespmem:s0], [sflag:$0x1] =	stream.indirect.gather [spmem:s1], $0x1, s9, s31, $0xb8;
	[tilespmem:$0x1BDA0] =	vst v63  }
0x40e: {  	s24 =	sadd.s32 $0xD000, s23  }
0x40f: {  	[tilespmem:s24], [sflag:$0x1] =	stream.indirect.gather [spmem:s3], $0x1, s9, s31, $0xb8;
	[tilespmem:$0x1BDA0] =	vst v63  }
0x410: {  	s10 =	sadd.s32 $0xB080, s23;
	s22 =	sadd.s32 $0x3080, s23  }
0x411: {  	[tilespmem:s10], [sflag:$0x1] =	stream.indirect.gather [spmem:s1], $0x1, s22, s31, $0xb8;
	[tilespmem:$0x1BDA0] =	vst v63  }
0x412: {  	s24 =	sadd.s32 $0xD080, s23  }
0x413: {  	[tilespmem:s24], [sflag:$0x1] =	stream.indirect.gather [spmem:s3], $0x1, s22, s31, $0xb8;
	[tilespmem:$0x1BDA0] =	vst v63  }
0x414: {  	s10 =	sadd.s32 $0xB100, s23;
	s22 =	sadd.s32 $0x3100, s23  }
0x415: {  	[tilespmem:s10], [sflag:$0x1] =	stream.indirect.gather [spmem:s1], $0x1, s22, s31, $0xb8;
	[tilespmem:$0x1BDA0] =	vst v63  }
0x416: {  	s24 =	sadd.s32 $0xD100, s23  }
0x417: {  	[tilespmem:s24], [sflag:$0x1] =	stream.indirect.gather [spmem:s3], $0x1, s22, s31, $0xb8;
	[tilespmem:$0x1BDA0] =	vst v63  }
0x418: {  	s10 =	sadd.s32 $0xB180, s23;
	s22 =	sadd.s32 $0x3180, s23  }
0x419: {  	[tilespmem:s10], [sflag:$0x1] =	stream.indirect.gather [spmem:s1], $0x1, s22, s31, $0xb8;
	[tilespmem:$0x1BDA0] =	vst v63  }
0x41a: {  	s24 =	sadd.s32 $0xD180, s23  }
0x41b: {  	[tilespmem:s24], [sflag:$0x1] =	stream.indirect.gather [spmem:s3], $0x1, s22, s31, $0xb8;
	[tilespmem:$0x1BDA0] =	vst v63  }
0x41c: {  	s10 =	sadd.s32 $0xB200, s23;
	s22 =	sadd.s32 $0x3200, s23  }
0x41d: {  	[tilespmem:s10], [sflag:$0x1] =	stream.indirect.gather [spmem:s1], $0x1, s22, s31, $0xb8;
	[tilespmem:$0x1BDA0] =	vst v63  }
0x41e: {  	s24 =	sadd.s32 $0xD200, s23  }
0x41f: {  	[tilespmem:s24], [sflag:$0x1] =	stream.indirect.gather [spmem:s3], $0x1, s22, s31, $0xb8;
	[tilespmem:$0x1BDA0] =	vst v63  }
0x420: {  	s10 =	sadd.s32 $0xB280, s23;
	s22 =	sadd.s32 $0x3280, s23  }
0x421: {  	[tilespmem:s10], [sflag:$0x1] =	stream.indirect.gather [spmem:s1], $0x1, s22, s31, $0xb8;
	[tilespmem:$0x1BDA0] =	vst v63  }
0x422: {  	s24 =	sadd.s32 $0xD280, s23  }
0x423: {  	[tilespmem:s24], [sflag:$0x1] =	stream.indirect.gather [spmem:s3], $0x1, s22, s31, $0xb8;
	[tilespmem:$0x1BDA0] =	vst v63  }
0x424: {  	s10 =	sadd.s32 $0xB300, s23;
	s22 =	sadd.s32 $0x3300, s23  }
0x425: {  	[tilespmem:s10], [sflag:$0x1] =	stream.indirect.gather [spmem:s1], $0x1, s22, s31, $0xb8;
	[tilespmem:$0x1BDA0] =	vst v63  }
0x426: {  	s24 =	sadd.s32 $0xD300, s23  }
0x427: {  	[tilespmem:s24], [sflag:$0x1] =	stream.indirect.gather [spmem:s3], $0x1, s22, s31, $0xb8;
	[tilespmem:$0x1BDA0] =	vst v63  }
0x428: {  	s10 =	sadd.s32 $0xB380, s23;
	s22 =	sadd.s32 $0x3380, s23  }
0x429: {  	[tilespmem:s10], [sflag:$0x1] =	stream.indirect.gather [spmem:s1], $0x1, s22, s31, $0xb8;
	[tilespmem:$0x1BDA0] =	vst v63  }
0x42a: {  	s24 =	sadd.s32 $0xD380, s23  }
0x42b: {  	[tilespmem:s24], [sflag:$0x1] =	stream.indirect.gather [spmem:s3], $0x1, s22, s31, $0xb8;
	[tilespmem:$0x1BDA0] =	vst v63  }
0x42c: {  	s10 =	sadd.s32 $0xB400, s23;
	s22 =	sadd.s32 $0x3400, s23  }
0x42d: {  	[tilespmem:s10], [sflag:$0x1] =	stream.indirect.gather [spmem:s1], $0x1, s22, s31, $0xb8;
	[tilespmem:$0x1BDA0] =	vst v63  }
0x42e: {  	s24 =	sadd.s32 $0xD400, s23  }
0x42f: {  	[tilespmem:s24], [sflag:$0x1] =	stream.indirect.gather [spmem:s3], $0x1, s22, s31, $0xb8;
	[tilespmem:$0x1BDA0] =	vst v63  }
0x430: {  	s10 =	sadd.s32 $0xB480, s23;
	s22 =	sadd.s32 $0x3480, s23  }
0x431: {  	[tilespmem:s10], [sflag:$0x1] =	stream.indirect.gather [spmem:s1], $0x1, s22, s31, $0xb8;
	[tilespmem:$0x1BDA0] =	vst v63  }
0x432: {  	s24 =	sadd.s32 $0xD480, s23  }
0x433: {  	[tilespmem:s24], [sflag:$0x1] =	stream.indirect.gather [spmem:s3], $0x1, s22, s31, $0xb8;
	[tilespmem:$0x1BDA0] =	vst v63  }
0x434: {  	s10 =	sadd.s32 $0xB500, s23;
	s22 =	sadd.s32 $0x3500, s23  }
0x435: {  	[tilespmem:s10], [sflag:$0x1] =	stream.indirect.gather [spmem:s1], $0x1, s22, s31, $0xb8;
	[tilespmem:$0x1BDA0] =	vst v63  }
0x436: {  	s24 =	sadd.s32 $0xD500, s23  }
0x437: {  	[tilespmem:s24], [sflag:$0x1] =	stream.indirect.gather [spmem:s3], $0x1, s22, s31, $0xb8;
	[tilespmem:$0x1BDA0] =	vst v63  }
0x438: {  	s10 =	sadd.s32 $0xB580, s23;
	s22 =	sadd.s32 $0x3580, s23  }
0x439: {  	[tilespmem:s10], [sflag:$0x1] =	stream.indirect.gather [spmem:s1], $0x1, s22, s31, $0xb8;
	[tilespmem:$0x1BDA0] =	vst v63  }
0x43a: {  	s24 =	sadd.s32 $0xD580, s23  }
0x43b: {  	[tilespmem:s24], [sflag:$0x1] =	stream.indirect.gather [spmem:s3], $0x1, s22, s31, $0xb8;
	[tilespmem:$0x1BDA0] =	vst v63  }
0x43c: {  	s10 =	sadd.s32 $0xB600, s23;
	s22 =	sadd.s32 $0x3600, s23  }
0x43d: {  	[tilespmem:s10], [sflag:$0x1] =	stream.indirect.gather [spmem:s1], $0x1, s22, s31, $0xb8;
	[tilespmem:$0x1BDA0] =	vst v63  }
0x43e: {  	s24 =	sadd.s32 $0xD600, s23  }
0x43f: {  	[tilespmem:s24], [sflag:$0x1] =	stream.indirect.gather [spmem:s3], $0x1, s22, s31, $0xb8;
	[tilespmem:$0x1BDA0] =	vst v63  }
0x440: {  	s10 =	sadd.s32 $0xB680, s23;
	s22 =	sadd.s32 $0x3680, s23  }
0x441: {  	[tilespmem:s10], [sflag:$0x1] =	stream.indirect.gather [spmem:s1], $0x1, s22, s31, $0xb8;
	[tilespmem:$0x1BDA0] =	vst v63  }
0x442: {  	s24 =	sadd.s32 $0xD680, s23  }
0x443: {  	[tilespmem:s24], [sflag:$0x1] =	stream.indirect.gather [spmem:s3], $0x1, s22, s31, $0xb8;
	[tilespmem:$0x1BDA0] =	vst v63  }
0x444: {  	s10 =	sadd.s32 $0xB700, s23;
	s22 =	sadd.s32 $0x3700, s23  }
0x445: {  	[tilespmem:s10], [sflag:$0x1] =	stream.indirect.gather [spmem:s1], $0x1, s22, s31, $0xb8;
	[tilespmem:$0x1BDA0] =	vst v63  }
0x446: {  	s24 =	sadd.s32 $0xD700, s23  }
0x447: {  	[tilespmem:s24], [sflag:$0x1] =	stream.indirect.gather [spmem:s3], $0x1, s22, s31, $0xb8;
	[tilespmem:$0x1BDA0] =	vst v63  }
0x448: {  	s10 =	sadd.s32 $0xB780, s23;
	s22 =	sadd.s32 $0x3780, s23  }
0x449: {  	[tilespmem:s10], [sflag:$0x1] =	stream.indirect.gather [spmem:s1], $0x1, s22, s31, $0xb8;
	[tilespmem:$0x1BDA0] =	vst v63  }
0x44a: {  	s24 =	sadd.s32 $0xD780, s23  }
0x44b: {  	[tilespmem:s24], [sflag:$0x1] =	stream.indirect.gather [spmem:s3], $0x1, s22, s31, $0xb8;
	[tilespmem:$0x1BDA0] =	vst v63  }
0x44c: {  	_ =	swait.ge [sflag:s2], $0x80  }
0x44d: {  	[sflag:s2] =	ssyncset.done $0x0  }
0x44e: {  	[sflag:s2] =	ssyncadd.s32 $0xFFFFFF80  }
0x44f: {  	_ =	swait.ge [sflag:s2], $0x80  }
0x450: {  	[sflag:s2] =	ssyncset.done $0x0  }
0x451: {  	[sflag:s2] =	ssyncadd.s32 $0xFFFFFF80  }
0x452: {  	_ =	swait.ge [sflag:s2], $0x80  }
0x453: {  	[sflag:s2] =	ssyncset.done $0x0  }
0x454: {  	[sflag:s2] =	ssyncadd.s32 $0xFFFFFF80  }
0x455: {  	_ =	swait.ge [sflag:s2], $0x80  }
0x456: {  	[sflag:s2] =	ssyncset.done $0x0  }
0x457: {  	[sflag:s2] =	ssyncadd.s32 $0xFFFFFF80  }
0x458: {  	_ =	swait.ge [sflag:s2], $0x80  }
0x459: {  	[sflag:s2] =	ssyncset.done $0x0  }
0x45a: {  	[sflag:s2] =	ssyncadd.s32 $0xFFFFFF80  }
0x45b: {  	_ =	swait.ge [sflag:s2], $0x80  }
0x45c: {  	[sflag:s2] =	ssyncset.done $0x0  }
0x45d: {  	[sflag:s2] =	ssyncadd.s32 $0xFFFFFF80  }
0x45e: {  	_ =	swait.ge [sflag:s2], $0x80  }
0x45f: {  	[sflag:s2] =	ssyncset.done $0x0  }
0x460: {  	[sflag:s2] =	ssyncadd.s32 $0xFFFFFF80  }
0x461: {  	_ =	swait.ge [sflag:s2], $0x80  }
0x462: {  	[sflag:s2] =	ssyncset.done $0x0  }
0x463: {  	[sflag:s2] =	ssyncadd.s32 $0xFFFFFF80  }
0x464: {  	_ =	swait.ge [sflag:s2], $0x80  }
0x465: {  	[sflag:s2] =	ssyncset.done $0x0  }
0x466: {  	[sflag:s2] =	ssyncadd.s32 $0xFFFFFF80  }
0x467: {  	_ =	swait.ge [sflag:s2], $0x80  }
0x468: {  	[sflag:s2] =	ssyncset.done $0x0  }
0x469: {  	[sflag:s2] =	ssyncadd.s32 $0xFFFFFF80  }
0x46a: {  	_ =	swait.ge [sflag:s2], $0x80  }
0x46b: {  	[sflag:s2] =	ssyncset.done $0x0  }
0x46c: {  	[sflag:s2] =	ssyncadd.s32 $0xFFFFFF80  }
0x46d: {  	_ =	swait.ge [sflag:s2], $0x80  }
0x46e: {  	[sflag:s2] =	ssyncset.done $0x0  }
0x46f: {  	[sflag:s2] =	ssyncadd.s32 $0xFFFFFF80  }
0x470: {  	_ =	swait.ge [sflag:s2], $0x80  }
0x471: {  	[sflag:s2] =	ssyncset.done $0x0  }
0x472: {  	[sflag:s2] =	ssyncadd.s32 $0xFFFFFF80  }
0x473: {  	_ =	swait.ge [sflag:s2], $0x80  }
0x474: {  	[sflag:s2] =	ssyncset.done $0x0  }
0x475: {  	[sflag:s2] =	ssyncadd.s32 $0xFFFFFF80  }
0x476: {  	_ =	swait.ge [sflag:s2], $0x80  }
0x477: {  	[sflag:s2] =	ssyncset.done $0x0  }
0x478: {  	[sflag:s2] =	ssyncadd.s32 $0xFFFFFF80  }
0x479: {  	_ =	swait.ge [sflag:s2], $0x80  }
0x47a: {  	[sflag:s2] =	ssyncset.done $0x0  }
0x47b: {  	[sflag:s2] =	ssyncadd.s32 $0xFFFFFF80  }
0x47c: {  	_ =	swait.ge [sflag:s2], $0x80  }
0x47d: {  	[sflag:s2] =	ssyncset.done $0x0  }
0x47e: {  	[sflag:s2] =	ssyncadd.s32 $0xFFFFFF80  }
0x47f: {  	_ =	swait.ge [sflag:s2], $0x80  }
0x480: {  	[sflag:s2] =	ssyncset.done $0x0  }
0x481: {  	[sflag:s2] =	ssyncadd.s32 $0xFFFFFF80  }
0x482: {  	_ =	swait.ge [sflag:s2], $0x80  }
0x483: {  	[sflag:s2] =	ssyncset.done $0x0  }
0x484: {  	[sflag:s2] =	ssyncadd.s32 $0xFFFFFF80  }
0x485: {  	_ =	swait.ge [sflag:s2], $0x80  }
0x486: {  	[sflag:s2] =	ssyncset.done $0x0  }
0x487: {  	[sflag:s2] =	ssyncadd.s32 $0xFFFFFF80  }
0x488: {  	_ =	swait.ge [sflag:s2], $0x80  }
0x489: {  	[sflag:s2] =	ssyncset.done $0x0  }
0x48a: {  	[sflag:s2] =	ssyncadd.s32 $0xFFFFFF80  }
0x48b: {  	_ =	swait.ge [sflag:s2], $0x80  }
0x48c: {  	[sflag:s2] =	ssyncset.done $0x0  }
0x48d: {  	[sflag:s2] =	ssyncadd.s32 $0xFFFFFF80  }
0x48e: {  	_ =	swait.ge [sflag:s2], $0x80  }
0x48f: {  	[sflag:s2] =	ssyncset.done $0x0  }
0x490: {  	[sflag:s2] =	ssyncadd.s32 $0xFFFFFF80  }
0x491: {  	_ =	swait.ge [sflag:s2], $0x80  }
0x492: {  	[sflag:s2] =	ssyncset.done $0x0  }
0x493: {  	[sflag:s2] =	ssyncadd.s32 $0xFFFFFF80  }
0x494: {  	_ =	swait.ge [sflag:s2], $0x80  }
0x495: {  	[sflag:s2] =	ssyncset.done $0x0  }
0x496: {  	[sflag:s2] =	ssyncadd.s32 $0xFFFFFF80  }
0x497: {  	_ =	swait.ge [sflag:s2], $0x80  }
0x498: {  	[sflag:s2] =	ssyncset.done $0x0  }
0x499: {  	[sflag:s2] =	ssyncadd.s32 $0xFFFFFF80  }
0x49a: {  	_ =	swait.ge [sflag:s2], $0x80  }
0x49b: {  	[sflag:s2] =	ssyncset.done $0x0  }
0x49c: {  	[sflag:s2] =	ssyncadd.s32 $0xFFFFFF80  }
0x49d: {  	_ =	swait.ge [sflag:s2], $0x80  }
0x49e: {  	[sflag:s2] =	ssyncset.done $0x0  }
0x49f: {  	[sflag:s2] =	ssyncadd.s32 $0xFFFFFF80  }
0x4a0: {  	_ =	swait.ge [sflag:s2], $0x80  }
0x4a1: {  	[sflag:s2] =	ssyncset.done $0x0  }
0x4a2: {  	[sflag:s2] =	ssyncadd.s32 $0xFFFFFF80  }
0x4a3: {  	_ =	swait.ge [sflag:s2], $0x80  }
0x4a4: {  	[sflag:s2] =	ssyncset.done $0x0  }
0x4a5: {  	[sflag:s2] =	ssyncadd.s32 $0xFFFFFF80  }
0x4a6: {  	_ =	swait.ge [sflag:s2], $0x80  }
0x4a7: {  	[sflag:s2] =	ssyncset.done $0x0  }
0x4a8: {  	[sflag:s2] =	ssyncadd.s32 $0xFFFFFF80  }
0x4a9: {  	_ =	swait.ge [sflag:s2], $0x80  }
0x4aa: {  	[sflag:s2] =	ssyncset.done $0x0  }
0x4ab: {  	s23 =	simm.s32 $0x0;
	[sflag:s2] =	ssyncadd.s32 $0xFFFFFF80  }
0x4ac: {  	v7 =	vld [tilespmem:s23+$0xB000];
	_ =	sdelay $0x1  }
0x4ad: {  	v8 =	vld [tilespmem:s23+$0xD000];
	_ =	sdelay $0x2  }
0x4ae: {  	v9 =	vmul.f32 $2.000000030e-01, v7  }
0x4af: {  	vm4 =	vge.f32 v7, $0.0e+00  }
0x4b0: {  	v10 =	vmul.f32 $2.000000030e-01, v8;
	v7 =	vsel vm4, v7, v9  }
0x4b1: {  	vm4 =	vge.f32 v8, $0.0e+00;
	v7 =	vmul.f32 $1.442695020e+00, v7  }
0x4b2: {  	v8 =	vsel vm4, v8, v10  }
0x4b3: {  	s22 =	simm.s32 $0x10;
	v8 =	vmul.f32 $1.442695020e+00, v8;
	(erf) = vpow2.f32 v7  }
0x4b4: {  	v9 =	vld [tilespmem:s22+$0xB000]  }
0x4b5: {  	(erf) = vpow2.f32 v8  }
0x4b6: {  	v7 =	vld [tilespmem:s23+$0x1000]  }
0x4b7: {  	v10 =	vld [tilespmem:s22+$0xD000];
	_ =	sdelay $0x1  }
0x4b8: {  	v11 =	vmul.f32 $2.000000030e-01, v9  }
0x4b9: {  	vm4 =	vge.f32 v9, $0.0e+00  }
0x4ba: {  	v9 =	vsel vm4, v9, v11;
	v8 =	vshrl.u32 v7, $0xC;
	v7 =	vshrl.u32 v7, $0x1A  }
0x4bb: {  	v14 =	vmul.f32 $2.000000030e-01, v10;
	v17 =	vmul.f32 $1.442695020e+00, v9;
	v7 =	vand.u32 $0x1, v7;
	v13 =	vpop (erf)  }
0x4bc: {  	vm4 =	vge.f32 v10, $0.0e+00;
	v15 =	vcvt.s32.f32 v7;
	v13 =	vadd.f32 $-1.000000000e+00, v13  }
0x4bd: {  	s0 =	simm.s32 $0x20;
	v14 =	vsel vm4, v10, v14;
	v16 =	vpop (erf);
	(erf) = vpow2.f32 v17  }
0x4be: {  	v12 =	vand.u32 $0xFFF, v8;
	v8 =	vld [tilespmem:s0+$0xB000];
	v9 =	vmul.f32 v15, v13;
	v13 =	vmul.f32 $1.442695020e+00, v14  }
0x4bf: {  	v11 =	vld [tilespmem:s0+$0xD000]  }
0x4c0: {  	v7 =	vld [tilespmem:s22+$0x1000];
	v16 =	vadd.f32 $-1.000000000e+00, v16;
	(erf) = vpow2.f32 v13;
	_ =	sdelay $0x1  }
0x4c1: {  	s24 =	simm.s32 $0x0;
	v10 =	vmul.f32 v15, v16  }
0x4c2: {  	v12 =	vld.idx.msk [tilespmem:v12+s24+$0x0], $0xffff;
	[tilespmem:s23+$0xF000] =	vst v9;
	v13 =	vmul.f32 $2.000000030e-01, v8  }
0x4c3: {  	s9 =	simm.s32 $0xC0;
	vm4 =	vge.f32 v8, $0.0e+00;
	[tilespmem:s23+$0x13000] =	vst v10  }
.LBB2_12:
0x4c4: {  	p1 =	sne.s32 s9, $0x7FC0;
	v8 =	vsel vm4, v8, v13;
	v13 =	vmul.f32 $2.000000030e-01, v11;
	v16 =	vshrl.u32 v7, $0x1A  }
0x4c5: {  	vm4 =	vge.f32 v11, $0.0e+00;
	v15 =	vmul.f32 $1.442695020e+00, v8;
	v8 =	vand.u32 $0x1, v16  }
0x4c6: {  	s10 =	sshra.s32 s9, $0x2;
	v7 =	vshrl.u32 v7, $0xC;
	v11 =	vsel vm4, v11, v13;
	v13 =	vcvt.s32.f32 v8;
	v14 =	vpop (erf)  }
0x4c7: {  	v8 =	vld [tilespmem:s10+$0xB000];
	v16 =	vmul.f32 $1.442695020e+00, v11;
	(erf) = vpow2.f32 v15;
	v15 =	vand.u32 $0xFFF, v7  }
0x4c8: {  	v14 =	vadd.f32 $-1.000000000e+00, v14;
	v18 =	vmul.f32 v9, v12;
	v12 =	vmul.f32 v10, v12;
	v7 =	vld [tilespmem:s0+$0x1000];
	v17 =	vpop (erf)  }
.Ltmp5:
0x4c9: {  	v11 =	vld [tilespmem:s10+$0xD000];
	(erf) = vpow2.f32 v16;
	v10 =	vadd.f32 $-1.000000000e+00, v17;
	(pc) =	sbr.rel @p1 .LBB2_12-.Ltmp5, $4  }
0x4ca: {  	v9 =	vmul.f32 v13, v14;
	[tilespmem:s23+$0x11000] =	vst v18  }
0x4cb: {  	v10 =	vmul.f32 v13, v10;
	[tilespmem:s23+$0x15000] =	vst v12;
	s23 =	smov.u32 s22;
	s22 =	smov.u32 s0  }
0x4cc: {  	s0 =	smov.u32 s10;
	v13 =	vmul.f32 $2.000000030e-01, v8;
	v12 =	vld.idx.msk [tilespmem:v15+s24+$0x0], $0xffff;
	[tilespmem:s23+$0xF000] =	vst v9  }
0x4cd: {  	s9 =	sadd.s32 $0x40, s9;
	vm4 =	vge.f32 v8, $0.0e+00;
	[tilespmem:s23+$0x13000] =	vst v10  }
0x4ce: {  	_ = 	snop  }
0x4cf: {  	v14 =	vshrl.u32 v7, $0xC  }
0x4d0: {  	v14 =	vand.u32 $0xFFF, v14  }
0x4d1: {  	v15 =	vmul.f32 $2.000000030e-01, v11;
	v9 =	vmul.f32 v9, v12  }
0x4d2: {  	v8 =	vsel vm4, v8, v13;
	vm4 =	vge.f32 v11, $0.0e+00;
	v10 =	vmul.f32 v10, v12  }
0x4d3: {  	v56 =	vld [tilespmem:s0+$0x1000];
	v8 =	vmul.f32 $1.442695020e+00, v8;
	v11 =	vsel vm4, v11, v15;
	[tilespmem:s23+$0x11000] =	vst v9  }
0x4d4: {  	v7 =	vshrl.u32 v7, $0x1A;
	s9 =	simm.s32 $0x0;
	v57 =	vmul.f32 $1.442695020e+00, v11;
	[tilespmem:s23+$0x15000] =	vst v10  }
0x4d5: {  	v7 =	vand.u32 $0x1, v7;
	v58 =	vpop (erf);
	(erf) = vpow2.f32 v8;
	v8 =	vld.idx.msk [tilespmem:v14+s9+$0x0], $0xffff  }
0x4d6: {  	v7 =	vcvt.s32.f32 v7;
	v59 =	vpop (erf);
	v10 =	vadd.f32 $-1.000000000e+00, v58;
	(erf) = vpow2.f32 v57  }
0x4d7: {  	v60 =	vadd.f32 $-1.000000000e+00, v59  }
0x4d8: {  	v61 =	vshrl.u32 v56, $0xC;
	v10 =	vmul.f32 v7, v10  }
0x4d9: {  	v62 =	vand.u32 $0xFFF, v61;
	v7 =	vmul.f32 v7, v60  }
0x4da: {  	[tilespmem:s22+$0xF000] =	vst v10;
	v10 =	vmul.f32 v10, v8  }
0x4db: {  	[tilespmem:s22+$0x13000] =	vst v7;
	v7 =	vmul.f32 v7, v8;
	v8 =	vshrl.u32 v56, $0x1A  }
0x4dc: {  	[tilespmem:s22+$0x11000] =	vst v10  }
0x4dd: {  	[tilespmem:s22+$0x15000] =	vst v7  }
0x4de: {  	v7 =	vand.u32 $0x1, v8;
	v8 =	vpop (erf);
	v9 =	vld.idx.msk [tilespmem:v62+s9+$0x0], $0xffff  }
0x4df: {  	v7 =	vcvt.s32.f32 v7;
	v8 =	vadd.f32 $-1.000000000e+00, v8;
	v63 =	vpop (erf)  }
0x4e0: {  	v10 =	vadd.f32 $-1.000000000e+00, v63  }
0x4e1: {  	p2 =	por $0x1, $0x1;
	v8 =	vmul.f32 v7, v8  }
.Ltmp6:
0x4e2: {  	v7 =	vmul.f32 v7, v10;
	(pc) =	sbr.rel @!p2 .LBB2_16-.Ltmp6, $4  }
0x4e3: {  	[tilespmem:s0+$0xF000] =	vst v8;
	v8 =	vmul.f32 v8, v9  }
0x4e4: {  	[tilespmem:s0+$0x13000] =	vst v7;
	v7 =	vmul.f32 v7, v9  }
0x4e5: {  	[tilespmem:s0+$0x11000] =	vst v8  }
0x4e6: {  	p1 =	por $0x0, $0x0;
	s23 =	simm.s32 $0x0;
	[tilespmem:s0+$0x15000] =	vst v7  }
0x4e7: {  	s0 =	simm.s32 $0xF000;
	s9 =	simm.s32 $0x5000  }
0x4e8: {  	[spmem:s4] =	stream.indirect.scatter.add.f32 [tilespmem:s0], [sflag:$0x1], $0x1, s9, s31, $0xb8;
	[tilespmem:$0x1BDA0] =	vst v63  }
0x4e9: {  	s22 =	simm.s32 $0x11000  }
0x4ea: {  	[spmem:s5] =	stream.indirect.scatter.add.f32 [tilespmem:s22], [sflag:$0x1], $0x1, s9, s31, $0xb8;
	[tilespmem:$0x1BDA0] =	vst v63  }
0x4eb: {  	s23 =	simm.s32 $0x13000  }
0x4ec: {  	[spmem:s6] =	stream.indirect.scatter.add.f32 [tilespmem:s23], [sflag:$0x1], $0x1, s9, s31, $0xb8;
	[tilespmem:$0x1BDA0] =	vst v63  }
0x4ed: {  	s24 =	simm.s32 $0x15000  }
0x4ee: {  	[spmem:s7] =	stream.indirect.scatter.add.f32 [tilespmem:s24], [sflag:$0x1], $0x1, s9, s31, $0xb8;
	[tilespmem:$0x1BDA0] =	vst v63  }
0x4ef: {  	s10 =	simm.s32 $0x5080;
	s9 =	simm.s32 $0xF080  }
0x4f0: {  	[spmem:s4] =	stream.indirect.scatter.add.f32 [tilespmem:s9], [sflag:$0x1], $0x1, s10, s31, $0xb8;
	[tilespmem:$0x1BDA0] =	vst v63  }
0x4f1: {  	s22 =	simm.s32 $0x11080  }
0x4f2: {  	[spmem:s5] =	stream.indirect.scatter.add.f32 [tilespmem:s22], [sflag:$0x1], $0x1, s10, s31, $0xb8;
	[tilespmem:$0x1BDA0] =	vst v63  }
0x4f3: {  	s23 =	simm.s32 $0x13080  }
0x4f4: {  	[spmem:s6] =	stream.indirect.scatter.add.f32 [tilespmem:s23], [sflag:$0x1], $0x1, s10, s31, $0xb8;
	[tilespmem:$0x1BDA0] =	vst v63  }
0x4f5: {  	s24 =	simm.s32 $0x15080  }
0x4f6: {  	[spmem:s7] =	stream.indirect.scatter.add.f32 [tilespmem:s24], [sflag:$0x1], $0x1, s10, s31, $0xb8;
	[tilespmem:$0x1BDA0] =	vst v63  }
0x4f7: {  	s9 =	simm.s32 $0xF100;
	s10 =	simm.s32 $0x5100  }
0x4f8: {  	[spmem:s4] =	stream.indirect.scatter.add.f32 [tilespmem:s9], [sflag:$0x1], $0x1, s10, s31, $0xb8;
	[tilespmem:$0x1BDA0] =	vst v63  }
0x4f9: {  	s22 =	simm.s32 $0x11100  }
0x4fa: {  	[spmem:s5] =	stream.indirect.scatter.add.f32 [tilespmem:s22], [sflag:$0x1], $0x1, s10, s31, $0xb8;
	[tilespmem:$0x1BDA0] =	vst v63  }
0x4fb: {  	s23 =	simm.s32 $0x13100  }
0x4fc: {  	[spmem:s6] =	stream.indirect.scatter.add.f32 [tilespmem:s23], [sflag:$0x1], $0x1, s10, s31, $0xb8;
	[tilespmem:$0x1BDA0] =	vst v63  }
0x4fd: {  	s24 =	simm.s32 $0x15100  }
0x4fe: {  	[spmem:s7] =	stream.indirect.scatter.add.f32 [tilespmem:s24], [sflag:$0x1], $0x1, s10, s31, $0xb8;
	[tilespmem:$0x1BDA0] =	vst v63  }
0x4ff: {  	s9 =	simm.s32 $0xF180;
	s10 =	simm.s32 $0x5180  }
0x500: {  	[spmem:s4] =	stream.indirect.scatter.add.f32 [tilespmem:s9], [sflag:$0x1], $0x1, s10, s31, $0xb8;
	[tilespmem:$0x1BDA0] =	vst v63  }
0x501: {  	s22 =	simm.s32 $0x11180  }
0x502: {  	[spmem:s5] =	stream.indirect.scatter.add.f32 [tilespmem:s22], [sflag:$0x1], $0x1, s10, s31, $0xb8;
	[tilespmem:$0x1BDA0] =	vst v63  }
0x503: {  	s23 =	simm.s32 $0x13180  }
0x504: {  	[spmem:s6] =	stream.indirect.scatter.add.f32 [tilespmem:s23], [sflag:$0x1], $0x1, s10, s31, $0xb8;
	[tilespmem:$0x1BDA0] =	vst v63  }
0x505: {  	s24 =	simm.s32 $0x15180  }
0x506: {  	[spmem:s7] =	stream.indirect.scatter.add.f32 [tilespmem:s24], [sflag:$0x1], $0x1, s10, s31, $0xb8;
	[tilespmem:$0x1BDA0] =	vst v63  }
0x507: {  	s9 =	simm.s32 $0xF200;
	s10 =	simm.s32 $0x5200  }
0x508: {  	[spmem:s4] =	stream.indirect.scatter.add.f32 [tilespmem:s9], [sflag:$0x1], $0x1, s10, s31, $0xb8;
	[tilespmem:$0x1BDA0] =	vst v63  }
0x509: {  	s22 =	simm.s32 $0x11200  }
0x50a: {  	[spmem:s5] =	stream.indirect.scatter.add.f32 [tilespmem:s22], [sflag:$0x1], $0x1, s10, s31, $0xb8;
	[tilespmem:$0x1BDA0] =	vst v63  }
0x50b: {  	s23 =	simm.s32 $0x13200  }
0x50c: {  	[spmem:s6] =	stream.indirect.scatter.add.f32 [tilespmem:s23], [sflag:$0x1], $0x1, s10, s31, $0xb8;
	[tilespmem:$0x1BDA0] =	vst v63  }
0x50d: {  	s24 =	simm.s32 $0x15200  }
0x50e: {  	[spmem:s7] =	stream.indirect.scatter.add.f32 [tilespmem:s24], [sflag:$0x1], $0x1, s10, s31, $0xb8;
	[tilespmem:$0x1BDA0] =	vst v63  }
0x50f: {  	s9 =	simm.s32 $0xF280;
	s10 =	simm.s32 $0x5280  }
0x510: {  	[spmem:s4] =	stream.indirect.scatter.add.f32 [tilespmem:s9], [sflag:$0x1], $0x1, s10, s31, $0xb8;
	[tilespmem:$0x1BDA0] =	vst v63  }
0x511: {  	s22 =	simm.s32 $0x11280  }
0x512: {  	[spmem:s5] =	stream.indirect.scatter.add.f32 [tilespmem:s22], [sflag:$0x1], $0x1, s10, s31, $0xb8;
	[tilespmem:$0x1BDA0] =	vst v63  }
0x513: {  	s23 =	simm.s32 $0x13280  }
0x514: {  	[spmem:s6] =	stream.indirect.scatter.add.f32 [tilespmem:s23], [sflag:$0x1], $0x1, s10, s31, $0xb8;
	[tilespmem:$0x1BDA0] =	vst v63  }
0x515: {  	s24 =	simm.s32 $0x15280  }
0x516: {  	[spmem:s7] =	stream.indirect.scatter.add.f32 [tilespmem:s24], [sflag:$0x1], $0x1, s10, s31, $0xb8;
	[tilespmem:$0x1BDA0] =	vst v63  }
0x517: {  	s9 =	simm.s32 $0xF300;
	s10 =	simm.s32 $0x5300  }
0x518: {  	[spmem:s4] =	stream.indirect.scatter.add.f32 [tilespmem:s9], [sflag:$0x1], $0x1, s10, s31, $0xb8;
	[tilespmem:$0x1BDA0] =	vst v63  }
0x519: {  	s22 =	simm.s32 $0x11300  }
0x51a: {  	[spmem:s5] =	stream.indirect.scatter.add.f32 [tilespmem:s22], [sflag:$0x1], $0x1, s10, s31, $0xb8;
	[tilespmem:$0x1BDA0] =	vst v63  }
0x51b: {  	s23 =	simm.s32 $0x13300  }
0x51c: {  	[spmem:s6] =	stream.indirect.scatter.add.f32 [tilespmem:s23], [sflag:$0x1], $0x1, s10, s31, $0xb8;
	[tilespmem:$0x1BDA0] =	vst v63  }
0x51d: {  	s24 =	simm.s32 $0x15300  }
0x51e: {  	[spmem:s7] =	stream.indirect.scatter.add.f32 [tilespmem:s24], [sflag:$0x1], $0x1, s10, s31, $0xb8;
	[tilespmem:$0x1BDA0] =	vst v63  }
0x51f: {  	s9 =	simm.s32 $0xF380;
	s10 =	simm.s32 $0x5380  }
0x520: {  	[spmem:s4] =	stream.indirect.scatter.add.f32 [tilespmem:s9], [sflag:$0x1], $0x1, s10, s31, $0xb8;
	[tilespmem:$0x1BDA0] =	vst v63  }
0x521: {  	s22 =	simm.s32 $0x11380  }
0x522: {  	[spmem:s5] =	stream.indirect.scatter.add.f32 [tilespmem:s22], [sflag:$0x1], $0x1, s10, s31, $0xb8;
	[tilespmem:$0x1BDA0] =	vst v63  }
0x523: {  	s23 =	simm.s32 $0x13380  }
0x524: {  	[spmem:s6] =	stream.indirect.scatter.add.f32 [tilespmem:s23], [sflag:$0x1], $0x1, s10, s31, $0xb8;
	[tilespmem:$0x1BDA0] =	vst v63  }
0x525: {  	s24 =	simm.s32 $0x15380  }
0x526: {  	[spmem:s7] =	stream.indirect.scatter.add.f32 [tilespmem:s24], [sflag:$0x1], $0x1, s10, s31, $0xb8;
	[tilespmem:$0x1BDA0] =	vst v63  }
0x527: {  	_ =	swait.ge [sflag:s2], $0x80  }
0x528: {  	[sflag:s2] =	ssyncset.done $0x0  }
0x529: {  	[sflag:s2] =	ssyncadd.s32 $0xFFFFFF80  }
0x52a: {  	_ =	swait.ge [sflag:s2], $0x80  }
0x52b: {  	[sflag:s2] =	ssyncset.done $0x0  }
0x52c: {  	[sflag:s2] =	ssyncadd.s32 $0xFFFFFF80  }
0x52d: {  	_ =	swait.ge [sflag:s2], $0x80  }
0x52e: {  	[sflag:s2] =	ssyncset.done $0x0  }
0x52f: {  	[sflag:s2] =	ssyncadd.s32 $0xFFFFFF80  }
0x530: {  	_ =	swait.ge [sflag:s2], $0x80  }
0x531: {  	[sflag:s2] =	ssyncset.done $0x0  }
0x532: {  	[sflag:s2] =	ssyncadd.s32 $0xFFFFFF80  }
0x533: {  	_ =	swait.ge [sflag:s2], $0x80  }
0x534: {  	[sflag:s2] =	ssyncset.done $0x0  }
0x535: {  	[sflag:s2] =	ssyncadd.s32 $0xFFFFFF80  }
0x536: {  	_ =	swait.ge [sflag:s2], $0x80  }
0x537: {  	[sflag:s2] =	ssyncset.done $0x0  }
0x538: {  	[sflag:s2] =	ssyncadd.s32 $0xFFFFFF80  }
0x539: {  	_ =	swait.ge [sflag:s2], $0x80  }
0x53a: {  	[sflag:s2] =	ssyncset.done $0x0  }
0x53b: {  	[sflag:s2] =	ssyncadd.s32 $0xFFFFFF80  }
0x53c: {  	_ =	swait.ge [sflag:s2], $0x80  }
0x53d: {  	[sflag:s2] =	ssyncset.done $0x0  }
0x53e: {  	[sflag:s2] =	ssyncadd.s32 $0xFFFFFF80  }
0x53f: {  	_ =	swait.ge [sflag:s2], $0x80  }
0x540: {  	[sflag:s2] =	ssyncset.done $0x0  }
0x541: {  	[sflag:s2] =	ssyncadd.s32 $0xFFFFFF80  }
0x542: {  	_ =	swait.ge [sflag:s2], $0x80  }
0x543: {  	[sflag:s2] =	ssyncset.done $0x0  }
0x544: {  	[sflag:s2] =	ssyncadd.s32 $0xFFFFFF80  }
0x545: {  	_ =	swait.ge [sflag:s2], $0x80  }
0x546: {  	[sflag:s2] =	ssyncset.done $0x0  }
0x547: {  	[sflag:s2] =	ssyncadd.s32 $0xFFFFFF80  }
0x548: {  	_ =	swait.ge [sflag:s2], $0x80  }
0x549: {  	[sflag:s2] =	ssyncset.done $0x0  }
0x54a: {  	[sflag:s2] =	ssyncadd.s32 $0xFFFFFF80  }
0x54b: {  	_ =	swait.ge [sflag:s2], $0x80  }
0x54c: {  	[sflag:s2] =	ssyncset.done $0x0  }
0x54d: {  	[sflag:s2] =	ssyncadd.s32 $0xFFFFFF80  }
0x54e: {  	_ =	swait.ge [sflag:s2], $0x80  }
0x54f: {  	[sflag:s2] =	ssyncset.done $0x0  }
0x550: {  	[sflag:s2] =	ssyncadd.s32 $0xFFFFFF80  }
0x551: {  	_ =	swait.ge [sflag:s2], $0x80  }
0x552: {  	[sflag:s2] =	ssyncset.done $0x0  }
0x553: {  	[sflag:s2] =	ssyncadd.s32 $0xFFFFFF80  }
0x554: {  	_ =	swait.ge [sflag:s2], $0x80  }
0x555: {  	[sflag:s2] =	ssyncset.done $0x0  }
0x556: {  	[sflag:s2] =	ssyncadd.s32 $0xFFFFFF80  }
0x557: {  	_ =	swait.ge [sflag:s2], $0x80  }
0x558: {  	[sflag:s2] =	ssyncset.done $0x0  }
0x559: {  	[sflag:s2] =	ssyncadd.s32 $0xFFFFFF80  }
0x55a: {  	_ =	swait.ge [sflag:s2], $0x80  }
0x55b: {  	[sflag:s2] =	ssyncset.done $0x0  }
0x55c: {  	[sflag:s2] =	ssyncadd.s32 $0xFFFFFF80  }
0x55d: {  	_ =	swait.ge [sflag:s2], $0x80  }
0x55e: {  	[sflag:s2] =	ssyncset.done $0x0  }
0x55f: {  	[sflag:s2] =	ssyncadd.s32 $0xFFFFFF80  }
0x560: {  	_ =	swait.ge [sflag:s2], $0x80  }
0x561: {  	[sflag:s2] =	ssyncset.done $0x0  }
0x562: {  	[sflag:s2] =	ssyncadd.s32 $0xFFFFFF80  }
0x563: {  	_ =	swait.ge [sflag:s2], $0x80  }
0x564: {  	[sflag:s2] =	ssyncset.done $0x0  }
0x565: {  	[sflag:s2] =	ssyncadd.s32 $0xFFFFFF80  }
0x566: {  	_ =	swait.ge [sflag:s2], $0x80  }
0x567: {  	[sflag:s2] =	ssyncset.done $0x0  }
0x568: {  	[sflag:s2] =	ssyncadd.s32 $0xFFFFFF80  }
0x569: {  	_ =	swait.ge [sflag:s2], $0x80  }
0x56a: {  	[sflag:s2] =	ssyncset.done $0x0  }
0x56b: {  	[sflag:s2] =	ssyncadd.s32 $0xFFFFFF80  }
0x56c: {  	_ =	swait.ge [sflag:s2], $0x80  }
0x56d: {  	[sflag:s2] =	ssyncset.done $0x0  }
0x56e: {  	[sflag:s2] =	ssyncadd.s32 $0xFFFFFF80  }
0x56f: {  	_ =	swait.ge [sflag:s2], $0x80  }
0x570: {  	[sflag:s2] =	ssyncset.done $0x0  }
0x571: {  	[sflag:s2] =	ssyncadd.s32 $0xFFFFFF80  }
0x572: {  	_ =	swait.ge [sflag:s2], $0x80  }
0x573: {  	[sflag:s2] =	ssyncset.done $0x0  }
0x574: {  	[sflag:s2] =	ssyncadd.s32 $0xFFFFFF80  }
0x575: {  	_ =	swait.ge [sflag:s2], $0x80  }
0x576: {  	[sflag:s2] =	ssyncset.done $0x0  }
0x577: {  	[sflag:s2] =	ssyncadd.s32 $0xFFFFFF80  }
0x578: {  	_ =	swait.ge [sflag:s2], $0x80  }
0x579: {  	[sflag:s2] =	ssyncset.done $0x0  }
0x57a: {  	[sflag:s2] =	ssyncadd.s32 $0xFFFFFF80  }
0x57b: {  	_ =	swait.ge [sflag:s2], $0x80  }
0x57c: {  	[sflag:s2] =	ssyncset.done $0x0  }
0x57d: {  	[sflag:s2] =	ssyncadd.s32 $0xFFFFFF80  }
0x57e: {  	_ =	swait.ge [sflag:s2], $0x80  }
0x57f: {  	[sflag:s2] =	ssyncset.done $0x0  }
0x580: {  	p2 =	por $0x1, $0x1;
	[sflag:s2] =	ssyncadd.s32 $0xFFFFFF80  }
.Ltmp7:
0x581: {  	_ =	swait.ge [sflag:s2], $0x80;
	(pc) =	sbr.rel @!p2 .LBB2_16-.Ltmp7, $4  }
0x582: {  	[sflag:s2] =	ssyncset.done $0x0  }
0x583: {  	[sflag:s2] =	ssyncadd.s32 $0xFFFFFF80  }
0x584: {  	p1 =	por $0x1, $0x1;
	_ =	swait.ge [sflag:s2], $0x80  }
0x585: {  	s0 =	simm.s32 $0x2000;
	s23 =	simm.s32 $0x400;
	[sflag:s2] =	ssyncset.done $0x0  }
.LBB2_15:
0x586: {  	s9 =	sadd.s32 $0xF000, s23  }
0x587: {  	s10 =	sadd.s32 $0x5000, s23;
	[sflag:s2] =	ssyncadd.s32 $0xFFFFFF80;
	s22 =	smov.u32 s0  }
0x588: {  	[spmem:s4] =	stream.indirect.scatter.add.f32 [tilespmem:s9], [sflag:$0x1], $0x1, s10, s31, $0xb8;
	[tilespmem:$0x1BDA0] =	vst v63  }
0x589: {  	p2 =	sne.s32 s0, $0x7000;
	s0 =	sadd.s32 $0x1000, s0;
	s9 =	sadd.s32 $0x11000, s23  }
0x58a: {  	[spmem:s5] =	stream.indirect.scatter.add.f32 [tilespmem:s9], [sflag:$0x1], $0x1, s10, s31, $0xb8;
	[tilespmem:$0x1BDA0] =	vst v63  }
0x58b: {  	s9 =	sadd.s32 $0x13000, s23  }
0x58c: {  	[spmem:s6] =	stream.indirect.scatter.add.f32 [tilespmem:s9], [sflag:$0x1], $0x1, s10, s31, $0xb8;
	[tilespmem:$0x1BDA0] =	vst v63  }
0x58d: {  	s9 =	sadd.s32 $0x15000, s23  }
0x58e: {  	[spmem:s7] =	stream.indirect.scatter.add.f32 [tilespmem:s9], [sflag:$0x1], $0x1, s10, s31, $0xb8;
	[tilespmem:$0x1BDA0] =	vst v63  }
0x58f: {  	s9 =	sadd.s32 $0xF080, s23;
	s10 =	sadd.s32 $0x5080, s23  }
0x590: {  	[spmem:s4] =	stream.indirect.scatter.add.f32 [tilespmem:s9], [sflag:$0x1], $0x1, s10, s31, $0xb8;
	[tilespmem:$0x1BDA0] =	vst v63  }
0x591: {  	s9 =	sadd.s32 $0x11080, s23  }
0x592: {  	[spmem:s5] =	stream.indirect.scatter.add.f32 [tilespmem:s9], [sflag:$0x1], $0x1, s10, s31, $0xb8;
	[tilespmem:$0x1BDA0] =	vst v63  }
0x593: {  	s9 =	sadd.s32 $0x13080, s23  }
0x594: {  	[spmem:s6] =	stream.indirect.scatter.add.f32 [tilespmem:s9], [sflag:$0x1], $0x1, s10, s31, $0xb8;
	[tilespmem:$0x1BDA0] =	vst v63  }
0x595: {  	s9 =	sadd.s32 $0x15080, s23  }
0x596: {  	[spmem:s7] =	stream.indirect.scatter.add.f32 [tilespmem:s9], [sflag:$0x1], $0x1, s10, s31, $0xb8;
	[tilespmem:$0x1BDA0] =	vst v63  }
0x597: {  	s9 =	sadd.s32 $0xF100, s23;
	s10 =	sadd.s32 $0x5100, s23  }
0x598: {  	[spmem:s4] =	stream.indirect.scatter.add.f32 [tilespmem:s9], [sflag:$0x1], $0x1, s10, s31, $0xb8;
	[tilespmem:$0x1BDA0] =	vst v63  }
0x599: {  	s9 =	sadd.s32 $0x11100, s23  }
0x59a: {  	[spmem:s5] =	stream.indirect.scatter.add.f32 [tilespmem:s9], [sflag:$0x1], $0x1, s10, s31, $0xb8;
	[tilespmem:$0x1BDA0] =	vst v63  }
0x59b: {  	s9 =	sadd.s32 $0x13100, s23  }
0x59c: {  	[spmem:s6] =	stream.indirect.scatter.add.f32 [tilespmem:s9], [sflag:$0x1], $0x1, s10, s31, $0xb8;
	[tilespmem:$0x1BDA0] =	vst v63  }
0x59d: {  	s9 =	sadd.s32 $0x15100, s23  }
0x59e: {  	[spmem:s7] =	stream.indirect.scatter.add.f32 [tilespmem:s9], [sflag:$0x1], $0x1, s10, s31, $0xb8;
	[tilespmem:$0x1BDA0] =	vst v63  }
0x59f: {  	s9 =	sadd.s32 $0xF180, s23;
	s10 =	sadd.s32 $0x5180, s23  }
0x5a0: {  	[spmem:s4] =	stream.indirect.scatter.add.f32 [tilespmem:s9], [sflag:$0x1], $0x1, s10, s31, $0xb8;
	[tilespmem:$0x1BDA0] =	vst v63  }
0x5a1: {  	s9 =	sadd.s32 $0x11180, s23  }
0x5a2: {  	[spmem:s5] =	stream.indirect.scatter.add.f32 [tilespmem:s9], [sflag:$0x1], $0x1, s10, s31, $0xb8;
	[tilespmem:$0x1BDA0] =	vst v63  }
0x5a3: {  	s9 =	sadd.s32 $0x13180, s23  }
0x5a4: {  	[spmem:s6] =	stream.indirect.scatter.add.f32 [tilespmem:s9], [sflag:$0x1], $0x1, s10, s31, $0xb8;
	[tilespmem:$0x1BDA0] =	vst v63  }
0x5a5: {  	s9 =	sadd.s32 $0x15180, s23  }
0x5a6: {  	[spmem:s7] =	stream.indirect.scatter.add.f32 [tilespmem:s9], [sflag:$0x1], $0x1, s10, s31, $0xb8;
	[tilespmem:$0x1BDA0] =	vst v63  }
0x5a7: {  	s9 =	sadd.s32 $0xF200, s23;
	s10 =	sadd.s32 $0x5200, s23  }
0x5a8: {  	[spmem:s4] =	stream.indirect.scatter.add.f32 [tilespmem:s9], [sflag:$0x1], $0x1, s10, s31, $0xb8;
	[tilespmem:$0x1BDA0] =	vst v63  }
0x5a9: {  	s9 =	sadd.s32 $0x11200, s23  }
0x5aa: {  	[spmem:s5] =	stream.indirect.scatter.add.f32 [tilespmem:s9], [sflag:$0x1], $0x1, s10, s31, $0xb8;
	[tilespmem:$0x1BDA0] =	vst v63  }
0x5ab: {  	s9 =	sadd.s32 $0x13200, s23  }
0x5ac: {  	[spmem:s6] =	stream.indirect.scatter.add.f32 [tilespmem:s9], [sflag:$0x1], $0x1, s10, s31, $0xb8;
	[tilespmem:$0x1BDA0] =	vst v63  }
0x5ad: {  	s9 =	sadd.s32 $0x15200, s23  }
0x5ae: {  	[spmem:s7] =	stream.indirect.scatter.add.f32 [tilespmem:s9], [sflag:$0x1], $0x1, s10, s31, $0xb8;
	[tilespmem:$0x1BDA0] =	vst v63  }
0x5af: {  	s9 =	sadd.s32 $0xF280, s23;
	s10 =	sadd.s32 $0x5280, s23  }
0x5b0: {  	[spmem:s4] =	stream.indirect.scatter.add.f32 [tilespmem:s9], [sflag:$0x1], $0x1, s10, s31, $0xb8;
	[tilespmem:$0x1BDA0] =	vst v63  }
0x5b1: {  	s9 =	sadd.s32 $0x11280, s23  }
0x5b2: {  	[spmem:s5] =	stream.indirect.scatter.add.f32 [tilespmem:s9], [sflag:$0x1], $0x1, s10, s31, $0xb8;
	[tilespmem:$0x1BDA0] =	vst v63  }
0x5b3: {  	s9 =	sadd.s32 $0x13280, s23  }
0x5b4: {  	[spmem:s6] =	stream.indirect.scatter.add.f32 [tilespmem:s9], [sflag:$0x1], $0x1, s10, s31, $0xb8;
	[tilespmem:$0x1BDA0] =	vst v63  }
0x5b5: {  	s9 =	sadd.s32 $0x15280, s23  }
0x5b6: {  	[spmem:s7] =	stream.indirect.scatter.add.f32 [tilespmem:s9], [sflag:$0x1], $0x1, s10, s31, $0xb8;
	[tilespmem:$0x1BDA0] =	vst v63  }
0x5b7: {  	s9 =	sadd.s32 $0xF300, s23;
	s10 =	sadd.s32 $0x5300, s23  }
0x5b8: {  	[spmem:s4] =	stream.indirect.scatter.add.f32 [tilespmem:s9], [sflag:$0x1], $0x1, s10, s31, $0xb8;
	[tilespmem:$0x1BDA0] =	vst v63  }
0x5b9: {  	s9 =	sadd.s32 $0x11300, s23  }
0x5ba: {  	[spmem:s5] =	stream.indirect.scatter.add.f32 [tilespmem:s9], [sflag:$0x1], $0x1, s10, s31, $0xb8;
	[tilespmem:$0x1BDA0] =	vst v63  }
0x5bb: {  	s9 =	sadd.s32 $0x13300, s23  }
0x5bc: {  	[spmem:s6] =	stream.indirect.scatter.add.f32 [tilespmem:s9], [sflag:$0x1], $0x1, s10, s31, $0xb8;
	[tilespmem:$0x1BDA0] =	vst v63  }
0x5bd: {  	s9 =	sadd.s32 $0x15300, s23  }
0x5be: {  	[spmem:s7] =	stream.indirect.scatter.add.f32 [tilespmem:s9], [sflag:$0x1], $0x1, s10, s31, $0xb8;
	[tilespmem:$0x1BDA0] =	vst v63  }
0x5bf: {  	s9 =	sadd.s32 $0xF380, s23;
	s10 =	sadd.s32 $0x5380, s23  }
0x5c0: {  	[spmem:s4] =	stream.indirect.scatter.add.f32 [tilespmem:s9], [sflag:$0x1], $0x1, s10, s31, $0xb8;
	[tilespmem:$0x1BDA0] =	vst v63  }
0x5c1: {  	s9 =	sadd.s32 $0x11380, s23  }
0x5c2: {  	[spmem:s5] =	stream.indirect.scatter.add.f32 [tilespmem:s9], [sflag:$0x1], $0x1, s10, s31, $0xb8;
	[tilespmem:$0x1BDA0] =	vst v63  }
0x5c3: {  	s9 =	sadd.s32 $0x13380, s23  }
0x5c4: {  	[spmem:s6] =	stream.indirect.scatter.add.f32 [tilespmem:s9], [sflag:$0x1], $0x1, s10, s31, $0xb8;
	[tilespmem:$0x1BDA0] =	vst v63  }
0x5c5: {  	s9 =	sadd.s32 $0x15380, s23  }
0x5c6: {  	[spmem:s7] =	stream.indirect.scatter.add.f32 [tilespmem:s9], [sflag:$0x1], $0x1, s10, s31, $0xb8;
	[tilespmem:$0x1BDA0] =	vst v63  }
0x5c7: {  	_ =	swait.ge [sflag:s2], $0x80  }
0x5c8: {  	[sflag:s2] =	ssyncset.done $0x0  }
0x5c9: {  	[sflag:s2] =	ssyncadd.s32 $0xFFFFFF80  }
0x5ca: {  	_ =	swait.ge [sflag:s2], $0x80  }
0x5cb: {  	[sflag:s2] =	ssyncset.done $0x0  }
0x5cc: {  	[sflag:s2] =	ssyncadd.s32 $0xFFFFFF80  }
0x5cd: {  	_ =	swait.ge [sflag:s2], $0x80  }
0x5ce: {  	[sflag:s2] =	ssyncset.done $0x0  }
0x5cf: {  	[sflag:s2] =	ssyncadd.s32 $0xFFFFFF80  }
0x5d0: {  	_ =	swait.ge [sflag:s2], $0x80  }
0x5d1: {  	[sflag:s2] =	ssyncset.done $0x0  }
0x5d2: {  	[sflag:s2] =	ssyncadd.s32 $0xFFFFFF80  }
0x5d3: {  	_ =	swait.ge [sflag:s2], $0x80  }
0x5d4: {  	[sflag:s2] =	ssyncset.done $0x0  }
0x5d5: {  	[sflag:s2] =	ssyncadd.s32 $0xFFFFFF80  }
0x5d6: {  	_ =	swait.ge [sflag:s2], $0x80  }
0x5d7: {  	[sflag:s2] =	ssyncset.done $0x0  }
0x5d8: {  	[sflag:s2] =	ssyncadd.s32 $0xFFFFFF80  }
0x5d9: {  	_ =	swait.ge [sflag:s2], $0x80  }
0x5da: {  	[sflag:s2] =	ssyncset.done $0x0  }
0x5db: {  	[sflag:s2] =	ssyncadd.s32 $0xFFFFFF80  }
0x5dc: {  	_ =	swait.ge [sflag:s2], $0x80  }
0x5dd: {  	[sflag:s2] =	ssyncset.done $0x0  }
0x5de: {  	[sflag:s2] =	ssyncadd.s32 $0xFFFFFF80  }
0x5df: {  	_ =	swait.ge [sflag:s2], $0x80  }
0x5e0: {  	[sflag:s2] =	ssyncset.done $0x0  }
0x5e1: {  	[sflag:s2] =	ssyncadd.s32 $0xFFFFFF80  }
0x5e2: {  	_ =	swait.ge [sflag:s2], $0x80  }
0x5e3: {  	[sflag:s2] =	ssyncset.done $0x0  }
0x5e4: {  	[sflag:s2] =	ssyncadd.s32 $0xFFFFFF80  }
0x5e5: {  	_ =	swait.ge [sflag:s2], $0x80  }
0x5e6: {  	[sflag:s2] =	ssyncset.done $0x0  }
0x5e7: {  	[sflag:s2] =	ssyncadd.s32 $0xFFFFFF80  }
0x5e8: {  	_ =	swait.ge [sflag:s2], $0x80  }
0x5e9: {  	[sflag:s2] =	ssyncset.done $0x0  }
0x5ea: {  	[sflag:s2] =	ssyncadd.s32 $0xFFFFFF80  }
0x5eb: {  	_ =	swait.ge [sflag:s2], $0x80  }
0x5ec: {  	[sflag:s2] =	ssyncset.done $0x0  }
0x5ed: {  	[sflag:s2] =	ssyncadd.s32 $0xFFFFFF80  }
0x5ee: {  	_ =	swait.ge [sflag:s2], $0x80  }
0x5ef: {  	[sflag:s2] =	ssyncset.done $0x0  }
0x5f0: {  	[sflag:s2] =	ssyncadd.s32 $0xFFFFFF80  }
0x5f1: {  	_ =	swait.ge [sflag:s2], $0x80  }
0x5f2: {  	[sflag:s2] =	ssyncset.done $0x0  }
0x5f3: {  	[sflag:s2] =	ssyncadd.s32 $0xFFFFFF80  }
0x5f4: {  	_ =	swait.ge [sflag:s2], $0x80  }
0x5f5: {  	[sflag:s2] =	ssyncset.done $0x0  }
0x5f6: {  	[sflag:s2] =	ssyncadd.s32 $0xFFFFFF80  }
0x5f7: {  	_ =	swait.ge [sflag:s2], $0x80  }
0x5f8: {  	[sflag:s2] =	ssyncset.done $0x0  }
0x5f9: {  	[sflag:s2] =	ssyncadd.s32 $0xFFFFFF80  }
0x5fa: {  	_ =	swait.ge [sflag:s2], $0x80  }
0x5fb: {  	[sflag:s2] =	ssyncset.done $0x0  }
0x5fc: {  	[sflag:s2] =	ssyncadd.s32 $0xFFFFFF80  }
0x5fd: {  	_ =	swait.ge [sflag:s2], $0x80  }
0x5fe: {  	[sflag:s2] =	ssyncset.done $0x0  }
0x5ff: {  	[sflag:s2] =	ssyncadd.s32 $0xFFFFFF80  }
0x600: {  	_ =	swait.ge [sflag:s2], $0x80  }
0x601: {  	[sflag:s2] =	ssyncset.done $0x0  }
0x602: {  	[sflag:s2] =	ssyncadd.s32 $0xFFFFFF80  }
0x603: {  	_ =	swait.ge [sflag:s2], $0x80  }
0x604: {  	[sflag:s2] =	ssyncset.done $0x0  }
0x605: {  	[sflag:s2] =	ssyncadd.s32 $0xFFFFFF80  }
0x606: {  	_ =	swait.ge [sflag:s2], $0x80  }
0x607: {  	[sflag:s2] =	ssyncset.done $0x0  }
0x608: {  	[sflag:s2] =	ssyncadd.s32 $0xFFFFFF80  }
0x609: {  	_ =	swait.ge [sflag:s2], $0x80  }
0x60a: {  	[sflag:s2] =	ssyncset.done $0x0  }
0x60b: {  	[sflag:s2] =	ssyncadd.s32 $0xFFFFFF80  }
0x60c: {  	_ =	swait.ge [sflag:s2], $0x80  }
0x60d: {  	[sflag:s2] =	ssyncset.done $0x0  }
0x60e: {  	[sflag:s2] =	ssyncadd.s32 $0xFFFFFF80  }
0x60f: {  	_ =	swait.ge [sflag:s2], $0x80  }
0x610: {  	[sflag:s2] =	ssyncset.done $0x0  }
0x611: {  	[sflag:s2] =	ssyncadd.s32 $0xFFFFFF80  }
0x612: {  	_ =	swait.ge [sflag:s2], $0x80  }
0x613: {  	[sflag:s2] =	ssyncset.done $0x0  }
0x614: {  	[sflag:s2] =	ssyncadd.s32 $0xFFFFFF80  }
0x615: {  	_ =	swait.ge [sflag:s2], $0x80  }
0x616: {  	[sflag:s2] =	ssyncset.done $0x0  }
0x617: {  	[sflag:s2] =	ssyncadd.s32 $0xFFFFFF80  }
0x618: {  	_ =	swait.ge [sflag:s2], $0x80  }
0x619: {  	[sflag:s2] =	ssyncset.done $0x0  }
0x61a: {  	[sflag:s2] =	ssyncadd.s32 $0xFFFFFF80  }
0x61b: {  	_ =	swait.ge [sflag:s2], $0x80  }
0x61c: {  	[sflag:s2] =	ssyncset.done $0x0  }
0x61d: {  	[sflag:s2] =	ssyncadd.s32 $0xFFFFFF80  }
0x61e: {  	_ =	swait.ge [sflag:s2], $0x80  }
0x61f: {  	[sflag:s2] =	ssyncset.done $0x0  }
0x620: {  	[sflag:s2] =	ssyncadd.s32 $0xFFFFFF80  }
.Ltmp8:
0x621: {  	_ =	swait.ge [sflag:s2], $0x80;
	(pc) =	sbr.rel @p2 .LBB2_15-.Ltmp8, $4  }
0x622: {  	[sflag:s2] =	ssyncset.done $0x0  }
0x623: {  	[sflag:s2] =	ssyncadd.s32 $0xFFFFFF80  }
0x624: {  	_ =	swait.ge [sflag:s2], $0x80  }
0x625: {  	s23 =	sshra.s32 s22, $0x2;
	[sflag:s2] =	ssyncset.done $0x0  }
.LBB2_16:
0x626: {  	s0 =	sadd.s32 $0xF000, s23;
	s9 =	sadd.s32 $0x5000, s23;
	[sflag:s2] =	ssyncadd.s32 @p1 $0xFFFFFF80  }
0x627: {  	[spmem:s4] =	stream.indirect.scatter.add.f32 [tilespmem:s0], [sflag:$0x1], $0x1, s9, s31, $0xb8;
	[tilespmem:$0x1BDA0] =	vst v63  }
0x628: {  	s24 =	sadd.s32 $0x11000, s23  }
0x629: {  	[spmem:s5] =	stream.indirect.scatter.add.f32 [tilespmem:s24], [sflag:$0x1], $0x1, s9, s31, $0xb8;
	[tilespmem:$0x1BDA0] =	vst v63  }
0x62a: {  	s10 =	sadd.s32 $0x13000, s23  }
0x62b: {  	[spmem:s6] =	stream.indirect.scatter.add.f32 [tilespmem:s10], [sflag:$0x1], $0x1, s9, s31, $0xb8;
	[tilespmem:$0x1BDA0] =	vst v63  }
0x62c: {  	s22 =	sadd.s32 $0x15000, s23  }
0x62d: {  	[spmem:s7] =	stream.indirect.scatter.add.f32 [tilespmem:s22], [sflag:$0x1], $0x1, s9, s31, $0xb8;
	[tilespmem:$0x1BDA0] =	vst v63  }
0x62e: {  	s24 =	sadd.s32 $0xF080, s23;
	s9 =	sadd.s32 $0x5080, s23  }
0x62f: {  	[spmem:s4] =	stream.indirect.scatter.add.f32 [tilespmem:s24], [sflag:$0x1], $0x1, s9, s31, $0xb8;
	[tilespmem:$0x1BDA0] =	vst v63  }
0x630: {  	s10 =	sadd.s32 $0x11080, s23  }
0x631: {  	[spmem:s5] =	stream.indirect.scatter.add.f32 [tilespmem:s10], [sflag:$0x1], $0x1, s9, s31, $0xb8;
	[tilespmem:$0x1BDA0] =	vst v63  }
0x632: {  	s22 =	sadd.s32 $0x13080, s23  }
0x633: {  	[spmem:s6] =	stream.indirect.scatter.add.f32 [tilespmem:s22], [sflag:$0x1], $0x1, s9, s31, $0xb8;
	[tilespmem:$0x1BDA0] =	vst v63  }
0x634: {  	s24 =	sadd.s32 $0x15080, s23  }
0x635: {  	[spmem:s7] =	stream.indirect.scatter.add.f32 [tilespmem:s24], [sflag:$0x1], $0x1, s9, s31, $0xb8;
	[tilespmem:$0x1BDA0] =	vst v63  }
0x636: {  	s10 =	sadd.s32 $0xF100, s23;
	s9 =	sadd.s32 $0x5100, s23  }
0x637: {  	[spmem:s4] =	stream.indirect.scatter.add.f32 [tilespmem:s10], [sflag:$0x1], $0x1, s9, s31, $0xb8;
	[tilespmem:$0x1BDA0] =	vst v63  }
0x638: {  	s22 =	sadd.s32 $0x11100, s23  }
0x639: {  	[spmem:s5] =	stream.indirect.scatter.add.f32 [tilespmem:s22], [sflag:$0x1], $0x1, s9, s31, $0xb8;
	[tilespmem:$0x1BDA0] =	vst v63  }
0x63a: {  	s24 =	sadd.s32 $0x13100, s23  }
0x63b: {  	[spmem:s6] =	stream.indirect.scatter.add.f32 [tilespmem:s24], [sflag:$0x1], $0x1, s9, s31, $0xb8;
	[tilespmem:$0x1BDA0] =	vst v63  }
0x63c: {  	s10 =	sadd.s32 $0x15100, s23  }
0x63d: {  	[spmem:s7] =	stream.indirect.scatter.add.f32 [tilespmem:s10], [sflag:$0x1], $0x1, s9, s31, $0xb8;
	[tilespmem:$0x1BDA0] =	vst v63  }
0x63e: {  	s22 =	sadd.s32 $0xF180, s23;
	s9 =	sadd.s32 $0x5180, s23  }
0x63f: {  	[spmem:s4] =	stream.indirect.scatter.add.f32 [tilespmem:s22], [sflag:$0x1], $0x1, s9, s31, $0xb8;
	[tilespmem:$0x1BDA0] =	vst v63  }
0x640: {  	s24 =	sadd.s32 $0x11180, s23  }
0x641: {  	[spmem:s5] =	stream.indirect.scatter.add.f32 [tilespmem:s24], [sflag:$0x1], $0x1, s9, s31, $0xb8;
	[tilespmem:$0x1BDA0] =	vst v63  }
0x642: {  	s10 =	sadd.s32 $0x13180, s23  }
0x643: {  	[spmem:s6] =	stream.indirect.scatter.add.f32 [tilespmem:s10], [sflag:$0x1], $0x1, s9, s31, $0xb8;
	[tilespmem:$0x1BDA0] =	vst v63  }
0x644: {  	s22 =	sadd.s32 $0x15180, s23  }
0x645: {  	[spmem:s7] =	stream.indirect.scatter.add.f32 [tilespmem:s22], [sflag:$0x1], $0x1, s9, s31, $0xb8;
	[tilespmem:$0x1BDA0] =	vst v63  }
0x646: {  	s24 =	sadd.s32 $0xF200, s23;
	s9 =	sadd.s32 $0x5200, s23  }
0x647: {  	[spmem:s4] =	stream.indirect.scatter.add.f32 [tilespmem:s24], [sflag:$0x1], $0x1, s9, s31, $0xb8;
	[tilespmem:$0x1BDA0] =	vst v63  }
0x648: {  	s10 =	sadd.s32 $0x11200, s23  }
0x649: {  	[spmem:s5] =	stream.indirect.scatter.add.f32 [tilespmem:s10], [sflag:$0x1], $0x1, s9, s31, $0xb8;
	[tilespmem:$0x1BDA0] =	vst v63  }
0x64a: {  	s22 =	sadd.s32 $0x13200, s23  }
0x64b: {  	[spmem:s6] =	stream.indirect.scatter.add.f32 [tilespmem:s22], [sflag:$0x1], $0x1, s9, s31, $0xb8;
	[tilespmem:$0x1BDA0] =	vst v63  }
0x64c: {  	s24 =	sadd.s32 $0x15200, s23  }
0x64d: {  	[spmem:s7] =	stream.indirect.scatter.add.f32 [tilespmem:s24], [sflag:$0x1], $0x1, s9, s31, $0xb8;
	[tilespmem:$0x1BDA0] =	vst v63  }
0x64e: {  	s10 =	sadd.s32 $0xF280, s23;
	s9 =	sadd.s32 $0x5280, s23  }
0x64f: {  	[spmem:s4] =	stream.indirect.scatter.add.f32 [tilespmem:s10], [sflag:$0x1], $0x1, s9, s31, $0xb8;
	[tilespmem:$0x1BDA0] =	vst v63  }
0x650: {  	s22 =	sadd.s32 $0x11280, s23  }
0x651: {  	[spmem:s5] =	stream.indirect.scatter.add.f32 [tilespmem:s22], [sflag:$0x1], $0x1, s9, s31, $0xb8;
	[tilespmem:$0x1BDA0] =	vst v63  }
0x652: {  	s24 =	sadd.s32 $0x13280, s23  }
0x653: {  	[spmem:s6] =	stream.indirect.scatter.add.f32 [tilespmem:s24], [sflag:$0x1], $0x1, s9, s31, $0xb8;
	[tilespmem:$0x1BDA0] =	vst v63  }
0x654: {  	s10 =	sadd.s32 $0x15280, s23  }
0x655: {  	[spmem:s7] =	stream.indirect.scatter.add.f32 [tilespmem:s10], [sflag:$0x1], $0x1, s9, s31, $0xb8;
	[tilespmem:$0x1BDA0] =	vst v63  }
0x656: {  	s22 =	sadd.s32 $0xF300, s23;
	s9 =	sadd.s32 $0x5300, s23  }
0x657: {  	[spmem:s4] =	stream.indirect.scatter.add.f32 [tilespmem:s22], [sflag:$0x1], $0x1, s9, s31, $0xb8;
	[tilespmem:$0x1BDA0] =	vst v63  }
0x658: {  	s24 =	sadd.s32 $0x11300, s23  }
0x659: {  	[spmem:s5] =	stream.indirect.scatter.add.f32 [tilespmem:s24], [sflag:$0x1], $0x1, s9, s31, $0xb8;
	[tilespmem:$0x1BDA0] =	vst v63  }
0x65a: {  	s10 =	sadd.s32 $0x13300, s23  }
0x65b: {  	[spmem:s6] =	stream.indirect.scatter.add.f32 [tilespmem:s10], [sflag:$0x1], $0x1, s9, s31, $0xb8;
	[tilespmem:$0x1BDA0] =	vst v63  }
0x65c: {  	s22 =	sadd.s32 $0x15300, s23  }
0x65d: {  	[spmem:s7] =	stream.indirect.scatter.add.f32 [tilespmem:s22], [sflag:$0x1], $0x1, s9, s31, $0xb8;
	[tilespmem:$0x1BDA0] =	vst v63  }
0x65e: {  	s24 =	sadd.s32 $0xF380, s23;
	s9 =	sadd.s32 $0x5380, s23  }
0x65f: {  	[spmem:s4] =	stream.indirect.scatter.add.f32 [tilespmem:s24], [sflag:$0x1], $0x1, s9, s31, $0xb8;
	[tilespmem:$0x1BDA0] =	vst v63  }
0x660: {  	s10 =	sadd.s32 $0x11380, s23  }
0x661: {  	[spmem:s5] =	stream.indirect.scatter.add.f32 [tilespmem:s10], [sflag:$0x1], $0x1, s9, s31, $0xb8;
	[tilespmem:$0x1BDA0] =	vst v63  }
0x662: {  	s22 =	sadd.s32 $0x13380, s23  }
0x663: {  	[spmem:s6] =	stream.indirect.scatter.add.f32 [tilespmem:s22], [sflag:$0x1], $0x1, s9, s31, $0xb8;
	[tilespmem:$0x1BDA0] =	vst v63  }
0x664: {  	s24 =	sadd.s32 $0x15380, s23  }
0x665: {  	[spmem:s7] =	stream.indirect.scatter.add.f32 [tilespmem:s24], [sflag:$0x1], $0x1, s9, s31, $0xb8;
	[tilespmem:$0x1BDA0] =	vst v63  }
0x666: {  	_ =	swait.ge [sflag:s2], $0x80  }
0x667: {  	[sflag:s2] =	ssyncset.done $0x0  }
0x668: {  	[sflag:s2] =	ssyncadd.s32 $0xFFFFFF80  }
0x669: {  	_ =	swait.ge [sflag:s2], $0x80  }
0x66a: {  	[sflag:s2] =	ssyncset.done $0x0  }
0x66b: {  	[sflag:s2] =	ssyncadd.s32 $0xFFFFFF80  }
0x66c: {  	_ =	swait.ge [sflag:s2], $0x80  }
0x66d: {  	[sflag:s2] =	ssyncset.done $0x0  }
0x66e: {  	[sflag:s2] =	ssyncadd.s32 $0xFFFFFF80  }
0x66f: {  	_ =	swait.ge [sflag:s2], $0x80  }
0x670: {  	[sflag:s2] =	ssyncset.done $0x0  }
0x671: {  	[sflag:s2] =	ssyncadd.s32 $0xFFFFFF80  }
0x672: {  	_ =	swait.ge [sflag:s2], $0x80  }
0x673: {  	[sflag:s2] =	ssyncset.done $0x0  }
0x674: {  	[sflag:s2] =	ssyncadd.s32 $0xFFFFFF80  }
0x675: {  	_ =	swait.ge [sflag:s2], $0x80  }
0x676: {  	[sflag:s2] =	ssyncset.done $0x0  }
0x677: {  	[sflag:s2] =	ssyncadd.s32 $0xFFFFFF80  }
0x678: {  	_ =	swait.ge [sflag:s2], $0x80  }
0x679: {  	[sflag:s2] =	ssyncset.done $0x0  }
0x67a: {  	[sflag:s2] =	ssyncadd.s32 $0xFFFFFF80  }
0x67b: {  	_ =	swait.ge [sflag:s2], $0x80  }
0x67c: {  	[sflag:s2] =	ssyncset.done $0x0  }
0x67d: {  	[sflag:s2] =	ssyncadd.s32 $0xFFFFFF80  }
0x67e: {  	_ =	swait.ge [sflag:s2], $0x80  }
0x67f: {  	[sflag:s2] =	ssyncset.done $0x0  }
0x680: {  	[sflag:s2] =	ssyncadd.s32 $0xFFFFFF80  }
0x681: {  	_ =	swait.ge [sflag:s2], $0x80  }
0x682: {  	[sflag:s2] =	ssyncset.done $0x0  }
0x683: {  	[sflag:s2] =	ssyncadd.s32 $0xFFFFFF80  }
0x684: {  	_ =	swait.ge [sflag:s2], $0x80  }
0x685: {  	[sflag:s2] =	ssyncset.done $0x0  }
0x686: {  	[sflag:s2] =	ssyncadd.s32 $0xFFFFFF80  }
0x687: {  	_ =	swait.ge [sflag:s2], $0x80  }
0x688: {  	[sflag:s2] =	ssyncset.done $0x0  }
0x689: {  	[sflag:s2] =	ssyncadd.s32 $0xFFFFFF80  }
0x68a: {  	_ =	swait.ge [sflag:s2], $0x80  }
0x68b: {  	[sflag:s2] =	ssyncset.done $0x0  }
0x68c: {  	[sflag:s2] =	ssyncadd.s32 $0xFFFFFF80  }
0x68d: {  	_ =	swait.ge [sflag:s2], $0x80  }
0x68e: {  	[sflag:s2] =	ssyncset.done $0x0  }
0x68f: {  	[sflag:s2] =	ssyncadd.s32 $0xFFFFFF80  }
0x690: {  	_ =	swait.ge [sflag:s2], $0x80  }
0x691: {  	[sflag:s2] =	ssyncset.done $0x0  }
0x692: {  	[sflag:s2] =	ssyncadd.s32 $0xFFFFFF80  }
0x693: {  	_ =	swait.ge [sflag:s2], $0x80  }
0x694: {  	[sflag:s2] =	ssyncset.done $0x0  }
0x695: {  	[sflag:s2] =	ssyncadd.s32 $0xFFFFFF80  }
0x696: {  	_ =	swait.ge [sflag:s2], $0x80  }
0x697: {  	[sflag:s2] =	ssyncset.done $0x0  }
0x698: {  	[sflag:s2] =	ssyncadd.s32 $0xFFFFFF80  }
0x699: {  	_ =	swait.ge [sflag:s2], $0x80  }
0x69a: {  	[sflag:s2] =	ssyncset.done $0x0  }
0x69b: {  	[sflag:s2] =	ssyncadd.s32 $0xFFFFFF80  }
0x69c: {  	_ =	swait.ge [sflag:s2], $0x80  }
0x69d: {  	[sflag:s2] =	ssyncset.done $0x0  }
0x69e: {  	[sflag:s2] =	ssyncadd.s32 $0xFFFFFF80  }
0x69f: {  	_ =	swait.ge [sflag:s2], $0x80  }
0x6a0: {  	[sflag:s2] =	ssyncset.done $0x0  }
0x6a1: {  	[sflag:s2] =	ssyncadd.s32 $0xFFFFFF80  }
0x6a2: {  	_ =	swait.ge [sflag:s2], $0x80  }
0x6a3: {  	[sflag:s2] =	ssyncset.done $0x0  }
0x6a4: {  	[sflag:s2] =	ssyncadd.s32 $0xFFFFFF80  }
0x6a5: {  	_ =	swait.ge [sflag:s2], $0x80  }
0x6a6: {  	[sflag:s2] =	ssyncset.done $0x0  }
0x6a7: {  	[sflag:s2] =	ssyncadd.s32 $0xFFFFFF80  }
0x6a8: {  	_ =	swait.ge [sflag:s2], $0x80  }
0x6a9: {  	[sflag:s2] =	ssyncset.done $0x0  }
0x6aa: {  	[sflag:s2] =	ssyncadd.s32 $0xFFFFFF80  }
0x6ab: {  	_ =	swait.ge [sflag:s2], $0x80  }
0x6ac: {  	[sflag:s2] =	ssyncset.done $0x0  }
0x6ad: {  	[sflag:s2] =	ssyncadd.s32 $0xFFFFFF80  }
0x6ae: {  	_ =	swait.ge [sflag:s2], $0x80  }
0x6af: {  	[sflag:s2] =	ssyncset.done $0x0  }
0x6b0: {  	[sflag:s2] =	ssyncadd.s32 $0xFFFFFF80  }
0x6b1: {  	_ =	swait.ge [sflag:s2], $0x80  }
0x6b2: {  	[sflag:s2] =	ssyncset.done $0x0  }
0x6b3: {  	[sflag:s2] =	ssyncadd.s32 $0xFFFFFF80  }
0x6b4: {  	_ =	swait.ge [sflag:s2], $0x80  }
0x6b5: {  	[sflag:s2] =	ssyncset.done $0x0  }
0x6b6: {  	[sflag:s2] =	ssyncadd.s32 $0xFFFFFF80  }
0x6b7: {  	_ =	swait.ge [sflag:s2], $0x80  }
0x6b8: {  	[sflag:s2] =	ssyncset.done $0x0  }
0x6b9: {  	[sflag:s2] =	ssyncadd.s32 $0xFFFFFF80  }
0x6ba: {  	_ =	swait.ge [sflag:s2], $0x80  }
0x6bb: {  	[sflag:s2] =	ssyncset.done $0x0  }
0x6bc: {  	[sflag:s2] =	ssyncadd.s32 $0xFFFFFF80  }
0x6bd: {  	_ =	swait.ge [sflag:s2], $0x80  }
0x6be: {  	[sflag:s2] =	ssyncset.done $0x0  }
0x6bf: {  	[sflag:s2] =	ssyncadd.s32 $0xFFFFFF80  }
0x6c0: {  	_ =	swait.ge [sflag:s2], $0x80  }
0x6c1: {  	[sflag:s2] =	ssyncset.done $0x0  }
0x6c2: {  	[sflag:s2] =	ssyncadd.s32 $0xFFFFFF80  }
0x6c3: {  	_ =	swait.ge [sflag:s2], $0x80  }
0x6c4: {  	[sflag:s2] =	ssyncset.done $0x0  }
0x6c5: {  	[sflag:s2] =	ssyncadd.s32 $0xFFFFFF80  }
0x6c6: {  	s10 =	simm.s32 $0x17000;
	[bflag:$0x0] =	sbarrier.arrive $0xFFFF  }
0x6c7: {  	[tilespmem:s10], [sflag:$0x2] =	stream.linear.gather [spmem:s15], $0x80, $0x38;
	[tilespmem:$0x1BDA0] =	vst v63  }
0x6c8: {  	_ =	swait.ge [sflag:s21], $0x80  }
0x6c9: {  	[sflag:s21] =	ssyncset.done $0x0  }
0x6ca: {  	s22 =	simm.s32 $0x17080;
	[sflag:s21] =	ssyncadd.s32 $0xFFFFFF80  }
0x6cb: {  	[tilespmem:s22], [sflag:$0x2] =	stream.linear.gather [spmem:s16], $0x80, $0x38;
	[tilespmem:$0x1BDA0] =	vst v63  }
0x6cc: {  	_ =	swait.ge [sflag:s21], $0x80  }
0x6cd: {  	[sflag:s21] =	ssyncset.done $0x0  }
0x6ce: {  	s23 =	simm.s32 $0x17100;
	[sflag:s21] =	ssyncadd.s32 $0xFFFFFF80  }
0x6cf: {  	[tilespmem:s23], [sflag:$0x2] =	stream.linear.gather [spmem:s17], $0x80, $0x38;
	[tilespmem:$0x1BDA0] =	vst v63  }
0x6d0: {  	_ =	swait.ge [sflag:s21], $0x80  }
0x6d1: {  	[sflag:s21] =	ssyncset.done $0x0  }
0x6d2: {  	s24 =	simm.s32 $0x17180;
	[sflag:s21] =	ssyncadd.s32 $0xFFFFFF80  }
0x6d3: {  	[tilespmem:s24], [sflag:$0x2] =	stream.linear.gather [spmem:s18], $0x80, $0x38;
	[tilespmem:$0x1BDA0] =	vst v63  }
0x6d4: {  	_ =	swait.ge [sflag:s21], $0x80  }
0x6d5: {  	[sflag:s21] =	ssyncset.done $0x0  }
0x6d6: {  	[sflag:s21] =	ssyncadd.s32 $0xFFFFFF80  }
0x6d7: {  	v7 =	vld [tilespmem:$0x17080]  }
0x6d8: {  	v8 =	vld [tilespmem:$0x17000]  }
0x6d9: {  	v9 =	vld [tilespmem:$0x17180]  }
0x6da: {  	v10 =	vld [tilespmem:$0x17100]  }
0x6db: {  	v11 =	vld [tilespmem:$0x17010]  }
0x6dc: {  	v12 =	vld [tilespmem:$0x17110]  }
0x6dd: {  	v13 =	vld [tilespmem:$0x17090]  }
0x6de: {  	v14 =	vld [tilespmem:$0x17190]  }
0x6df: {  	v15 =	vld [tilespmem:$0x17020];
	v8 =	vadd.f32 $4.096000000e+03, v8  }
0x6e0: {  	v58 =	vld [tilespmem:$0x17120];
	v10 =	vadd.f32 $4.096000000e+03, v10  }
0x6e1: {  	v60 =	vld [tilespmem:$0x170A0];
	(erf) = vrcp.f32 v8  }
0x6e2: {  	v61 =	vld [tilespmem:$0x171A0];
	(erf) = vrcp.f32 v10  }
0x6e3: {  	v62 =	vld [tilespmem:$0x17030]  }
0x6e4: {  	v16 =	vld [tilespmem:$0x17130];
	v57 =	vadd.f32 $4.096000000e+03, v11  }
0x6e5: {  	v17 =	vld [tilespmem:$0x170B0];
	v59 =	vadd.f32 $4.096000000e+03, v12  }
0x6e6: {  	v24 =	vld [tilespmem:$0x17040];
	v15 =	vadd.f32 $4.096000000e+03, v15;
	(erf) = vrcp.f32 v57  }
0x6e7: {  	v25 =	vld [tilespmem:$0x17140];
	v11 =	vadd.f32 $4.096000000e+03, v58;
	(erf) = vrcp.f32 v59  }
0x6e8: {  	v19 =	vld [tilespmem:$0x17050];
	(erf) = vrcp.f32 v15  }
0x6e9: {  	v5 =	vadd.f32 v6, v5;
	v26 =	vld [tilespmem:$0x17060];
	v6 =	vadd.f32 $4.096000000e+03, v62;
	(erf) = vrcp.f32 v11  }
0x6ea: {  	v28 =	vld [tilespmem:$0x17160];
	v18 =	vpop (erf)  }
0x6eb: {  	v16 =	vadd.f32 $4.096000000e+03, v16;
	v20 =	vpop (erf);
	(erf) = vrcp.f32 v6;
	v6 =	vld [tilespmem:$0x17150]  }
0x6ec: {  	v29 =	vld [tilespmem:$0x17070]  }
0x6ed: {  	v31 =	vld [tilespmem:$0x17170];
	v7 =	vadd.f32 v7, v5;
	v11 =	vadd.f32 $4.096000000e+03, v24;
	(erf) = vrcp.f32 v16  }
0x6ee: {  	v38 =	vld [tilespmem:$0x171C0];
	v9 =	vadd.f32 v9, v5;
	v10 =	vadd.f32 $4.096000000e+03, v25  }
0x6ef: {  	v43 =	vld [tilespmem:$0x171D0];
	v13 =	vadd.f32 v13, v5;
	v30 =	vadd.f32 $4.096000000e+03, v19;
	v21 =	vpop (erf);
	(erf) = vrcp.f32 v11  }
0x6f0: {  	v63 =	vld [tilespmem:$0x171B0];
	v14 =	vadd.f32 v14, v5;
	v27 =	vpop (erf);
	(erf) = vrcp.f32 v10;
	v6 =	vadd.f32 $4.096000000e+03, v6  }
0x6f1: {  	v45 =	vld [tilespmem:$0x170E0];
	v12 =	vadd.f32 v60, v5;
	v35 =	vadd.f32 $4.096000000e+03, v26;
	v32 =	vpop (erf);
	(erf) = vrcp.f32 v30  }
0x6f2: {  	v41 =	vld [tilespmem:$0x170D0];
	v37 =	vadd.f32 v17, v5;
	v34 =	vpop (erf);
	(erf) = vrcp.f32 v6;
	v6 =	vadd.f32 $4.096000000e+03, v28  }
0x6f3: {  	v49 =	vld [tilespmem:$0x170F0];
	v39 =	vadd.f32 $4.096000000e+03, v29;
	v51 =	vadd.f32 v38, v5;
	(erf) = vrcp.f32 v35  }
0x6f4: {  	v36 =	vld [tilespmem:$0x170C0];
	v19 =	vadd.f32 v43, v5;
	(erf) = vrcp.f32 v6;
	v6 =	vadd.f32 $4.096000000e+03, v31  }
0x6f5: {  	v8 =	vadd.f32 v61, v5;
	v7 =	vmul.f32 v18, v7;
	v40 =	vpop (erf);
	(erf) = vrcp.f32 v39  }
0x6f6: {  	v56 =	vadd.f32 v45, v5;
	v9 =	vmul.f32 v20, v9;
	v42 =	vpop (erf);
	(erf) = vrcp.f32 v6  }
0x6f7: {  	v15 =	vadd.f32 v63, v5;
	v33 =	vmul.f32 v32, v12;
	v8 =	vmul.f32 v34, v8  }
0x6f8: {  	v46 =	vld [tilespmem:$0x171E0];
	v20 =	vadd.f32 v41, v5;
	v13 =	vmul.f32 v21, v13;
	v11 =	vadd.f32 v49, v5;
	v47 =	vpop (erf)  }
0x6f9: {  	v52 =	vld [tilespmem:$0x171F0];
	v14 =	vmul.f32 v27, v14;
	v12 =	vadd.f32 v36, v5;
	v8 =	vadd.f32 v8, v33;
	v50 =	vpop (erf)  }
0x6fa: {  	v16 =	vmul.f32 v40, v37;
	v44 =	vmul.f32 v42, v15;
	v6 =	vadd.f32 v9, v7;
	v53 =	vpop (erf)  }
0x6fb: {  	v8 =	vmul.f32 $5.000000000e-01, v8;
	v7 =	vadd.f32 v14, v13;
	v12 =	vmul.f32 v47, v12;
	v54 =	vpop (erf)  }
0x6fc: {  	v48 =	vadd.f32 v44, v16;
	v55 =	vmul.f32 v50, v51;
	v6 =	vmul.f32 $5.000000000e-01, v6;
	v57 =	vpop (erf)  }
0x6fd: {  	v9 =	vadd.f32 v46, v5;
	v7 =	vmul.f32 $5.000000000e-01, v7;
	v58 =	vmul.f32 v53, v20;
	v60 =	vpop (erf)  }
0x6fe: {  	v5 =	vadd.f32 v52, v5;
	v10 =	vmul.f32 $5.000000000e-01, v48;
	v59 =	vmul.f32 v54, v19;
	v61 =	vpop (erf)  }
0x6ff: {  	[tilespmem:$0x17200] =	vst v6;
	v6 =	vadd.f32 v55, v12;
	v14 =	vmul.f32 v57, v56;
	v9 =	vmul.f32 v60, v9;
	v62 =	vpop (erf)  }
0x700: {  	[tilespmem:$0x17210] =	vst v7;
	v7 =	vadd.f32 v59, v58;
	v11 =	vmul.f32 v61, v11;
	v5 =	vmul.f32 v62, v5  }
0x701: {  	[tilespmem:$0x17220] =	vst v8;
	v6 =	vmul.f32 $5.000000000e-01, v6;
	v63 =	vadd.f32 v9, v14  }
0x702: {  	[tilespmem:$0x17230] =	vst v10;
	v7 =	vmul.f32 $5.000000000e-01, v7;
	v5 =	vadd.f32 v5, v11  }
0x703: {  	[tilespmem:$0x17240] =	vst v6;
	v6 =	vmul.f32 $5.000000000e-01, v63  }
0x704: {  	s25 =	sadd.s32 $0x1, s25;
	[tilespmem:$0x17250] =	vst v7;
	v5 =	vmul.f32 $5.000000000e-01, v5  }
0x705: {  	p1 =	sne.s32 s25, s20;
	[tilespmem:$0x17260] =	vst v6  }
.Ltmp9:
0x706: {  	[tilespmem:$0x17270] =	vst v5;
	(pc) =	sbr.rel @p1 .LBB2_1-.Ltmp9, $4  }
0x707: {  	[hbm4b:s19+s8] =	stream.linear.scatter [tilespmem:s28], [sflag:$0x2], $0x80, $0x38;
	[tilespmem:$0x1BDA0] =	vst v63  }
0x708: {  	_ =	swait.ge [sflag:s21], $0x80  }
0x709: {  	[sflag:s21] =	ssyncset.done $0x0  }
0x70a: {  	[sflag:s21] =	ssyncadd.s32 $0xFFFFFF80  }
0x70b: {  	_ =	sfence.sel $0x180000  }
0x70c: {  	[bflag:$0x0] =	sbarrier.arrive $0xFFFF  }
0x70d: {  	_ =	strace $0x90000050  }
0x70e: {  	[bflag:$0x2] =	sbarrier.arrive $0xFFFF  }
0x70f: {  	s0 =	rddreg [dreg:$0x9]  }
0x710: {  	s0 =	sadd.s32 @!p0 $0x100000, s0  }
0x711: {  	[sflag:s0] =	ssyncadd.tile.s32 @!p0 $0x1;
	_ =	shalt  }
.Lfunc_end2:
_tile_overlayer_lowered:
.L_overlay_start_2:
0x712: {  	(tag) =	ssettag $0x2  }
0x713: {  	s0 =	rddreg [dreg:$0x0];
	s2 =	stileid.u32  }
0x714: {  	s1 =	rddreg [dreg:$0x1];
	p0 =	sne.s32 s2, $0x0  }
0x715: {  	s3 =	rddreg [dreg:$0x2];
	[bflag:$0x3] =	sbarrier.arrive $0xFFFF;
	s2 =	simm.s32 @!p0 $0x1C02  }
0x716: {  	[timem:s3], [sflag:s2] =	dma.local @!p0 [hbm:s0], s1  }
0x717: {  	s0 =	simm.s32 @!p0 $0x2  }
0x718: {  	_ =	swait.ge @!p0 [sflag:s0], s1  }
0x719: {  	s1 =	ssub.s32 @!p0 $0x0, s1;
	[sflag:s0] =	ssyncset.done @!p0 $0x0  }
0x71a: {  	[sflag:s0] =	ssyncadd.s32 @!p0 s1  }
0x71b: {  	[bflag:$0x3] =	sbarrier.arrive $0xFFFF  }
0x71c: {  	_ =	shalt  }

</sc_bundles>
